<compile_context>
chip_gen: v7x
topology: tpu7x:2x2x1
jax: 0.10.2.dev20260603
libtpu: 0.0.44.dev20260713+nightly
codegen_flags: <defaults>
</compile_context>

<pallas_src>
import functools

import jax
import jax.numpy as jnp
from jax import lax
from jax.experimental import pallas as pl
from jax.experimental.pallas import tpu as pltpu
from jax.experimental.pallas import tpu_sc as plsc

B = 1024
NCOMP = 200
NPAD = 208
D = 128
DY = 10
DYP = 16
DOUT = 16
SIGMA = 8.0
EPS = 1e-12

_NC = 2
_NS = 16
_NW = _NC * _NS
_QPW = B // _NW
_NG = NPAD // 16

L16 = 16


def _rsqrt_nr(s):
    i = lax.bitcast_convert_type(s, jnp.int32)
    i = 0x5F3759DF - lax.shift_right_arithmetic(i, jnp.full((L16,), 1, jnp.int32))
    r = lax.bitcast_convert_type(i, jnp.float32)
    for _ in range(3):
        r = r * (1.5 - 0.5 * s * r * r)
    return r


_CHUNKS = ((0, 104), (104, 96))


def _sc_body(x_hbm, nbr_hbm, sx_hbm, sy_hbm, out_hbm,
             idx_s, xs_v, rx0, ry0, rx1, ry1, k2_v, prow_v, out_s,
             sem0, sem1):
    wid = lax.axis_index("s") * _NC + lax.axis_index("c")
    base = wid * _QPW
    iota = lax.iota(jnp.int32, L16)
    zeros = jnp.zeros((L16,), jnp.float32)

    pltpu.sync_copy(nbr_hbm.at[pl.ds(base, _QPW)], idx_s)
    pltpu.sync_copy(x_hbm.at[pl.ds(base, _QPW)], xs_v)

    def fire(row, rx, ry, sem):
        for (o, ln) in _CHUNKS:
            pltpu.make_async_copy(
                sx_hbm.at[idx_s.at[row, pl.ds(o, ln)]],
                rx.at[pl.ds(o, ln)], sem).start()
            pltpu.make_async_copy(
                sy_hbm.at[idx_s.at[row, pl.ds(o, ln)]],
                ry.at[pl.ds(o, ln)], sem).start()

    def drain(rx, ry, sem):
        for (o, ln) in _CHUNKS:
            pltpu.make_async_copy(
                sx_hbm.at[pl.ds(0, ln)], rx.at[pl.ds(o, ln)], sem).wait()
            pltpu.make_async_copy(
                sy_hbm.at[pl.ds(0, ln)], ry.at[pl.ds(o, ln)], sem).wait()

    def _tree16(vs):
        while len(vs) > 1:
            vs = [a + b for a, b in zip(vs[0::2], vs[1::2])]
        return vs[0]

    def _cols(ref):
        return [plsc.load_gather(
            ref, [iota, jnp.full((L16,), c, jnp.int32)])
            for c in range(L16)]

    def compute(row, rx_v, ry_v):
        rsplat = jnp.full((L16,), row, jnp.int32)
        xc = [(plsc.load_gather(xs_v, [rsplat, c * 32 + 2 * iota]),
               plsc.load_gather(xs_v, [rsplat, c * 32 + 2 * iota + 1]))
              for c in range(D // 32)]

        def ab_step(g, tot_c):
            for l in range(L16):
                n = g * L16 + l
                p = [zeros, zeros, zeros, zeros]
                for c in range(D // 32):
                    rv = rx_v[n, pl.ds(c * 32, 32)]
                    ra, rb = plsc.unpack(
                        rv, format=plsc.PackFormat.INTERLEAVED,
                        preferred_element_type=jnp.float32)
                    da = ra - xc[c][0]
                    db = rb - xc[c][1]
                    p[2 * (c % 2)] = p[2 * (c % 2)] + da * da
                    p[2 * (c % 2) + 1] = p[2 * (c % 2) + 1] + db * db
                prow_v[l, pl.ds(0, L16)] = (p[0] + p[1]) + (p[2] + p[3])
            d2g = _tree16(_cols(prow_v))
            nvec = iota + g * L16
            k2 = jnp.exp(d2g * (-1.0 / (SIGMA * SIGMA)))
            k2 = jnp.where(nvec < NCOMP, k2, 0.0)
            k2_v[pl.ds(g * L16, L16)] = k2
            return tot_c + k2

        tot = lax.fori_loop(0, _NG, ab_step, zeros)
        s = jnp.sum(tot)
        invt = 1.0 / (lax.broadcast_in_dim(s, (L16,), ()) + EPS)

        def c_step(g, accs):
            k2g = k2_v[pl.ds(g * L16, L16)]
            for l in range(L16):
                yrow = ry_v[g * L16 + l, pl.ds(0, L16)]
                prow_v[l, pl.ds(0, L16)] = yrow * yrow
            n2 = _tree16(_cols(prow_v))
            norm = n2 * _rsqrt_nr(n2)
            denom = norm + EPS
            coef = k2g * invt / (denom * denom)
            coef = jnp.where(iota + g * L16 < NCOMP, coef, 0.0)
            parts = list(accs)
            for l in range(L16):
                cl = jnp.sum(jnp.where(iota == l, coef, 0.0))
                parts[l % 4] = parts[l % 4] + (
                    lax.broadcast_in_dim(cl, (L16,), ())
                    * prow_v[l, pl.ds(0, L16)])
            return tuple(parts)

        outp = lax.fori_loop(0, _NG, c_step, (zeros, zeros, zeros, zeros))
        outv = (outp[0] + outp[1]) + (outp[2] + outp[3])
        out_s[row, pl.ds(0, DOUT)] = outv

    fire(0, rx0, ry0, sem0)

    def pair_step(i, carry):
        r0 = 2 * i
        fire(r0 + 1, rx1, ry1, sem1)
        drain(rx0, ry0, sem0)
        compute(r0, rx0, ry0)

        @pl.when(i < _QPW // 2 - 1)
        def _():
            fire(r0 + 2, rx0, ry0, sem0)

        drain(rx1, ry1, sem1)
        compute(r0 + 1, rx1, ry1)
        return carry

    lax.fori_loop(0, _QPW // 2, pair_step, 0)
    pltpu.sync_copy(out_s, out_hbm.at[pl.ds(base, _QPW)])


@functools.cache
def _sc_kernel():
    return pl.kernel(
        _sc_body,
        mesh=plsc.VectorSubcoreMesh(
            core_axis_name="c", subcore_axis_name="s",
            num_cores=_NC, num_subcores=_NS),
        out_type=jax.ShapeDtypeStruct((B, DOUT), jnp.float32),
        scratch_types=[
            pltpu.VMEM((_QPW, NCOMP), jnp.int32),
            pltpu.VMEM((_QPW, D), jnp.float32),
            pltpu.VMEM((NPAD, D), jnp.bfloat16),
            pltpu.VMEM((NPAD, DYP), jnp.float32),
            pltpu.VMEM((NPAD, D), jnp.bfloat16),
            pltpu.VMEM((NPAD, DYP), jnp.float32),
            pltpu.VMEM((NPAD,), jnp.float32),
            pltpu.VMEM((L16, L16 + 1), jnp.float32),
            pltpu.VMEM((_QPW, DOUT), jnp.float32),
            pltpu.SemaphoreType.DMA,
            pltpu.SemaphoreType.DMA,
        ],
        compiler_params=pltpu.CompilerParams(
            use_tc_tiling_on_sc=False, needs_layout_passes=False),
    )


def kernel(x_enc, neighbors, samples_x, samples_y):
    sy_pad = jnp.pad(samples_y, ((0, 0), (0, DYP - DY)))
    sx_b16 = samples_x.astype(jnp.bfloat16)
    out = _sc_kernel()(x_enc, neighbors, sx_b16, sy_pad)
    return out[:, :DY]

# --- scband reference (transcript-rebuilt; emitter-appended) ---
"""Pipeline reference for scband-mem-qkmclass-model-70377334113140 (READ-ONLY COPY).

The authoritative reference and input builder live on the scoring server;
editing this copy changes nothing except your own understanding.
"""

import jax, jax.numpy as jnp
import numpy as np

BATCH = 1024
ENCODED_SIZE = 128
DIM_Y = 10
N_COMP = 200
N_SAMPLES = 100000
SIGMA = 8.0
EPS = 1e-12


def setup_inputs(seed: int = 0) -> dict:
    key = jax.random.key(seed)
    k1, k2, k3, k4 = jax.random.split(key, 4)
    x_enc = jax.random.normal(k1, (BATCH, ENCODED_SIZE), dtype=jnp.float32)
    neighbors = jax.random.randint(k2, (BATCH, N_COMP), 0, N_SAMPLES, dtype=jnp.int32)
    samples_x = jax.random.normal(k3, (N_SAMPLES, ENCODED_SIZE), dtype=jnp.float32)
    samples_y = jax.random.uniform(k4, (N_SAMPLES, DIM_Y), dtype=jnp.float32)
    return {"x_enc": x_enc, "neighbors": neighbors, "samples_x": samples_x, "samples_y": samples_y}


def _rbf_kernel(x, y, sigma):
    # MemRBFKernelLayer: k(x, y) = exp(-||x - y||^2 / (2 sigma^2))
    # x: (b, d), y: (b, n, d) -> (b, n)
    d2 = jnp.sum(jnp.square(x[:, None, :] - y), axis=-1)
    return jnp.exp(-d2 / (2.0 * sigma * sigma))


def _dm2discrete(w, v):
    # factored density matrix (w: (b, n), v: (b, n, dim_y)) -> probs (b, dim_y)
    norms = jnp.linalg.norm(v, axis=-1, keepdims=True)
    v = v / (norms + EPS)
    return jnp.einsum('bn,bnd->bd', w, jnp.square(v))


def reference(x_enc, neighbors, samples_x, samples_y):
    # gather neighbor memories (tf.gather)
    x_neigh = jnp.take(samples_x, neighbors, axis=0)  # (b, n_comp, d)
    y_neigh = jnp.take(samples_y, neighbors, axis=0)  # (b, n_comp, dim_y)
    # MemQKMLayer: kernel similarities -> mixture weights (Born rule: k^2 normalized)
    k = _rbf_kernel(x_enc, x_neigh, SIGMA)            # (b, n_comp)
    w = jnp.square(k)
    w = w / (jnp.sum(w, axis=-1, keepdims=True) + EPS)
    # rho_y is the factored density matrix (w, y_neigh); dm2discrete extracts class probs
    probs = _dm2discrete(w, y_neigh)
    return probs

if __name__ == "__main__":
    import jax
    _d = setup_inputs()
    print(jax.jit(kernel)(*tuple(_d.values())))

</pallas_src>

<mosaic_0001>
#map = affine_map<(d0, d1) -> (0, 0)>
module attributes {stable_mosaic.version = 14 : i64} {
  func.func @_sc_body(%arg0: i32, %arg1: i32, %arg2: memref<1024x128xf32, #tpu.memory_space<hbm>>, %arg3: memref<1024x200xi32, #tpu.memory_space<hbm>>, %arg4: memref<100000x128xbf16, #tpu.memory_space<hbm>>, %arg5: memref<100000x16xf32, #tpu.memory_space<hbm>>, %arg6: memref<1024x16xf32, #tpu.memory_space<hbm>>, %arg7: memref<32x200xi32, #tpu.memory_space<vmem>>, %arg8: memref<32x128xf32, #tpu.memory_space<vmem>>, %arg9: memref<208x128xbf16, #tpu.memory_space<vmem>>, %arg10: memref<208x16xf32, #tpu.memory_space<vmem>>, %arg11: memref<208x128xbf16, #tpu.memory_space<vmem>>, %arg12: memref<208x16xf32, #tpu.memory_space<vmem>>, %arg13: memref<208xf32, #tpu.memory_space<vmem>>, %arg14: memref<16x17xf32, #tpu.memory_space<vmem>>, %arg15: memref<32x16xf32, #tpu.memory_space<vmem>>, %arg16: memref<!tpu.dma_semaphore, #tpu.memory_space<semaphore_mem>>, %arg17: memref<!tpu.dma_semaphore, #tpu.memory_space<semaphore_mem>>) attributes {dimension_semantics = [#tpu.dimension_semantics<core_parallel>, #tpu.dimension_semantics<subcore_parallel>], iteration_bounds = array<i64: 2, 16>, scalar_prefetch = 0 : i64, scratch_operands = 11 : i64, tpu.core_type = #tpu.core_type<sc_vector_subcore>, window_params = [{transform_indices = #map}, {transform_indices = #map}, {transform_indices = #map}, {transform_indices = #map}, {transform_indices = #map}]} {
    %mul3A = arith.constant 2 : i32
    %mul3A_0 = arith.muli %arg1, %mul3A : i32
    %add3A = arith.addi %mul3A_0, %arg0 : i32
    %mul3A_1 = arith.constant 32 : i32
    %mul3A_2 = arith.muli %add3A, %mul3A_1 : i32
    %iota3A = tpu.iota {dimensions = array<i32: 0>} : vector<16xi32>
    %broadcast_in_dim3A = arith.constant 0.000000e+00 : f32
    %broadcast_in_dim3A_3 = vector.broadcast %broadcast_in_dim3A : f32 to vector<16xf32>
    "tpu.region"() ({
      %run_scoped3A = tpu.sem_alloc : memref<!tpu.dma_semaphore, #tpu.memory_space<semaphore_mem>>
      %dma_start3A_48 = arith.constant 0 : i32
      %dma_start3A_49 = tpu.memref_slice %arg3[%mul3A_2, %dma_start3A_48] : memref<1024x200xi32, #tpu.memory_space<hbm>> -> memref<32x200xi32, #tpu.memory_space<hbm>>
      %dma_start3A_50 = arith.constant 0 : i32
      %dma_start3A_51 = tpu.memref_slice %arg3[%mul3A_2, %dma_start3A_50] : memref<1024x200xi32, #tpu.memory_space<hbm>> -> memref<32x200xi32, #tpu.memory_space<hbm>>
      tpu.enqueue_dma source(%dma_start3A_51 : memref<32x200xi32, #tpu.memory_space<hbm>>) target(%arg7 : memref<32x200xi32, #tpu.memory_space<vmem>>) target_semaphore(%run_scoped3A : memref<!tpu.dma_semaphore, #tpu.memory_space<semaphore_mem>>)
      %dma_wait3A = arith.constant 0 : i32
      %dma_wait3A_52 = tpu.memref_slice %arg3[%mul3A_2, %dma_wait3A] : memref<1024x200xi32, #tpu.memory_space<hbm>> -> memref<32x200xi32, #tpu.memory_space<hbm>>
      %dma_wait3A_53 = arith.constant 0 : i32
      %dma_wait3A_54 = tpu.memref_slice %arg3[%mul3A_2, %dma_wait3A_53] : memref<1024x200xi32, #tpu.memory_space<hbm>> -> memref<32x200xi32, #tpu.memory_space<hbm>>
      tpu.wait_dma2 semaphore(%run_scoped3A : memref<!tpu.dma_semaphore, #tpu.memory_space<semaphore_mem>>) src(%dma_wait3A_54 : memref<32x200xi32, #tpu.memory_space<hbm>>) dst(%arg7 : memref<32x200xi32, #tpu.memory_space<vmem>>)
      tpu.yield
    }) : () -> ()
    "tpu.region"() ({
      %run_scoped3A = tpu.sem_alloc : memref<!tpu.dma_semaphore, #tpu.memory_space<semaphore_mem>>
      %dma_start3A_48 = arith.constant 0 : i32
      %dma_start3A_49 = tpu.memref_slice %arg2[%mul3A_2, %dma_start3A_48] : memref<1024x128xf32, #tpu.memory_space<hbm>> -> memref<32x128xf32, #tpu.memory_space<hbm>>
      %dma_start3A_50 = arith.constant 0 : i32
      %dma_start3A_51 = tpu.memref_slice %arg2[%mul3A_2, %dma_start3A_50] : memref<1024x128xf32, #tpu.memory_space<hbm>> -> memref<32x128xf32, #tpu.memory_space<hbm>>
      tpu.enqueue_dma source(%dma_start3A_51 : memref<32x128xf32, #tpu.memory_space<hbm>>) target(%arg8 : memref<32x128xf32, #tpu.memory_space<vmem>>) target_semaphore(%run_scoped3A : memref<!tpu.dma_semaphore, #tpu.memory_space<semaphore_mem>>)
      %dma_wait3A = arith.constant 0 : i32
      %dma_wait3A_52 = tpu.memref_slice %arg2[%mul3A_2, %dma_wait3A] : memref<1024x128xf32, #tpu.memory_space<hbm>> -> memref<32x128xf32, #tpu.memory_space<hbm>>
      %dma_wait3A_53 = arith.constant 0 : i32
      %dma_wait3A_54 = tpu.memref_slice %arg2[%mul3A_2, %dma_wait3A_53] : memref<1024x128xf32, #tpu.memory_space<hbm>> -> memref<32x128xf32, #tpu.memory_space<hbm>>
      tpu.wait_dma2 semaphore(%run_scoped3A : memref<!tpu.dma_semaphore, #tpu.memory_space<semaphore_mem>>) src(%dma_wait3A_54 : memref<32x128xf32, #tpu.memory_space<hbm>>) dst(%arg8 : memref<32x128xf32, #tpu.memory_space<vmem>>)
      tpu.yield
    }) : () -> ()
    %dma_start3A = arith.constant 0 : i32
    %dma_start3A_4 = arith.constant 0 : i32
    %dma_start3A_5 = arith.constant 0 : i32
    %dma_start3A_6 = tpu.memref_slice %arg9[%dma_start3A_4, %dma_start3A_5] : memref<208x128xbf16, #tpu.memory_space<vmem>> -> memref<104x128xbf16, #tpu.memory_space<vmem>>
    %dma_start3A_7 = arith.constant 0 : i32
    %dma_start3A_8 = tpu.memref_slice %arg7[%dma_start3A, %dma_start3A_7] : memref<32x200xi32, #tpu.memory_space<vmem>> -> memref<1x104xi32, #tpu.memory_space<vmem>>
    %dma_start3A_9 = tpu.memref_squeeze %dma_start3A_8 : memref<1x104xi32, #tpu.memory_space<vmem>> -> memref<104xi32, #tpu.memory_space<vmem>>
    %dma_start3A_10 = arith.constant 0 : i32
    %dma_start3A_11 = arith.constant 0 : i32
    %dma_start3A_12 = tpu.memref_slice %arg4[%dma_start3A_10, %dma_start3A_11] : memref<100000x128xbf16, #tpu.memory_space<hbm>> -> memref<100000x128xbf16, #tpu.memory_space<hbm>>
    tpu.enqueue_indirect_dma source(%dma_start3A_12 : memref<100000x128xbf16, #tpu.memory_space<hbm>>) target(%dma_start3A_6 : memref<104x128xbf16, #tpu.memory_space<vmem>>) offsets(%dma_start3A_9 : memref<104xi32, #tpu.memory_space<vmem>>) semaphore(%arg16 : memref<!tpu.dma_semaphore, #tpu.memory_space<semaphore_mem>>)
    %dma_start3A_13 = arith.constant 0 : i32
    %dma_start3A_14 = arith.constant 0 : i32
    %dma_start3A_15 = arith.constant 0 : i32
    %dma_start3A_16 = tpu.memref_slice %arg10[%dma_start3A_14, %dma_start3A_15] : memref<208x16xf32, #tpu.memory_space<vmem>> -> memref<104x16xf32, #tpu.memory_space<vmem>>
    %dma_start3A_17 = arith.constant 0 : i32
    %dma_start3A_18 = tpu.memref_slice %arg7[%dma_start3A_13, %dma_start3A_17] : memref<32x200xi32, #tpu.memory_space<vmem>> -> memref<1x104xi32, #tpu.memory_space<vmem>>
    %dma_start3A_19 = tpu.memref_squeeze %dma_start3A_18 : memref<1x104xi32, #tpu.memory_space<vmem>> -> memref<104xi32, #tpu.memory_space<vmem>>
    %dma_start3A_20 = arith.constant 0 : i32
    %dma_start3A_21 = arith.constant 0 : i32
    %dma_start3A_22 = tpu.memref_slice %arg5[%dma_start3A_20, %dma_start3A_21] : memref<100000x16xf32, #tpu.memory_space<hbm>> -> memref<100000x16xf32, #tpu.memory_space<hbm>>
    tpu.enqueue_indirect_dma source(%dma_start3A_22 : memref<100000x16xf32, #tpu.memory_space<hbm>>) target(%dma_start3A_16 : memref<104x16xf32, #tpu.memory_space<vmem>>) offsets(%dma_start3A_19 : memref<104xi32, #tpu.memory_space<vmem>>) semaphore(%arg16 : memref<!tpu.dma_semaphore, #tpu.memory_space<semaphore_mem>>)
    %dma_start3A_23 = arith.constant 0 : i32
    %dma_start3A_24 = arith.constant 104 : i32
    %dma_start3A_25 = arith.constant 0 : i32
    %dma_start3A_26 = tpu.memref_slice %arg9[%dma_start3A_24, %dma_start3A_25] : memref<208x128xbf16, #tpu.memory_space<vmem>> -> memref<96x128xbf16, #tpu.memory_space<vmem>>
    %dma_start3A_27 = arith.constant 104 : i32
    %dma_start3A_28 = tpu.memref_slice %arg7[%dma_start3A_23, %dma_start3A_27] : memref<32x200xi32, #tpu.memory_space<vmem>> -> memref<1x96xi32, #tpu.memory_space<vmem>>
    %dma_start3A_29 = tpu.memref_squeeze %dma_start3A_28 : memref<1x96xi32, #tpu.memory_space<vmem>> -> memref<96xi32, #tpu.memory_space<vmem>>
    %dma_start3A_30 = arith.constant 0 : i32
    %dma_start3A_31 = arith.constant 0 : i32
    %dma_start3A_32 = tpu.memref_slice %arg4[%dma_start3A_30, %dma_start3A_31] : memref<100000x128xbf16, #tpu.memory_space<hbm>> -> memref<100000x128xbf16, #tpu.memory_space<hbm>>
    tpu.enqueue_indirect_dma source(%dma_start3A_32 : memref<100000x128xbf16, #tpu.memory_space<hbm>>) target(%dma_start3A_26 : memref<96x128xbf16, #tpu.memory_space<vmem>>) offsets(%dma_start3A_29 : memref<96xi32, #tpu.memory_space<vmem>>) semaphore(%arg16 : memref<!tpu.dma_semaphore, #tpu.memory_space<semaphore_mem>>)
    %dma_start3A_33 = arith.constant 0 : i32
    %dma_start3A_34 = arith.constant 104 : i32
    %dma_start3A_35 = arith.constant 0 : i32
    %dma_start3A_36 = tpu.memref_slice %arg10[%dma_start3A_34, %dma_start3A_35] : memref<208x16xf32, #tpu.memory_space<vmem>> -> memref<96x16xf32, #tpu.memory_space<vmem>>
    %dma_start3A_37 = arith.constant 104 : i32
    %dma_start3A_38 = tpu.memref_slice %arg7[%dma_start3A_33, %dma_start3A_37] : memref<32x200xi32, #tpu.memory_space<vmem>> -> memref<1x96xi32, #tpu.memory_space<vmem>>
    %dma_start3A_39 = tpu.memref_squeeze %dma_start3A_38 : memref<1x96xi32, #tpu.memory_space<vmem>> -> memref<96xi32, #tpu.memory_space<vmem>>
    %dma_start3A_40 = arith.constant 0 : i32
    %dma_start3A_41 = arith.constant 0 : i32
    %dma_start3A_42 = tpu.memref_slice %arg5[%dma_start3A_40, %dma_start3A_41] : memref<100000x16xf32, #tpu.memory_space<hbm>> -> memref<100000x16xf32, #tpu.memory_space<hbm>>
    tpu.enqueue_indirect_dma source(%dma_start3A_42 : memref<100000x16xf32, #tpu.memory_space<hbm>>) target(%dma_start3A_36 : memref<96x16xf32, #tpu.memory_space<vmem>>) offsets(%dma_start3A_39 : memref<96xi32, #tpu.memory_space<vmem>>) semaphore(%arg16 : memref<!tpu.dma_semaphore, #tpu.memory_space<semaphore_mem>>)
    %scan3A = arith.constant 0 : i32
    %scan3A_43 = arith.constant 0 : i32
    %scan3A_44 = arith.constant 16 : i32
    %scan3A_45 = arith.addi %scan3A_43, %scan3A_44 : i32
    %scan3A_46 = arith.constant 1 : i32
    scf.for %scan3A_48 = %scan3A_43 to %scan3A_45 step %scan3A_46  : i32 {
      %mul3A_49 = arith.constant 2 : i32
      %mul3A_50 = arith.muli %mul3A_49, %scan3A_48 : i32
      %add3A_51 = arith.constant 1 : i32
      %add3A_52 = arith.addi %mul3A_50, %add3A_51 : i32
      %dma_start3A_53 = arith.constant 0 : i32
      %dma_start3A_54 = arith.constant 0 : i32
      %dma_start3A_55 = tpu.memref_slice %arg11[%dma_start3A_53, %dma_start3A_54] : memref<208x128xbf16, #tpu.memory_space<vmem>> -> memref<104x128xbf16, #tpu.memory_space<vmem>>
      %dma_start3A_56 = arith.constant 0 : i32
      %dma_start3A_57 = tpu.memref_slice %arg7[%add3A_52, %dma_start3A_56] : memref<32x200xi32, #tpu.memory_space<vmem>> -> memref<1x104xi32, #tpu.memory_space<vmem>>
      %dma_start3A_58 = tpu.memref_squeeze %dma_start3A_57 : memref<1x104xi32, #tpu.memory_space<vmem>> -> memref<104xi32, #tpu.memory_space<vmem>>
      %dma_start3A_59 = arith.constant 0 : i32
      %dma_start3A_60 = arith.constant 0 : i32
      %dma_start3A_61 = tpu.memref_slice %arg4[%dma_start3A_59, %dma_start3A_60] : memref<100000x128xbf16, #tpu.memory_space<hbm>> -> memref<100000x128xbf16, #tpu.memory_space<hbm>>
      tpu.enqueue_indirect_dma source(%dma_start3A_61 : memref<100000x128xbf16, #tpu.memory_space<hbm>>) target(%dma_start3A_55 : memref<104x128xbf16, #tpu.memory_space<vmem>>) offsets(%dma_start3A_58 : memref<104xi32, #tpu.memory_space<vmem>>) semaphore(%arg17 : memref<!tpu.dma_semaphore, #tpu.memory_space<semaphore_mem>>)
      %dma_start3A_62 = arith.constant 0 : i32
      %dma_start3A_63 = arith.constant 0 : i32
      %dma_start3A_64 = tpu.memref_slice %arg12[%dma_start3A_62, %dma_start3A_63] : memref<208x16xf32, #tpu.memory_space<vmem>> -> memref<104x16xf32, #tpu.memory_space<vmem>>
      %dma_start3A_65 = arith.constant 0 : i32
      %dma_start3A_66 = tpu.memref_slice %arg7[%add3A_52, %dma_start3A_65] : memref<32x200xi32, #tpu.memory_space<vmem>> -> memref<1x104xi32, #tpu.memory_space<vmem>>
      %dma_start3A_67 = tpu.memref_squeeze %dma_start3A_66 : memref<1x104xi32, #tpu.memory_space<vmem>> -> memref<104xi32, #tpu.memory_space<vmem>>
      %dma_start3A_68 = arith.constant 0 : i32
      %dma_start3A_69 = arith.constant 0 : i32
      %dma_start3A_70 = tpu.memref_slice %arg5[%dma_start3A_68, %dma_start3A_69] : memref<100000x16xf32, #tpu.memory_space<hbm>> -> memref<100000x16xf32, #tpu.memory_space<hbm>>
      tpu.enqueue_indirect_dma source(%dma_start3A_70 : memref<100000x16xf32, #tpu.memory_space<hbm>>) target(%dma_start3A_64 : memref<104x16xf32, #tpu.memory_space<vmem>>) offsets(%dma_start3A_67 : memref<104xi32, #tpu.memory_space<vmem>>) semaphore(%arg17 : memref<!tpu.dma_semaphore, #tpu.memory_space<semaphore_mem>>)
      %dma_start3A_71 = arith.constant 104 : i32
      %dma_start3A_72 = arith.constant 0 : i32
      %dma_start3A_73 = tpu.memref_slice %arg11[%dma_start3A_71, %dma_start3A_72] : memref<208x128xbf16, #tpu.memory_space<vmem>> -> memref<96x128xbf16, #tpu.memory_space<vmem>>
      %dma_start3A_74 = arith.constant 104 : i32
      %dma_start3A_75 = tpu.memref_slice %arg7[%add3A_52, %dma_start3A_74] : memref<32x200xi32, #tpu.memory_space<vmem>> -> memref<1x96xi32, #tpu.memory_space<vmem>>
      %dma_start3A_76 = tpu.memref_squeeze %dma_start3A_75 : memref<1x96xi32, #tpu.memory_space<vmem>> -> memref<96xi32, #tpu.memory_space<vmem>>
      %dma_start3A_77 = arith.constant 0 : i32
      %dma_start3A_78 = arith.constant 0 : i32
      %dma_start3A_79 = tpu.memref_slice %arg4[%dma_start3A_77, %dma_start3A_78] : memref<100000x128xbf16, #tpu.memory_space<hbm>> -> memref<100000x128xbf16, #tpu.memory_space<hbm>>
      tpu.enqueue_indirect_dma source(%dma_start3A_79 : memref<100000x128xbf16, #tpu.memory_space<hbm>>) target(%dma_start3A_73 : memref<96x128xbf16, #tpu.memory_space<vmem>>) offsets(%dma_start3A_76 : memref<96xi32, #tpu.memory_space<vmem>>) semaphore(%arg17 : memref<!tpu.dma_semaphore, #tpu.memory_space<semaphore_mem>>)
      %dma_start3A_80 = arith.constant 104 : i32
      %dma_start3A_81 = arith.constant 0 : i32
      %dma_start3A_82 = tpu.memref_slice %arg12[%dma_start3A_80, %dma_start3A_81] : memref<208x16xf32, #tpu.memory_space<vmem>> -> memref<96x16xf32, #tpu.memory_space<vmem>>
      %dma_start3A_83 = arith.constant 104 : i32
      %dma_start3A_84 = tpu.memref_slice %arg7[%add3A_52, %dma_start3A_83] : memref<32x200xi32, #tpu.memory_space<vmem>> -> memref<1x96xi32, #tpu.memory_space<vmem>>
      %dma_start3A_85 = tpu.memref_squeeze %dma_start3A_84 : memref<1x96xi32, #tpu.memory_space<vmem>> -> memref<96xi32, #tpu.memory_space<vmem>>
      %dma_start3A_86 = arith.constant 0 : i32
      %dma_start3A_87 = arith.constant 0 : i32
      %dma_start3A_88 = tpu.memref_slice %arg5[%dma_start3A_86, %dma_start3A_87] : memref<100000x16xf32, #tpu.memory_space<hbm>> -> memref<100000x16xf32, #tpu.memory_space<hbm>>
      tpu.enqueue_indirect_dma source(%dma_start3A_88 : memref<100000x16xf32, #tpu.memory_space<hbm>>) target(%dma_start3A_82 : memref<96x16xf32, #tpu.memory_space<vmem>>) offsets(%dma_start3A_85 : memref<96xi32, #tpu.memory_space<vmem>>) semaphore(%arg17 : memref<!tpu.dma_semaphore, #tpu.memory_space<semaphore_mem>>)
      %dma_wait3A = arith.constant 0 : i32
      %dma_wait3A_89 = arith.constant 0 : i32
      %dma_wait3A_90 = tpu.memref_slice %arg9[%dma_wait3A, %dma_wait3A_89] : memref<208x128xbf16, #tpu.memory_space<vmem>> -> memref<104x128xbf16, #tpu.memory_space<vmem>>
      %dma_wait3A_91 = arith.constant 0 : i32
      %dma_wait3A_92 = arith.constant 0 : i32
      %dma_wait3A_93 = tpu.memref_slice %arg4[%dma_wait3A_91, %dma_wait3A_92] : memref<100000x128xbf16, #tpu.memory_space<hbm>> -> memref<104x128xbf16, #tpu.memory_space<hbm>>
      %dma_wait3A_94 = arith.constant 0 : i32
      %dma_wait3A_95 = arith.constant 0 : i32
      %dma_wait3A_96 = tpu.memref_slice %arg9[%dma_wait3A_94, %dma_wait3A_95] : memref<208x128xbf16, #tpu.memory_space<vmem>> -> memref<104x128xbf16, #tpu.memory_space<vmem>>
      %dma_wait3A_97 = arith.constant 0 : i32
      %dma_wait3A_98 = arith.constant 0 : i32
      %dma_wait3A_99 = tpu.memref_slice %arg4[%dma_wait3A_97, %dma_wait3A_98] : memref<100000x128xbf16, #tpu.memory_space<hbm>> -> memref<104x128xbf16, #tpu.memory_space<hbm>>
      tpu.wait_dma2 semaphore(%arg16 : memref<!tpu.dma_semaphore, #tpu.memory_space<semaphore_mem>>) src(%dma_wait3A_99 : memref<104x128xbf16, #tpu.memory_space<hbm>>) dst(%dma_wait3A_96 : memref<104x128xbf16, #tpu.memory_space<vmem>>)
      %dma_wait3A_100 = arith.constant 0 : i32
      %dma_wait3A_101 = arith.constant 0 : i32
      %dma_wait3A_102 = tpu.memref_slice %arg10[%dma_wait3A_100, %dma_wait3A_101] : memref<208x16xf32, #tpu.memory_space<vmem>> -> memref<104x16xf32, #tpu.memory_space<vmem>>
      %dma_wait3A_103 = arith.constant 0 : i32
      %dma_wait3A_104 = arith.constant 0 : i32
      %dma_wait3A_105 = tpu.memref_slice %arg5[%dma_wait3A_103, %dma_wait3A_104] : memref<100000x16xf32, #tpu.memory_space<hbm>> -> memref<104x16xf32, #tpu.memory_space<hbm>>
      %dma_wait3A_106 = arith.constant 0 : i32
      %dma_wait3A_107 = arith.constant 0 : i32
      %dma_wait3A_108 = tpu.memref_slice %arg10[%dma_wait3A_106, %dma_wait3A_107] : memref<208x16xf32, #tpu.memory_space<vmem>> -> memref<104x16xf32, #tpu.memory_space<vmem>>
      %dma_wait3A_109 = arith.constant 0 : i32
      %dma_wait3A_110 = arith.constant 0 : i32
      %dma_wait3A_111 = tpu.memref_slice %arg5[%dma_wait3A_109, %dma_wait3A_110] : memref<100000x16xf32, #tpu.memory_space<hbm>> -> memref<104x16xf32, #tpu.memory_space<hbm>>
      tpu.wait_dma2 semaphore(%arg16 : memref<!tpu.dma_semaphore, #tpu.memory_space<semaphore_mem>>) src(%dma_wait3A_111 : memref<104x16xf32, #tpu.memory_space<hbm>>) dst(%dma_wait3A_108 : memref<104x16xf32, #tpu.memory_space<vmem>>)
      %dma_wait3A_112 = arith.constant 104 : i32
      %dma_wait3A_113 = arith.constant 0 : i32
      %dma_wait3A_114 = tpu.memref_slice %arg9[%dma_wait3A_112, %dma_wait3A_113] : memref<208x128xbf16, #tpu.memory_space<vmem>> -> memref<96x128xbf16, #tpu.memory_space<vmem>>
      %dma_wait3A_115 = arith.constant 0 : i32
      %dma_wait3A_116 = arith.constant 0 : i32
      %dma_wait3A_117 = tpu.memref_slice %arg4[%dma_wait3A_115, %dma_wait3A_116] : memref<100000x128xbf16, #tpu.memory_space<hbm>> -> memref<96x128xbf16, #tpu.memory_space<hbm>>
      %dma_wait3A_118 = arith.constant 104 : i32
      %dma_wait3A_119 = arith.constant 0 : i32
      %dma_wait3A_120 = tpu.memref_slice %arg9[%dma_wait3A_118, %dma_wait3A_119] : memref<208x128xbf16, #tpu.memory_space<vmem>> -> memref<96x128xbf16, #tpu.memory_space<vmem>>
      %dma_wait3A_121 = arith.constant 0 : i32
      %dma_wait3A_122 = arith.constant 0 : i32
      %dma_wait3A_123 = tpu.memref_slice %arg4[%dma_wait3A_121, %dma_wait3A_122] : memref<100000x128xbf16, #tpu.memory_space<hbm>> -> memref<96x128xbf16, #tpu.memory_space<hbm>>
      tpu.wait_dma2 semaphore(%arg16 : memref<!tpu.dma_semaphore, #tpu.memory_space<semaphore_mem>>) src(%dma_wait3A_123 : memref<96x128xbf16, #tpu.memory_space<hbm>>) dst(%dma_wait3A_120 : memref<96x128xbf16, #tpu.memory_space<vmem>>)
      %dma_wait3A_124 = arith.constant 104 : i32
      %dma_wait3A_125 = arith.constant 0 : i32
      %dma_wait3A_126 = tpu.memref_slice %arg10[%dma_wait3A_124, %dma_wait3A_125] : memref<208x16xf32, #tpu.memory_space<vmem>> -> memref<96x16xf32, #tpu.memory_space<vmem>>
      %dma_wait3A_127 = arith.constant 0 : i32
      %dma_wait3A_128 = arith.constant 0 : i32
      %dma_wait3A_129 = tpu.memref_slice %arg5[%dma_wait3A_127, %dma_wait3A_128] : memref<100000x16xf32, #tpu.memory_space<hbm>> -> memref<96x16xf32, #tpu.memory_space<hbm>>
      %dma_wait3A_130 = arith.constant 104 : i32
      %dma_wait3A_131 = arith.constant 0 : i32
      %dma_wait3A_132 = tpu.memref_slice %arg10[%dma_wait3A_130, %dma_wait3A_131] : memref<208x16xf32, #tpu.memory_space<vmem>> -> memref<96x16xf32, #tpu.memory_space<vmem>>
      %dma_wait3A_133 = arith.constant 0 : i32
      %dma_wait3A_134 = arith.constant 0 : i32
      %dma_wait3A_135 = tpu.memref_slice %arg5[%dma_wait3A_133, %dma_wait3A_134] : memref<100000x16xf32, #tpu.memory_space<hbm>> -> memref<96x16xf32, #tpu.memory_space<hbm>>
      tpu.wait_dma2 semaphore(%arg16 : memref<!tpu.dma_semaphore, #tpu.memory_space<semaphore_mem>>) src(%dma_wait3A_135 : memref<96x16xf32, #tpu.memory_space<hbm>>) dst(%dma_wait3A_132 : memref<96x16xf32, #tpu.memory_space<vmem>>)
      %broadcast_in_dim3A_136 = vector.broadcast %mul3A_50 : i32 to vector<16xi32>
      %mul3A_137 = arith.constant 2 : i32
      %mul3A_138 = vector.broadcast %mul3A_137 : i32 to vector<16xi32>
      %mul3A_139 = arith.muli %mul3A_138, %iota3A : vector<16xi32>
      %add3A_140 = arith.constant 0 : i32
      %add3A_141 = vector.broadcast %add3A_140 : i32 to vector<16xi32>
      %add3A_142 = arith.addi %add3A_141, %mul3A_139 : vector<16xi32>
      %gather3A = tpu.vector_load_idx %arg8[%broadcast_in_dim3A_136, %add3A_142] : memref<32x128xf32, #tpu.memory_space<vmem>>[vector<16xi32>, vector<16xi32>], vector<16xf32>,
      %mul3A_143 = arith.constant 2 : i32
      %mul3A_144 = vector.broadcast %mul3A_143 : i32 to vector<16xi32>
      %mul3A_145 = arith.muli %mul3A_144, %iota3A : vector<16xi32>
      %add3A_146 = arith.constant 0 : i32
      %add3A_147 = vector.broadcast %add3A_146 : i32 to vector<16xi32>
      %add3A_148 = arith.addi %add3A_147, %mul3A_145 : vector<16xi32>
      %add3A_149 = arith.constant 1 : i32
      %add3A_150 = vector.broadcast %add3A_149 : i32 to vector<16xi32>
      %add3A_151 = arith.addi %add3A_148, %add3A_150 : vector<16xi32>
      %gather3A_152 = tpu.vector_load_idx %arg8[%broadcast_in_dim3A_136, %add3A_151] : memref<32x128xf32, #tpu.memory_space<vmem>>[vector<16xi32>, vector<16xi32>], vector<16xf32>,
      %mul3A_153 = arith.constant 2 : i32
      %mul3A_154 = vector.broadcast %mul3A_153 : i32 to vector<16xi32>
      %mul3A_155 = arith.muli %mul3A_154, %iota3A : vector<16xi32>
      %add3A_156 = arith.constant 32 : i32
      %add3A_157 = vector.broadcast %add3A_156 : i32 to vector<16xi32>
      %add3A_158 = arith.addi %add3A_157, %mul3A_155 : vector<16xi32>
      %gather3A_159 = tpu.vector_load_idx %arg8[%broadcast_in_dim3A_136, %add3A_158] : memref<32x128xf32, #tpu.memory_space<vmem>>[vector<16xi32>, vector<16xi32>], vector<16xf32>,
      %mul3A_160 = arith.constant 2 : i32
      %mul3A_161 = vector.broadcast %mul3A_160 : i32 to vector<16xi32>
      %mul3A_162 = arith.muli %mul3A_161, %iota3A : vector<16xi32>
      %add3A_163 = arith.constant 32 : i32
      %add3A_164 = vector.broadcast %add3A_163 : i32 to vector<16xi32>
      %add3A_165 = arith.addi %add3A_164, %mul3A_162 : vector<16xi32>
      %add3A_166 = arith.constant 1 : i32
      %add3A_167 = vector.broadcast %add3A_166 : i32 to vector<16xi32>
      %add3A_168 = arith.addi %add3A_165, %add3A_167 : vector<16xi32>
      %gather3A_169 = tpu.vector_load_idx %arg8[%broadcast_in_dim3A_136, %add3A_168] : memref<32x128xf32, #tpu.memory_space<vmem>>[vector<16xi32>, vector<16xi32>], vector<16xf32>,
      %mul3A_170 = arith.constant 2 : i32
      %mul3A_171 = vector.broadcast %mul3A_170 : i32 to vector<16xi32>
      %mul3A_172 = arith.muli %mul3A_171, %iota3A : vector<16xi32>
      %add3A_173 = arith.constant 64 : i32
      %add3A_174 = vector.broadcast %add3A_173 : i32 to vector<16xi32>
      %add3A_175 = arith.addi %add3A_174, %mul3A_172 : vector<16xi32>
      %gather3A_176 = tpu.vector_load_idx %arg8[%broadcast_in_dim3A_136, %add3A_175] : memref<32x128xf32, #tpu.memory_space<vmem>>[vector<16xi32>, vector<16xi32>], vector<16xf32>,
      %mul3A_177 = arith.constant 2 : i32
      %mul3A_178 = vector.broadcast %mul3A_177 : i32 to vector<16xi32>
      %mul3A_179 = arith.muli %mul3A_178, %iota3A : vector<16xi32>
      %add3A_180 = arith.constant 64 : i32
      %add3A_181 = vector.broadcast %add3A_180 : i32 to vector<16xi32>
      %add3A_182 = arith.addi %add3A_181, %mul3A_179 : vector<16xi32>
      %add3A_183 = arith.constant 1 : i32
      %add3A_184 = vector.broadcast %add3A_183 : i32 to vector<16xi32>
      %add3A_185 = arith.addi %add3A_182, %add3A_184 : vector<16xi32>
      %gather3A_186 = tpu.vector_load_idx %arg8[%broadcast_in_dim3A_136, %add3A_185] : memref<32x128xf32, #tpu.memory_space<vmem>>[vector<16xi32>, vector<16xi32>], vector<16xf32>,
      %mul3A_187 = arith.constant 2 : i32
      %mul3A_188 = vector.broadcast %mul3A_187 : i32 to vector<16xi32>
      %mul3A_189 = arith.muli %mul3A_188, %iota3A : vector<16xi32>
      %add3A_190 = arith.constant 96 : i32
      %add3A_191 = vector.broadcast %add3A_190 : i32 to vector<16xi32>
      %add3A_192 = arith.addi %add3A_191, %mul3A_189 : vector<16xi32>
      %gather3A_193 = tpu.vector_load_idx %arg8[%broadcast_in_dim3A_136, %add3A_192] : memref<32x128xf32, #tpu.memory_space<vmem>>[vector<16xi32>, vector<16xi32>], vector<16xf32>,
      %mul3A_194 = arith.constant 2 : i32
      %mul3A_195 = vector.broadcast %mul3A_194 : i32 to vector<16xi32>
      %mul3A_196 = arith.muli %mul3A_195, %iota3A : vector<16xi32>
      %add3A_197 = arith.constant 96 : i32
      %add3A_198 = vector.broadcast %add3A_197 : i32 to vector<16xi32>
      %add3A_199 = arith.addi %add3A_198, %mul3A_196 : vector<16xi32>
      %add3A_200 = arith.constant 1 : i32
      %add3A_201 = vector.broadcast %add3A_200 : i32 to vector<16xi32>
      %add3A_202 = arith.addi %add3A_199, %add3A_201 : vector<16xi32>
      %gather3A_203 = tpu.vector_load_idx %arg8[%broadcast_in_dim3A_136, %add3A_202] : memref<32x128xf32, #tpu.memory_space<vmem>>[vector<16xi32>, vector<16xi32>], vector<16xf32>,
      %scan3A_204 = arith.constant 0 : i32
      %scan3A_205 = arith.constant 13 : i32
      %scan3A_206 = arith.addi %scan3A_204, %scan3A_205 : i32
      %scan3A_207 = arith.constant 1 : i32
      %scan3A_208 = scf.for %scan3A_380 = %scan3A_204 to %scan3A_206 step %scan3A_207 iter_args(%scan3A_381 = %broadcast_in_dim3A_3) -> (vector<16xf32>)  : i32 {
        %mul3A_382 = arith.constant 16 : i32
        %mul3A_383 = arith.muli %scan3A_380, %mul3A_382 : i32
        %add3A_384 = arith.constant 0 : i32
        %add3A_385 = arith.addi %mul3A_383, %add3A_384 : i32
        %get3A = arith.index_cast %add3A_385 : i32 to index
        %get3A_386 = arith.constant 0 : index
        %get3A_387 = tpu.vector_load %arg9[%get3A, %get3A_386] {strides = array<i32>} : memref<208x128xbf16, #tpu.memory_space<vmem>>, vector<32xbf16>,
        %unpack3A = tpu.unpack_subelements %get3A_387, 0 {pack_format = #tpu.pack_format<interleaved>} : vector<32xbf16> -> vector<16xf32>
        %unpack3A_388 = tpu.unpack_subelements %get3A_387, 1 {pack_format = #tpu.pack_format<interleaved>} : vector<32xbf16> -> vector<16xf32>
        %sub3A = arith.subf %unpack3A, %gather3A : vector<16xf32>
        %sub3A_389 = arith.subf %unpack3A_388, %gather3A_152 : vector<16xf32>
        %mul3A_390 = arith.mulf %sub3A, %sub3A : vector<16xf32>
        %add3A_391 = arith.addf %broadcast_in_dim3A_3, %mul3A_390 : vector<16xf32>
        %mul3A_392 = arith.mulf %sub3A_389, %sub3A_389 : vector<16xf32>
        %add3A_393 = arith.addf %broadcast_in_dim3A_3, %mul3A_392 : vector<16xf32>
        %get3A_394 = arith.index_cast %add3A_385 : i32 to index
        %get3A_395 = arith.constant 32 : index
        %get3A_396 = tpu.vector_load %arg9[%get3A_394, %get3A_395] {strides = array<i32>} : memref<208x128xbf16, #tpu.memory_space<vmem>>, vector<32xbf16>,
        %unpack3A_397 = tpu.unpack_subelements %get3A_396, 0 {pack_format = #tpu.pack_format<interleaved>} : vector<32xbf16> -> vector<16xf32>
        %unpack3A_398 = tpu.unpack_subelements %get3A_396, 1 {pack_format = #tpu.pack_format<interleaved>} : vector<32xbf16> -> vector<16xf32>
        %sub3A_399 = arith.subf %unpack3A_397, %gather3A_159 : vector<16xf32>
        %sub3A_400 = arith.subf %unpack3A_398, %gather3A_169 : vector<16xf32>
        %mul3A_401 = arith.mulf %sub3A_399, %sub3A_399 : vector<16xf32>
        %add3A_402 = arith.addf %broadcast_in_dim3A_3, %mul3A_401 : vector<16xf32>
        %mul3A_403 = arith.mulf %sub3A_400, %sub3A_400 : vector<16xf32>
        %add3A_404 = arith.addf %broadcast_in_dim3A_3, %mul3A_403 : vector<16xf32>
        %get3A_405 = arith.index_cast %add3A_385 : i32 to index
        %get3A_406 = arith.constant 64 : index
        %get3A_407 = tpu.vector_load %arg9[%get3A_405, %get3A_406] {strides = array<i32>} : memref<208x128xbf16, #tpu.memory_space<vmem>>, vector<32xbf16>,
        %unpack3A_408 = tpu.unpack_subelements %get3A_407, 0 {pack_format = #tpu.pack_format<interleaved>} : vector<32xbf16> -> vector<16xf32>
        %unpack3A_409 = tpu.unpack_subelements %get3A_407, 1 {pack_format = #tpu.pack_format<interleaved>} : vector<32xbf16> -> vector<16xf32>
        %sub3A_410 = arith.subf %unpack3A_408, %gather3A_176 : vector<16xf32>
        %sub3A_411 = arith.subf %unpack3A_409, %gather3A_186 : vector<16xf32>
        %mul3A_412 = arith.mulf %sub3A_410, %sub3A_410 : vector<16xf32>
        %add3A_413 = arith.addf %add3A_391, %mul3A_412 : vector<16xf32>
        %mul3A_414 = arith.mulf %sub3A_411, %sub3A_411 : vector<16xf32>
        %add3A_415 = arith.addf %add3A_393, %mul3A_414 : vector<16xf32>
        %get3A_416 = arith.index_cast %add3A_385 : i32 to index
        %get3A_417 = arith.constant 96 : index
        %get3A_418 = tpu.vector_load %arg9[%get3A_416, %get3A_417] {strides = array<i32>} : memref<208x128xbf16, #tpu.memory_space<vmem>>, vector<32xbf16>,
        %unpack3A_419 = tpu.unpack_subelements %get3A_418, 0 {pack_format = #tpu.pack_format<interleaved>} : vector<32xbf16> -> vector<16xf32>
        %unpack3A_420 = tpu.unpack_subelements %get3A_418, 1 {pack_format = #tpu.pack_format<interleaved>} : vector<32xbf16> -> vector<16xf32>
        %sub3A_421 = arith.subf %unpack3A_419, %gather3A_193 : vector<16xf32>
        %sub3A_422 = arith.subf %unpack3A_420, %gather3A_203 : vector<16xf32>
        %mul3A_423 = arith.mulf %sub3A_421, %sub3A_421 : vector<16xf32>
        %add3A_424 = arith.addf %add3A_402, %mul3A_423 : vector<16xf32>
        %mul3A_425 = arith.mulf %sub3A_422, %sub3A_422 : vector<16xf32>
        %add3A_426 = arith.addf %add3A_404, %mul3A_425 : vector<16xf32>
        %add3A_427 = arith.addf %add3A_413, %add3A_415 : vector<16xf32>
        %add3A_428 = arith.addf %add3A_424, %add3A_426 : vector<16xf32>
        %add3A_429 = arith.addf %add3A_427, %add3A_428 : vector<16xf32>
        %swap3A_430 = arith.constant 0 : i32
        %swap3A_431 = arith.index_cast %swap3A_430 : i32 to index
        %swap3A_432 = arith.constant 0 : index
        %swap3A_433 = tpu.vector_load %arg14[%swap3A_431, %swap3A_432] {strides = array<i32>} : memref<16x17xf32, #tpu.memory_space<vmem>>, vector<16xf32>,
        tpu.vector_store %arg14[%swap3A_431, %swap3A_432], %add3A_429 {strides = array<i32>} : memref<16x17xf32, #tpu.memory_space<vmem>>, vector<16xf32>,
        %mul3A_434 = arith.constant 16 : i32
        %mul3A_435 = arith.muli %scan3A_380, %mul3A_434 : i32
        %add3A_436 = arith.constant 1 : i32
        %add3A_437 = arith.addi %mul3A_435, %add3A_436 : i32
        %get3A_438 = arith.index_cast %add3A_437 : i32 to index
        %get3A_439 = arith.constant 0 : index
        %get3A_440 = tpu.vector_load %arg9[%get3A_438, %get3A_439] {strides = array<i32>} : memref<208x128xbf16, #tpu.memory_space<vmem>>, vector<32xbf16>,
        %unpack3A_441 = tpu.unpack_subelements %get3A_440, 0 {pack_format = #tpu.pack_format<interleaved>} : vector<32xbf16> -> vector<16xf32>
        %unpack3A_442 = tpu.unpack_subelements %get3A_440, 1 {pack_format = #tpu.pack_format<interleaved>} : vector<32xbf16> -> vector<16xf32>
        %sub3A_443 = arith.subf %unpack3A_441, %gather3A : vector<16xf32>
        %sub3A_444 = arith.subf %unpack3A_442, %gather3A_152 : vector<16xf32>
        %mul3A_445 = arith.mulf %sub3A_443, %sub3A_443 : vector<16xf32>
        %add3A_446 = arith.addf %broadcast_in_dim3A_3, %mul3A_445 : vector<16xf32>
        %mul3A_447 = arith.mulf %sub3A_444, %sub3A_444 : vector<16xf32>
        %add3A_448 = arith.addf %broadcast_in_dim3A_3, %mul3A_447 : vector<16xf32>
        %get3A_449 = arith.index_cast %add3A_437 : i32 to index
        %get3A_450 = arith.constant 32 : index
        %get3A_451 = tpu.vector_load %arg9[%get3A_449, %get3A_450] {strides = array<i32>} : memref<208x128xbf16, #tpu.memory_space<vmem>>, vector<32xbf16>,
        %unpack3A_452 = tpu.unpack_subelements %get3A_451, 0 {pack_format = #tpu.pack_format<interleaved>} : vector<32xbf16> -> vector<16xf32>
        %unpack3A_453 = tpu.unpack_subelements %get3A_451, 1 {pack_format = #tpu.pack_format<interleaved>} : vector<32xbf16> -> vector<16xf32>
        %sub3A_454 = arith.subf %unpack3A_452, %gather3A_159 : vector<16xf32>
        %sub3A_455 = arith.subf %unpack3A_453, %gather3A_169 : vector<16xf32>
        %mul3A_456 = arith.mulf %sub3A_454, %sub3A_454 : vector<16xf32>
        %add3A_457 = arith.addf %broadcast_in_dim3A_3, %mul3A_456 : vector<16xf32>
        %mul3A_458 = arith.mulf %sub3A_455, %sub3A_455 : vector<16xf32>
        %add3A_459 = arith.addf %broadcast_in_dim3A_3, %mul3A_458 : vector<16xf32>
        %get3A_460 = arith.index_cast %add3A_437 : i32 to index
        %get3A_461 = arith.constant 64 : index
        %get3A_462 = tpu.vector_load %arg9[%get3A_460, %get3A_461] {strides = array<i32>} : memref<208x128xbf16, #tpu.memory_space<vmem>>, vector<32xbf16>,
        %unpack3A_463 = tpu.unpack_subelements %get3A_462, 0 {pack_format = #tpu.pack_format<interleaved>} : vector<32xbf16> -> vector<16xf32>
        %unpack3A_464 = tpu.unpack_subelements %get3A_462, 1 {pack_format = #tpu.pack_format<interleaved>} : vector<32xbf16> -> vector<16xf32>
        %sub3A_465 = arith.subf %unpack3A_463, %gather3A_176 : vector<16xf32>
        %sub3A_466 = arith.subf %unpack3A_464, %gather3A_186 : vector<16xf32>
        %mul3A_467 = arith.mulf %sub3A_465, %sub3A_465 : vector<16xf32>
        %add3A_468 = arith.addf %add3A_446, %mul3A_467 : vector<16xf32>
        %mul3A_469 = arith.mulf %sub3A_466, %sub3A_466 : vector<16xf32>
        %add3A_470 = arith.addf %add3A_448, %mul3A_469 : vector<16xf32>
        %get3A_471 = arith.index_cast %add3A_437 : i32 to index
        %get3A_472 = arith.constant 96 : index
        %get3A_473 = tpu.vector_load %arg9[%get3A_471, %get3A_472] {strides = array<i32>} : memref<208x128xbf16, #tpu.memory_space<vmem>>, vector<32xbf16>,
        %unpack3A_474 = tpu.unpack_subelements %get3A_473, 0 {pack_format = #tpu.pack_format<interleaved>} : vector<32xbf16> -> vector<16xf32>
        %unpack3A_475 = tpu.unpack_subelements %get3A_473, 1 {pack_format = #tpu.pack_format<interleaved>} : vector<32xbf16> -> vector<16xf32>
        %sub3A_476 = arith.subf %unpack3A_474, %gather3A_193 : vector<16xf32>
        %sub3A_477 = arith.subf %unpack3A_475, %gather3A_203 : vector<16xf32>
        %mul3A_478 = arith.mulf %sub3A_476, %sub3A_476 : vector<16xf32>
        %add3A_479 = arith.addf %add3A_457, %mul3A_478 : vector<16xf32>
        %mul3A_480 = arith.mulf %sub3A_477, %sub3A_477 : vector<16xf32>
        %add3A_481 = arith.addf %add3A_459, %mul3A_480 : vector<16xf32>
        %add3A_482 = arith.addf %add3A_468, %add3A_470 : vector<16xf32>
        %add3A_483 = arith.addf %add3A_479, %add3A_481 : vector<16xf32>
        %add3A_484 = arith.addf %add3A_482, %add3A_483 : vector<16xf32>
        %swap3A_485 = arith.constant 1 : i32
        %swap3A_486 = arith.index_cast %swap3A_485 : i32 to index
        %swap3A_487 = arith.constant 0 : index
        %swap3A_488 = tpu.vector_load %arg14[%swap3A_486, %swap3A_487] {strides = array<i32>} : memref<16x17xf32, #tpu.memory_space<vmem>>, vector<16xf32>,
        tpu.vector_store %arg14[%swap3A_486, %swap3A_487], %add3A_484 {strides = array<i32>} : memref<16x17xf32, #tpu.memory_space<vmem>>, vector<16xf32>,
        %mul3A_489 = arith.constant 16 : i32
        %mul3A_490 = arith.muli %scan3A_380, %mul3A_489 : i32
        %add3A_491 = arith.constant 2 : i32
        %add3A_492 = arith.addi %mul3A_490, %add3A_491 : i32
        %get3A_493 = arith.index_cast %add3A_492 : i32 to index
        %get3A_494 = arith.constant 0 : index
        %get3A_495 = tpu.vector_load %arg9[%get3A_493, %get3A_494] {strides = array<i32>} : memref<208x128xbf16, #tpu.memory_space<vmem>>, vector<32xbf16>,
        %unpack3A_496 = tpu.unpack_subelements %get3A_495, 0 {pack_format = #tpu.pack_format<interleaved>} : vector<32xbf16> -> vector<16xf32>
        %unpack3A_497 = tpu.unpack_subelements %get3A_495, 1 {pack_format = #tpu.pack_format<interleaved>} : vector<32xbf16> -> vector<16xf32>
        %sub3A_498 = arith.subf %unpack3A_496, %gather3A : vector<16xf32>
        %sub3A_499 = arith.subf %unpack3A_497, %gather3A_152 : vector<16xf32>
        %mul3A_500 = arith.mulf %sub3A_498, %sub3A_498 : vector<16xf32>
        %add3A_501 = arith.addf %broadcast_in_dim3A_3, %mul3A_500 : vector<16xf32>
        %mul3A_502 = arith.mulf %sub3A_499, %sub3A_499 : vector<16xf32>
        %add3A_503 = arith.addf %broadcast_in_dim3A_3, %mul3A_502 : vector<16xf32>
        %get3A_504 = arith.index_cast %add3A_492 : i32 to index
        %get3A_505 = arith.constant 32 : index
        %get3A_506 = tpu.vector_load %arg9[%get3A_504, %get3A_505] {strides = array<i32>} : memref<208x128xbf16, #tpu.memory_space<vmem>>, vector<32xbf16>,
        %unpack3A_507 = tpu.unpack_subelements %get3A_506, 0 {pack_format = #tpu.pack_format<interleaved>} : vector<32xbf16> -> vector<16xf32>
        %unpack3A_508 = tpu.unpack_subelements %get3A_506, 1 {pack_format = #tpu.pack_format<interleaved>} : vector<32xbf16> -> vector<16xf32>
        %sub3A_509 = arith.subf %unpack3A_507, %gather3A_159 : vector<16xf32>
        %sub3A_510 = arith.subf %unpack3A_508, %gather3A_169 : vector<16xf32>
        %mul3A_511 = arith.mulf %sub3A_509, %sub3A_509 : vector<16xf32>
        %add3A_512 = arith.addf %broadcast_in_dim3A_3, %mul3A_511 : vector<16xf32>
        %mul3A_513 = arith.mulf %sub3A_510, %sub3A_510 : vector<16xf32>
        %add3A_514 = arith.addf %broadcast_in_dim3A_3, %mul3A_513 : vector<16xf32>
        %get3A_515 = arith.index_cast %add3A_492 : i32 to index
        %get3A_516 = arith.constant 64 : index
        %get3A_517 = tpu.vector_load %arg9[%get3A_515, %get3A_516] {strides = array<i32>} : memref<208x128xbf16, #tpu.memory_space<vmem>>, vector<32xbf16>,
        %unpack3A_518 = tpu.unpack_subelements %get3A_517, 0 {pack_format = #tpu.pack_format<interleaved>} : vector<32xbf16> -> vector<16xf32>
        %unpack3A_519 = tpu.unpack_subelements %get3A_517, 1 {pack_format = #tpu.pack_format<interleaved>} : vector<32xbf16> -> vector<16xf32>
        %sub3A_520 = arith.subf %unpack3A_518, %gather3A_176 : vector<16xf32>
        %sub3A_521 = arith.subf %unpack3A_519, %gather3A_186 : vector<16xf32>
        %mul3A_522 = arith.mulf %sub3A_520, %sub3A_520 : vector<16xf32>
        %add3A_523 = arith.addf %add3A_501, %mul3A_522 : vector<16xf32>
        %mul3A_524 = arith.mulf %sub3A_521, %sub3A_521 : vector<16xf32>
        %add3A_525 = arith.addf %add3A_503, %mul3A_524 : vector<16xf32>
        %get3A_526 = arith.index_cast %add3A_492 : i32 to index
        %get3A_527 = arith.constant 96 : index
        %get3A_528 = tpu.vector_load %arg9[%get3A_526, %get3A_527] {strides = array<i32>} : memref<208x128xbf16, #tpu.memory_space<vmem>>, vector<32xbf16>,
        %unpack3A_529 = tpu.unpack_subelements %get3A_528, 0 {pack_format = #tpu.pack_format<interleaved>} : vector<32xbf16> -> vector<16xf32>
        %unpack3A_530 = tpu.unpack_subelements %get3A_528, 1 {pack_format = #tpu.pack_format<interleaved>} : vector<32xbf16> -> vector<16xf32>
        %sub3A_531 = arith.subf %unpack3A_529, %gather3A_193 : vector<16xf32>
        %sub3A_532 = arith.subf %unpack3A_530, %gather3A_203 : vector<16xf32>
        %mul3A_533 = arith.mulf %sub3A_531, %sub3A_531 : vector<16xf32>
        %add3A_534 = arith.addf %add3A_512, %mul3A_533 : vector<16xf32>
        %mul3A_535 = arith.mulf %sub3A_532, %sub3A_532 : vector<16xf32>
        %add3A_536 = arith.addf %add3A_514, %mul3A_535 : vector<16xf32>
        %add3A_537 = arith.addf %add3A_523, %add3A_525 : vector<16xf32>
        %add3A_538 = arith.addf %add3A_534, %add3A_536 : vector<16xf32>
        %add3A_539 = arith.addf %add3A_537, %add3A_538 : vector<16xf32>
        %swap3A_540 = arith.constant 2 : i32
        %swap3A_541 = arith.index_cast %swap3A_540 : i32 to index
        %swap3A_542 = arith.constant 0 : index
        %swap3A_543 = tpu.vector_load %arg14[%swap3A_541, %swap3A_542] {strides = array<i32>} : memref<16x17xf32, #tpu.memory_space<vmem>>, vector<16xf32>,
        tpu.vector_store %arg14[%swap3A_541, %swap3A_542], %add3A_539 {strides = array<i32>} : memref<16x17xf32, #tpu.memory_space<vmem>>, vector<16xf32>,
        %mul3A_544 = arith.constant 16 : i32
        %mul3A_545 = arith.muli %scan3A_380, %mul3A_544 : i32
        %add3A_546 = arith.constant 3 : i32
        %add3A_547 = arith.addi %mul3A_545, %add3A_546 : i32
        %get3A_548 = arith.index_cast %add3A_547 : i32 to index
        %get3A_549 = arith.constant 0 : index
        %get3A_550 = tpu.vector_load %arg9[%get3A_548, %get3A_549] {strides = array<i32>} : memref<208x128xbf16, #tpu.memory_space<vmem>>, vector<32xbf16>,
        %unpack3A_551 = tpu.unpack_subelements %get3A_550, 0 {pack_format = #tpu.pack_format<interleaved>} : vector<32xbf16> -> vector<16xf32>
        %unpack3A_552 = tpu.unpack_subelements %get3A_550, 1 {pack_format = #tpu.pack_format<interleaved>} : vector<32xbf16> -> vector<16xf32>
        %sub3A_553 = arith.subf %unpack3A_551, %gather3A : vector<16xf32>
        %sub3A_554 = arith.subf %unpack3A_552, %gather3A_152 : vector<16xf32>
        %mul3A_555 = arith.mulf %sub3A_553, %sub3A_553 : vector<16xf32>
        %add3A_556 = arith.addf %broadcast_in_dim3A_3, %mul3A_555 : vector<16xf32>
        %mul3A_557 = arith.mulf %sub3A_554, %sub3A_554 : vector<16xf32>
        %add3A_558 = arith.addf %broadcast_in_dim3A_3, %mul3A_557 : vector<16xf32>
        %get3A_559 = arith.index_cast %add3A_547 : i32 to index
        %get3A_560 = arith.constant 32 : index
        %get3A_561 = tpu.vector_load %arg9[%get3A_559, %get3A_560] {strides = array<i32>} : memref<208x128xbf16, #tpu.memory_space<vmem>>, vector<32xbf16>,
        %unpack3A_562 = tpu.unpack_subelements %get3A_561, 0 {pack_format = #tpu.pack_format<interleaved>} : vector<32xbf16> -> vector<16xf32>
        %unpack3A_563 = tpu.unpack_subelements %get3A_561, 1 {pack_format = #tpu.pack_format<interleaved>} : vector<32xbf16> -> vector<16xf32>
        %sub3A_564 = arith.subf %unpack3A_562, %gather3A_159 : vector<16xf32>
        %sub3A_565 = arith.subf %unpack3A_563, %gather3A_169 : vector<16xf32>
        %mul3A_566 = arith.mulf %sub3A_564, %sub3A_564 : vector<16xf32>
        %add3A_567 = arith.addf %broadcast_in_dim3A_3, %mul3A_566 : vector<16xf32>
        %mul3A_568 = arith.mulf %sub3A_565, %sub3A_565 : vector<16xf32>
        %add3A_569 = arith.addf %broadcast_in_dim3A_3, %mul3A_568 : vector<16xf32>
        %get3A_570 = arith.index_cast %add3A_547 : i32 to index
        %get3A_571 = arith.constant 64 : index
        %get3A_572 = tpu.vector_load %arg9[%get3A_570, %get3A_571] {strides = array<i32>} : memref<208x128xbf16, #tpu.memory_space<vmem>>, vector<32xbf16>,
        %unpack3A_573 = tpu.unpack_subelements %get3A_572, 0 {pack_format = #tpu.pack_format<interleaved>} : vector<32xbf16> -> vector<16xf32>
        %unpack3A_574 = tpu.unpack_subelements %get3A_572, 1 {pack_format = #tpu.pack_format<interleaved>} : vector<32xbf16> -> vector<16xf32>
        %sub3A_575 = arith.subf %unpack3A_573, %gather3A_176 : vector<16xf32>
        %sub3A_576 = arith.subf %unpack3A_574, %gather3A_186 : vector<16xf32>
        %mul3A_577 = arith.mulf %sub3A_575, %sub3A_575 : vector<16xf32>
        %add3A_578 = arith.addf %add3A_556, %mul3A_577 : vector<16xf32>
        %mul3A_579 = arith.mulf %sub3A_576, %sub3A_576 : vector<16xf32>
        %add3A_580 = arith.addf %add3A_558, %mul3A_579 : vector<16xf32>
        %get3A_581 = arith.index_cast %add3A_547 : i32 to index
        %get3A_582 = arith.constant 96 : index
        %get3A_583 = tpu.vector_load %arg9[%get3A_581, %get3A_582] {strides = array<i32>} : memref<208x128xbf16, #tpu.memory_space<vmem>>, vector<32xbf16>,
        %unpack3A_584 = tpu.unpack_subelements %get3A_583, 0 {pack_format = #tpu.pack_format<interleaved>} : vector<32xbf16> -> vector<16xf32>
        %unpack3A_585 = tpu.unpack_subelements %get3A_583, 1 {pack_format = #tpu.pack_format<interleaved>} : vector<32xbf16> -> vector<16xf32>
        %sub3A_586 = arith.subf %unpack3A_584, %gather3A_193 : vector<16xf32>
        %sub3A_587 = arith.subf %unpack3A_585, %gather3A_203 : vector<16xf32>
        %mul3A_588 = arith.mulf %sub3A_586, %sub3A_586 : vector<16xf32>
        %add3A_589 = arith.addf %add3A_567, %mul3A_588 : vector<16xf32>
        %mul3A_590 = arith.mulf %sub3A_587, %sub3A_587 : vector<16xf32>
        %add3A_591 = arith.addf %add3A_569, %mul3A_590 : vector<16xf32>
        %add3A_592 = arith.addf %add3A_578, %add3A_580 : vector<16xf32>
        %add3A_593 = arith.addf %add3A_589, %add3A_591 : vector<16xf32>
        %add3A_594 = arith.addf %add3A_592, %add3A_593 : vector<16xf32>
        %swap3A_595 = arith.constant 3 : i32
        %swap3A_596 = arith.index_cast %swap3A_595 : i32 to index
        %swap3A_597 = arith.constant 0 : index
        %swap3A_598 = tpu.vector_load %arg14[%swap3A_596, %swap3A_597] {strides = array<i32>} : memref<16x17xf32, #tpu.memory_space<vmem>>, vector<16xf32>,
        tpu.vector_store %arg14[%swap3A_596, %swap3A_597], %add3A_594 {strides = array<i32>} : memref<16x17xf32, #tpu.memory_space<vmem>>, vector<16xf32>,
        %mul3A_599 = arith.constant 16 : i32
        %mul3A_600 = arith.muli %scan3A_380, %mul3A_599 : i32
        %add3A_601 = arith.constant 4 : i32
        %add3A_602 = arith.addi %mul3A_600, %add3A_601 : i32
        %get3A_603 = arith.index_cast %add3A_602 : i32 to index
        %get3A_604 = arith.constant 0 : index
        %get3A_605 = tpu.vector_load %arg9[%get3A_603, %get3A_604] {strides = array<i32>} : memref<208x128xbf16, #tpu.memory_space<vmem>>, vector<32xbf16>,
        %unpack3A_606 = tpu.unpack_subelements %get3A_605, 0 {pack_format = #tpu.pack_format<interleaved>} : vector<32xbf16> -> vector<16xf32>
        %unpack3A_607 = tpu.unpack_subelements %get3A_605, 1 {pack_format = #tpu.pack_format<interleaved>} : vector<32xbf16> -> vector<16xf32>
        %sub3A_608 = arith.subf %unpack3A_606, %gather3A : vector<16xf32>
        %sub3A_609 = arith.subf %unpack3A_607, %gather3A_152 : vector<16xf32>
        %mul3A_610 = arith.mulf %sub3A_608, %sub3A_608 : vector<16xf32>
        %add3A_611 = arith.addf %broadcast_in_dim3A_3, %mul3A_610 : vector<16xf32>
        %mul3A_612 = arith.mulf %sub3A_609, %sub3A_609 : vector<16xf32>
        %add3A_613 = arith.addf %broadcast_in_dim3A_3, %mul3A_612 : vector<16xf32>
        %get3A_614 = arith.index_cast %add3A_602 : i32 to index
        %get3A_615 = arith.constant 32 : index
        %get3A_616 = tpu.vector_load %arg9[%get3A_614, %get3A_615] {strides = array<i32>} : memref<208x128xbf16, #tpu.memory_space<vmem>>, vector<32xbf16>,
        %unpack3A_617 = tpu.unpack_subelements %get3A_616, 0 {pack_format = #tpu.pack_format<interleaved>} : vector<32xbf16> -> vector<16xf32>
        %unpack3A_618 = tpu.unpack_subelements %get3A_616, 1 {pack_format = #tpu.pack_format<interleaved>} : vector<32xbf16> -> vector<16xf32>
        %sub3A_619 = arith.subf %unpack3A_617, %gather3A_159 : vector<16xf32>
        %sub3A_620 = arith.subf %unpack3A_618, %gather3A_169 : vector<16xf32>
        %mul3A_621 = arith.mulf %sub3A_619, %sub3A_619 : vector<16xf32>
        %add3A_622 = arith.addf %broadcast_in_dim3A_3, %mul3A_621 : vector<16xf32>
        %mul3A_623 = arith.mulf %sub3A_620, %sub3A_620 : vector<16xf32>
        %add3A_624 = arith.addf %broadcast_in_dim3A_3, %mul3A_623 : vector<16xf32>
        %get3A_625 = arith.index_cast %add3A_602 : i32 to index
        %get3A_626 = arith.constant 64 : index
        %get3A_627 = tpu.vector_load %arg9[%get3A_625, %get3A_626] {strides = array<i32>} : memref<208x128xbf16, #tpu.memory_space<vmem>>, vector<32xbf16>,
        %unpack3A_628 = tpu.unpack_subelements %get3A_627, 0 {pack_format = #tpu.pack_format<interleaved>} : vector<32xbf16> -> vector<16xf32>
        %unpack3A_629 = tpu.unpack_subelements %get3A_627, 1 {pack_format = #tpu.pack_format<interleaved>} : vector<32xbf16> -> vector<16xf32>
        %sub3A_630 = arith.subf %unpack3A_628, %gather3A_176 : vector<16xf32>
        %sub3A_631 = arith.subf %unpack3A_629, %gather3A_186 : vector<16xf32>
        %mul3A_632 = arith.mulf %sub3A_630, %sub3A_630 : vector<16xf32>
        %add3A_633 = arith.addf %add3A_611, %mul3A_632 : vector<16xf32>
        %mul3A_634 = arith.mulf %sub3A_631, %sub3A_631 : vector<16xf32>
        %add3A_635 = arith.addf %add3A_613, %mul3A_634 : vector<16xf32>
        %get3A_636 = arith.index_cast %add3A_602 : i32 to index
        %get3A_637 = arith.constant 96 : index
        %get3A_638 = tpu.vector_load %arg9[%get3A_636, %get3A_637] {strides = array<i32>} : memref<208x128xbf16, #tpu.memory_space<vmem>>, vector<32xbf16>,
        %unpack3A_639 = tpu.unpack_subelements %get3A_638, 0 {pack_format = #tpu.pack_format<interleaved>} : vector<32xbf16> -> vector<16xf32>
        %unpack3A_640 = tpu.unpack_subelements %get3A_638, 1 {pack_format = #tpu.pack_format<interleaved>} : vector<32xbf16> -> vector<16xf32>
        %sub3A_641 = arith.subf %unpack3A_639, %gather3A_193 : vector<16xf32>
        %sub3A_642 = arith.subf %unpack3A_640, %gather3A_203 : vector<16xf32>
        %mul3A_643 = arith.mulf %sub3A_641, %sub3A_641 : vector<16xf32>
        %add3A_644 = arith.addf %add3A_622, %mul3A_643 : vector<16xf32>
        %mul3A_645 = arith.mulf %sub3A_642, %sub3A_642 : vector<16xf32>
        %add3A_646 = arith.addf %add3A_624, %mul3A_645 : vector<16xf32>
        %add3A_647 = arith.addf %add3A_633, %add3A_635 : vector<16xf32>
        %add3A_648 = arith.addf %add3A_644, %add3A_646 : vector<16xf32>
        %add3A_649 = arith.addf %add3A_647, %add3A_648 : vector<16xf32>
        %swap3A_650 = arith.constant 4 : i32
        %swap3A_651 = arith.index_cast %swap3A_650 : i32 to index
        %swap3A_652 = arith.constant 0 : index
        %swap3A_653 = tpu.vector_load %arg14[%swap3A_651, %swap3A_652] {strides = array<i32>} : memref<16x17xf32, #tpu.memory_space<vmem>>, vector<16xf32>,
        tpu.vector_store %arg14[%swap3A_651, %swap3A_652], %add3A_649 {strides = array<i32>} : memref<16x17xf32, #tpu.memory_space<vmem>>, vector<16xf32>,
        %mul3A_654 = arith.constant 16 : i32
        %mul3A_655 = arith.muli %scan3A_380, %mul3A_654 : i32
        %add3A_656 = arith.constant 5 : i32
        %add3A_657 = arith.addi %mul3A_655, %add3A_656 : i32
        %get3A_658 = arith.index_cast %add3A_657 : i32 to index
        %get3A_659 = arith.constant 0 : index
        %get3A_660 = tpu.vector_load %arg9[%get3A_658, %get3A_659] {strides = array<i32>} : memref<208x128xbf16, #tpu.memory_space<vmem>>, vector<32xbf16>,
        %unpack3A_661 = tpu.unpack_subelements %get3A_660, 0 {pack_format = #tpu.pack_format<interleaved>} : vector<32xbf16> -> vector<16xf32>
        %unpack3A_662 = tpu.unpack_subelements %get3A_660, 1 {pack_format = #tpu.pack_format<interleaved>} : vector<32xbf16> -> vector<16xf32>
        %sub3A_663 = arith.subf %unpack3A_661, %gather3A : vector<16xf32>
        %sub3A_664 = arith.subf %unpack3A_662, %gather3A_152 : vector<16xf32>
        %mul3A_665 = arith.mulf %sub3A_663, %sub3A_663 : vector<16xf32>
        %add3A_666 = arith.addf %broadcast_in_dim3A_3, %mul3A_665 : vector<16xf32>
        %mul3A_667 = arith.mulf %sub3A_664, %sub3A_664 : vector<16xf32>
        %add3A_668 = arith.addf %broadcast_in_dim3A_3, %mul3A_667 : vector<16xf32>
        %get3A_669 = arith.index_cast %add3A_657 : i32 to index
        %get3A_670 = arith.constant 32 : index
        %get3A_671 = tpu.vector_load %arg9[%get3A_669, %get3A_670] {strides = array<i32>} : memref<208x128xbf16, #tpu.memory_space<vmem>>, vector<32xbf16>,
        %unpack3A_672 = tpu.unpack_subelements %get3A_671, 0 {pack_format = #tpu.pack_format<interleaved>} : vector<32xbf16> -> vector<16xf32>
        %unpack3A_673 = tpu.unpack_subelements %get3A_671, 1 {pack_format = #tpu.pack_format<interleaved>} : vector<32xbf16> -> vector<16xf32>
        %sub3A_674 = arith.subf %unpack3A_672, %gather3A_159 : vector<16xf32>
        %sub3A_675 = arith.subf %unpack3A_673, %gather3A_169 : vector<16xf32>
        %mul3A_676 = arith.mulf %sub3A_674, %sub3A_674 : vector<16xf32>
        %add3A_677 = arith.addf %broadcast_in_dim3A_3, %mul3A_676 : vector<16xf32>
        %mul3A_678 = arith.mulf %sub3A_675, %sub3A_675 : vector<16xf32>
        %add3A_679 = arith.addf %broadcast_in_dim3A_3, %mul3A_678 : vector<16xf32>
        %get3A_680 = arith.index_cast %add3A_657 : i32 to index
        %get3A_681 = arith.constant 64 : index
        %get3A_682 = tpu.vector_load %arg9[%get3A_680, %get3A_681] {strides = array<i32>} : memref<208x128xbf16, #tpu.memory_space<vmem>>, vector<32xbf16>,
        %unpack3A_683 = tpu.unpack_subelements %get3A_682, 0 {pack_format = #tpu.pack_format<interleaved>} : vector<32xbf16> -> vector<16xf32>
        %unpack3A_684 = tpu.unpack_subelements %get3A_682, 1 {pack_format = #tpu.pack_format<interleaved>} : vector<32xbf16> -> vector<16xf32>
        %sub3A_685 = arith.subf %unpack3A_683, %gather3A_176 : vector<16xf32>
        %sub3A_686 = arith.subf %unpack3A_684, %gather3A_186 : vector<16xf32>
        %mul3A_687 = arith.mulf %sub3A_685, %sub3A_685 : vector<16xf32>
        %add3A_688 = arith.addf %add3A_666, %mul3A_687 : vector<16xf32>
        %mul3A_689 = arith.mulf %sub3A_686, %sub3A_686 : vector<16xf32>
        %add3A_690 = arith.addf %add3A_668, %mul3A_689 : vector<16xf32>
        %get3A_691 = arith.index_cast %add3A_657 : i32 to index
        %get3A_692 = arith.constant 96 : index
        %get3A_693 = tpu.vector_load %arg9[%get3A_691, %get3A_692] {strides = array<i32>} : memref<208x128xbf16, #tpu.memory_space<vmem>>, vector<32xbf16>,
        %unpack3A_694 = tpu.unpack_subelements %get3A_693, 0 {pack_format = #tpu.pack_format<interleaved>} : vector<32xbf16> -> vector<16xf32>
        %unpack3A_695 = tpu.unpack_subelements %get3A_693, 1 {pack_format = #tpu.pack_format<interleaved>} : vector<32xbf16> -> vector<16xf32>
        %sub3A_696 = arith.subf %unpack3A_694, %gather3A_193 : vector<16xf32>
        %sub3A_697 = arith.subf %unpack3A_695, %gather3A_203 : vector<16xf32>
        %mul3A_698 = arith.mulf %sub3A_696, %sub3A_696 : vector<16xf32>
        %add3A_699 = arith.addf %add3A_677, %mul3A_698 : vector<16xf32>
        %mul3A_700 = arith.mulf %sub3A_697, %sub3A_697 : vector<16xf32>
        %add3A_701 = arith.addf %add3A_679, %mul3A_700 : vector<16xf32>
        %add3A_702 = arith.addf %add3A_688, %add3A_690 : vector<16xf32>
        %add3A_703 = arith.addf %add3A_699, %add3A_701 : vector<16xf32>
        %add3A_704 = arith.addf %add3A_702, %add3A_703 : vector<16xf32>
        %swap3A_705 = arith.constant 5 : i32
        %swap3A_706 = arith.index_cast %swap3A_705 : i32 to index
        %swap3A_707 = arith.constant 0 : index
        %swap3A_708 = tpu.vector_load %arg14[%swap3A_706, %swap3A_707] {strides = array<i32>} : memref<16x17xf32, #tpu.memory_space<vmem>>, vector<16xf32>,
        tpu.vector_store %arg14[%swap3A_706, %swap3A_707], %add3A_704 {strides = array<i32>} : memref<16x17xf32, #tpu.memory_space<vmem>>, vector<16xf32>,
        %mul3A_709 = arith.constant 16 : i32
        %mul3A_710 = arith.muli %scan3A_380, %mul3A_709 : i32
        %add3A_711 = arith.constant 6 : i32
        %add3A_712 = arith.addi %mul3A_710, %add3A_711 : i32
        %get3A_713 = arith.index_cast %add3A_712 : i32 to index
        %get3A_714 = arith.constant 0 : index
        %get3A_715 = tpu.vector_load %arg9[%get3A_713, %get3A_714] {strides = array<i32>} : memref<208x128xbf16, #tpu.memory_space<vmem>>, vector<32xbf16>,
        %unpack3A_716 = tpu.unpack_subelements %get3A_715, 0 {pack_format = #tpu.pack_format<interleaved>} : vector<32xbf16> -> vector<16xf32>
        %unpack3A_717 = tpu.unpack_subelements %get3A_715, 1 {pack_format = #tpu.pack_format<interleaved>} : vector<32xbf16> -> vector<16xf32>
        %sub3A_718 = arith.subf %unpack3A_716, %gather3A : vector<16xf32>
        %sub3A_719 = arith.subf %unpack3A_717, %gather3A_152 : vector<16xf32>
        %mul3A_720 = arith.mulf %sub3A_718, %sub3A_718 : vector<16xf32>
        %add3A_721 = arith.addf %broadcast_in_dim3A_3, %mul3A_720 : vector<16xf32>
        %mul3A_722 = arith.mulf %sub3A_719, %sub3A_719 : vector<16xf32>
        %add3A_723 = arith.addf %broadcast_in_dim3A_3, %mul3A_722 : vector<16xf32>
        %get3A_724 = arith.index_cast %add3A_712 : i32 to index
        %get3A_725 = arith.constant 32 : index
        %get3A_726 = tpu.vector_load %arg9[%get3A_724, %get3A_725] {strides = array<i32>} : memref<208x128xbf16, #tpu.memory_space<vmem>>, vector<32xbf16>,
        %unpack3A_727 = tpu.unpack_subelements %get3A_726, 0 {pack_format = #tpu.pack_format<interleaved>} : vector<32xbf16> -> vector<16xf32>
        %unpack3A_728 = tpu.unpack_subelements %get3A_726, 1 {pack_format = #tpu.pack_format<interleaved>} : vector<32xbf16> -> vector<16xf32>
        %sub3A_729 = arith.subf %unpack3A_727, %gather3A_159 : vector<16xf32>
        %sub3A_730 = arith.subf %unpack3A_728, %gather3A_169 : vector<16xf32>
        %mul3A_731 = arith.mulf %sub3A_729, %sub3A_729 : vector<16xf32>
        %add3A_732 = arith.addf %broadcast_in_dim3A_3, %mul3A_731 : vector<16xf32>
        %mul3A_733 = arith.mulf %sub3A_730, %sub3A_730 : vector<16xf32>
        %add3A_734 = arith.addf %broadcast_in_dim3A_3, %mul3A_733 : vector<16xf32>
        %get3A_735 = arith.index_cast %add3A_712 : i32 to index
        %get3A_736 = arith.constant 64 : index
        %get3A_737 = tpu.vector_load %arg9[%get3A_735, %get3A_736] {strides = array<i32>} : memref<208x128xbf16, #tpu.memory_space<vmem>>, vector<32xbf16>,
        %unpack3A_738 = tpu.unpack_subelements %get3A_737, 0 {pack_format = #tpu.pack_format<interleaved>} : vector<32xbf16> -> vector<16xf32>
        %unpack3A_739 = tpu.unpack_subelements %get3A_737, 1 {pack_format = #tpu.pack_format<interleaved>} : vector<32xbf16> -> vector<16xf32>
        %sub3A_740 = arith.subf %unpack3A_738, %gather3A_176 : vector<16xf32>
        %sub3A_741 = arith.subf %unpack3A_739, %gather3A_186 : vector<16xf32>
        %mul3A_742 = arith.mulf %sub3A_740, %sub3A_740 : vector<16xf32>
        %add3A_743 = arith.addf %add3A_721, %mul3A_742 : vector<16xf32>
        %mul3A_744 = arith.mulf %sub3A_741, %sub3A_741 : vector<16xf32>
        %add3A_745 = arith.addf %add3A_723, %mul3A_744 : vector<16xf32>
        %get3A_746 = arith.index_cast %add3A_712 : i32 to index
        %get3A_747 = arith.constant 96 : index
        %get3A_748 = tpu.vector_load %arg9[%get3A_746, %get3A_747] {strides = array<i32>} : memref<208x128xbf16, #tpu.memory_space<vmem>>, vector<32xbf16>,
        %unpack3A_749 = tpu.unpack_subelements %get3A_748, 0 {pack_format = #tpu.pack_format<interleaved>} : vector<32xbf16> -> vector<16xf32>
        %unpack3A_750 = tpu.unpack_subelements %get3A_748, 1 {pack_format = #tpu.pack_format<interleaved>} : vector<32xbf16> -> vector<16xf32>
        %sub3A_751 = arith.subf %unpack3A_749, %gather3A_193 : vector<16xf32>
        %sub3A_752 = arith.subf %unpack3A_750, %gather3A_203 : vector<16xf32>
        %mul3A_753 = arith.mulf %sub3A_751, %sub3A_751 : vector<16xf32>
        %add3A_754 = arith.addf %add3A_732, %mul3A_753 : vector<16xf32>
        %mul3A_755 = arith.mulf %sub3A_752, %sub3A_752 : vector<16xf32>
        %add3A_756 = arith.addf %add3A_734, %mul3A_755 : vector<16xf32>
        %add3A_757 = arith.addf %add3A_743, %add3A_745 : vector<16xf32>
        %add3A_758 = arith.addf %add3A_754, %add3A_756 : vector<16xf32>
        %add3A_759 = arith.addf %add3A_757, %add3A_758 : vector<16xf32>
        %swap3A_760 = arith.constant 6 : i32
        %swap3A_761 = arith.index_cast %swap3A_760 : i32 to index
        %swap3A_762 = arith.constant 0 : index
        %swap3A_763 = tpu.vector_load %arg14[%swap3A_761, %swap3A_762] {strides = array<i32>} : memref<16x17xf32, #tpu.memory_space<vmem>>, vector<16xf32>,
        tpu.vector_store %arg14[%swap3A_761, %swap3A_762], %add3A_759 {strides = array<i32>} : memref<16x17xf32, #tpu.memory_space<vmem>>, vector<16xf32>,
        %mul3A_764 = arith.constant 16 : i32
        %mul3A_765 = arith.muli %scan3A_380, %mul3A_764 : i32
        %add3A_766 = arith.constant 7 : i32
        %add3A_767 = arith.addi %mul3A_765, %add3A_766 : i32
        %get3A_768 = arith.index_cast %add3A_767 : i32 to index
        %get3A_769 = arith.constant 0 : index
        %get3A_770 = tpu.vector_load %arg9[%get3A_768, %get3A_769] {strides = array<i32>} : memref<208x128xbf16, #tpu.memory_space<vmem>>, vector<32xbf16>,
        %unpack3A_771 = tpu.unpack_subelements %get3A_770, 0 {pack_format = #tpu.pack_format<interleaved>} : vector<32xbf16> -> vector<16xf32>
        %unpack3A_772 = tpu.unpack_subelements %get3A_770, 1 {pack_format = #tpu.pack_format<interleaved>} : vector<32xbf16> -> vector<16xf32>
        %sub3A_773 = arith.subf %unpack3A_771, %gather3A : vector<16xf32>
        %sub3A_774 = arith.subf %unpack3A_772, %gather3A_152 : vector<16xf32>
        %mul3A_775 = arith.mulf %sub3A_773, %sub3A_773 : vector<16xf32>
        %add3A_776 = arith.addf %broadcast_in_dim3A_3, %mul3A_775 : vector<16xf32>
        %mul3A_777 = arith.mulf %sub3A_774, %sub3A_774 : vector<16xf32>
        %add3A_778 = arith.addf %broadcast_in_dim3A_3, %mul3A_777 : vector<16xf32>
        %get3A_779 = arith.index_cast %add3A_767 : i32 to index
        %get3A_780 = arith.constant 32 : index
        %get3A_781 = tpu.vector_load %arg9[%get3A_779, %get3A_780] {strides = array<i32>} : memref<208x128xbf16, #tpu.memory_space<vmem>>, vector<32xbf16>,
        %unpack3A_782 = tpu.unpack_subelements %get3A_781, 0 {pack_format = #tpu.pack_format<interleaved>} : vector<32xbf16> -> vector<16xf32>
        %unpack3A_783 = tpu.unpack_subelements %get3A_781, 1 {pack_format = #tpu.pack_format<interleaved>} : vector<32xbf16> -> vector<16xf32>
        %sub3A_784 = arith.subf %unpack3A_782, %gather3A_159 : vector<16xf32>
        %sub3A_785 = arith.subf %unpack3A_783, %gather3A_169 : vector<16xf32>
        %mul3A_786 = arith.mulf %sub3A_784, %sub3A_784 : vector<16xf32>
        %add3A_787 = arith.addf %broadcast_in_dim3A_3, %mul3A_786 : vector<16xf32>
        %mul3A_788 = arith.mulf %sub3A_785, %sub3A_785 : vector<16xf32>
        %add3A_789 = arith.addf %broadcast_in_dim3A_3, %mul3A_788 : vector<16xf32>
        %get3A_790 = arith.index_cast %add3A_767 : i32 to index
        %get3A_791 = arith.constant 64 : index
        %get3A_792 = tpu.vector_load %arg9[%get3A_790, %get3A_791] {strides = array<i32>} : memref<208x128xbf16, #tpu.memory_space<vmem>>, vector<32xbf16>,
        %unpack3A_793 = tpu.unpack_subelements %get3A_792, 0 {pack_format = #tpu.pack_format<interleaved>} : vector<32xbf16> -> vector<16xf32>
        %unpack3A_794 = tpu.unpack_subelements %get3A_792, 1 {pack_format = #tpu.pack_format<interleaved>} : vector<32xbf16> -> vector<16xf32>
        %sub3A_795 = arith.subf %unpack3A_793, %gather3A_176 : vector<16xf32>
        %sub3A_796 = arith.subf %unpack3A_794, %gather3A_186 : vector<16xf32>
        %mul3A_797 = arith.mulf %sub3A_795, %sub3A_795 : vector<16xf32>
        %add3A_798 = arith.addf %add3A_776, %mul3A_797 : vector<16xf32>
        %mul3A_799 = arith.mulf %sub3A_796, %sub3A_796 : vector<16xf32>
        %add3A_800 = arith.addf %add3A_778, %mul3A_799 : vector<16xf32>
        %get3A_801 = arith.index_cast %add3A_767 : i32 to index
        %get3A_802 = arith.constant 96 : index
        %get3A_803 = tpu.vector_load %arg9[%get3A_801, %get3A_802] {strides = array<i32>} : memref<208x128xbf16, #tpu.memory_space<vmem>>, vector<32xbf16>,
        %unpack3A_804 = tpu.unpack_subelements %get3A_803, 0 {pack_format = #tpu.pack_format<interleaved>} : vector<32xbf16> -> vector<16xf32>
        %unpack3A_805 = tpu.unpack_subelements %get3A_803, 1 {pack_format = #tpu.pack_format<interleaved>} : vector<32xbf16> -> vector<16xf32>
        %sub3A_806 = arith.subf %unpack3A_804, %gather3A_193 : vector<16xf32>
        %sub3A_807 = arith.subf %unpack3A_805, %gather3A_203 : vector<16xf32>
        %mul3A_808 = arith.mulf %sub3A_806, %sub3A_806 : vector<16xf32>
        %add3A_809 = arith.addf %add3A_787, %mul3A_808 : vector<16xf32>
        %mul3A_810 = arith.mulf %sub3A_807, %sub3A_807 : vector<16xf32>
        %add3A_811 = arith.addf %add3A_789, %mul3A_810 : vector<16xf32>
        %add3A_812 = arith.addf %add3A_798, %add3A_800 : vector<16xf32>
        %add3A_813 = arith.addf %add3A_809, %add3A_811 : vector<16xf32>
        %add3A_814 = arith.addf %add3A_812, %add3A_813 : vector<16xf32>
        %swap3A_815 = arith.constant 7 : i32
        %swap3A_816 = arith.index_cast %swap3A_815 : i32 to index
        %swap3A_817 = arith.constant 0 : index
        %swap3A_818 = tpu.vector_load %arg14[%swap3A_816, %swap3A_817] {strides = array<i32>} : memref<16x17xf32, #tpu.memory_space<vmem>>, vector<16xf32>,
        tpu.vector_store %arg14[%swap3A_816, %swap3A_817], %add3A_814 {strides = array<i32>} : memref<16x17xf32, #tpu.memory_space<vmem>>, vector<16xf32>,
        %mul3A_819 = arith.constant 16 : i32
        %mul3A_820 = arith.muli %scan3A_380, %mul3A_819 : i32
        %add3A_821 = arith.constant 8 : i32
        %add3A_822 = arith.addi %mul3A_820, %add3A_821 : i32
        %get3A_823 = arith.index_cast %add3A_822 : i32 to index
        %get3A_824 = arith.constant 0 : index
        %get3A_825 = tpu.vector_load %arg9[%get3A_823, %get3A_824] {strides = array<i32>} : memref<208x128xbf16, #tpu.memory_space<vmem>>, vector<32xbf16>,
        %unpack3A_826 = tpu.unpack_subelements %get3A_825, 0 {pack_format = #tpu.pack_format<interleaved>} : vector<32xbf16> -> vector<16xf32>
        %unpack3A_827 = tpu.unpack_subelements %get3A_825, 1 {pack_format = #tpu.pack_format<interleaved>} : vector<32xbf16> -> vector<16xf32>
        %sub3A_828 = arith.subf %unpack3A_826, %gather3A : vector<16xf32>
        %sub3A_829 = arith.subf %unpack3A_827, %gather3A_152 : vector<16xf32>
        %mul3A_830 = arith.mulf %sub3A_828, %sub3A_828 : vector<16xf32>
        %add3A_831 = arith.addf %broadcast_in_dim3A_3, %mul3A_830 : vector<16xf32>
        %mul3A_832 = arith.mulf %sub3A_829, %sub3A_829 : vector<16xf32>
        %add3A_833 = arith.addf %broadcast_in_dim3A_3, %mul3A_832 : vector<16xf32>
        %get3A_834 = arith.index_cast %add3A_822 : i32 to index
        %get3A_835 = arith.constant 32 : index
        %get3A_836 = tpu.vector_load %arg9[%get3A_834, %get3A_835] {strides = array<i32>} : memref<208x128xbf16, #tpu.memory_space<vmem>>, vector<32xbf16>,
        %unpack3A_837 = tpu.unpack_subelements %get3A_836, 0 {pack_format = #tpu.pack_format<interleaved>} : vector<32xbf16> -> vector<16xf32>
        %unpack3A_838 = tpu.unpack_subelements %get3A_836, 1 {pack_format = #tpu.pack_format<interleaved>} : vector<32xbf16> -> vector<16xf32>
        %sub3A_839 = arith.subf %unpack3A_837, %gather3A_159 : vector<16xf32>
        %sub3A_840 = arith.subf %unpack3A_838, %gather3A_169 : vector<16xf32>
        %mul3A_841 = arith.mulf %sub3A_839, %sub3A_839 : vector<16xf32>
        %add3A_842 = arith.addf %broadcast_in_dim3A_3, %mul3A_841 : vector<16xf32>
        %mul3A_843 = arith.mulf %sub3A_840, %sub3A_840 : vector<16xf32>
        %add3A_844 = arith.addf %broadcast_in_dim3A_3, %mul3A_843 : vector<16xf32>
        %get3A_845 = arith.index_cast %add3A_822 : i32 to index
        %get3A_846 = arith.constant 64 : index
        %get3A_847 = tpu.vector_load %arg9[%get3A_845, %get3A_846] {strides = array<i32>} : memref<208x128xbf16, #tpu.memory_space<vmem>>, vector<32xbf16>,
        %unpack3A_848 = tpu.unpack_subelements %get3A_847, 0 {pack_format = #tpu.pack_format<interleaved>} : vector<32xbf16> -> vector<16xf32>
        %unpack3A_849 = tpu.unpack_subelements %get3A_847, 1 {pack_format = #tpu.pack_format<interleaved>} : vector<32xbf16> -> vector<16xf32>
        %sub3A_850 = arith.subf %unpack3A_848, %gather3A_176 : vector<16xf32>
        %sub3A_851 = arith.subf %unpack3A_849, %gather3A_186 : vector<16xf32>
        %mul3A_852 = arith.mulf %sub3A_850, %sub3A_850 : vector<16xf32>
        %add3A_853 = arith.addf %add3A_831, %mul3A_852 : vector<16xf32>
        %mul3A_854 = arith.mulf %sub3A_851, %sub3A_851 : vector<16xf32>
        %add3A_855 = arith.addf %add3A_833, %mul3A_854 : vector<16xf32>
        %get3A_856 = arith.index_cast %add3A_822 : i32 to index
        %get3A_857 = arith.constant 96 : index
        %get3A_858 = tpu.vector_load %arg9[%get3A_856, %get3A_857] {strides = array<i32>} : memref<208x128xbf16, #tpu.memory_space<vmem>>, vector<32xbf16>,
        %unpack3A_859 = tpu.unpack_subelements %get3A_858, 0 {pack_format = #tpu.pack_format<interleaved>} : vector<32xbf16> -> vector<16xf32>
        %unpack3A_860 = tpu.unpack_subelements %get3A_858, 1 {pack_format = #tpu.pack_format<interleaved>} : vector<32xbf16> -> vector<16xf32>
        %sub3A_861 = arith.subf %unpack3A_859, %gather3A_193 : vector<16xf32>
        %sub3A_862 = arith.subf %unpack3A_860, %gather3A_203 : vector<16xf32>
        %mul3A_863 = arith.mulf %sub3A_861, %sub3A_861 : vector<16xf32>
        %add3A_864 = arith.addf %add3A_842, %mul3A_863 : vector<16xf32>
        %mul3A_865 = arith.mulf %sub3A_862, %sub3A_862 : vector<16xf32>
        %add3A_866 = arith.addf %add3A_844, %mul3A_865 : vector<16xf32>
        %add3A_867 = arith.addf %add3A_853, %add3A_855 : vector<16xf32>
        %add3A_868 = arith.addf %add3A_864, %add3A_866 : vector<16xf32>
        %add3A_869 = arith.addf %add3A_867, %add3A_868 : vector<16xf32>
        %swap3A_870 = arith.constant 8 : i32
        %swap3A_871 = arith.index_cast %swap3A_870 : i32 to index
        %swap3A_872 = arith.constant 0 : index
        %swap3A_873 = tpu.vector_load %arg14[%swap3A_871, %swap3A_872] {strides = array<i32>} : memref<16x17xf32, #tpu.memory_space<vmem>>, vector<16xf32>,
        tpu.vector_store %arg14[%swap3A_871, %swap3A_872], %add3A_869 {strides = array<i32>} : memref<16x17xf32, #tpu.memory_space<vmem>>, vector<16xf32>,
        %mul3A_874 = arith.constant 16 : i32
        %mul3A_875 = arith.muli %scan3A_380, %mul3A_874 : i32
        %add3A_876 = arith.constant 9 : i32
        %add3A_877 = arith.addi %mul3A_875, %add3A_876 : i32
        %get3A_878 = arith.index_cast %add3A_877 : i32 to index
        %get3A_879 = arith.constant 0 : index
        %get3A_880 = tpu.vector_load %arg9[%get3A_878, %get3A_879] {strides = array<i32>} : memref<208x128xbf16, #tpu.memory_space<vmem>>, vector<32xbf16>,
        %unpack3A_881 = tpu.unpack_subelements %get3A_880, 0 {pack_format = #tpu.pack_format<interleaved>} : vector<32xbf16> -> vector<16xf32>
        %unpack3A_882 = tpu.unpack_subelements %get3A_880, 1 {pack_format = #tpu.pack_format<interleaved>} : vector<32xbf16> -> vector<16xf32>
        %sub3A_883 = arith.subf %unpack3A_881, %gather3A : vector<16xf32>
        %sub3A_884 = arith.subf %unpack3A_882, %gather3A_152 : vector<16xf32>
        %mul3A_885 = arith.mulf %sub3A_883, %sub3A_883 : vector<16xf32>
        %add3A_886 = arith.addf %broadcast_in_dim3A_3, %mul3A_885 : vector<16xf32>
        %mul3A_887 = arith.mulf %sub3A_884, %sub3A_884 : vector<16xf32>
        %add3A_888 = arith.addf %broadcast_in_dim3A_3, %mul3A_887 : vector<16xf32>
        %get3A_889 = arith.index_cast %add3A_877 : i32 to index
        %get3A_890 = arith.constant 32 : index
        %get3A_891 = tpu.vector_load %arg9[%get3A_889, %get3A_890] {strides = array<i32>} : memref<208x128xbf16, #tpu.memory_space<vmem>>, vector<32xbf16>,
        %unpack3A_892 = tpu.unpack_subelements %get3A_891, 0 {pack_format = #tpu.pack_format<interleaved>} : vector<32xbf16> -> vector<16xf32>
        %unpack3A_893 = tpu.unpack_subelements %get3A_891, 1 {pack_format = #tpu.pack_format<interleaved>} : vector<32xbf16> -> vector<16xf32>
        %sub3A_894 = arith.subf %unpack3A_892, %gather3A_159 : vector<16xf32>
        %sub3A_895 = arith.subf %unpack3A_893, %gather3A_169 : vector<16xf32>
        %mul3A_896 = arith.mulf %sub3A_894, %sub3A_894 : vector<16xf32>
        %add3A_897 = arith.addf %broadcast_in_dim3A_3, %mul3A_896 : vector<16xf32>
        %mul3A_898 = arith.mulf %sub3A_895, %sub3A_895 : vector<16xf32>
        %add3A_899 = arith.addf %broadcast_in_dim3A_3, %mul3A_898 : vector<16xf32>
        %get3A_900 = arith.index_cast %add3A_877 : i32 to index
        %get3A_901 = arith.constant 64 : index
        %get3A_902 = tpu.vector_load %arg9[%get3A_900, %get3A_901] {strides = array<i32>} : memref<208x128xbf16, #tpu.memory_space<vmem>>, vector<32xbf16>,
        %unpack3A_903 = tpu.unpack_subelements %get3A_902, 0 {pack_format = #tpu.pack_format<interleaved>} : vector<32xbf16> -> vector<16xf32>
        %unpack3A_904 = tpu.unpack_subelements %get3A_902, 1 {pack_format = #tpu.pack_format<interleaved>} : vector<32xbf16> -> vector<16xf32>
        %sub3A_905 = arith.subf %unpack3A_903, %gather3A_176 : vector<16xf32>
        %sub3A_906 = arith.subf %unpack3A_904, %gather3A_186 : vector<16xf32>
        %mul3A_907 = arith.mulf %sub3A_905, %sub3A_905 : vector<16xf32>
        %add3A_908 = arith.addf %add3A_886, %mul3A_907 : vector<16xf32>
        %mul3A_909 = arith.mulf %sub3A_906, %sub3A_906 : vector<16xf32>
        %add3A_910 = arith.addf %add3A_888, %mul3A_909 : vector<16xf32>
        %get3A_911 = arith.index_cast %add3A_877 : i32 to index
        %get3A_912 = arith.constant 96 : index
        %get3A_913 = tpu.vector_load %arg9[%get3A_911, %get3A_912] {strides = array<i32>} : memref<208x128xbf16, #tpu.memory_space<vmem>>, vector<32xbf16>,
        %unpack3A_914 = tpu.unpack_subelements %get3A_913, 0 {pack_format = #tpu.pack_format<interleaved>} : vector<32xbf16> -> vector<16xf32>
        %unpack3A_915 = tpu.unpack_subelements %get3A_913, 1 {pack_format = #tpu.pack_format<interleaved>} : vector<32xbf16> -> vector<16xf32>
        %sub3A_916 = arith.subf %unpack3A_914, %gather3A_193 : vector<16xf32>
        %sub3A_917 = arith.subf %unpack3A_915, %gather3A_203 : vector<16xf32>
        %mul3A_918 = arith.mulf %sub3A_916, %sub3A_916 : vector<16xf32>
        %add3A_919 = arith.addf %add3A_897, %mul3A_918 : vector<16xf32>
        %mul3A_920 = arith.mulf %sub3A_917, %sub3A_917 : vector<16xf32>
        %add3A_921 = arith.addf %add3A_899, %mul3A_920 : vector<16xf32>
        %add3A_922 = arith.addf %add3A_908, %add3A_910 : vector<16xf32>
        %add3A_923 = arith.addf %add3A_919, %add3A_921 : vector<16xf32>
        %add3A_924 = arith.addf %add3A_922, %add3A_923 : vector<16xf32>
        %swap3A_925 = arith.constant 9 : i32
        %swap3A_926 = arith.index_cast %swap3A_925 : i32 to index
        %swap3A_927 = arith.constant 0 : index
        %swap3A_928 = tpu.vector_load %arg14[%swap3A_926, %swap3A_927] {strides = array<i32>} : memref<16x17xf32, #tpu.memory_space<vmem>>, vector<16xf32>,
        tpu.vector_store %arg14[%swap3A_926, %swap3A_927], %add3A_924 {strides = array<i32>} : memref<16x17xf32, #tpu.memory_space<vmem>>, vector<16xf32>,
        %mul3A_929 = arith.constant 16 : i32
        %mul3A_930 = arith.muli %scan3A_380, %mul3A_929 : i32
        %add3A_931 = arith.constant 10 : i32
        %add3A_932 = arith.addi %mul3A_930, %add3A_931 : i32
        %get3A_933 = arith.index_cast %add3A_932 : i32 to index
        %get3A_934 = arith.constant 0 : index
        %get3A_935 = tpu.vector_load %arg9[%get3A_933, %get3A_934] {strides = array<i32>} : memref<208x128xbf16, #tpu.memory_space<vmem>>, vector<32xbf16>,
        %unpack3A_936 = tpu.unpack_subelements %get3A_935, 0 {pack_format = #tpu.pack_format<interleaved>} : vector<32xbf16> -> vector<16xf32>
        %unpack3A_937 = tpu.unpack_subelements %get3A_935, 1 {pack_format = #tpu.pack_format<interleaved>} : vector<32xbf16> -> vector<16xf32>
        %sub3A_938 = arith.subf %unpack3A_936, %gather3A : vector<16xf32>
        %sub3A_939 = arith.subf %unpack3A_937, %gather3A_152 : vector<16xf32>
        %mul3A_940 = arith.mulf %sub3A_938, %sub3A_938 : vector<16xf32>
        %add3A_941 = arith.addf %broadcast_in_dim3A_3, %mul3A_940 : vector<16xf32>
        %mul3A_942 = arith.mulf %sub3A_939, %sub3A_939 : vector<16xf32>
        %add3A_943 = arith.addf %broadcast_in_dim3A_3, %mul3A_942 : vector<16xf32>
        %get3A_944 = arith.index_cast %add3A_932 : i32 to index
        %get3A_945 = arith.constant 32 : index
        %get3A_946 = tpu.vector_load %arg9[%get3A_944, %get3A_945] {strides = array<i32>} : memref<208x128xbf16, #tpu.memory_space<vmem>>, vector<32xbf16>,
        %unpack3A_947 = tpu.unpack_subelements %get3A_946, 0 {pack_format = #tpu.pack_format<interleaved>} : vector<32xbf16> -> vector<16xf32>
        %unpack3A_948 = tpu.unpack_subelements %get3A_946, 1 {pack_format = #tpu.pack_format<interleaved>} : vector<32xbf16> -> vector<16xf32>
        %sub3A_949 = arith.subf %unpack3A_947, %gather3A_159 : vector<16xf32>
        %sub3A_950 = arith.subf %unpack3A_948, %gather3A_169 : vector<16xf32>
        %mul3A_951 = arith.mulf %sub3A_949, %sub3A_949 : vector<16xf32>
        %add3A_952 = arith.addf %broadcast_in_dim3A_3, %mul3A_951 : vector<16xf32>
        %mul3A_953 = arith.mulf %sub3A_950, %sub3A_950 : vector<16xf32>
        %add3A_954 = arith.addf %broadcast_in_dim3A_3, %mul3A_953 : vector<16xf32>
        %get3A_955 = arith.index_cast %add3A_932 : i32 to index
        %get3A_956 = arith.constant 64 : index
        %get3A_957 = tpu.vector_load %arg9[%get3A_955, %get3A_956] {strides = array<i32>} : memref<208x128xbf16, #tpu.memory_space<vmem>>, vector<32xbf16>,
        %unpack3A_958 = tpu.unpack_subelements %get3A_957, 0 {pack_format = #tpu.pack_format<interleaved>} : vector<32xbf16> -> vector<16xf32>
        %unpack3A_959 = tpu.unpack_subelements %get3A_957, 1 {pack_format = #tpu.pack_format<interleaved>} : vector<32xbf16> -> vector<16xf32>
        %sub3A_960 = arith.subf %unpack3A_958, %gather3A_176 : vector<16xf32>
        %sub3A_961 = arith.subf %unpack3A_959, %gather3A_186 : vector<16xf32>
        %mul3A_962 = arith.mulf %sub3A_960, %sub3A_960 : vector<16xf32>
        %add3A_963 = arith.addf %add3A_941, %mul3A_962 : vector<16xf32>
        %mul3A_964 = arith.mulf %sub3A_961, %sub3A_961 : vector<16xf32>
        %add3A_965 = arith.addf %add3A_943, %mul3A_964 : vector<16xf32>
        %get3A_966 = arith.index_cast %add3A_932 : i32 to index
        %get3A_967 = arith.constant 96 : index
        %get3A_968 = tpu.vector_load %arg9[%get3A_966, %get3A_967] {strides = array<i32>} : memref<208x128xbf16, #tpu.memory_space<vmem>>, vector<32xbf16>,
        %unpack3A_969 = tpu.unpack_subelements %get3A_968, 0 {pack_format = #tpu.pack_format<interleaved>} : vector<32xbf16> -> vector<16xf32>
        %unpack3A_970 = tpu.unpack_subelements %get3A_968, 1 {pack_format = #tpu.pack_format<interleaved>} : vector<32xbf16> -> vector<16xf32>
        %sub3A_971 = arith.subf %unpack3A_969, %gather3A_193 : vector<16xf32>
        %sub3A_972 = arith.subf %unpack3A_970, %gather3A_203 : vector<16xf32>
        %mul3A_973 = arith.mulf %sub3A_971, %sub3A_971 : vector<16xf32>
        %add3A_974 = arith.addf %add3A_952, %mul3A_973 : vector<16xf32>
        %mul3A_975 = arith.mulf %sub3A_972, %sub3A_972 : vector<16xf32>
        %add3A_976 = arith.addf %add3A_954, %mul3A_975 : vector<16xf32>
        %add3A_977 = arith.addf %add3A_963, %add3A_965 : vector<16xf32>
        %add3A_978 = arith.addf %add3A_974, %add3A_976 : vector<16xf32>
        %add3A_979 = arith.addf %add3A_977, %add3A_978 : vector<16xf32>
        %swap3A_980 = arith.constant 10 : i32
        %swap3A_981 = arith.index_cast %swap3A_980 : i32 to index
        %swap3A_982 = arith.constant 0 : index
        %swap3A_983 = tpu.vector_load %arg14[%swap3A_981, %swap3A_982] {strides = array<i32>} : memref<16x17xf32, #tpu.memory_space<vmem>>, vector<16xf32>,
        tpu.vector_store %arg14[%swap3A_981, %swap3A_982], %add3A_979 {strides = array<i32>} : memref<16x17xf32, #tpu.memory_space<vmem>>, vector<16xf32>,
        %mul3A_984 = arith.constant 16 : i32
        %mul3A_985 = arith.muli %scan3A_380, %mul3A_984 : i32
        %add3A_986 = arith.constant 11 : i32
        %add3A_987 = arith.addi %mul3A_985, %add3A_986 : i32
        %get3A_988 = arith.index_cast %add3A_987 : i32 to index
        %get3A_989 = arith.constant 0 : index
        %get3A_990 = tpu.vector_load %arg9[%get3A_988, %get3A_989] {strides = array<i32>} : memref<208x128xbf16, #tpu.memory_space<vmem>>, vector<32xbf16>,
        %unpack3A_991 = tpu.unpack_subelements %get3A_990, 0 {pack_format = #tpu.pack_format<interleaved>} : vector<32xbf16> -> vector<16xf32>
        %unpack3A_992 = tpu.unpack_subelements %get3A_990, 1 {pack_format = #tpu.pack_format<interleaved>} : vector<32xbf16> -> vector<16xf32>
        %sub3A_993 = arith.subf %unpack3A_991, %gather3A : vector<16xf32>
        %sub3A_994 = arith.subf %unpack3A_992, %gather3A_152 : vector<16xf32>
        %mul3A_995 = arith.mulf %sub3A_993, %sub3A_993 : vector<16xf32>
        %add3A_996 = arith.addf %broadcast_in_dim3A_3, %mul3A_995 : vector<16xf32>
        %mul3A_997 = arith.mulf %sub3A_994, %sub3A_994 : vector<16xf32>
        %add3A_998 = arith.addf %broadcast_in_dim3A_3, %mul3A_997 : vector<16xf32>
        %get3A_999 = arith.index_cast %add3A_987 : i32 to index
        %get3A_1000 = arith.constant 32 : index
        %get3A_1001 = tpu.vector_load %arg9[%get3A_999, %get3A_1000] {strides = array<i32>} : memref<208x128xbf16, #tpu.memory_space<vmem>>, vector<32xbf16>,
        %unpack3A_1002 = tpu.unpack_subelements %get3A_1001, 0 {pack_format = #tpu.pack_format<interleaved>} : vector<32xbf16> -> vector<16xf32>
        %unpack3A_1003 = tpu.unpack_subelements %get3A_1001, 1 {pack_format = #tpu.pack_format<interleaved>} : vector<32xbf16> -> vector<16xf32>
        %sub3A_1004 = arith.subf %unpack3A_1002, %gather3A_159 : vector<16xf32>
        %sub3A_1005 = arith.subf %unpack3A_1003, %gather3A_169 : vector<16xf32>
        %mul3A_1006 = arith.mulf %sub3A_1004, %sub3A_1004 : vector<16xf32>
        %add3A_1007 = arith.addf %broadcast_in_dim3A_3, %mul3A_1006 : vector<16xf32>
        %mul3A_1008 = arith.mulf %sub3A_1005, %sub3A_1005 : vector<16xf32>
        %add3A_1009 = arith.addf %broadcast_in_dim3A_3, %mul3A_1008 : vector<16xf32>
        %get3A_1010 = arith.index_cast %add3A_987 : i32 to index
        %get3A_1011 = arith.constant 64 : index
        %get3A_1012 = tpu.vector_load %arg9[%get3A_1010, %get3A_1011] {strides = array<i32>} : memref<208x128xbf16, #tpu.memory_space<vmem>>, vector<32xbf16>,
        %unpack3A_1013 = tpu.unpack_subelements %get3A_1012, 0 {pack_format = #tpu.pack_format<interleaved>} : vector<32xbf16> -> vector<16xf32>
        %unpack3A_1014 = tpu.unpack_subelements %get3A_1012, 1 {pack_format = #tpu.pack_format<interleaved>} : vector<32xbf16> -> vector<16xf32>
        %sub3A_1015 = arith.subf %unpack3A_1013, %gather3A_176 : vector<16xf32>
        %sub3A_1016 = arith.subf %unpack3A_1014, %gather3A_186 : vector<16xf32>
        %mul3A_1017 = arith.mulf %sub3A_1015, %sub3A_1015 : vector<16xf32>
        %add3A_1018 = arith.addf %add3A_996, %mul3A_1017 : vector<16xf32>
        %mul3A_1019 = arith.mulf %sub3A_1016, %sub3A_1016 : vector<16xf32>
        %add3A_1020 = arith.addf %add3A_998, %mul3A_1019 : vector<16xf32>
        %get3A_1021 = arith.index_cast %add3A_987 : i32 to index
        %get3A_1022 = arith.constant 96 : index
        %get3A_1023 = tpu.vector_load %arg9[%get3A_1021, %get3A_1022] {strides = array<i32>} : memref<208x128xbf16, #tpu.memory_space<vmem>>, vector<32xbf16>,
        %unpack3A_1024 = tpu.unpack_subelements %get3A_1023, 0 {pack_format = #tpu.pack_format<interleaved>} : vector<32xbf16> -> vector<16xf32>
        %unpack3A_1025 = tpu.unpack_subelements %get3A_1023, 1 {pack_format = #tpu.pack_format<interleaved>} : vector<32xbf16> -> vector<16xf32>
        %sub3A_1026 = arith.subf %unpack3A_1024, %gather3A_193 : vector<16xf32>
        %sub3A_1027 = arith.subf %unpack3A_1025, %gather3A_203 : vector<16xf32>
        %mul3A_1028 = arith.mulf %sub3A_1026, %sub3A_1026 : vector<16xf32>
        %add3A_1029 = arith.addf %add3A_1007, %mul3A_1028 : vector<16xf32>
        %mul3A_1030 = arith.mulf %sub3A_1027, %sub3A_1027 : vector<16xf32>
        %add3A_1031 = arith.addf %add3A_1009, %mul3A_1030 : vector<16xf32>
        %add3A_1032 = arith.addf %add3A_1018, %add3A_1020 : vector<16xf32>
        %add3A_1033 = arith.addf %add3A_1029, %add3A_1031 : vector<16xf32>
        %add3A_1034 = arith.addf %add3A_1032, %add3A_1033 : vector<16xf32>
        %swap3A_1035 = arith.constant 11 : i32
        %swap3A_1036 = arith.index_cast %swap3A_1035 : i32 to index
        %swap3A_1037 = arith.constant 0 : index
        %swap3A_1038 = tpu.vector_load %arg14[%swap3A_1036, %swap3A_1037] {strides = array<i32>} : memref<16x17xf32, #tpu.memory_space<vmem>>, vector<16xf32>,
        tpu.vector_store %arg14[%swap3A_1036, %swap3A_1037], %add3A_1034 {strides = array<i32>} : memref<16x17xf32, #tpu.memory_space<vmem>>, vector<16xf32>,
        %mul3A_1039 = arith.constant 16 : i32
        %mul3A_1040 = arith.muli %scan3A_380, %mul3A_1039 : i32
        %add3A_1041 = arith.constant 12 : i32
        %add3A_1042 = arith.addi %mul3A_1040, %add3A_1041 : i32
        %get3A_1043 = arith.index_cast %add3A_1042 : i32 to index
        %get3A_1044 = arith.constant 0 : index
        %get3A_1045 = tpu.vector_load %arg9[%get3A_1043, %get3A_1044] {strides = array<i32>} : memref<208x128xbf16, #tpu.memory_space<vmem>>, vector<32xbf16>,
        %unpack3A_1046 = tpu.unpack_subelements %get3A_1045, 0 {pack_format = #tpu.pack_format<interleaved>} : vector<32xbf16> -> vector<16xf32>
        %unpack3A_1047 = tpu.unpack_subelements %get3A_1045, 1 {pack_format = #tpu.pack_format<interleaved>} : vector<32xbf16> -> vector<16xf32>
        %sub3A_1048 = arith.subf %unpack3A_1046, %gather3A : vector<16xf32>
        %sub3A_1049 = arith.subf %unpack3A_1047, %gather3A_152 : vector<16xf32>
        %mul3A_1050 = arith.mulf %sub3A_1048, %sub3A_1048 : vector<16xf32>
        %add3A_1051 = arith.addf %broadcast_in_dim3A_3, %mul3A_1050 : vector<16xf32>
        %mul3A_1052 = arith.mulf %sub3A_1049, %sub3A_1049 : vector<16xf32>
        %add3A_1053 = arith.addf %broadcast_in_dim3A_3, %mul3A_1052 : vector<16xf32>
        %get3A_1054 = arith.index_cast %add3A_1042 : i32 to index
        %get3A_1055 = arith.constant 32 : index
        %get3A_1056 = tpu.vector_load %arg9[%get3A_1054, %get3A_1055] {strides = array<i32>} : memref<208x128xbf16, #tpu.memory_space<vmem>>, vector<32xbf16>,
        %unpack3A_1057 = tpu.unpack_subelements %get3A_1056, 0 {pack_format = #tpu.pack_format<interleaved>} : vector<32xbf16> -> vector<16xf32>
        %unpack3A_1058 = tpu.unpack_subelements %get3A_1056, 1 {pack_format = #tpu.pack_format<interleaved>} : vector<32xbf16> -> vector<16xf32>
        %sub3A_1059 = arith.subf %unpack3A_1057, %gather3A_159 : vector<16xf32>
        %sub3A_1060 = arith.subf %unpack3A_1058, %gather3A_169 : vector<16xf32>
        %mul3A_1061 = arith.mulf %sub3A_1059, %sub3A_1059 : vector<16xf32>
        %add3A_1062 = arith.addf %broadcast_in_dim3A_3, %mul3A_1061 : vector<16xf32>
        %mul3A_1063 = arith.mulf %sub3A_1060, %sub3A_1060 : vector<16xf32>
        %add3A_1064 = arith.addf %broadcast_in_dim3A_3, %mul3A_1063 : vector<16xf32>
        %get3A_1065 = arith.index_cast %add3A_1042 : i32 to index
        %get3A_1066 = arith.constant 64 : index
        %get3A_1067 = tpu.vector_load %arg9[%get3A_1065, %get3A_1066] {strides = array<i32>} : memref<208x128xbf16, #tpu.memory_space<vmem>>, vector<32xbf16>,
        %unpack3A_1068 = tpu.unpack_subelements %get3A_1067, 0 {pack_format = #tpu.pack_format<interleaved>} : vector<32xbf16> -> vector<16xf32>
        %unpack3A_1069 = tpu.unpack_subelements %get3A_1067, 1 {pack_format = #tpu.pack_format<interleaved>} : vector<32xbf16> -> vector<16xf32>
        %sub3A_1070 = arith.subf %unpack3A_1068, %gather3A_176 : vector<16xf32>
        %sub3A_1071 = arith.subf %unpack3A_1069, %gather3A_186 : vector<16xf32>
        %mul3A_1072 = arith.mulf %sub3A_1070, %sub3A_1070 : vector<16xf32>
        %add3A_1073 = arith.addf %add3A_1051, %mul3A_1072 : vector<16xf32>
        %mul3A_1074 = arith.mulf %sub3A_1071, %sub3A_1071 : vector<16xf32>
        %add3A_1075 = arith.addf %add3A_1053, %mul3A_1074 : vector<16xf32>
        %get3A_1076 = arith.index_cast %add3A_1042 : i32 to index
        %get3A_1077 = arith.constant 96 : index
        %get3A_1078 = tpu.vector_load %arg9[%get3A_1076, %get3A_1077] {strides = array<i32>} : memref<208x128xbf16, #tpu.memory_space<vmem>>, vector<32xbf16>,
        %unpack3A_1079 = tpu.unpack_subelements %get3A_1078, 0 {pack_format = #tpu.pack_format<interleaved>} : vector<32xbf16> -> vector<16xf32>
        %unpack3A_1080 = tpu.unpack_subelements %get3A_1078, 1 {pack_format = #tpu.pack_format<interleaved>} : vector<32xbf16> -> vector<16xf32>
        %sub3A_1081 = arith.subf %unpack3A_1079, %gather3A_193 : vector<16xf32>
        %sub3A_1082 = arith.subf %unpack3A_1080, %gather3A_203 : vector<16xf32>
        %mul3A_1083 = arith.mulf %sub3A_1081, %sub3A_1081 : vector<16xf32>
        %add3A_1084 = arith.addf %add3A_1062, %mul3A_1083 : vector<16xf32>
        %mul3A_1085 = arith.mulf %sub3A_1082, %sub3A_1082 : vector<16xf32>
        %add3A_1086 = arith.addf %add3A_1064, %mul3A_1085 : vector<16xf32>
        %add3A_1087 = arith.addf %add3A_1073, %add3A_1075 : vector<16xf32>
        %add3A_1088 = arith.addf %add3A_1084, %add3A_1086 : vector<16xf32>
        %add3A_1089 = arith.addf %add3A_1087, %add3A_1088 : vector<16xf32>
        %swap3A_1090 = arith.constant 12 : i32
        %swap3A_1091 = arith.index_cast %swap3A_1090 : i32 to index
        %swap3A_1092 = arith.constant 0 : index
        %swap3A_1093 = tpu.vector_load %arg14[%swap3A_1091, %swap3A_1092] {strides = array<i32>} : memref<16x17xf32, #tpu.memory_space<vmem>>, vector<16xf32>,
        tpu.vector_store %arg14[%swap3A_1091, %swap3A_1092], %add3A_1089 {strides = array<i32>} : memref<16x17xf32, #tpu.memory_space<vmem>>, vector<16xf32>,
        %mul3A_1094 = arith.constant 16 : i32
        %mul3A_1095 = arith.muli %scan3A_380, %mul3A_1094 : i32
        %add3A_1096 = arith.constant 13 : i32
        %add3A_1097 = arith.addi %mul3A_1095, %add3A_1096 : i32
        %get3A_1098 = arith.index_cast %add3A_1097 : i32 to index
        %get3A_1099 = arith.constant 0 : index
        %get3A_1100 = tpu.vector_load %arg9[%get3A_1098, %get3A_1099] {strides = array<i32>} : memref<208x128xbf16, #tpu.memory_space<vmem>>, vector<32xbf16>,
        %unpack3A_1101 = tpu.unpack_subelements %get3A_1100, 0 {pack_format = #tpu.pack_format<interleaved>} : vector<32xbf16> -> vector<16xf32>
        %unpack3A_1102 = tpu.unpack_subelements %get3A_1100, 1 {pack_format = #tpu.pack_format<interleaved>} : vector<32xbf16> -> vector<16xf32>
        %sub3A_1103 = arith.subf %unpack3A_1101, %gather3A : vector<16xf32>
        %sub3A_1104 = arith.subf %unpack3A_1102, %gather3A_152 : vector<16xf32>
        %mul3A_1105 = arith.mulf %sub3A_1103, %sub3A_1103 : vector<16xf32>
        %add3A_1106 = arith.addf %broadcast_in_dim3A_3, %mul3A_1105 : vector<16xf32>
        %mul3A_1107 = arith.mulf %sub3A_1104, %sub3A_1104 : vector<16xf32>
        %add3A_1108 = arith.addf %broadcast_in_dim3A_3, %mul3A_1107 : vector<16xf32>
        %get3A_1109 = arith.index_cast %add3A_1097 : i32 to index
        %get3A_1110 = arith.constant 32 : index
        %get3A_1111 = tpu.vector_load %arg9[%get3A_1109, %get3A_1110] {strides = array<i32>} : memref<208x128xbf16, #tpu.memory_space<vmem>>, vector<32xbf16>,
        %unpack3A_1112 = tpu.unpack_subelements %get3A_1111, 0 {pack_format = #tpu.pack_format<interleaved>} : vector<32xbf16> -> vector<16xf32>
        %unpack3A_1113 = tpu.unpack_subelements %get3A_1111, 1 {pack_format = #tpu.pack_format<interleaved>} : vector<32xbf16> -> vector<16xf32>
        %sub3A_1114 = arith.subf %unpack3A_1112, %gather3A_159 : vector<16xf32>
        %sub3A_1115 = arith.subf %unpack3A_1113, %gather3A_169 : vector<16xf32>
        %mul3A_1116 = arith.mulf %sub3A_1114, %sub3A_1114 : vector<16xf32>
        %add3A_1117 = arith.addf %broadcast_in_dim3A_3, %mul3A_1116 : vector<16xf32>
        %mul3A_1118 = arith.mulf %sub3A_1115, %sub3A_1115 : vector<16xf32>
        %add3A_1119 = arith.addf %broadcast_in_dim3A_3, %mul3A_1118 : vector<16xf32>
        %get3A_1120 = arith.index_cast %add3A_1097 : i32 to index
        %get3A_1121 = arith.constant 64 : index
        %get3A_1122 = tpu.vector_load %arg9[%get3A_1120, %get3A_1121] {strides = array<i32>} : memref<208x128xbf16, #tpu.memory_space<vmem>>, vector<32xbf16>,
        %unpack3A_1123 = tpu.unpack_subelements %get3A_1122, 0 {pack_format = #tpu.pack_format<interleaved>} : vector<32xbf16> -> vector<16xf32>
        %unpack3A_1124 = tpu.unpack_subelements %get3A_1122, 1 {pack_format = #tpu.pack_format<interleaved>} : vector<32xbf16> -> vector<16xf32>
        %sub3A_1125 = arith.subf %unpack3A_1123, %gather3A_176 : vector<16xf32>
        %sub3A_1126 = arith.subf %unpack3A_1124, %gather3A_186 : vector<16xf32>
        %mul3A_1127 = arith.mulf %sub3A_1125, %sub3A_1125 : vector<16xf32>
        %add3A_1128 = arith.addf %add3A_1106, %mul3A_1127 : vector<16xf32>
        %mul3A_1129 = arith.mulf %sub3A_1126, %sub3A_1126 : vector<16xf32>
        %add3A_1130 = arith.addf %add3A_1108, %mul3A_1129 : vector<16xf32>
        %get3A_1131 = arith.index_cast %add3A_1097 : i32 to index
        %get3A_1132 = arith.constant 96 : index
        %get3A_1133 = tpu.vector_load %arg9[%get3A_1131, %get3A_1132] {strides = array<i32>} : memref<208x128xbf16, #tpu.memory_space<vmem>>, vector<32xbf16>,
        %unpack3A_1134 = tpu.unpack_subelements %get3A_1133, 0 {pack_format = #tpu.pack_format<interleaved>} : vector<32xbf16> -> vector<16xf32>
        %unpack3A_1135 = tpu.unpack_subelements %get3A_1133, 1 {pack_format = #tpu.pack_format<interleaved>} : vector<32xbf16> -> vector<16xf32>
        %sub3A_1136 = arith.subf %unpack3A_1134, %gather3A_193 : vector<16xf32>
        %sub3A_1137 = arith.subf %unpack3A_1135, %gather3A_203 : vector<16xf32>
        %mul3A_1138 = arith.mulf %sub3A_1136, %sub3A_1136 : vector<16xf32>
        %add3A_1139 = arith.addf %add3A_1117, %mul3A_1138 : vector<16xf32>
        %mul3A_1140 = arith.mulf %sub3A_1137, %sub3A_1137 : vector<16xf32>
        %add3A_1141 = arith.addf %add3A_1119, %mul3A_1140 : vector<16xf32>
        %add3A_1142 = arith.addf %add3A_1128, %add3A_1130 : vector<16xf32>
        %add3A_1143 = arith.addf %add3A_1139, %add3A_1141 : vector<16xf32>
        %add3A_1144 = arith.addf %add3A_1142, %add3A_1143 : vector<16xf32>
        %swap3A_1145 = arith.constant 13 : i32
        %swap3A_1146 = arith.index_cast %swap3A_1145 : i32 to index
        %swap3A_1147 = arith.constant 0 : index
        %swap3A_1148 = tpu.vector_load %arg14[%swap3A_1146, %swap3A_1147] {strides = array<i32>} : memref<16x17xf32, #tpu.memory_space<vmem>>, vector<16xf32>,
        tpu.vector_store %arg14[%swap3A_1146, %swap3A_1147], %add3A_1144 {strides = array<i32>} : memref<16x17xf32, #tpu.memory_space<vmem>>, vector<16xf32>,
        %mul3A_1149 = arith.constant 16 : i32
        %mul3A_1150 = arith.muli %scan3A_380, %mul3A_1149 : i32
        %add3A_1151 = arith.constant 14 : i32
        %add3A_1152 = arith.addi %mul3A_1150, %add3A_1151 : i32
        %get3A_1153 = arith.index_cast %add3A_1152 : i32 to index
        %get3A_1154 = arith.constant 0 : index
        %get3A_1155 = tpu.vector_load %arg9[%get3A_1153, %get3A_1154] {strides = array<i32>} : memref<208x128xbf16, #tpu.memory_space<vmem>>, vector<32xbf16>,
        %unpack3A_1156 = tpu.unpack_subelements %get3A_1155, 0 {pack_format = #tpu.pack_format<interleaved>} : vector<32xbf16> -> vector<16xf32>
        %unpack3A_1157 = tpu.unpack_subelements %get3A_1155, 1 {pack_format = #tpu.pack_format<interleaved>} : vector<32xbf16> -> vector<16xf32>
        %sub3A_1158 = arith.subf %unpack3A_1156, %gather3A : vector<16xf32>
        %sub3A_1159 = arith.subf %unpack3A_1157, %gather3A_152 : vector<16xf32>
        %mul3A_1160 = arith.mulf %sub3A_1158, %sub3A_1158 : vector<16xf32>
        %add3A_1161 = arith.addf %broadcast_in_dim3A_3, %mul3A_1160 : vector<16xf32>
        %mul3A_1162 = arith.mulf %sub3A_1159, %sub3A_1159 : vector<16xf32>
        %add3A_1163 = arith.addf %broadcast_in_dim3A_3, %mul3A_1162 : vector<16xf32>
        %get3A_1164 = arith.index_cast %add3A_1152 : i32 to index
        %get3A_1165 = arith.constant 32 : index
        %get3A_1166 = tpu.vector_load %arg9[%get3A_1164, %get3A_1165] {strides = array<i32>} : memref<208x128xbf16, #tpu.memory_space<vmem>>, vector<32xbf16>,
        %unpack3A_1167 = tpu.unpack_subelements %get3A_1166, 0 {pack_format = #tpu.pack_format<interleaved>} : vector<32xbf16> -> vector<16xf32>
        %unpack3A_1168 = tpu.unpack_subelements %get3A_1166, 1 {pack_format = #tpu.pack_format<interleaved>} : vector<32xbf16> -> vector<16xf32>
        %sub3A_1169 = arith.subf %unpack3A_1167, %gather3A_159 : vector<16xf32>
        %sub3A_1170 = arith.subf %unpack3A_1168, %gather3A_169 : vector<16xf32>
        %mul3A_1171 = arith.mulf %sub3A_1169, %sub3A_1169 : vector<16xf32>
        %add3A_1172 = arith.addf %broadcast_in_dim3A_3, %mul3A_1171 : vector<16xf32>
        %mul3A_1173 = arith.mulf %sub3A_1170, %sub3A_1170 : vector<16xf32>
        %add3A_1174 = arith.addf %broadcast_in_dim3A_3, %mul3A_1173 : vector<16xf32>
        %get3A_1175 = arith.index_cast %add3A_1152 : i32 to index
        %get3A_1176 = arith.constant 64 : index
        %get3A_1177 = tpu.vector_load %arg9[%get3A_1175, %get3A_1176] {strides = array<i32>} : memref<208x128xbf16, #tpu.memory_space<vmem>>, vector<32xbf16>,
        %unpack3A_1178 = tpu.unpack_subelements %get3A_1177, 0 {pack_format = #tpu.pack_format<interleaved>} : vector<32xbf16> -> vector<16xf32>
        %unpack3A_1179 = tpu.unpack_subelements %get3A_1177, 1 {pack_format = #tpu.pack_format<interleaved>} : vector<32xbf16> -> vector<16xf32>
        %sub3A_1180 = arith.subf %unpack3A_1178, %gather3A_176 : vector<16xf32>
        %sub3A_1181 = arith.subf %unpack3A_1179, %gather3A_186 : vector<16xf32>
        %mul3A_1182 = arith.mulf %sub3A_1180, %sub3A_1180 : vector<16xf32>
        %add3A_1183 = arith.addf %add3A_1161, %mul3A_1182 : vector<16xf32>
        %mul3A_1184 = arith.mulf %sub3A_1181, %sub3A_1181 : vector<16xf32>
        %add3A_1185 = arith.addf %add3A_1163, %mul3A_1184 : vector<16xf32>
        %get3A_1186 = arith.index_cast %add3A_1152 : i32 to index
        %get3A_1187 = arith.constant 96 : index
        %get3A_1188 = tpu.vector_load %arg9[%get3A_1186, %get3A_1187] {strides = array<i32>} : memref<208x128xbf16, #tpu.memory_space<vmem>>, vector<32xbf16>,
        %unpack3A_1189 = tpu.unpack_subelements %get3A_1188, 0 {pack_format = #tpu.pack_format<interleaved>} : vector<32xbf16> -> vector<16xf32>
        %unpack3A_1190 = tpu.unpack_subelements %get3A_1188, 1 {pack_format = #tpu.pack_format<interleaved>} : vector<32xbf16> -> vector<16xf32>
        %sub3A_1191 = arith.subf %unpack3A_1189, %gather3A_193 : vector<16xf32>
        %sub3A_1192 = arith.subf %unpack3A_1190, %gather3A_203 : vector<16xf32>
        %mul3A_1193 = arith.mulf %sub3A_1191, %sub3A_1191 : vector<16xf32>
        %add3A_1194 = arith.addf %add3A_1172, %mul3A_1193 : vector<16xf32>
        %mul3A_1195 = arith.mulf %sub3A_1192, %sub3A_1192 : vector<16xf32>
        %add3A_1196 = arith.addf %add3A_1174, %mul3A_1195 : vector<16xf32>
        %add3A_1197 = arith.addf %add3A_1183, %add3A_1185 : vector<16xf32>
        %add3A_1198 = arith.addf %add3A_1194, %add3A_1196 : vector<16xf32>
        %add3A_1199 = arith.addf %add3A_1197, %add3A_1198 : vector<16xf32>
        %swap3A_1200 = arith.constant 14 : i32
        %swap3A_1201 = arith.index_cast %swap3A_1200 : i32 to index
        %swap3A_1202 = arith.constant 0 : index
        %swap3A_1203 = tpu.vector_load %arg14[%swap3A_1201, %swap3A_1202] {strides = array<i32>} : memref<16x17xf32, #tpu.memory_space<vmem>>, vector<16xf32>,
        tpu.vector_store %arg14[%swap3A_1201, %swap3A_1202], %add3A_1199 {strides = array<i32>} : memref<16x17xf32, #tpu.memory_space<vmem>>, vector<16xf32>,
        %mul3A_1204 = arith.constant 16 : i32
        %mul3A_1205 = arith.muli %scan3A_380, %mul3A_1204 : i32
        %add3A_1206 = arith.constant 15 : i32
        %add3A_1207 = arith.addi %mul3A_1205, %add3A_1206 : i32
        %get3A_1208 = arith.index_cast %add3A_1207 : i32 to index
        %get3A_1209 = arith.constant 0 : index
        %get3A_1210 = tpu.vector_load %arg9[%get3A_1208, %get3A_1209] {strides = array<i32>} : memref<208x128xbf16, #tpu.memory_space<vmem>>, vector<32xbf16>,
        %unpack3A_1211 = tpu.unpack_subelements %get3A_1210, 0 {pack_format = #tpu.pack_format<interleaved>} : vector<32xbf16> -> vector<16xf32>
        %unpack3A_1212 = tpu.unpack_subelements %get3A_1210, 1 {pack_format = #tpu.pack_format<interleaved>} : vector<32xbf16> -> vector<16xf32>
        %sub3A_1213 = arith.subf %unpack3A_1211, %gather3A : vector<16xf32>
        %sub3A_1214 = arith.subf %unpack3A_1212, %gather3A_152 : vector<16xf32>
        %mul3A_1215 = arith.mulf %sub3A_1213, %sub3A_1213 : vector<16xf32>
        %add3A_1216 = arith.addf %broadcast_in_dim3A_3, %mul3A_1215 : vector<16xf32>
        %mul3A_1217 = arith.mulf %sub3A_1214, %sub3A_1214 : vector<16xf32>
        %add3A_1218 = arith.addf %broadcast_in_dim3A_3, %mul3A_1217 : vector<16xf32>
        %get3A_1219 = arith.index_cast %add3A_1207 : i32 to index
        %get3A_1220 = arith.constant 32 : index
        %get3A_1221 = tpu.vector_load %arg9[%get3A_1219, %get3A_1220] {strides = array<i32>} : memref<208x128xbf16, #tpu.memory_space<vmem>>, vector<32xbf16>,
        %unpack3A_1222 = tpu.unpack_subelements %get3A_1221, 0 {pack_format = #tpu.pack_format<interleaved>} : vector<32xbf16> -> vector<16xf32>
        %unpack3A_1223 = tpu.unpack_subelements %get3A_1221, 1 {pack_format = #tpu.pack_format<interleaved>} : vector<32xbf16> -> vector<16xf32>
        %sub3A_1224 = arith.subf %unpack3A_1222, %gather3A_159 : vector<16xf32>
        %sub3A_1225 = arith.subf %unpack3A_1223, %gather3A_169 : vector<16xf32>
        %mul3A_1226 = arith.mulf %sub3A_1224, %sub3A_1224 : vector<16xf32>
        %add3A_1227 = arith.addf %broadcast_in_dim3A_3, %mul3A_1226 : vector<16xf32>
        %mul3A_1228 = arith.mulf %sub3A_1225, %sub3A_1225 : vector<16xf32>
        %add3A_1229 = arith.addf %broadcast_in_dim3A_3, %mul3A_1228 : vector<16xf32>
        %get3A_1230 = arith.index_cast %add3A_1207 : i32 to index
        %get3A_1231 = arith.constant 64 : index
        %get3A_1232 = tpu.vector_load %arg9[%get3A_1230, %get3A_1231] {strides = array<i32>} : memref<208x128xbf16, #tpu.memory_space<vmem>>, vector<32xbf16>,
        %unpack3A_1233 = tpu.unpack_subelements %get3A_1232, 0 {pack_format = #tpu.pack_format<interleaved>} : vector<32xbf16> -> vector<16xf32>
        %unpack3A_1234 = tpu.unpack_subelements %get3A_1232, 1 {pack_format = #tpu.pack_format<interleaved>} : vector<32xbf16> -> vector<16xf32>
        %sub3A_1235 = arith.subf %unpack3A_1233, %gather3A_176 : vector<16xf32>
        %sub3A_1236 = arith.subf %unpack3A_1234, %gather3A_186 : vector<16xf32>
        %mul3A_1237 = arith.mulf %sub3A_1235, %sub3A_1235 : vector<16xf32>
        %add3A_1238 = arith.addf %add3A_1216, %mul3A_1237 : vector<16xf32>
        %mul3A_1239 = arith.mulf %sub3A_1236, %sub3A_1236 : vector<16xf32>
        %add3A_1240 = arith.addf %add3A_1218, %mul3A_1239 : vector<16xf32>
        %get3A_1241 = arith.index_cast %add3A_1207 : i32 to index
        %get3A_1242 = arith.constant 96 : index
        %get3A_1243 = tpu.vector_load %arg9[%get3A_1241, %get3A_1242] {strides = array<i32>} : memref<208x128xbf16, #tpu.memory_space<vmem>>, vector<32xbf16>,
        %unpack3A_1244 = tpu.unpack_subelements %get3A_1243, 0 {pack_format = #tpu.pack_format<interleaved>} : vector<32xbf16> -> vector<16xf32>
        %unpack3A_1245 = tpu.unpack_subelements %get3A_1243, 1 {pack_format = #tpu.pack_format<interleaved>} : vector<32xbf16> -> vector<16xf32>
        %sub3A_1246 = arith.subf %unpack3A_1244, %gather3A_193 : vector<16xf32>
        %sub3A_1247 = arith.subf %unpack3A_1245, %gather3A_203 : vector<16xf32>
        %mul3A_1248 = arith.mulf %sub3A_1246, %sub3A_1246 : vector<16xf32>
        %add3A_1249 = arith.addf %add3A_1227, %mul3A_1248 : vector<16xf32>
        %mul3A_1250 = arith.mulf %sub3A_1247, %sub3A_1247 : vector<16xf32>
        %add3A_1251 = arith.addf %add3A_1229, %mul3A_1250 : vector<16xf32>
        %add3A_1252 = arith.addf %add3A_1238, %add3A_1240 : vector<16xf32>
        %add3A_1253 = arith.addf %add3A_1249, %add3A_1251 : vector<16xf32>
        %add3A_1254 = arith.addf %add3A_1252, %add3A_1253 : vector<16xf32>
        %swap3A_1255 = arith.constant 15 : i32
        %swap3A_1256 = arith.index_cast %swap3A_1255 : i32 to index
        %swap3A_1257 = arith.constant 0 : index
        %swap3A_1258 = tpu.vector_load %arg14[%swap3A_1256, %swap3A_1257] {strides = array<i32>} : memref<16x17xf32, #tpu.memory_space<vmem>>, vector<16xf32>,
        tpu.vector_store %arg14[%swap3A_1256, %swap3A_1257], %add3A_1254 {strides = array<i32>} : memref<16x17xf32, #tpu.memory_space<vmem>>, vector<16xf32>,
        %broadcast_in_dim3A_1259 = arith.constant 0 : i32
        %broadcast_in_dim3A_1260 = vector.broadcast %broadcast_in_dim3A_1259 : i32 to vector<16xi32>
        %gather3A_1261 = tpu.vector_load_idx %arg14[%iota3A, %broadcast_in_dim3A_1260] : memref<16x17xf32, #tpu.memory_space<vmem>>[vector<16xi32>, vector<16xi32>], vector<16xf32>,
        %broadcast_in_dim3A_1262 = arith.constant 1 : i32
        %broadcast_in_dim3A_1263 = vector.broadcast %broadcast_in_dim3A_1262 : i32 to vector<16xi32>
        %gather3A_1264 = tpu.vector_load_idx %arg14[%iota3A, %broadcast_in_dim3A_1263] : memref<16x17xf32, #tpu.memory_space<vmem>>[vector<16xi32>, vector<16xi32>], vector<16xf32>,
        %broadcast_in_dim3A_1265 = arith.constant 2 : i32
        %broadcast_in_dim3A_1266 = vector.broadcast %broadcast_in_dim3A_1265 : i32 to vector<16xi32>
        %gather3A_1267 = tpu.vector_load_idx %arg14[%iota3A, %broadcast_in_dim3A_1266] : memref<16x17xf32, #tpu.memory_space<vmem>>[vector<16xi32>, vector<16xi32>], vector<16xf32>,
        %broadcast_in_dim3A_1268 = arith.constant 3 : i32
        %broadcast_in_dim3A_1269 = vector.broadcast %broadcast_in_dim3A_1268 : i32 to vector<16xi32>
        %gather3A_1270 = tpu.vector_load_idx %arg14[%iota3A, %broadcast_in_dim3A_1269] : memref<16x17xf32, #tpu.memory_space<vmem>>[vector<16xi32>, vector<16xi32>], vector<16xf32>,
        %broadcast_in_dim3A_1271 = arith.constant 4 : i32
        %broadcast_in_dim3A_1272 = vector.broadcast %broadcast_in_dim3A_1271 : i32 to vector<16xi32>
        %gather3A_1273 = tpu.vector_load_idx %arg14[%iota3A, %broadcast_in_dim3A_1272] : memref<16x17xf32, #tpu.memory_space<vmem>>[vector<16xi32>, vector<16xi32>], vector<16xf32>,
        %broadcast_in_dim3A_1274 = arith.constant 5 : i32
        %broadcast_in_dim3A_1275 = vector.broadcast %broadcast_in_dim3A_1274 : i32 to vector<16xi32>
        %gather3A_1276 = tpu.vector_load_idx %arg14[%iota3A, %broadcast_in_dim3A_1275] : memref<16x17xf32, #tpu.memory_space<vmem>>[vector<16xi32>, vector<16xi32>], vector<16xf32>,
        %broadcast_in_dim3A_1277 = arith.constant 6 : i32
        %broadcast_in_dim3A_1278 = vector.broadcast %broadcast_in_dim3A_1277 : i32 to vector<16xi32>
        %gather3A_1279 = tpu.vector_load_idx %arg14[%iota3A, %broadcast_in_dim3A_1278] : memref<16x17xf32, #tpu.memory_space<vmem>>[vector<16xi32>, vector<16xi32>], vector<16xf32>,
        %broadcast_in_dim3A_1280 = arith.constant 7 : i32
        %broadcast_in_dim3A_1281 = vector.broadcast %broadcast_in_dim3A_1280 : i32 to vector<16xi32>
        %gather3A_1282 = tpu.vector_load_idx %arg14[%iota3A, %broadcast_in_dim3A_1281] : memref<16x17xf32, #tpu.memory_space<vmem>>[vector<16xi32>, vector<16xi32>], vector<16xf32>,
        %broadcast_in_dim3A_1283 = arith.constant 8 : i32
        %broadcast_in_dim3A_1284 = vector.broadcast %broadcast_in_dim3A_1283 : i32 to vector<16xi32>
        %gather3A_1285 = tpu.vector_load_idx %arg14[%iota3A, %broadcast_in_dim3A_1284] : memref<16x17xf32, #tpu.memory_space<vmem>>[vector<16xi32>, vector<16xi32>], vector<16xf32>,
        %broadcast_in_dim3A_1286 = arith.constant 9 : i32
        %broadcast_in_dim3A_1287 = vector.broadcast %broadcast_in_dim3A_1286 : i32 to vector<16xi32>
        %gather3A_1288 = tpu.vector_load_idx %arg14[%iota3A, %broadcast_in_dim3A_1287] : memref<16x17xf32, #tpu.memory_space<vmem>>[vector<16xi32>, vector<16xi32>], vector<16xf32>,
        %broadcast_in_dim3A_1289 = arith.constant 10 : i32
        %broadcast_in_dim3A_1290 = vector.broadcast %broadcast_in_dim3A_1289 : i32 to vector<16xi32>
        %gather3A_1291 = tpu.vector_load_idx %arg14[%iota3A, %broadcast_in_dim3A_1290] : memref<16x17xf32, #tpu.memory_space<vmem>>[vector<16xi32>, vector<16xi32>], vector<16xf32>,
        %broadcast_in_dim3A_1292 = arith.constant 11 : i32
        %broadcast_in_dim3A_1293 = vector.broadcast %broadcast_in_dim3A_1292 : i32 to vector<16xi32>
        %gather3A_1294 = tpu.vector_load_idx %arg14[%iota3A, %broadcast_in_dim3A_1293] : memref<16x17xf32, #tpu.memory_space<vmem>>[vector<16xi32>, vector<16xi32>], vector<16xf32>,
        %broadcast_in_dim3A_1295 = arith.constant 12 : i32
        %broadcast_in_dim3A_1296 = vector.broadcast %broadcast_in_dim3A_1295 : i32 to vector<16xi32>
        %gather3A_1297 = tpu.vector_load_idx %arg14[%iota3A, %broadcast_in_dim3A_1296] : memref<16x17xf32, #tpu.memory_space<vmem>>[vector<16xi32>, vector<16xi32>], vector<16xf32>,
        %broadcast_in_dim3A_1298 = arith.constant 13 : i32
        %broadcast_in_dim3A_1299 = vector.broadcast %broadcast_in_dim3A_1298 : i32 to vector<16xi32>
        %gather3A_1300 = tpu.vector_load_idx %arg14[%iota3A, %broadcast_in_dim3A_1299] : memref<16x17xf32, #tpu.memory_space<vmem>>[vector<16xi32>, vector<16xi32>], vector<16xf32>,
        %broadcast_in_dim3A_1301 = arith.constant 14 : i32
        %broadcast_in_dim3A_1302 = vector.broadcast %broadcast_in_dim3A_1301 : i32 to vector<16xi32>
        %gather3A_1303 = tpu.vector_load_idx %arg14[%iota3A, %broadcast_in_dim3A_1302] : memref<16x17xf32, #tpu.memory_space<vmem>>[vector<16xi32>, vector<16xi32>], vector<16xf32>,
        %broadcast_in_dim3A_1304 = arith.constant 15 : i32
        %broadcast_in_dim3A_1305 = vector.broadcast %broadcast_in_dim3A_1304 : i32 to vector<16xi32>
        %gather3A_1306 = tpu.vector_load_idx %arg14[%iota3A, %broadcast_in_dim3A_1305] : memref<16x17xf32, #tpu.memory_space<vmem>>[vector<16xi32>, vector<16xi32>], vector<16xf32>,
        %add3A_1307 = arith.addf %gather3A_1261, %gather3A_1264 : vector<16xf32>
        %add3A_1308 = arith.addf %gather3A_1267, %gather3A_1270 : vector<16xf32>
        %add3A_1309 = arith.addf %gather3A_1273, %gather3A_1276 : vector<16xf32>
        %add3A_1310 = arith.addf %gather3A_1279, %gather3A_1282 : vector<16xf32>
        %add3A_1311 = arith.addf %gather3A_1285, %gather3A_1288 : vector<16xf32>
        %add3A_1312 = arith.addf %gather3A_1291, %gather3A_1294 : vector<16xf32>
        %add3A_1313 = arith.addf %gather3A_1297, %gather3A_1300 : vector<16xf32>
        %add3A_1314 = arith.addf %gather3A_1303, %gather3A_1306 : vector<16xf32>
        %add3A_1315 = arith.addf %add3A_1307, %add3A_1308 : vector<16xf32>
        %add3A_1316 = arith.addf %add3A_1309, %add3A_1310 : vector<16xf32>
        %add3A_1317 = arith.addf %add3A_1311, %add3A_1312 : vector<16xf32>
        %add3A_1318 = arith.addf %add3A_1313, %add3A_1314 : vector<16xf32>
        %add3A_1319 = arith.addf %add3A_1315, %add3A_1316 : vector<16xf32>
        %add3A_1320 = arith.addf %add3A_1317, %add3A_1318 : vector<16xf32>
        %add3A_1321 = arith.addf %add3A_1319, %add3A_1320 : vector<16xf32>
        %mul3A_1322 = arith.constant 16 : i32
        %mul3A_1323 = arith.muli %scan3A_380, %mul3A_1322 : i32
        %add3A_1324 = vector.broadcast %mul3A_1323 : i32 to vector<16xi32>
        %add3A_1325 = arith.addi %iota3A, %add3A_1324 : vector<16xi32>
        %mul3A_1326 = arith.constant -1.562500e-02 : f32
        %mul3A_1327 = vector.broadcast %mul3A_1326 : f32 to vector<16xf32>
        %mul3A_1328 = arith.mulf %add3A_1321, %mul3A_1327 : vector<16xf32>
        %exp3A = math.exp %mul3A_1328 : vector<16xf32>
        %lt3A_1329 = arith.constant 200 : i32
        %lt3A_1330 = vector.broadcast %lt3A_1329 : i32 to vector<16xi32>
        %lt3A_1331 = arith.cmpi slt, %add3A_1325, %lt3A_1330 : vector<16xi32>
        %jit3A = arith.constant 0.000000e+00 : f32
        %broadcast_in_dim3A_1332 = vector.broadcast %jit3A : f32 to vector<16xf32>
        %select_n3A = arith.select %lt3A_1331, %exp3A, %broadcast_in_dim3A_1332 : vector<16xi1>, vector<16xf32>
        %mul3A_1333 = arith.constant 16 : i32
        %mul3A_1334 = arith.muli %scan3A_380, %mul3A_1333 : i32
        %swap3A_1335 = arith.index_cast %mul3A_1334 : i32 to index
        %swap3A_1336 = tpu.vector_load %arg13[%swap3A_1335] {strides = array<i32>} : memref<208xf32, #tpu.memory_space<vmem>>, vector<16xf32>,
        tpu.vector_store %arg13[%swap3A_1335], %select_n3A {strides = array<i32>} : memref<208xf32, #tpu.memory_space<vmem>>, vector<16xf32>,
        %add3A_1337 = arith.addf %scan3A_381, %select_n3A : vector<16xf32>
        scf.yield %add3A_1337 : vector<16xf32>
      }
      %scan3A_209 = arith.constant 13 : i32
      %reduce_sum3A = arith.constant true
      %reduce_sum3A_210 = vector.broadcast %reduce_sum3A : i1 to vector<16xi1>
      %reduce_sum3A_211 = tpu.scan <sum>, %scan3A_208 masked %reduce_sum3A_210 : vector<16xf32>, vector<16xi1> -> vector<16xf32>
      %reduce_sum3A_212 = vector.extract %reduce_sum3A_211[15] : f32 from vector<16xf32>
      %broadcast_in_dim3A_213 = vector.broadcast %reduce_sum3A_212 : f32 to vector<16xf32>
      %add3A_214 = arith.constant 9.99999996E-13 : f32
      %add3A_215 = vector.broadcast %add3A_214 : f32 to vector<16xf32>
      %add3A_216 = arith.addf %broadcast_in_dim3A_213, %add3A_215 : vector<16xf32>
      %div3A = arith.constant 1.000000e+00 : f32
      %div3A_217 = vector.broadcast %div3A : f32 to vector<16xf32>
      %div3A_218 = arith.divf %div3A_217, %add3A_216 : vector<16xf32>
      %scan3A_219 = arith.constant 0 : i32
      %scan3A_220 = arith.constant 13 : i32
      %scan3A_221 = arith.addi %scan3A_219, %scan3A_220 : i32
      %scan3A_222 = arith.constant 1 : i32
      %scan3A_223:4 = scf.for %scan3A_380 = %scan3A_219 to %scan3A_221 step %scan3A_222 iter_args(%scan3A_381 = %broadcast_in_dim3A_3, %scan3A_382 = %broadcast_in_dim3A_3, %scan3A_383 = %broadcast_in_dim3A_3, %scan3A_384 = %broadcast_in_dim3A_3) -> (vector<16xf32>, vector<16xf32>, vector<16xf32>, vector<16xf32>)  : i32 {
        %mul3A_385 = arith.constant 16 : i32
        %mul3A_386 = arith.muli %scan3A_380, %mul3A_385 : i32
        %get3A = arith.index_cast %mul3A_386 : i32 to index
        %get3A_387 = tpu.vector_load %arg13[%get3A] {strides = array<i32>} : memref<208xf32, #tpu.memory_space<vmem>>, vector<16xf32>,
        %mul3A_388 = arith.constant 16 : i32
        %mul3A_389 = arith.muli %scan3A_380, %mul3A_388 : i32
        %add3A_390 = arith.constant 0 : i32
        %add3A_391 = arith.addi %mul3A_389, %add3A_390 : i32
        %get3A_392 = arith.index_cast %add3A_391 : i32 to index
        %get3A_393 = arith.constant 0 : index
        %get3A_394 = tpu.vector_load %arg10[%get3A_392, %get3A_393] {strides = array<i32>} : memref<208x16xf32, #tpu.memory_space<vmem>>, vector<16xf32>,
        %mul3A_395 = arith.mulf %get3A_394, %get3A_394 : vector<16xf32>
        %swap3A_396 = arith.constant 0 : i32
        %swap3A_397 = arith.index_cast %swap3A_396 : i32 to index
        %swap3A_398 = arith.constant 0 : index
        %swap3A_399 = tpu.vector_load %arg14[%swap3A_397, %swap3A_398] {strides = array<i32>} : memref<16x17xf32, #tpu.memory_space<vmem>>, vector<16xf32>,
        tpu.vector_store %arg14[%swap3A_397, %swap3A_398], %mul3A_395 {strides = array<i32>} : memref<16x17xf32, #tpu.memory_space<vmem>>, vector<16xf32>,
        %mul3A_400 = arith.constant 16 : i32
        %mul3A_401 = arith.muli %scan3A_380, %mul3A_400 : i32
        %add3A_402 = arith.constant 1 : i32
        %add3A_403 = arith.addi %mul3A_401, %add3A_402 : i32
        %get3A_404 = arith.index_cast %add3A_403 : i32 to index
        %get3A_405 = arith.constant 0 : index
        %get3A_406 = tpu.vector_load %arg10[%get3A_404, %get3A_405] {strides = array<i32>} : memref<208x16xf32, #tpu.memory_space<vmem>>, vector<16xf32>,
        %mul3A_407 = arith.mulf %get3A_406, %get3A_406 : vector<16xf32>
        %swap3A_408 = arith.constant 1 : i32
        %swap3A_409 = arith.index_cast %swap3A_408 : i32 to index
        %swap3A_410 = arith.constant 0 : index
        %swap3A_411 = tpu.vector_load %arg14[%swap3A_409, %swap3A_410] {strides = array<i32>} : memref<16x17xf32, #tpu.memory_space<vmem>>, vector<16xf32>,
        tpu.vector_store %arg14[%swap3A_409, %swap3A_410], %mul3A_407 {strides = array<i32>} : memref<16x17xf32, #tpu.memory_space<vmem>>, vector<16xf32>,
        %mul3A_412 = arith.constant 16 : i32
        %mul3A_413 = arith.muli %scan3A_380, %mul3A_412 : i32
        %add3A_414 = arith.constant 2 : i32
        %add3A_415 = arith.addi %mul3A_413, %add3A_414 : i32
        %get3A_416 = arith.index_cast %add3A_415 : i32 to index
        %get3A_417 = arith.constant 0 : index
        %get3A_418 = tpu.vector_load %arg10[%get3A_416, %get3A_417] {strides = array<i32>} : memref<208x16xf32, #tpu.memory_space<vmem>>, vector<16xf32>,
        %mul3A_419 = arith.mulf %get3A_418, %get3A_418 : vector<16xf32>
        %swap3A_420 = arith.constant 2 : i32
        %swap3A_421 = arith.index_cast %swap3A_420 : i32 to index
        %swap3A_422 = arith.constant 0 : index
        %swap3A_423 = tpu.vector_load %arg14[%swap3A_421, %swap3A_422] {strides = array<i32>} : memref<16x17xf32, #tpu.memory_space<vmem>>, vector<16xf32>,
        tpu.vector_store %arg14[%swap3A_421, %swap3A_422], %mul3A_419 {strides = array<i32>} : memref<16x17xf32, #tpu.memory_space<vmem>>, vector<16xf32>,
        %mul3A_424 = arith.constant 16 : i32
        %mul3A_425 = arith.muli %scan3A_380, %mul3A_424 : i32
        %add3A_426 = arith.constant 3 : i32
        %add3A_427 = arith.addi %mul3A_425, %add3A_426 : i32
        %get3A_428 = arith.index_cast %add3A_427 : i32 to index
        %get3A_429 = arith.constant 0 : index
        %get3A_430 = tpu.vector_load %arg10[%get3A_428, %get3A_429] {strides = array<i32>} : memref<208x16xf32, #tpu.memory_space<vmem>>, vector<16xf32>,
        %mul3A_431 = arith.mulf %get3A_430, %get3A_430 : vector<16xf32>
        %swap3A_432 = arith.constant 3 : i32
        %swap3A_433 = arith.index_cast %swap3A_432 : i32 to index
        %swap3A_434 = arith.constant 0 : index
        %swap3A_435 = tpu.vector_load %arg14[%swap3A_433, %swap3A_434] {strides = array<i32>} : memref<16x17xf32, #tpu.memory_space<vmem>>, vector<16xf32>,
        tpu.vector_store %arg14[%swap3A_433, %swap3A_434], %mul3A_431 {strides = array<i32>} : memref<16x17xf32, #tpu.memory_space<vmem>>, vector<16xf32>,
        %mul3A_436 = arith.constant 16 : i32
        %mul3A_437 = arith.muli %scan3A_380, %mul3A_436 : i32
        %add3A_438 = arith.constant 4 : i32
        %add3A_439 = arith.addi %mul3A_437, %add3A_438 : i32
        %get3A_440 = arith.index_cast %add3A_439 : i32 to index
        %get3A_441 = arith.constant 0 : index
        %get3A_442 = tpu.vector_load %arg10[%get3A_440, %get3A_441] {strides = array<i32>} : memref<208x16xf32, #tpu.memory_space<vmem>>, vector<16xf32>,
        %mul3A_443 = arith.mulf %get3A_442, %get3A_442 : vector<16xf32>
        %swap3A_444 = arith.constant 4 : i32
        %swap3A_445 = arith.index_cast %swap3A_444 : i32 to index
        %swap3A_446 = arith.constant 0 : index
        %swap3A_447 = tpu.vector_load %arg14[%swap3A_445, %swap3A_446] {strides = array<i32>} : memref<16x17xf32, #tpu.memory_space<vmem>>, vector<16xf32>,
        tpu.vector_store %arg14[%swap3A_445, %swap3A_446], %mul3A_443 {strides = array<i32>} : memref<16x17xf32, #tpu.memory_space<vmem>>, vector<16xf32>,
        %mul3A_448 = arith.constant 16 : i32
        %mul3A_449 = arith.muli %scan3A_380, %mul3A_448 : i32
        %add3A_450 = arith.constant 5 : i32
        %add3A_451 = arith.addi %mul3A_449, %add3A_450 : i32
        %get3A_452 = arith.index_cast %add3A_451 : i32 to index
        %get3A_453 = arith.constant 0 : index
        %get3A_454 = tpu.vector_load %arg10[%get3A_452, %get3A_453] {strides = array<i32>} : memref<208x16xf32, #tpu.memory_space<vmem>>, vector<16xf32>,
        %mul3A_455 = arith.mulf %get3A_454, %get3A_454 : vector<16xf32>
        %swap3A_456 = arith.constant 5 : i32
        %swap3A_457 = arith.index_cast %swap3A_456 : i32 to index
        %swap3A_458 = arith.constant 0 : index
        %swap3A_459 = tpu.vector_load %arg14[%swap3A_457, %swap3A_458] {strides = array<i32>} : memref<16x17xf32, #tpu.memory_space<vmem>>, vector<16xf32>,
        tpu.vector_store %arg14[%swap3A_457, %swap3A_458], %mul3A_455 {strides = array<i32>} : memref<16x17xf32, #tpu.memory_space<vmem>>, vector<16xf32>,
        %mul3A_460 = arith.constant 16 : i32
        %mul3A_461 = arith.muli %scan3A_380, %mul3A_460 : i32
        %add3A_462 = arith.constant 6 : i32
        %add3A_463 = arith.addi %mul3A_461, %add3A_462 : i32
        %get3A_464 = arith.index_cast %add3A_463 : i32 to index
        %get3A_465 = arith.constant 0 : index
        %get3A_466 = tpu.vector_load %arg10[%get3A_464, %get3A_465] {strides = array<i32>} : memref<208x16xf32, #tpu.memory_space<vmem>>, vector<16xf32>,
        %mul3A_467 = arith.mulf %get3A_466, %get3A_466 : vector<16xf32>
        %swap3A_468 = arith.constant 6 : i32
        %swap3A_469 = arith.index_cast %swap3A_468 : i32 to index
        %swap3A_470 = arith.constant 0 : index
        %swap3A_471 = tpu.vector_load %arg14[%swap3A_469, %swap3A_470] {strides = array<i32>} : memref<16x17xf32, #tpu.memory_space<vmem>>, vector<16xf32>,
        tpu.vector_store %arg14[%swap3A_469, %swap3A_470], %mul3A_467 {strides = array<i32>} : memref<16x17xf32, #tpu.memory_space<vmem>>, vector<16xf32>,
        %mul3A_472 = arith.constant 16 : i32
        %mul3A_473 = arith.muli %scan3A_380, %mul3A_472 : i32
        %add3A_474 = arith.constant 7 : i32
        %add3A_475 = arith.addi %mul3A_473, %add3A_474 : i32
        %get3A_476 = arith.index_cast %add3A_475 : i32 to index
        %get3A_477 = arith.constant 0 : index
        %get3A_478 = tpu.vector_load %arg10[%get3A_476, %get3A_477] {strides = array<i32>} : memref<208x16xf32, #tpu.memory_space<vmem>>, vector<16xf32>,
        %mul3A_479 = arith.mulf %get3A_478, %get3A_478 : vector<16xf32>
        %swap3A_480 = arith.constant 7 : i32
        %swap3A_481 = arith.index_cast %swap3A_480 : i32 to index
        %swap3A_482 = arith.constant 0 : index
        %swap3A_483 = tpu.vector_load %arg14[%swap3A_481, %swap3A_482] {strides = array<i32>} : memref<16x17xf32, #tpu.memory_space<vmem>>, vector<16xf32>,
        tpu.vector_store %arg14[%swap3A_481, %swap3A_482], %mul3A_479 {strides = array<i32>} : memref<16x17xf32, #tpu.memory_space<vmem>>, vector<16xf32>,
        %mul3A_484 = arith.constant 16 : i32
        %mul3A_485 = arith.muli %scan3A_380, %mul3A_484 : i32
        %add3A_486 = arith.constant 8 : i32
        %add3A_487 = arith.addi %mul3A_485, %add3A_486 : i32
        %get3A_488 = arith.index_cast %add3A_487 : i32 to index
        %get3A_489 = arith.constant 0 : index
        %get3A_490 = tpu.vector_load %arg10[%get3A_488, %get3A_489] {strides = array<i32>} : memref<208x16xf32, #tpu.memory_space<vmem>>, vector<16xf32>,
        %mul3A_491 = arith.mulf %get3A_490, %get3A_490 : vector<16xf32>
        %swap3A_492 = arith.constant 8 : i32
        %swap3A_493 = arith.index_cast %swap3A_492 : i32 to index
        %swap3A_494 = arith.constant 0 : index
        %swap3A_495 = tpu.vector_load %arg14[%swap3A_493, %swap3A_494] {strides = array<i32>} : memref<16x17xf32, #tpu.memory_space<vmem>>, vector<16xf32>,
        tpu.vector_store %arg14[%swap3A_493, %swap3A_494], %mul3A_491 {strides = array<i32>} : memref<16x17xf32, #tpu.memory_space<vmem>>, vector<16xf32>,
        %mul3A_496 = arith.constant 16 : i32
        %mul3A_497 = arith.muli %scan3A_380, %mul3A_496 : i32
        %add3A_498 = arith.constant 9 : i32
        %add3A_499 = arith.addi %mul3A_497, %add3A_498 : i32
        %get3A_500 = arith.index_cast %add3A_499 : i32 to index
        %get3A_501 = arith.constant 0 : index
        %get3A_502 = tpu.vector_load %arg10[%get3A_500, %get3A_501] {strides = array<i32>} : memref<208x16xf32, #tpu.memory_space<vmem>>, vector<16xf32>,
        %mul3A_503 = arith.mulf %get3A_502, %get3A_502 : vector<16xf32>
        %swap3A_504 = arith.constant 9 : i32
        %swap3A_505 = arith.index_cast %swap3A_504 : i32 to index
        %swap3A_506 = arith.constant 0 : index
        %swap3A_507 = tpu.vector_load %arg14[%swap3A_505, %swap3A_506] {strides = array<i32>} : memref<16x17xf32, #tpu.memory_space<vmem>>, vector<16xf32>,
        tpu.vector_store %arg14[%swap3A_505, %swap3A_506], %mul3A_503 {strides = array<i32>} : memref<16x17xf32, #tpu.memory_space<vmem>>, vector<16xf32>,
        %mul3A_508 = arith.constant 16 : i32
        %mul3A_509 = arith.muli %scan3A_380, %mul3A_508 : i32
        %add3A_510 = arith.constant 10 : i32
        %add3A_511 = arith.addi %mul3A_509, %add3A_510 : i32
        %get3A_512 = arith.index_cast %add3A_511 : i32 to index
        %get3A_513 = arith.constant 0 : index
        %get3A_514 = tpu.vector_load %arg10[%get3A_512, %get3A_513] {strides = array<i32>} : memref<208x16xf32, #tpu.memory_space<vmem>>, vector<16xf32>,
        %mul3A_515 = arith.mulf %get3A_514, %get3A_514 : vector<16xf32>
        %swap3A_516 = arith.constant 10 : i32
        %swap3A_517 = arith.index_cast %swap3A_516 : i32 to index
        %swap3A_518 = arith.constant 0 : index
        %swap3A_519 = tpu.vector_load %arg14[%swap3A_517, %swap3A_518] {strides = array<i32>} : memref<16x17xf32, #tpu.memory_space<vmem>>, vector<16xf32>,
        tpu.vector_store %arg14[%swap3A_517, %swap3A_518], %mul3A_515 {strides = array<i32>} : memref<16x17xf32, #tpu.memory_space<vmem>>, vector<16xf32>,
        %mul3A_520 = arith.constant 16 : i32
        %mul3A_521 = arith.muli %scan3A_380, %mul3A_520 : i32
        %add3A_522 = arith.constant 11 : i32
        %add3A_523 = arith.addi %mul3A_521, %add3A_522 : i32
        %get3A_524 = arith.index_cast %add3A_523 : i32 to index
        %get3A_525 = arith.constant 0 : index
        %get3A_526 = tpu.vector_load %arg10[%get3A_524, %get3A_525] {strides = array<i32>} : memref<208x16xf32, #tpu.memory_space<vmem>>, vector<16xf32>,
        %mul3A_527 = arith.mulf %get3A_526, %get3A_526 : vector<16xf32>
        %swap3A_528 = arith.constant 11 : i32
        %swap3A_529 = arith.index_cast %swap3A_528 : i32 to index
        %swap3A_530 = arith.constant 0 : index
        %swap3A_531 = tpu.vector_load %arg14[%swap3A_529, %swap3A_530] {strides = array<i32>} : memref<16x17xf32, #tpu.memory_space<vmem>>, vector<16xf32>,
        tpu.vector_store %arg14[%swap3A_529, %swap3A_530], %mul3A_527 {strides = array<i32>} : memref<16x17xf32, #tpu.memory_space<vmem>>, vector<16xf32>,
        %mul3A_532 = arith.constant 16 : i32
        %mul3A_533 = arith.muli %scan3A_380, %mul3A_532 : i32
        %add3A_534 = arith.constant 12 : i32
        %add3A_535 = arith.addi %mul3A_533, %add3A_534 : i32
        %get3A_536 = arith.index_cast %add3A_535 : i32 to index
        %get3A_537 = arith.constant 0 : index
        %get3A_538 = tpu.vector_load %arg10[%get3A_536, %get3A_537] {strides = array<i32>} : memref<208x16xf32, #tpu.memory_space<vmem>>, vector<16xf32>,
        %mul3A_539 = arith.mulf %get3A_538, %get3A_538 : vector<16xf32>
        %swap3A_540 = arith.constant 12 : i32
        %swap3A_541 = arith.index_cast %swap3A_540 : i32 to index
        %swap3A_542 = arith.constant 0 : index
        %swap3A_543 = tpu.vector_load %arg14[%swap3A_541, %swap3A_542] {strides = array<i32>} : memref<16x17xf32, #tpu.memory_space<vmem>>, vector<16xf32>,
        tpu.vector_store %arg14[%swap3A_541, %swap3A_542], %mul3A_539 {strides = array<i32>} : memref<16x17xf32, #tpu.memory_space<vmem>>, vector<16xf32>,
        %mul3A_544 = arith.constant 16 : i32
        %mul3A_545 = arith.muli %scan3A_380, %mul3A_544 : i32
        %add3A_546 = arith.constant 13 : i32
        %add3A_547 = arith.addi %mul3A_545, %add3A_546 : i32
        %get3A_548 = arith.index_cast %add3A_547 : i32 to index
        %get3A_549 = arith.constant 0 : index
        %get3A_550 = tpu.vector_load %arg10[%get3A_548, %get3A_549] {strides = array<i32>} : memref<208x16xf32, #tpu.memory_space<vmem>>, vector<16xf32>,
        %mul3A_551 = arith.mulf %get3A_550, %get3A_550 : vector<16xf32>
        %swap3A_552 = arith.constant 13 : i32
        %swap3A_553 = arith.index_cast %swap3A_552 : i32 to index
        %swap3A_554 = arith.constant 0 : index
        %swap3A_555 = tpu.vector_load %arg14[%swap3A_553, %swap3A_554] {strides = array<i32>} : memref<16x17xf32, #tpu.memory_space<vmem>>, vector<16xf32>,
        tpu.vector_store %arg14[%swap3A_553, %swap3A_554], %mul3A_551 {strides = array<i32>} : memref<16x17xf32, #tpu.memory_space<vmem>>, vector<16xf32>,
        %mul3A_556 = arith.constant 16 : i32
        %mul3A_557 = arith.muli %scan3A_380, %mul3A_556 : i32
        %add3A_558 = arith.constant 14 : i32
        %add3A_559 = arith.addi %mul3A_557, %add3A_558 : i32
        %get3A_560 = arith.index_cast %add3A_559 : i32 to index
        %get3A_561 = arith.constant 0 : index
        %get3A_562 = tpu.vector_load %arg10[%get3A_560, %get3A_561] {strides = array<i32>} : memref<208x16xf32, #tpu.memory_space<vmem>>, vector<16xf32>,
        %mul3A_563 = arith.mulf %get3A_562, %get3A_562 : vector<16xf32>
        %swap3A_564 = arith.constant 14 : i32
        %swap3A_565 = arith.index_cast %swap3A_564 : i32 to index
        %swap3A_566 = arith.constant 0 : index
        %swap3A_567 = tpu.vector_load %arg14[%swap3A_565, %swap3A_566] {strides = array<i32>} : memref<16x17xf32, #tpu.memory_space<vmem>>, vector<16xf32>,
        tpu.vector_store %arg14[%swap3A_565, %swap3A_566], %mul3A_563 {strides = array<i32>} : memref<16x17xf32, #tpu.memory_space<vmem>>, vector<16xf32>,
        %mul3A_568 = arith.constant 16 : i32
        %mul3A_569 = arith.muli %scan3A_380, %mul3A_568 : i32
        %add3A_570 = arith.constant 15 : i32
        %add3A_571 = arith.addi %mul3A_569, %add3A_570 : i32
        %get3A_572 = arith.index_cast %add3A_571 : i32 to index
        %get3A_573 = arith.constant 0 : index
        %get3A_574 = tpu.vector_load %arg10[%get3A_572, %get3A_573] {strides = array<i32>} : memref<208x16xf32, #tpu.memory_space<vmem>>, vector<16xf32>,
        %mul3A_575 = arith.mulf %get3A_574, %get3A_574 : vector<16xf32>
        %swap3A_576 = arith.constant 15 : i32
        %swap3A_577 = arith.index_cast %swap3A_576 : i32 to index
        %swap3A_578 = arith.constant 0 : index
        %swap3A_579 = tpu.vector_load %arg14[%swap3A_577, %swap3A_578] {strides = array<i32>} : memref<16x17xf32, #tpu.memory_space<vmem>>, vector<16xf32>,
        tpu.vector_store %arg14[%swap3A_577, %swap3A_578], %mul3A_575 {strides = array<i32>} : memref<16x17xf32, #tpu.memory_space<vmem>>, vector<16xf32>,
        %broadcast_in_dim3A_580 = arith.constant 0 : i32
        %broadcast_in_dim3A_581 = vector.broadcast %broadcast_in_dim3A_580 : i32 to vector<16xi32>
        %gather3A_582 = tpu.vector_load_idx %arg14[%iota3A, %broadcast_in_dim3A_581] : memref<16x17xf32, #tpu.memory_space<vmem>>[vector<16xi32>, vector<16xi32>], vector<16xf32>,
        %broadcast_in_dim3A_583 = arith.constant 1 : i32
        %broadcast_in_dim3A_584 = vector.broadcast %broadcast_in_dim3A_583 : i32 to vector<16xi32>
        %gather3A_585 = tpu.vector_load_idx %arg14[%iota3A, %broadcast_in_dim3A_584] : memref<16x17xf32, #tpu.memory_space<vmem>>[vector<16xi32>, vector<16xi32>], vector<16xf32>,
        %broadcast_in_dim3A_586 = arith.constant 2 : i32
        %broadcast_in_dim3A_587 = vector.broadcast %broadcast_in_dim3A_586 : i32 to vector<16xi32>
        %gather3A_588 = tpu.vector_load_idx %arg14[%iota3A, %broadcast_in_dim3A_587] : memref<16x17xf32, #tpu.memory_space<vmem>>[vector<16xi32>, vector<16xi32>], vector<16xf32>,
        %broadcast_in_dim3A_589 = arith.constant 3 : i32
        %broadcast_in_dim3A_590 = vector.broadcast %broadcast_in_dim3A_589 : i32 to vector<16xi32>
        %gather3A_591 = tpu.vector_load_idx %arg14[%iota3A, %broadcast_in_dim3A_590] : memref<16x17xf32, #tpu.memory_space<vmem>>[vector<16xi32>, vector<16xi32>], vector<16xf32>,
        %broadcast_in_dim3A_592 = arith.constant 4 : i32
        %broadcast_in_dim3A_593 = vector.broadcast %broadcast_in_dim3A_592 : i32 to vector<16xi32>
        %gather3A_594 = tpu.vector_load_idx %arg14[%iota3A, %broadcast_in_dim3A_593] : memref<16x17xf32, #tpu.memory_space<vmem>>[vector<16xi32>, vector<16xi32>], vector<16xf32>,
        %broadcast_in_dim3A_595 = arith.constant 5 : i32
        %broadcast_in_dim3A_596 = vector.broadcast %broadcast_in_dim3A_595 : i32 to vector<16xi32>
        %gather3A_597 = tpu.vector_load_idx %arg14[%iota3A, %broadcast_in_dim3A_596] : memref<16x17xf32, #tpu.memory_space<vmem>>[vector<16xi32>, vector<16xi32>], vector<16xf32>,
        %broadcast_in_dim3A_598 = arith.constant 6 : i32
        %broadcast_in_dim3A_599 = vector.broadcast %broadcast_in_dim3A_598 : i32 to vector<16xi32>
        %gather3A_600 = tpu.vector_load_idx %arg14[%iota3A, %broadcast_in_dim3A_599] : memref<16x17xf32, #tpu.memory_space<vmem>>[vector<16xi32>, vector<16xi32>], vector<16xf32>,
        %broadcast_in_dim3A_601 = arith.constant 7 : i32
        %broadcast_in_dim3A_602 = vector.broadcast %broadcast_in_dim3A_601 : i32 to vector<16xi32>
        %gather3A_603 = tpu.vector_load_idx %arg14[%iota3A, %broadcast_in_dim3A_602] : memref<16x17xf32, #tpu.memory_space<vmem>>[vector<16xi32>, vector<16xi32>], vector<16xf32>,
        %broadcast_in_dim3A_604 = arith.constant 8 : i32
        %broadcast_in_dim3A_605 = vector.broadcast %broadcast_in_dim3A_604 : i32 to vector<16xi32>
        %gather3A_606 = tpu.vector_load_idx %arg14[%iota3A, %broadcast_in_dim3A_605] : memref<16x17xf32, #tpu.memory_space<vmem>>[vector<16xi32>, vector<16xi32>], vector<16xf32>,
        %broadcast_in_dim3A_607 = arith.constant 9 : i32
        %broadcast_in_dim3A_608 = vector.broadcast %broadcast_in_dim3A_607 : i32 to vector<16xi32>
        %gather3A_609 = tpu.vector_load_idx %arg14[%iota3A, %broadcast_in_dim3A_608] : memref<16x17xf32, #tpu.memory_space<vmem>>[vector<16xi32>, vector<16xi32>], vector<16xf32>,
        %broadcast_in_dim3A_610 = arith.constant 10 : i32
        %broadcast_in_dim3A_611 = vector.broadcast %broadcast_in_dim3A_610 : i32 to vector<16xi32>
        %gather3A_612 = tpu.vector_load_idx %arg14[%iota3A, %broadcast_in_dim3A_611] : memref<16x17xf32, #tpu.memory_space<vmem>>[vector<16xi32>, vector<16xi32>], vector<16xf32>,
        %broadcast_in_dim3A_613 = arith.constant 11 : i32
        %broadcast_in_dim3A_614 = vector.broadcast %broadcast_in_dim3A_613 : i32 to vector<16xi32>
        %gather3A_615 = tpu.vector_load_idx %arg14[%iota3A, %broadcast_in_dim3A_614] : memref<16x17xf32, #tpu.memory_space<vmem>>[vector<16xi32>, vector<16xi32>], vector<16xf32>,
        %broadcast_in_dim3A_616 = arith.constant 12 : i32
        %broadcast_in_dim3A_617 = vector.broadcast %broadcast_in_dim3A_616 : i32 to vector<16xi32>
        %gather3A_618 = tpu.vector_load_idx %arg14[%iota3A, %broadcast_in_dim3A_617] : memref<16x17xf32, #tpu.memory_space<vmem>>[vector<16xi32>, vector<16xi32>], vector<16xf32>,
        %broadcast_in_dim3A_619 = arith.constant 13 : i32
        %broadcast_in_dim3A_620 = vector.broadcast %broadcast_in_dim3A_619 : i32 to vector<16xi32>
        %gather3A_621 = tpu.vector_load_idx %arg14[%iota3A, %broadcast_in_dim3A_620] : memref<16x17xf32, #tpu.memory_space<vmem>>[vector<16xi32>, vector<16xi32>], vector<16xf32>,
        %broadcast_in_dim3A_622 = arith.constant 14 : i32
        %broadcast_in_dim3A_623 = vector.broadcast %broadcast_in_dim3A_622 : i32 to vector<16xi32>
        %gather3A_624 = tpu.vector_load_idx %arg14[%iota3A, %broadcast_in_dim3A_623] : memref<16x17xf32, #tpu.memory_space<vmem>>[vector<16xi32>, vector<16xi32>], vector<16xf32>,
        %broadcast_in_dim3A_625 = arith.constant 15 : i32
        %broadcast_in_dim3A_626 = vector.broadcast %broadcast_in_dim3A_625 : i32 to vector<16xi32>
        %gather3A_627 = tpu.vector_load_idx %arg14[%iota3A, %broadcast_in_dim3A_626] : memref<16x17xf32, #tpu.memory_space<vmem>>[vector<16xi32>, vector<16xi32>], vector<16xf32>,
        %add3A_628 = arith.addf %gather3A_582, %gather3A_585 : vector<16xf32>
        %add3A_629 = arith.addf %gather3A_588, %gather3A_591 : vector<16xf32>
        %add3A_630 = arith.addf %gather3A_594, %gather3A_597 : vector<16xf32>
        %add3A_631 = arith.addf %gather3A_600, %gather3A_603 : vector<16xf32>
        %add3A_632 = arith.addf %gather3A_606, %gather3A_609 : vector<16xf32>
        %add3A_633 = arith.addf %gather3A_612, %gather3A_615 : vector<16xf32>
        %add3A_634 = arith.addf %gather3A_618, %gather3A_621 : vector<16xf32>
        %add3A_635 = arith.addf %gather3A_624, %gather3A_627 : vector<16xf32>
        %add3A_636 = arith.addf %add3A_628, %add3A_629 : vector<16xf32>
        %add3A_637 = arith.addf %add3A_630, %add3A_631 : vector<16xf32>
        %add3A_638 = arith.addf %add3A_632, %add3A_633 : vector<16xf32>
        %add3A_639 = arith.addf %add3A_634, %add3A_635 : vector<16xf32>
        %add3A_640 = arith.addf %add3A_636, %add3A_637 : vector<16xf32>
        %add3A_641 = arith.addf %add3A_638, %add3A_639 : vector<16xf32>
        %add3A_642 = arith.addf %add3A_640, %add3A_641 : vector<16xf32>
        %bitcast_convert_type3A = tpu.bitcast %add3A_642 : vector<16xf32> -> vector<16xi32>
        %broadcast_in_dim3A_643 = arith.constant 1 : i32
        %broadcast_in_dim3A_644 = vector.broadcast %broadcast_in_dim3A_643 : i32 to vector<16xi32>
        %shift_right_arithmetic3A = arith.shrsi %bitcast_convert_type3A, %broadcast_in_dim3A_644 : vector<16xi32>
        %sub3A = arith.constant 1597463007 : i32
        %sub3A_645 = vector.broadcast %sub3A : i32 to vector<16xi32>
        %sub3A_646 = arith.subi %sub3A_645, %shift_right_arithmetic3A : vector<16xi32>
        %bitcast_convert_type3A_647 = tpu.bitcast %sub3A_646 : vector<16xi32> -> vector<16xf32>
        %mul3A_648 = arith.constant 5.000000e-01 : f32
        %mul3A_649 = vector.broadcast %mul3A_648 : f32 to vector<16xf32>
        %mul3A_650 = arith.mulf %mul3A_649, %add3A_642 : vector<16xf32>
        %mul3A_651 = arith.mulf %mul3A_650, %bitcast_convert_type3A_647 : vector<16xf32>
        %mul3A_652 = arith.mulf %mul3A_651, %bitcast_convert_type3A_647 : vector<16xf32>
        %sub3A_653 = arith.constant 1.500000e+00 : f32
        %sub3A_654 = vector.broadcast %sub3A_653 : f32 to vector<16xf32>
        %sub3A_655 = arith.subf %sub3A_654, %mul3A_652 : vector<16xf32>
        %mul3A_656 = arith.mulf %bitcast_convert_type3A_647, %sub3A_655 : vector<16xf32>
        %mul3A_657 = arith.constant 5.000000e-01 : f32
        %mul3A_658 = vector.broadcast %mul3A_657 : f32 to vector<16xf32>
        %mul3A_659 = arith.mulf %mul3A_658, %add3A_642 : vector<16xf32>
        %mul3A_660 = arith.mulf %mul3A_659, %mul3A_656 : vector<16xf32>
        %mul3A_661 = arith.mulf %mul3A_660, %mul3A_656 : vector<16xf32>
        %sub3A_662 = arith.constant 1.500000e+00 : f32
        %sub3A_663 = vector.broadcast %sub3A_662 : f32 to vector<16xf32>
        %sub3A_664 = arith.subf %sub3A_663, %mul3A_661 : vector<16xf32>
        %mul3A_665 = arith.mulf %mul3A_656, %sub3A_664 : vector<16xf32>
        %mul3A_666 = arith.constant 5.000000e-01 : f32
        %mul3A_667 = vector.broadcast %mul3A_666 : f32 to vector<16xf32>
        %mul3A_668 = arith.mulf %mul3A_667, %add3A_642 : vector<16xf32>
        %mul3A_669 = arith.mulf %mul3A_668, %mul3A_665 : vector<16xf32>
        %mul3A_670 = arith.mulf %mul3A_669, %mul3A_665 : vector<16xf32>
        %sub3A_671 = arith.constant 1.500000e+00 : f32
        %sub3A_672 = vector.broadcast %sub3A_671 : f32 to vector<16xf32>
        %sub3A_673 = arith.subf %sub3A_672, %mul3A_670 : vector<16xf32>
        %mul3A_674 = arith.mulf %mul3A_665, %sub3A_673 : vector<16xf32>
        %mul3A_675 = arith.mulf %add3A_642, %mul3A_674 : vector<16xf32>
        %add3A_676 = arith.constant 9.99999996E-13 : f32
        %add3A_677 = vector.broadcast %add3A_676 : f32 to vector<16xf32>
        %add3A_678 = arith.addf %mul3A_675, %add3A_677 : vector<16xf32>
        %mul3A_679 = arith.mulf %get3A_387, %div3A_218 : vector<16xf32>
        %mul3A_680 = arith.mulf %add3A_678, %add3A_678 : vector<16xf32>
        %div3A_681 = arith.divf %mul3A_679, %mul3A_680 : vector<16xf32>
        %mul3A_682 = arith.constant 16 : i32
        %mul3A_683 = arith.muli %scan3A_380, %mul3A_682 : i32
        %add3A_684 = vector.broadcast %mul3A_683 : i32 to vector<16xi32>
        %add3A_685 = arith.addi %iota3A, %add3A_684 : vector<16xi32>
        %lt3A_686 = arith.constant 200 : i32
        %lt3A_687 = vector.broadcast %lt3A_686 : i32 to vector<16xi32>
        %lt3A_688 = arith.cmpi slt, %add3A_685, %lt3A_687 : vector<16xi32>
        %jit3A = arith.constant 0.000000e+00 : f32
        %broadcast_in_dim3A_689 = vector.broadcast %jit3A : f32 to vector<16xf32>
        %select_n3A = arith.select %lt3A_688, %div3A_681, %broadcast_in_dim3A_689 : vector<16xi1>, vector<16xf32>
        %eq3A = arith.constant 0 : i32
        %eq3A_690 = vector.broadcast %eq3A : i32 to vector<16xi32>
        %eq3A_691 = arith.cmpi eq, %iota3A, %eq3A_690 : vector<16xi32>
        %jit3A_692 = arith.constant 0.000000e+00 : f32
        %broadcast_in_dim3A_693 = vector.broadcast %jit3A_692 : f32 to vector<16xf32>
        %select_n3A_694 = arith.select %eq3A_691, %select_n3A, %broadcast_in_dim3A_693 : vector<16xi1>, vector<16xf32>
        %reduce_sum3A_695 = arith.constant true
        %reduce_sum3A_696 = vector.broadcast %reduce_sum3A_695 : i1 to vector<16xi1>
        %reduce_sum3A_697 = tpu.scan <sum>, %select_n3A_694 masked %reduce_sum3A_696 : vector<16xf32>, vector<16xi1> -> vector<16xf32>
        %reduce_sum3A_698 = vector.extract %reduce_sum3A_697[15] : f32 from vector<16xf32>
        %broadcast_in_dim3A_699 = vector.broadcast %reduce_sum3A_698 : f32 to vector<16xf32>
        %get3A_700 = arith.constant 0 : i32
        %get3A_701 = arith.index_cast %get3A_700 : i32 to index
        %get3A_702 = arith.constant 0 : index
        %get3A_703 = tpu.vector_load %arg14[%get3A_701, %get3A_702] {strides = array<i32>} : memref<16x17xf32, #tpu.memory_space<vmem>>, vector<16xf32>,
        %mul3A_704 = arith.mulf %broadcast_in_dim3A_699, %get3A_703 : vector<16xf32>
        %add3A_705 = arith.addf %scan3A_381, %mul3A_704 : vector<16xf32>
        %eq3A_706 = arith.constant 1 : i32
        %eq3A_707 = vector.broadcast %eq3A_706 : i32 to vector<16xi32>
        %eq3A_708 = arith.cmpi eq, %iota3A, %eq3A_707 : vector<16xi32>
        %jit3A_709 = arith.constant 0.000000e+00 : f32
        %broadcast_in_dim3A_710 = vector.broadcast %jit3A_709 : f32 to vector<16xf32>
        %select_n3A_711 = arith.select %eq3A_708, %select_n3A, %broadcast_in_dim3A_710 : vector<16xi1>, vector<16xf32>
        %reduce_sum3A_712 = arith.constant true
        %reduce_sum3A_713 = vector.broadcast %reduce_sum3A_712 : i1 to vector<16xi1>
        %reduce_sum3A_714 = tpu.scan <sum>, %select_n3A_711 masked %reduce_sum3A_713 : vector<16xf32>, vector<16xi1> -> vector<16xf32>
        %reduce_sum3A_715 = vector.extract %reduce_sum3A_714[15] : f32 from vector<16xf32>
        %broadcast_in_dim3A_716 = vector.broadcast %reduce_sum3A_715 : f32 to vector<16xf32>
        %get3A_717 = arith.constant 1 : i32
        %get3A_718 = arith.index_cast %get3A_717 : i32 to index
        %get3A_719 = arith.constant 0 : index
        %get3A_720 = tpu.vector_load %arg14[%get3A_718, %get3A_719] {strides = array<i32>} : memref<16x17xf32, #tpu.memory_space<vmem>>, vector<16xf32>,
        %mul3A_721 = arith.mulf %broadcast_in_dim3A_716, %get3A_720 : vector<16xf32>
        %add3A_722 = arith.addf %scan3A_382, %mul3A_721 : vector<16xf32>
        %eq3A_723 = arith.constant 2 : i32
        %eq3A_724 = vector.broadcast %eq3A_723 : i32 to vector<16xi32>
        %eq3A_725 = arith.cmpi eq, %iota3A, %eq3A_724 : vector<16xi32>
        %jit3A_726 = arith.constant 0.000000e+00 : f32
        %broadcast_in_dim3A_727 = vector.broadcast %jit3A_726 : f32 to vector<16xf32>
        %select_n3A_728 = arith.select %eq3A_725, %select_n3A, %broadcast_in_dim3A_727 : vector<16xi1>, vector<16xf32>
        %reduce_sum3A_729 = arith.constant true
        %reduce_sum3A_730 = vector.broadcast %reduce_sum3A_729 : i1 to vector<16xi1>
        %reduce_sum3A_731 = tpu.scan <sum>, %select_n3A_728 masked %reduce_sum3A_730 : vector<16xf32>, vector<16xi1> -> vector<16xf32>
        %reduce_sum3A_732 = vector.extract %reduce_sum3A_731[15] : f32 from vector<16xf32>
        %broadcast_in_dim3A_733 = vector.broadcast %reduce_sum3A_732 : f32 to vector<16xf32>
        %get3A_734 = arith.constant 2 : i32
        %get3A_735 = arith.index_cast %get3A_734 : i32 to index
        %get3A_736 = arith.constant 0 : index
        %get3A_737 = tpu.vector_load %arg14[%get3A_735, %get3A_736] {strides = array<i32>} : memref<16x17xf32, #tpu.memory_space<vmem>>, vector<16xf32>,
        %mul3A_738 = arith.mulf %broadcast_in_dim3A_733, %get3A_737 : vector<16xf32>
        %add3A_739 = arith.addf %scan3A_383, %mul3A_738 : vector<16xf32>
        %eq3A_740 = arith.constant 3 : i32
        %eq3A_741 = vector.broadcast %eq3A_740 : i32 to vector<16xi32>
        %eq3A_742 = arith.cmpi eq, %iota3A, %eq3A_741 : vector<16xi32>
        %jit3A_743 = arith.constant 0.000000e+00 : f32
        %broadcast_in_dim3A_744 = vector.broadcast %jit3A_743 : f32 to vector<16xf32>
        %select_n3A_745 = arith.select %eq3A_742, %select_n3A, %broadcast_in_dim3A_744 : vector<16xi1>, vector<16xf32>
        %reduce_sum3A_746 = arith.constant true
        %reduce_sum3A_747 = vector.broadcast %reduce_sum3A_746 : i1 to vector<16xi1>
        %reduce_sum3A_748 = tpu.scan <sum>, %select_n3A_745 masked %reduce_sum3A_747 : vector<16xf32>, vector<16xi1> -> vector<16xf32>
        %reduce_sum3A_749 = vector.extract %reduce_sum3A_748[15] : f32 from vector<16xf32>
        %broadcast_in_dim3A_750 = vector.broadcast %reduce_sum3A_749 : f32 to vector<16xf32>
        %get3A_751 = arith.constant 3 : i32
        %get3A_752 = arith.index_cast %get3A_751 : i32 to index
        %get3A_753 = arith.constant 0 : index
        %get3A_754 = tpu.vector_load %arg14[%get3A_752, %get3A_753] {strides = array<i32>} : memref<16x17xf32, #tpu.memory_space<vmem>>, vector<16xf32>,
        %mul3A_755 = arith.mulf %broadcast_in_dim3A_750, %get3A_754 : vector<16xf32>
        %add3A_756 = arith.addf %scan3A_384, %mul3A_755 : vector<16xf32>
        %eq3A_757 = arith.constant 4 : i32
        %eq3A_758 = vector.broadcast %eq3A_757 : i32 to vector<16xi32>
        %eq3A_759 = arith.cmpi eq, %iota3A, %eq3A_758 : vector<16xi32>
        %jit3A_760 = arith.constant 0.000000e+00 : f32
        %broadcast_in_dim3A_761 = vector.broadcast %jit3A_760 : f32 to vector<16xf32>
        %select_n3A_762 = arith.select %eq3A_759, %select_n3A, %broadcast_in_dim3A_761 : vector<16xi1>, vector<16xf32>
        %reduce_sum3A_763 = arith.constant true
        %reduce_sum3A_764 = vector.broadcast %reduce_sum3A_763 : i1 to vector<16xi1>
        %reduce_sum3A_765 = tpu.scan <sum>, %select_n3A_762 masked %reduce_sum3A_764 : vector<16xf32>, vector<16xi1> -> vector<16xf32>
        %reduce_sum3A_766 = vector.extract %reduce_sum3A_765[15] : f32 from vector<16xf32>
        %broadcast_in_dim3A_767 = vector.broadcast %reduce_sum3A_766 : f32 to vector<16xf32>
        %get3A_768 = arith.constant 4 : i32
        %get3A_769 = arith.index_cast %get3A_768 : i32 to index
        %get3A_770 = arith.constant 0 : index
        %get3A_771 = tpu.vector_load %arg14[%get3A_769, %get3A_770] {strides = array<i32>} : memref<16x17xf32, #tpu.memory_space<vmem>>, vector<16xf32>,
        %mul3A_772 = arith.mulf %broadcast_in_dim3A_767, %get3A_771 : vector<16xf32>
        %add3A_773 = arith.addf %add3A_705, %mul3A_772 : vector<16xf32>
        %eq3A_774 = arith.constant 5 : i32
        %eq3A_775 = vector.broadcast %eq3A_774 : i32 to vector<16xi32>
        %eq3A_776 = arith.cmpi eq, %iota3A, %eq3A_775 : vector<16xi32>
        %jit3A_777 = arith.constant 0.000000e+00 : f32
        %broadcast_in_dim3A_778 = vector.broadcast %jit3A_777 : f32 to vector<16xf32>
        %select_n3A_779 = arith.select %eq3A_776, %select_n3A, %broadcast_in_dim3A_778 : vector<16xi1>, vector<16xf32>
        %reduce_sum3A_780 = arith.constant true
        %reduce_sum3A_781 = vector.broadcast %reduce_sum3A_780 : i1 to vector<16xi1>
        %reduce_sum3A_782 = tpu.scan <sum>, %select_n3A_779 masked %reduce_sum3A_781 : vector<16xf32>, vector<16xi1> -> vector<16xf32>
        %reduce_sum3A_783 = vector.extract %reduce_sum3A_782[15] : f32 from vector<16xf32>
        %broadcast_in_dim3A_784 = vector.broadcast %reduce_sum3A_783 : f32 to vector<16xf32>
        %get3A_785 = arith.constant 5 : i32
        %get3A_786 = arith.index_cast %get3A_785 : i32 to index
        %get3A_787 = arith.constant 0 : index
        %get3A_788 = tpu.vector_load %arg14[%get3A_786, %get3A_787] {strides = array<i32>} : memref<16x17xf32, #tpu.memory_space<vmem>>, vector<16xf32>,
        %mul3A_789 = arith.mulf %broadcast_in_dim3A_784, %get3A_788 : vector<16xf32>
        %add3A_790 = arith.addf %add3A_722, %mul3A_789 : vector<16xf32>
        %eq3A_791 = arith.constant 6 : i32
        %eq3A_792 = vector.broadcast %eq3A_791 : i32 to vector<16xi32>
        %eq3A_793 = arith.cmpi eq, %iota3A, %eq3A_792 : vector<16xi32>
        %jit3A_794 = arith.constant 0.000000e+00 : f32
        %broadcast_in_dim3A_795 = vector.broadcast %jit3A_794 : f32 to vector<16xf32>
        %select_n3A_796 = arith.select %eq3A_793, %select_n3A, %broadcast_in_dim3A_795 : vector<16xi1>, vector<16xf32>
        %reduce_sum3A_797 = arith.constant true
        %reduce_sum3A_798 = vector.broadcast %reduce_sum3A_797 : i1 to vector<16xi1>
        %reduce_sum3A_799 = tpu.scan <sum>, %select_n3A_796 masked %reduce_sum3A_798 : vector<16xf32>, vector<16xi1> -> vector<16xf32>
        %reduce_sum3A_800 = vector.extract %reduce_sum3A_799[15] : f32 from vector<16xf32>
        %broadcast_in_dim3A_801 = vector.broadcast %reduce_sum3A_800 : f32 to vector<16xf32>
        %get3A_802 = arith.constant 6 : i32
        %get3A_803 = arith.index_cast %get3A_802 : i32 to index
        %get3A_804 = arith.constant 0 : index
        %get3A_805 = tpu.vector_load %arg14[%get3A_803, %get3A_804] {strides = array<i32>} : memref<16x17xf32, #tpu.memory_space<vmem>>, vector<16xf32>,
        %mul3A_806 = arith.mulf %broadcast_in_dim3A_801, %get3A_805 : vector<16xf32>
        %add3A_807 = arith.addf %add3A_739, %mul3A_806 : vector<16xf32>
        %eq3A_808 = arith.constant 7 : i32
        %eq3A_809 = vector.broadcast %eq3A_808 : i32 to vector<16xi32>
        %eq3A_810 = arith.cmpi eq, %iota3A, %eq3A_809 : vector<16xi32>
        %jit3A_811 = arith.constant 0.000000e+00 : f32
        %broadcast_in_dim3A_812 = vector.broadcast %jit3A_811 : f32 to vector<16xf32>
        %select_n3A_813 = arith.select %eq3A_810, %select_n3A, %broadcast_in_dim3A_812 : vector<16xi1>, vector<16xf32>
        %reduce_sum3A_814 = arith.constant true
        %reduce_sum3A_815 = vector.broadcast %reduce_sum3A_814 : i1 to vector<16xi1>
        %reduce_sum3A_816 = tpu.scan <sum>, %select_n3A_813 masked %reduce_sum3A_815 : vector<16xf32>, vector<16xi1> -> vector<16xf32>
        %reduce_sum3A_817 = vector.extract %reduce_sum3A_816[15] : f32 from vector<16xf32>
        %broadcast_in_dim3A_818 = vector.broadcast %reduce_sum3A_817 : f32 to vector<16xf32>
        %get3A_819 = arith.constant 7 : i32
        %get3A_820 = arith.index_cast %get3A_819 : i32 to index
        %get3A_821 = arith.constant 0 : index
        %get3A_822 = tpu.vector_load %arg14[%get3A_820, %get3A_821] {strides = array<i32>} : memref<16x17xf32, #tpu.memory_space<vmem>>, vector<16xf32>,
        %mul3A_823 = arith.mulf %broadcast_in_dim3A_818, %get3A_822 : vector<16xf32>
        %add3A_824 = arith.addf %add3A_756, %mul3A_823 : vector<16xf32>
        %eq3A_825 = arith.constant 8 : i32
        %eq3A_826 = vector.broadcast %eq3A_825 : i32 to vector<16xi32>
        %eq3A_827 = arith.cmpi eq, %iota3A, %eq3A_826 : vector<16xi32>
        %jit3A_828 = arith.constant 0.000000e+00 : f32
        %broadcast_in_dim3A_829 = vector.broadcast %jit3A_828 : f32 to vector<16xf32>
        %select_n3A_830 = arith.select %eq3A_827, %select_n3A, %broadcast_in_dim3A_829 : vector<16xi1>, vector<16xf32>
        %reduce_sum3A_831 = arith.constant true
        %reduce_sum3A_832 = vector.broadcast %reduce_sum3A_831 : i1 to vector<16xi1>
        %reduce_sum3A_833 = tpu.scan <sum>, %select_n3A_830 masked %reduce_sum3A_832 : vector<16xf32>, vector<16xi1> -> vector<16xf32>
        %reduce_sum3A_834 = vector.extract %reduce_sum3A_833[15] : f32 from vector<16xf32>
        %broadcast_in_dim3A_835 = vector.broadcast %reduce_sum3A_834 : f32 to vector<16xf32>
        %get3A_836 = arith.constant 8 : i32
        %get3A_837 = arith.index_cast %get3A_836 : i32 to index
        %get3A_838 = arith.constant 0 : index
        %get3A_839 = tpu.vector_load %arg14[%get3A_837, %get3A_838] {strides = array<i32>} : memref<16x17xf32, #tpu.memory_space<vmem>>, vector<16xf32>,
        %mul3A_840 = arith.mulf %broadcast_in_dim3A_835, %get3A_839 : vector<16xf32>
        %add3A_841 = arith.addf %add3A_773, %mul3A_840 : vector<16xf32>
        %eq3A_842 = arith.constant 9 : i32
        %eq3A_843 = vector.broadcast %eq3A_842 : i32 to vector<16xi32>
        %eq3A_844 = arith.cmpi eq, %iota3A, %eq3A_843 : vector<16xi32>
        %jit3A_845 = arith.constant 0.000000e+00 : f32
        %broadcast_in_dim3A_846 = vector.broadcast %jit3A_845 : f32 to vector<16xf32>
        %select_n3A_847 = arith.select %eq3A_844, %select_n3A, %broadcast_in_dim3A_846 : vector<16xi1>, vector<16xf32>
        %reduce_sum3A_848 = arith.constant true
        %reduce_sum3A_849 = vector.broadcast %reduce_sum3A_848 : i1 to vector<16xi1>
        %reduce_sum3A_850 = tpu.scan <sum>, %select_n3A_847 masked %reduce_sum3A_849 : vector<16xf32>, vector<16xi1> -> vector<16xf32>
        %reduce_sum3A_851 = vector.extract %reduce_sum3A_850[15] : f32 from vector<16xf32>
        %broadcast_in_dim3A_852 = vector.broadcast %reduce_sum3A_851 : f32 to vector<16xf32>
        %get3A_853 = arith.constant 9 : i32
        %get3A_854 = arith.index_cast %get3A_853 : i32 to index
        %get3A_855 = arith.constant 0 : index
        %get3A_856 = tpu.vector_load %arg14[%get3A_854, %get3A_855] {strides = array<i32>} : memref<16x17xf32, #tpu.memory_space<vmem>>, vector<16xf32>,
        %mul3A_857 = arith.mulf %broadcast_in_dim3A_852, %get3A_856 : vector<16xf32>
        %add3A_858 = arith.addf %add3A_790, %mul3A_857 : vector<16xf32>
        %eq3A_859 = arith.constant 10 : i32
        %eq3A_860 = vector.broadcast %eq3A_859 : i32 to vector<16xi32>
        %eq3A_861 = arith.cmpi eq, %iota3A, %eq3A_860 : vector<16xi32>
        %jit3A_862 = arith.constant 0.000000e+00 : f32
        %broadcast_in_dim3A_863 = vector.broadcast %jit3A_862 : f32 to vector<16xf32>
        %select_n3A_864 = arith.select %eq3A_861, %select_n3A, %broadcast_in_dim3A_863 : vector<16xi1>, vector<16xf32>
        %reduce_sum3A_865 = arith.constant true
        %reduce_sum3A_866 = vector.broadcast %reduce_sum3A_865 : i1 to vector<16xi1>
        %reduce_sum3A_867 = tpu.scan <sum>, %select_n3A_864 masked %reduce_sum3A_866 : vector<16xf32>, vector<16xi1> -> vector<16xf32>
        %reduce_sum3A_868 = vector.extract %reduce_sum3A_867[15] : f32 from vector<16xf32>
        %broadcast_in_dim3A_869 = vector.broadcast %reduce_sum3A_868 : f32 to vector<16xf32>
        %get3A_870 = arith.constant 10 : i32
        %get3A_871 = arith.index_cast %get3A_870 : i32 to index
        %get3A_872 = arith.constant 0 : index
        %get3A_873 = tpu.vector_load %arg14[%get3A_871, %get3A_872] {strides = array<i32>} : memref<16x17xf32, #tpu.memory_space<vmem>>, vector<16xf32>,
        %mul3A_874 = arith.mulf %broadcast_in_dim3A_869, %get3A_873 : vector<16xf32>
        %add3A_875 = arith.addf %add3A_807, %mul3A_874 : vector<16xf32>
        %eq3A_876 = arith.constant 11 : i32
        %eq3A_877 = vector.broadcast %eq3A_876 : i32 to vector<16xi32>
        %eq3A_878 = arith.cmpi eq, %iota3A, %eq3A_877 : vector<16xi32>
        %jit3A_879 = arith.constant 0.000000e+00 : f32
        %broadcast_in_dim3A_880 = vector.broadcast %jit3A_879 : f32 to vector<16xf32>
        %select_n3A_881 = arith.select %eq3A_878, %select_n3A, %broadcast_in_dim3A_880 : vector<16xi1>, vector<16xf32>
        %reduce_sum3A_882 = arith.constant true
        %reduce_sum3A_883 = vector.broadcast %reduce_sum3A_882 : i1 to vector<16xi1>
        %reduce_sum3A_884 = tpu.scan <sum>, %select_n3A_881 masked %reduce_sum3A_883 : vector<16xf32>, vector<16xi1> -> vector<16xf32>
        %reduce_sum3A_885 = vector.extract %reduce_sum3A_884[15] : f32 from vector<16xf32>
        %broadcast_in_dim3A_886 = vector.broadcast %reduce_sum3A_885 : f32 to vector<16xf32>
        %get3A_887 = arith.constant 11 : i32
        %get3A_888 = arith.index_cast %get3A_887 : i32 to index
        %get3A_889 = arith.constant 0 : index
        %get3A_890 = tpu.vector_load %arg14[%get3A_888, %get3A_889] {strides = array<i32>} : memref<16x17xf32, #tpu.memory_space<vmem>>, vector<16xf32>,
        %mul3A_891 = arith.mulf %broadcast_in_dim3A_886, %get3A_890 : vector<16xf32>
        %add3A_892 = arith.addf %add3A_824, %mul3A_891 : vector<16xf32>
        %eq3A_893 = arith.constant 12 : i32
        %eq3A_894 = vector.broadcast %eq3A_893 : i32 to vector<16xi32>
        %eq3A_895 = arith.cmpi eq, %iota3A, %eq3A_894 : vector<16xi32>
        %jit3A_896 = arith.constant 0.000000e+00 : f32
        %broadcast_in_dim3A_897 = vector.broadcast %jit3A_896 : f32 to vector<16xf32>
        %select_n3A_898 = arith.select %eq3A_895, %select_n3A, %broadcast_in_dim3A_897 : vector<16xi1>, vector<16xf32>
        %reduce_sum3A_899 = arith.constant true
        %reduce_sum3A_900 = vector.broadcast %reduce_sum3A_899 : i1 to vector<16xi1>
        %reduce_sum3A_901 = tpu.scan <sum>, %select_n3A_898 masked %reduce_sum3A_900 : vector<16xf32>, vector<16xi1> -> vector<16xf32>
        %reduce_sum3A_902 = vector.extract %reduce_sum3A_901[15] : f32 from vector<16xf32>
        %broadcast_in_dim3A_903 = vector.broadcast %reduce_sum3A_902 : f32 to vector<16xf32>
        %get3A_904 = arith.constant 12 : i32
        %get3A_905 = arith.index_cast %get3A_904 : i32 to index
        %get3A_906 = arith.constant 0 : index
        %get3A_907 = tpu.vector_load %arg14[%get3A_905, %get3A_906] {strides = array<i32>} : memref<16x17xf32, #tpu.memory_space<vmem>>, vector<16xf32>,
        %mul3A_908 = arith.mulf %broadcast_in_dim3A_903, %get3A_907 : vector<16xf32>
        %add3A_909 = arith.addf %add3A_841, %mul3A_908 : vector<16xf32>
        %eq3A_910 = arith.constant 13 : i32
        %eq3A_911 = vector.broadcast %eq3A_910 : i32 to vector<16xi32>
        %eq3A_912 = arith.cmpi eq, %iota3A, %eq3A_911 : vector<16xi32>
        %jit3A_913 = arith.constant 0.000000e+00 : f32
        %broadcast_in_dim3A_914 = vector.broadcast %jit3A_913 : f32 to vector<16xf32>
        %select_n3A_915 = arith.select %eq3A_912, %select_n3A, %broadcast_in_dim3A_914 : vector<16xi1>, vector<16xf32>
        %reduce_sum3A_916 = arith.constant true
        %reduce_sum3A_917 = vector.broadcast %reduce_sum3A_916 : i1 to vector<16xi1>
        %reduce_sum3A_918 = tpu.scan <sum>, %select_n3A_915 masked %reduce_sum3A_917 : vector<16xf32>, vector<16xi1> -> vector<16xf32>
        %reduce_sum3A_919 = vector.extract %reduce_sum3A_918[15] : f32 from vector<16xf32>
        %broadcast_in_dim3A_920 = vector.broadcast %reduce_sum3A_919 : f32 to vector<16xf32>
        %get3A_921 = arith.constant 13 : i32
        %get3A_922 = arith.index_cast %get3A_921 : i32 to index
        %get3A_923 = arith.constant 0 : index
        %get3A_924 = tpu.vector_load %arg14[%get3A_922, %get3A_923] {strides = array<i32>} : memref<16x17xf32, #tpu.memory_space<vmem>>, vector<16xf32>,
        %mul3A_925 = arith.mulf %broadcast_in_dim3A_920, %get3A_924 : vector<16xf32>
        %add3A_926 = arith.addf %add3A_858, %mul3A_925 : vector<16xf32>
        %eq3A_927 = arith.constant 14 : i32
        %eq3A_928 = vector.broadcast %eq3A_927 : i32 to vector<16xi32>
        %eq3A_929 = arith.cmpi eq, %iota3A, %eq3A_928 : vector<16xi32>
        %jit3A_930 = arith.constant 0.000000e+00 : f32
        %broadcast_in_dim3A_931 = vector.broadcast %jit3A_930 : f32 to vector<16xf32>
        %select_n3A_932 = arith.select %eq3A_929, %select_n3A, %broadcast_in_dim3A_931 : vector<16xi1>, vector<16xf32>
        %reduce_sum3A_933 = arith.constant true
        %reduce_sum3A_934 = vector.broadcast %reduce_sum3A_933 : i1 to vector<16xi1>
        %reduce_sum3A_935 = tpu.scan <sum>, %select_n3A_932 masked %reduce_sum3A_934 : vector<16xf32>, vector<16xi1> -> vector<16xf32>
        %reduce_sum3A_936 = vector.extract %reduce_sum3A_935[15] : f32 from vector<16xf32>
        %broadcast_in_dim3A_937 = vector.broadcast %reduce_sum3A_936 : f32 to vector<16xf32>
        %get3A_938 = arith.constant 14 : i32
        %get3A_939 = arith.index_cast %get3A_938 : i32 to index
        %get3A_940 = arith.constant 0 : index
        %get3A_941 = tpu.vector_load %arg14[%get3A_939, %get3A_940] {strides = array<i32>} : memref<16x17xf32, #tpu.memory_space<vmem>>, vector<16xf32>,
        %mul3A_942 = arith.mulf %broadcast_in_dim3A_937, %get3A_941 : vector<16xf32>
        %add3A_943 = arith.addf %add3A_875, %mul3A_942 : vector<16xf32>
        %eq3A_944 = arith.constant 15 : i32
        %eq3A_945 = vector.broadcast %eq3A_944 : i32 to vector<16xi32>
        %eq3A_946 = arith.cmpi eq, %iota3A, %eq3A_945 : vector<16xi32>
        %jit3A_947 = arith.constant 0.000000e+00 : f32
        %broadcast_in_dim3A_948 = vector.broadcast %jit3A_947 : f32 to vector<16xf32>
        %select_n3A_949 = arith.select %eq3A_946, %select_n3A, %broadcast_in_dim3A_948 : vector<16xi1>, vector<16xf32>
        %reduce_sum3A_950 = arith.constant true
        %reduce_sum3A_951 = vector.broadcast %reduce_sum3A_950 : i1 to vector<16xi1>
        %reduce_sum3A_952 = tpu.scan <sum>, %select_n3A_949 masked %reduce_sum3A_951 : vector<16xf32>, vector<16xi1> -> vector<16xf32>
        %reduce_sum3A_953 = vector.extract %reduce_sum3A_952[15] : f32 from vector<16xf32>
        %broadcast_in_dim3A_954 = vector.broadcast %reduce_sum3A_953 : f32 to vector<16xf32>
        %get3A_955 = arith.constant 15 : i32
        %get3A_956 = arith.index_cast %get3A_955 : i32 to index
        %get3A_957 = arith.constant 0 : index
        %get3A_958 = tpu.vector_load %arg14[%get3A_956, %get3A_957] {strides = array<i32>} : memref<16x17xf32, #tpu.memory_space<vmem>>, vector<16xf32>,
        %mul3A_959 = arith.mulf %broadcast_in_dim3A_954, %get3A_958 : vector<16xf32>
        %add3A_960 = arith.addf %add3A_892, %mul3A_959 : vector<16xf32>
        scf.yield %add3A_909, %add3A_926, %add3A_943, %add3A_960 : vector<16xf32>, vector<16xf32>, vector<16xf32>, vector<16xf32>
      }
      %scan3A_224 = arith.constant 13 : i32
      %add3A_225 = arith.addf %scan3A_223#0, %scan3A_223#1 : vector<16xf32>
      %add3A_226 = arith.addf %scan3A_223#2, %scan3A_223#3 : vector<16xf32>
      %add3A_227 = arith.addf %add3A_225, %add3A_226 : vector<16xf32>
      %swap3A = arith.index_cast %mul3A_50 : i32 to index
      %swap3A_228 = arith.constant 0 : index
      %swap3A_229 = tpu.vector_load %arg15[%swap3A, %swap3A_228] {strides = array<i32>} : memref<32x16xf32, #tpu.memory_space<vmem>>, vector<16xf32>,
      tpu.vector_store %arg15[%swap3A, %swap3A_228], %add3A_227 {strides = array<i32>} : memref<32x16xf32, #tpu.memory_space<vmem>>, vector<16xf32>,
      %lt3A = arith.constant 15 : i32
      %lt3A_230 = arith.cmpi slt, %scan3A_48, %lt3A : i32
      %convert_element_type3A = arith.extui %lt3A_230 : i1 to i32
      %cond3A = arith.constant 0 : i32
      %cond3A_231 = arith.cmpi ne, %convert_element_type3A, %cond3A : i32
      scf.if %cond3A_231 {
        %add3A_380 = arith.constant 2 : i32
        %add3A_381 = arith.addi %mul3A_50, %add3A_380 : i32
        %dma_start3A_382 = arith.constant 0 : i32
        %dma_start3A_383 = arith.constant 0 : i32
        %dma_start3A_384 = tpu.memref_slice %arg9[%dma_start3A_382, %dma_start3A_383] : memref<208x128xbf16, #tpu.memory_space<vmem>> -> memref<104x128xbf16, #tpu.memory_space<vmem>>
        %dma_start3A_385 = arith.constant 0 : i32
        %dma_start3A_386 = tpu.memref_slice %arg7[%add3A_381, %dma_start3A_385] : memref<32x200xi32, #tpu.memory_space<vmem>> -> memref<1x104xi32, #tpu.memory_space<vmem>>
        %dma_start3A_387 = tpu.memref_squeeze %dma_start3A_386 : memref<1x104xi32, #tpu.memory_space<vmem>> -> memref<104xi32, #tpu.memory_space<vmem>>
        %dma_start3A_388 = arith.constant 0 : i32
        %dma_start3A_389 = arith.constant 0 : i32
        %dma_start3A_390 = tpu.memref_slice %arg4[%dma_start3A_388, %dma_start3A_389] : memref<100000x128xbf16, #tpu.memory_space<hbm>> -> memref<100000x128xbf16, #tpu.memory_space<hbm>>
        tpu.enqueue_indirect_dma source(%dma_start3A_390 : memref<100000x128xbf16, #tpu.memory_space<hbm>>) target(%dma_start3A_384 : memref<104x128xbf16, #tpu.memory_space<vmem>>) offsets(%dma_start3A_387 : memref<104xi32, #tpu.memory_space<vmem>>) semaphore(%arg16 : memref<!tpu.dma_semaphore, #tpu.memory_space<semaphore_mem>>)
        %dma_start3A_391 = arith.constant 0 : i32
        %dma_start3A_392 = arith.constant 0 : i32
        %dma_start3A_393 = tpu.memref_slice %arg10[%dma_start3A_391, %dma_start3A_392] : memref<208x16xf32, #tpu.memory_space<vmem>> -> memref<104x16xf32, #tpu.memory_space<vmem>>
        %dma_start3A_394 = arith.constant 0 : i32
        %dma_start3A_395 = tpu.memref_slice %arg7[%add3A_381, %dma_start3A_394] : memref<32x200xi32, #tpu.memory_space<vmem>> -> memref<1x104xi32, #tpu.memory_space<vmem>>
        %dma_start3A_396 = tpu.memref_squeeze %dma_start3A_395 : memref<1x104xi32, #tpu.memory_space<vmem>> -> memref<104xi32, #tpu.memory_space<vmem>>
        %dma_start3A_397 = arith.constant 0 : i32
        %dma_start3A_398 = arith.constant 0 : i32
        %dma_start3A_399 = tpu.memref_slice %arg5[%dma_start3A_397, %dma_start3A_398] : memref<100000x16xf32, #tpu.memory_space<hbm>> -> memref<100000x16xf32, #tpu.memory_space<hbm>>
        tpu.enqueue_indirect_dma source(%dma_start3A_399 : memref<100000x16xf32, #tpu.memory_space<hbm>>) target(%dma_start3A_393 : memref<104x16xf32, #tpu.memory_space<vmem>>) offsets(%dma_start3A_396 : memref<104xi32, #tpu.memory_space<vmem>>) semaphore(%arg16 : memref<!tpu.dma_semaphore, #tpu.memory_space<semaphore_mem>>)
        %dma_start3A_400 = arith.constant 104 : i32
        %dma_start3A_401 = arith.constant 0 : i32
        %dma_start3A_402 = tpu.memref_slice %arg9[%dma_start3A_400, %dma_start3A_401] : memref<208x128xbf16, #tpu.memory_space<vmem>> -> memref<96x128xbf16, #tpu.memory_space<vmem>>
        %dma_start3A_403 = arith.constant 104 : i32
        %dma_start3A_404 = tpu.memref_slice %arg7[%add3A_381, %dma_start3A_403] : memref<32x200xi32, #tpu.memory_space<vmem>> -> memref<1x96xi32, #tpu.memory_space<vmem>>
        %dma_start3A_405 = tpu.memref_squeeze %dma_start3A_404 : memref<1x96xi32, #tpu.memory_space<vmem>> -> memref<96xi32, #tpu.memory_space<vmem>>
        %dma_start3A_406 = arith.constant 0 : i32
        %dma_start3A_407 = arith.constant 0 : i32
        %dma_start3A_408 = tpu.memref_slice %arg4[%dma_start3A_406, %dma_start3A_407] : memref<100000x128xbf16, #tpu.memory_space<hbm>> -> memref<100000x128xbf16, #tpu.memory_space<hbm>>
        tpu.enqueue_indirect_dma source(%dma_start3A_408 : memref<100000x128xbf16, #tpu.memory_space<hbm>>) target(%dma_start3A_402 : memref<96x128xbf16, #tpu.memory_space<vmem>>) offsets(%dma_start3A_405 : memref<96xi32, #tpu.memory_space<vmem>>) semaphore(%arg16 : memref<!tpu.dma_semaphore, #tpu.memory_space<semaphore_mem>>)
        %dma_start3A_409 = arith.constant 104 : i32
        %dma_start3A_410 = arith.constant 0 : i32
        %dma_start3A_411 = tpu.memref_slice %arg10[%dma_start3A_409, %dma_start3A_410] : memref<208x16xf32, #tpu.memory_space<vmem>> -> memref<96x16xf32, #tpu.memory_space<vmem>>
        %dma_start3A_412 = arith.constant 104 : i32
        %dma_start3A_413 = tpu.memref_slice %arg7[%add3A_381, %dma_start3A_412] : memref<32x200xi32, #tpu.memory_space<vmem>> -> memref<1x96xi32, #tpu.memory_space<vmem>>
        %dma_start3A_414 = tpu.memref_squeeze %dma_start3A_413 : memref<1x96xi32, #tpu.memory_space<vmem>> -> memref<96xi32, #tpu.memory_space<vmem>>
        %dma_start3A_415 = arith.constant 0 : i32
        %dma_start3A_416 = arith.constant 0 : i32
        %dma_start3A_417 = tpu.memref_slice %arg5[%dma_start3A_415, %dma_start3A_416] : memref<100000x16xf32, #tpu.memory_space<hbm>> -> memref<100000x16xf32, #tpu.memory_space<hbm>>
        tpu.enqueue_indirect_dma source(%dma_start3A_417 : memref<100000x16xf32, #tpu.memory_space<hbm>>) target(%dma_start3A_411 : memref<96x16xf32, #tpu.memory_space<vmem>>) offsets(%dma_start3A_414 : memref<96xi32, #tpu.memory_space<vmem>>) semaphore(%arg16 : memref<!tpu.dma_semaphore, #tpu.memory_space<semaphore_mem>>)
      } else {
      }
      %dma_wait3A_232 = arith.constant 0 : i32
      %dma_wait3A_233 = arith.constant 0 : i32
      %dma_wait3A_234 = tpu.memref_slice %arg11[%dma_wait3A_232, %dma_wait3A_233] : memref<208x128xbf16, #tpu.memory_space<vmem>> -> memref<104x128xbf16, #tpu.memory_space<vmem>>
      %dma_wait3A_235 = arith.constant 0 : i32
      %dma_wait3A_236 = arith.constant 0 : i32
      %dma_wait3A_237 = tpu.memref_slice %arg4[%dma_wait3A_235, %dma_wait3A_236] : memref<100000x128xbf16, #tpu.memory_space<hbm>> -> memref<104x128xbf16, #tpu.memory_space<hbm>>
      %dma_wait3A_238 = arith.constant 0 : i32
      %dma_wait3A_239 = arith.constant 0 : i32
      %dma_wait3A_240 = tpu.memref_slice %arg11[%dma_wait3A_238, %dma_wait3A_239] : memref<208x128xbf16, #tpu.memory_space<vmem>> -> memref<104x128xbf16, #tpu.memory_space<vmem>>
      %dma_wait3A_241 = arith.constant 0 : i32
      %dma_wait3A_242 = arith.constant 0 : i32
      %dma_wait3A_243 = tpu.memref_slice %arg4[%dma_wait3A_241, %dma_wait3A_242] : memref<100000x128xbf16, #tpu.memory_space<hbm>> -> memref<104x128xbf16, #tpu.memory_space<hbm>>
      tpu.wait_dma2 semaphore(%arg17 : memref<!tpu.dma_semaphore, #tpu.memory_space<semaphore_mem>>) src(%dma_wait3A_243 : memref<104x128xbf16, #tpu.memory_space<hbm>>) dst(%dma_wait3A_240 : memref<104x128xbf16, #tpu.memory_space<vmem>>)
      %dma_wait3A_244 = arith.constant 0 : i32
      %dma_wait3A_245 = arith.constant 0 : i32
      %dma_wait3A_246 = tpu.memref_slice %arg12[%dma_wait3A_244, %dma_wait3A_245] : memref<208x16xf32, #tpu.memory_space<vmem>> -> memref<104x16xf32, #tpu.memory_space<vmem>>
      %dma_wait3A_247 = arith.constant 0 : i32
      %dma_wait3A_248 = arith.constant 0 : i32
      %dma_wait3A_249 = tpu.memref_slice %arg5[%dma_wait3A_247, %dma_wait3A_248] : memref<100000x16xf32, #tpu.memory_space<hbm>> -> memref<104x16xf32, #tpu.memory_space<hbm>>
      %dma_wait3A_250 = arith.constant 0 : i32
      %dma_wait3A_251 = arith.constant 0 : i32
      %dma_wait3A_252 = tpu.memref_slice %arg12[%dma_wait3A_250, %dma_wait3A_251] : memref<208x16xf32, #tpu.memory_space<vmem>> -> memref<104x16xf32, #tpu.memory_space<vmem>>
      %dma_wait3A_253 = arith.constant 0 : i32
      %dma_wait3A_254 = arith.constant 0 : i32
      %dma_wait3A_255 = tpu.memref_slice %arg5[%dma_wait3A_253, %dma_wait3A_254] : memref<100000x16xf32, #tpu.memory_space<hbm>> -> memref<104x16xf32, #tpu.memory_space<hbm>>
      tpu.wait_dma2 semaphore(%arg17 : memref<!tpu.dma_semaphore, #tpu.memory_space<semaphore_mem>>) src(%dma_wait3A_255 : memref<104x16xf32, #tpu.memory_space<hbm>>) dst(%dma_wait3A_252 : memref<104x16xf32, #tpu.memory_space<vmem>>)
      %dma_wait3A_256 = arith.constant 104 : i32
      %dma_wait3A_257 = arith.constant 0 : i32
      %dma_wait3A_258 = tpu.memref_slice %arg11[%dma_wait3A_256, %dma_wait3A_257] : memref<208x128xbf16, #tpu.memory_space<vmem>> -> memref<96x128xbf16, #tpu.memory_space<vmem>>
      %dma_wait3A_259 = arith.constant 0 : i32
      %dma_wait3A_260 = arith.constant 0 : i32
      %dma_wait3A_261 = tpu.memref_slice %arg4[%dma_wait3A_259, %dma_wait3A_260] : memref<100000x128xbf16, #tpu.memory_space<hbm>> -> memref<96x128xbf16, #tpu.memory_space<hbm>>
      %dma_wait3A_262 = arith.constant 104 : i32
      %dma_wait3A_263 = arith.constant 0 : i32
      %dma_wait3A_264 = tpu.memref_slice %arg11[%dma_wait3A_262, %dma_wait3A_263] : memref<208x128xbf16, #tpu.memory_space<vmem>> -> memref<96x128xbf16, #tpu.memory_space<vmem>>
      %dma_wait3A_265 = arith.constant 0 : i32
      %dma_wait3A_266 = arith.constant 0 : i32
      %dma_wait3A_267 = tpu.memref_slice %arg4[%dma_wait3A_265, %dma_wait3A_266] : memref<100000x128xbf16, #tpu.memory_space<hbm>> -> memref<96x128xbf16, #tpu.memory_space<hbm>>
      tpu.wait_dma2 semaphore(%arg17 : memref<!tpu.dma_semaphore, #tpu.memory_space<semaphore_mem>>) src(%dma_wait3A_267 : memref<96x128xbf16, #tpu.memory_space<hbm>>) dst(%dma_wait3A_264 : memref<96x128xbf16, #tpu.memory_space<vmem>>)
      %dma_wait3A_268 = arith.constant 104 : i32
      %dma_wait3A_269 = arith.constant 0 : i32
      %dma_wait3A_270 = tpu.memref_slice %arg12[%dma_wait3A_268, %dma_wait3A_269] : memref<208x16xf32, #tpu.memory_space<vmem>> -> memref<96x16xf32, #tpu.memory_space<vmem>>
      %dma_wait3A_271 = arith.constant 0 : i32
      %dma_wait3A_272 = arith.constant 0 : i32
      %dma_wait3A_273 = tpu.memref_slice %arg5[%dma_wait3A_271, %dma_wait3A_272] : memref<100000x16xf32, #tpu.memory_space<hbm>> -> memref<96x16xf32, #tpu.memory_space<hbm>>
      %dma_wait3A_274 = arith.constant 104 : i32
      %dma_wait3A_275 = arith.constant 0 : i32
      %dma_wait3A_276 = tpu.memref_slice %arg12[%dma_wait3A_274, %dma_wait3A_275] : memref<208x16xf32, #tpu.memory_space<vmem>> -> memref<96x16xf32, #tpu.memory_space<vmem>>
      %dma_wait3A_277 = arith.constant 0 : i32
      %dma_wait3A_278 = arith.constant 0 : i32
      %dma_wait3A_279 = tpu.memref_slice %arg5[%dma_wait3A_277, %dma_wait3A_278] : memref<100000x16xf32, #tpu.memory_space<hbm>> -> memref<96x16xf32, #tpu.memory_space<hbm>>
      tpu.wait_dma2 semaphore(%arg17 : memref<!tpu.dma_semaphore, #tpu.memory_space<semaphore_mem>>) src(%dma_wait3A_279 : memref<96x16xf32, #tpu.memory_space<hbm>>) dst(%dma_wait3A_276 : memref<96x16xf32, #tpu.memory_space<vmem>>)
      %add3A_280 = arith.constant 1 : i32
      %add3A_281 = arith.addi %mul3A_50, %add3A_280 : i32
      %broadcast_in_dim3A_282 = vector.broadcast %add3A_281 : i32 to vector<16xi32>
      %mul3A_283 = arith.constant 2 : i32
      %mul3A_284 = vector.broadcast %mul3A_283 : i32 to vector<16xi32>
      %mul3A_285 = arith.muli %mul3A_284, %iota3A : vector<16xi32>
      %add3A_286 = arith.constant 0 : i32
      %add3A_287 = vector.broadcast %add3A_286 : i32 to vector<16xi32>
      %add3A_288 = arith.addi %add3A_287, %mul3A_285 : vector<16xi32>
      %gather3A_289 = tpu.vector_load_idx %arg8[%broadcast_in_dim3A_282, %add3A_288] : memref<32x128xf32, #tpu.memory_space<vmem>>[vector<16xi32>, vector<16xi32>], vector<16xf32>,
      %mul3A_290 = arith.constant 2 : i32
      %mul3A_291 = vector.broadcast %mul3A_290 : i32 to vector<16xi32>
      %mul3A_292 = arith.muli %mul3A_291, %iota3A : vector<16xi32>
      %add3A_293 = arith.constant 0 : i32
      %add3A_294 = vector.broadcast %add3A_293 : i32 to vector<16xi32>
      %add3A_295 = arith.addi %add3A_294, %mul3A_292 : vector<16xi32>
      %add3A_296 = arith.constant 1 : i32
      %add3A_297 = vector.broadcast %add3A_296 : i32 to vector<16xi32>
      %add3A_298 = arith.addi %add3A_295, %add3A_297 : vector<16xi32>
      %gather3A_299 = tpu.vector_load_idx %arg8[%broadcast_in_dim3A_282, %add3A_298] : memref<32x128xf32, #tpu.memory_space<vmem>>[vector<16xi32>, vector<16xi32>], vector<16xf32>,
      %mul3A_300 = arith.constant 2 : i32
      %mul3A_301 = vector.broadcast %mul3A_300 : i32 to vector<16xi32>
      %mul3A_302 = arith.muli %mul3A_301, %iota3A : vector<16xi32>
      %add3A_303 = arith.constant 32 : i32
      %add3A_304 = vector.broadcast %add3A_303 : i32 to vector<16xi32>
      %add3A_305 = arith.addi %add3A_304, %mul3A_302 : vector<16xi32>
      %gather3A_306 = tpu.vector_load_idx %arg8[%broadcast_in_dim3A_282, %add3A_305] : memref<32x128xf32, #tpu.memory_space<vmem>>[vector<16xi32>, vector<16xi32>], vector<16xf32>,
      %mul3A_307 = arith.constant 2 : i32
      %mul3A_308 = vector.broadcast %mul3A_307 : i32 to vector<16xi32>
      %mul3A_309 = arith.muli %mul3A_308, %iota3A : vector<16xi32>
      %add3A_310 = arith.constant 32 : i32
      %add3A_311 = vector.broadcast %add3A_310 : i32 to vector<16xi32>
      %add3A_312 = arith.addi %add3A_311, %mul3A_309 : vector<16xi32>
      %add3A_313 = arith.constant 1 : i32
      %add3A_314 = vector.broadcast %add3A_313 : i32 to vector<16xi32>
      %add3A_315 = arith.addi %add3A_312, %add3A_314 : vector<16xi32>
      %gather3A_316 = tpu.vector_load_idx %arg8[%broadcast_in_dim3A_282, %add3A_315] : memref<32x128xf32, #tpu.memory_space<vmem>>[vector<16xi32>, vector<16xi32>], vector<16xf32>,
      %mul3A_317 = arith.constant 2 : i32
      %mul3A_318 = vector.broadcast %mul3A_317 : i32 to vector<16xi32>
      %mul3A_319 = arith.muli %mul3A_318, %iota3A : vector<16xi32>
      %add3A_320 = arith.constant 64 : i32
      %add3A_321 = vector.broadcast %add3A_320 : i32 to vector<16xi32>
      %add3A_322 = arith.addi %add3A_321, %mul3A_319 : vector<16xi32>
      %gather3A_323 = tpu.vector_load_idx %arg8[%broadcast_in_dim3A_282, %add3A_322] : memref<32x128xf32, #tpu.memory_space<vmem>>[vector<16xi32>, vector<16xi32>], vector<16xf32>,
      %mul3A_324 = arith.constant 2 : i32
      %mul3A_325 = vector.broadcast %mul3A_324 : i32 to vector<16xi32>
      %mul3A_326 = arith.muli %mul3A_325, %iota3A : vector<16xi32>
      %add3A_327 = arith.constant 64 : i32
      %add3A_328 = vector.broadcast %add3A_327 : i32 to vector<16xi32>
      %add3A_329 = arith.addi %add3A_328, %mul3A_326 : vector<16xi32>
      %add3A_330 = arith.constant 1 : i32
      %add3A_331 = vector.broadcast %add3A_330 : i32 to vector<16xi32>
      %add3A_332 = arith.addi %add3A_329, %add3A_331 : vector<16xi32>
      %gather3A_333 = tpu.vector_load_idx %arg8[%broadcast_in_dim3A_282, %add3A_332] : memref<32x128xf32, #tpu.memory_space<vmem>>[vector<16xi32>, vector<16xi32>], vector<16xf32>,
      %mul3A_334 = arith.constant 2 : i32
      %mul3A_335 = vector.broadcast %mul3A_334 : i32 to vector<16xi32>
      %mul3A_336 = arith.muli %mul3A_335, %iota3A : vector<16xi32>
      %add3A_337 = arith.constant 96 : i32
      %add3A_338 = vector.broadcast %add3A_337 : i32 to vector<16xi32>
      %add3A_339 = arith.addi %add3A_338, %mul3A_336 : vector<16xi32>
      %gather3A_340 = tpu.vector_load_idx %arg8[%broadcast_in_dim3A_282, %add3A_339] : memref<32x128xf32, #tpu.memory_space<vmem>>[vector<16xi32>, vector<16xi32>], vector<16xf32>,
      %mul3A_341 = arith.constant 2 : i32
      %mul3A_342 = vector.broadcast %mul3A_341 : i32 to vector<16xi32>
      %mul3A_343 = arith.muli %mul3A_342, %iota3A : vector<16xi32>
      %add3A_344 = arith.constant 96 : i32
      %add3A_345 = vector.broadcast %add3A_344 : i32 to vector<16xi32>
      %add3A_346 = arith.addi %add3A_345, %mul3A_343 : vector<16xi32>
      %add3A_347 = arith.constant 1 : i32
      %add3A_348 = vector.broadcast %add3A_347 : i32 to vector<16xi32>
      %add3A_349 = arith.addi %add3A_346, %add3A_348 : vector<16xi32>
      %gather3A_350 = tpu.vector_load_idx %arg8[%broadcast_in_dim3A_282, %add3A_349] : memref<32x128xf32, #tpu.memory_space<vmem>>[vector<16xi32>, vector<16xi32>], vector<16xf32>,
      %scan3A_351 = arith.constant 0 : i32
      %scan3A_352 = arith.constant 13 : i32
      %scan3A_353 = arith.addi %scan3A_351, %scan3A_352 : i32
      %scan3A_354 = arith.constant 1 : i32
      %scan3A_355 = scf.for %scan3A_380 = %scan3A_351 to %scan3A_353 step %scan3A_354 iter_args(%scan3A_381 = %broadcast_in_dim3A_3) -> (vector<16xf32>)  : i32 {
        %mul3A_382 = arith.constant 16 : i32
        %mul3A_383 = arith.muli %scan3A_380, %mul3A_382 : i32
        %add3A_384 = arith.constant 0 : i32
        %add3A_385 = arith.addi %mul3A_383, %add3A_384 : i32
        %get3A = arith.index_cast %add3A_385 : i32 to index
        %get3A_386 = arith.constant 0 : index
        %get3A_387 = tpu.vector_load %arg11[%get3A, %get3A_386] {strides = array<i32>} : memref<208x128xbf16, #tpu.memory_space<vmem>>, vector<32xbf16>,
        %unpack3A = tpu.unpack_subelements %get3A_387, 0 {pack_format = #tpu.pack_format<interleaved>} : vector<32xbf16> -> vector<16xf32>
        %unpack3A_388 = tpu.unpack_subelements %get3A_387, 1 {pack_format = #tpu.pack_format<interleaved>} : vector<32xbf16> -> vector<16xf32>
        %sub3A = arith.subf %unpack3A, %gather3A_289 : vector<16xf32>
        %sub3A_389 = arith.subf %unpack3A_388, %gather3A_299 : vector<16xf32>
        %mul3A_390 = arith.mulf %sub3A, %sub3A : vector<16xf32>
        %add3A_391 = arith.addf %broadcast_in_dim3A_3, %mul3A_390 : vector<16xf32>
        %mul3A_392 = arith.mulf %sub3A_389, %sub3A_389 : vector<16xf32>
        %add3A_393 = arith.addf %broadcast_in_dim3A_3, %mul3A_392 : vector<16xf32>
        %get3A_394 = arith.index_cast %add3A_385 : i32 to index
        %get3A_395 = arith.constant 32 : index
        %get3A_396 = tpu.vector_load %arg11[%get3A_394, %get3A_395] {strides = array<i32>} : memref<208x128xbf16, #tpu.memory_space<vmem>>, vector<32xbf16>,
        %unpack3A_397 = tpu.unpack_subelements %get3A_396, 0 {pack_format = #tpu.pack_format<interleaved>} : vector<32xbf16> -> vector<16xf32>
        %unpack3A_398 = tpu.unpack_subelements %get3A_396, 1 {pack_format = #tpu.pack_format<interleaved>} : vector<32xbf16> -> vector<16xf32>
        %sub3A_399 = arith.subf %unpack3A_397, %gather3A_306 : vector<16xf32>
        %sub3A_400 = arith.subf %unpack3A_398, %gather3A_316 : vector<16xf32>
        %mul3A_401 = arith.mulf %sub3A_399, %sub3A_399 : vector<16xf32>
        %add3A_402 = arith.addf %broadcast_in_dim3A_3, %mul3A_401 : vector<16xf32>
        %mul3A_403 = arith.mulf %sub3A_400, %sub3A_400 : vector<16xf32>
        %add3A_404 = arith.addf %broadcast_in_dim3A_3, %mul3A_403 : vector<16xf32>
        %get3A_405 = arith.index_cast %add3A_385 : i32 to index
        %get3A_406 = arith.constant 64 : index
        %get3A_407 = tpu.vector_load %arg11[%get3A_405, %get3A_406] {strides = array<i32>} : memref<208x128xbf16, #tpu.memory_space<vmem>>, vector<32xbf16>,
        %unpack3A_408 = tpu.unpack_subelements %get3A_407, 0 {pack_format = #tpu.pack_format<interleaved>} : vector<32xbf16> -> vector<16xf32>
        %unpack3A_409 = tpu.unpack_subelements %get3A_407, 1 {pack_format = #tpu.pack_format<interleaved>} : vector<32xbf16> -> vector<16xf32>
        %sub3A_410 = arith.subf %unpack3A_408, %gather3A_323 : vector<16xf32>
        %sub3A_411 = arith.subf %unpack3A_409, %gather3A_333 : vector<16xf32>
        %mul3A_412 = arith.mulf %sub3A_410, %sub3A_410 : vector<16xf32>
        %add3A_413 = arith.addf %add3A_391, %mul3A_412 : vector<16xf32>
        %mul3A_414 = arith.mulf %sub3A_411, %sub3A_411 : vector<16xf32>
        %add3A_415 = arith.addf %add3A_393, %mul3A_414 : vector<16xf32>
        %get3A_416 = arith.index_cast %add3A_385 : i32 to index
        %get3A_417 = arith.constant 96 : index
        %get3A_418 = tpu.vector_load %arg11[%get3A_416, %get3A_417] {strides = array<i32>} : memref<208x128xbf16, #tpu.memory_space<vmem>>, vector<32xbf16>,
        %unpack3A_419 = tpu.unpack_subelements %get3A_418, 0 {pack_format = #tpu.pack_format<interleaved>} : vector<32xbf16> -> vector<16xf32>
        %unpack3A_420 = tpu.unpack_subelements %get3A_418, 1 {pack_format = #tpu.pack_format<interleaved>} : vector<32xbf16> -> vector<16xf32>
        %sub3A_421 = arith.subf %unpack3A_419, %gather3A_340 : vector<16xf32>
        %sub3A_422 = arith.subf %unpack3A_420, %gather3A_350 : vector<16xf32>
        %mul3A_423 = arith.mulf %sub3A_421, %sub3A_421 : vector<16xf32>
        %add3A_424 = arith.addf %add3A_402, %mul3A_423 : vector<16xf32>
        %mul3A_425 = arith.mulf %sub3A_422, %sub3A_422 : vector<16xf32>
        %add3A_426 = arith.addf %add3A_404, %mul3A_425 : vector<16xf32>
        %add3A_427 = arith.addf %add3A_413, %add3A_415 : vector<16xf32>
        %add3A_428 = arith.addf %add3A_424, %add3A_426 : vector<16xf32>
        %add3A_429 = arith.addf %add3A_427, %add3A_428 : vector<16xf32>
        %swap3A_430 = arith.constant 0 : i32
        %swap3A_431 = arith.index_cast %swap3A_430 : i32 to index
        %swap3A_432 = arith.constant 0 : index
        %swap3A_433 = tpu.vector_load %arg14[%swap3A_431, %swap3A_432] {strides = array<i32>} : memref<16x17xf32, #tpu.memory_space<vmem>>, vector<16xf32>,
        tpu.vector_store %arg14[%swap3A_431, %swap3A_432], %add3A_429 {strides = array<i32>} : memref<16x17xf32, #tpu.memory_space<vmem>>, vector<16xf32>,
        %mul3A_434 = arith.constant 16 : i32
        %mul3A_435 = arith.muli %scan3A_380, %mul3A_434 : i32
        %add3A_436 = arith.constant 1 : i32
        %add3A_437 = arith.addi %mul3A_435, %add3A_436 : i32
        %get3A_438 = arith.index_cast %add3A_437 : i32 to index
        %get3A_439 = arith.constant 0 : index
        %get3A_440 = tpu.vector_load %arg11[%get3A_438, %get3A_439] {strides = array<i32>} : memref<208x128xbf16, #tpu.memory_space<vmem>>, vector<32xbf16>,
        %unpack3A_441 = tpu.unpack_subelements %get3A_440, 0 {pack_format = #tpu.pack_format<interleaved>} : vector<32xbf16> -> vector<16xf32>
        %unpack3A_442 = tpu.unpack_subelements %get3A_440, 1 {pack_format = #tpu.pack_format<interleaved>} : vector<32xbf16> -> vector<16xf32>
        %sub3A_443 = arith.subf %unpack3A_441, %gather3A_289 : vector<16xf32>
        %sub3A_444 = arith.subf %unpack3A_442, %gather3A_299 : vector<16xf32>
        %mul3A_445 = arith.mulf %sub3A_443, %sub3A_443 : vector<16xf32>
        %add3A_446 = arith.addf %broadcast_in_dim3A_3, %mul3A_445 : vector<16xf32>
        %mul3A_447 = arith.mulf %sub3A_444, %sub3A_444 : vector<16xf32>
        %add3A_448 = arith.addf %broadcast_in_dim3A_3, %mul3A_447 : vector<16xf32>
        %get3A_449 = arith.index_cast %add3A_437 : i32 to index
        %get3A_450 = arith.constant 32 : index
        %get3A_451 = tpu.vector_load %arg11[%get3A_449, %get3A_450] {strides = array<i32>} : memref<208x128xbf16, #tpu.memory_space<vmem>>, vector<32xbf16>,
        %unpack3A_452 = tpu.unpack_subelements %get3A_451, 0 {pack_format = #tpu.pack_format<interleaved>} : vector<32xbf16> -> vector<16xf32>
        %unpack3A_453 = tpu.unpack_subelements %get3A_451, 1 {pack_format = #tpu.pack_format<interleaved>} : vector<32xbf16> -> vector<16xf32>
        %sub3A_454 = arith.subf %unpack3A_452, %gather3A_306 : vector<16xf32>
        %sub3A_455 = arith.subf %unpack3A_453, %gather3A_316 : vector<16xf32>
        %mul3A_456 = arith.mulf %sub3A_454, %sub3A_454 : vector<16xf32>
        %add3A_457 = arith.addf %broadcast_in_dim3A_3, %mul3A_456 : vector<16xf32>
        %mul3A_458 = arith.mulf %sub3A_455, %sub3A_455 : vector<16xf32>
        %add3A_459 = arith.addf %broadcast_in_dim3A_3, %mul3A_458 : vector<16xf32>
        %get3A_460 = arith.index_cast %add3A_437 : i32 to index
        %get3A_461 = arith.constant 64 : index
        %get3A_462 = tpu.vector_load %arg11[%get3A_460, %get3A_461] {strides = array<i32>} : memref<208x128xbf16, #tpu.memory_space<vmem>>, vector<32xbf16>,
        %unpack3A_463 = tpu.unpack_subelements %get3A_462, 0 {pack_format = #tpu.pack_format<interleaved>} : vector<32xbf16> -> vector<16xf32>
        %unpack3A_464 = tpu.unpack_subelements %get3A_462, 1 {pack_format = #tpu.pack_format<interleaved>} : vector<32xbf16> -> vector<16xf32>
        %sub3A_465 = arith.subf %unpack3A_463, %gather3A_323 : vector<16xf32>
        %sub3A_466 = arith.subf %unpack3A_464, %gather3A_333 : vector<16xf32>
        %mul3A_467 = arith.mulf %sub3A_465, %sub3A_465 : vector<16xf32>
        %add3A_468 = arith.addf %add3A_446, %mul3A_467 : vector<16xf32>
        %mul3A_469 = arith.mulf %sub3A_466, %sub3A_466 : vector<16xf32>
        %add3A_470 = arith.addf %add3A_448, %mul3A_469 : vector<16xf32>
        %get3A_471 = arith.index_cast %add3A_437 : i32 to index
        %get3A_472 = arith.constant 96 : index
        %get3A_473 = tpu.vector_load %arg11[%get3A_471, %get3A_472] {strides = array<i32>} : memref<208x128xbf16, #tpu.memory_space<vmem>>, vector<32xbf16>,
        %unpack3A_474 = tpu.unpack_subelements %get3A_473, 0 {pack_format = #tpu.pack_format<interleaved>} : vector<32xbf16> -> vector<16xf32>
        %unpack3A_475 = tpu.unpack_subelements %get3A_473, 1 {pack_format = #tpu.pack_format<interleaved>} : vector<32xbf16> -> vector<16xf32>
        %sub3A_476 = arith.subf %unpack3A_474, %gather3A_340 : vector<16xf32>
        %sub3A_477 = arith.subf %unpack3A_475, %gather3A_350 : vector<16xf32>
        %mul3A_478 = arith.mulf %sub3A_476, %sub3A_476 : vector<16xf32>
        %add3A_479 = arith.addf %add3A_457, %mul3A_478 : vector<16xf32>
        %mul3A_480 = arith.mulf %sub3A_477, %sub3A_477 : vector<16xf32>
        %add3A_481 = arith.addf %add3A_459, %mul3A_480 : vector<16xf32>
        %add3A_482 = arith.addf %add3A_468, %add3A_470 : vector<16xf32>
        %add3A_483 = arith.addf %add3A_479, %add3A_481 : vector<16xf32>
        %add3A_484 = arith.addf %add3A_482, %add3A_483 : vector<16xf32>
        %swap3A_485 = arith.constant 1 : i32
        %swap3A_486 = arith.index_cast %swap3A_485 : i32 to index
        %swap3A_487 = arith.constant 0 : index
        %swap3A_488 = tpu.vector_load %arg14[%swap3A_486, %swap3A_487] {strides = array<i32>} : memref<16x17xf32, #tpu.memory_space<vmem>>, vector<16xf32>,
        tpu.vector_store %arg14[%swap3A_486, %swap3A_487], %add3A_484 {strides = array<i32>} : memref<16x17xf32, #tpu.memory_space<vmem>>, vector<16xf32>,
        %mul3A_489 = arith.constant 16 : i32
        %mul3A_490 = arith.muli %scan3A_380, %mul3A_489 : i32
        %add3A_491 = arith.constant 2 : i32
        %add3A_492 = arith.addi %mul3A_490, %add3A_491 : i32
        %get3A_493 = arith.index_cast %add3A_492 : i32 to index
        %get3A_494 = arith.constant 0 : index
        %get3A_495 = tpu.vector_load %arg11[%get3A_493, %get3A_494] {strides = array<i32>} : memref<208x128xbf16, #tpu.memory_space<vmem>>, vector<32xbf16>,
        %unpack3A_496 = tpu.unpack_subelements %get3A_495, 0 {pack_format = #tpu.pack_format<interleaved>} : vector<32xbf16> -> vector<16xf32>
        %unpack3A_497 = tpu.unpack_subelements %get3A_495, 1 {pack_format = #tpu.pack_format<interleaved>} : vector<32xbf16> -> vector<16xf32>
        %sub3A_498 = arith.subf %unpack3A_496, %gather3A_289 : vector<16xf32>
        %sub3A_499 = arith.subf %unpack3A_497, %gather3A_299 : vector<16xf32>
        %mul3A_500 = arith.mulf %sub3A_498, %sub3A_498 : vector<16xf32>
        %add3A_501 = arith.addf %broadcast_in_dim3A_3, %mul3A_500 : vector<16xf32>
        %mul3A_502 = arith.mulf %sub3A_499, %sub3A_499 : vector<16xf32>
        %add3A_503 = arith.addf %broadcast_in_dim3A_3, %mul3A_502 : vector<16xf32>
        %get3A_504 = arith.index_cast %add3A_492 : i32 to index
        %get3A_505 = arith.constant 32 : index
        %get3A_506 = tpu.vector_load %arg11[%get3A_504, %get3A_505] {strides = array<i32>} : memref<208x128xbf16, #tpu.memory_space<vmem>>, vector<32xbf16>,
        %unpack3A_507 = tpu.unpack_subelements %get3A_506, 0 {pack_format = #tpu.pack_format<interleaved>} : vector<32xbf16> -> vector<16xf32>
        %unpack3A_508 = tpu.unpack_subelements %get3A_506, 1 {pack_format = #tpu.pack_format<interleaved>} : vector<32xbf16> -> vector<16xf32>
        %sub3A_509 = arith.subf %unpack3A_507, %gather3A_306 : vector<16xf32>
        %sub3A_510 = arith.subf %unpack3A_508, %gather3A_316 : vector<16xf32>
        %mul3A_511 = arith.mulf %sub3A_509, %sub3A_509 : vector<16xf32>
        %add3A_512 = arith.addf %broadcast_in_dim3A_3, %mul3A_511 : vector<16xf32>
        %mul3A_513 = arith.mulf %sub3A_510, %sub3A_510 : vector<16xf32>
        %add3A_514 = arith.addf %broadcast_in_dim3A_3, %mul3A_513 : vector<16xf32>
        %get3A_515 = arith.index_cast %add3A_492 : i32 to index
        %get3A_516 = arith.constant 64 : index
        %get3A_517 = tpu.vector_load %arg11[%get3A_515, %get3A_516] {strides = array<i32>} : memref<208x128xbf16, #tpu.memory_space<vmem>>, vector<32xbf16>,
        %unpack3A_518 = tpu.unpack_subelements %get3A_517, 0 {pack_format = #tpu.pack_format<interleaved>} : vector<32xbf16> -> vector<16xf32>
        %unpack3A_519 = tpu.unpack_subelements %get3A_517, 1 {pack_format = #tpu.pack_format<interleaved>} : vector<32xbf16> -> vector<16xf32>
        %sub3A_520 = arith.subf %unpack3A_518, %gather3A_323 : vector<16xf32>
        %sub3A_521 = arith.subf %unpack3A_519, %gather3A_333 : vector<16xf32>
        %mul3A_522 = arith.mulf %sub3A_520, %sub3A_520 : vector<16xf32>
        %add3A_523 = arith.addf %add3A_501, %mul3A_522 : vector<16xf32>
        %mul3A_524 = arith.mulf %sub3A_521, %sub3A_521 : vector<16xf32>
        %add3A_525 = arith.addf %add3A_503, %mul3A_524 : vector<16xf32>
        %get3A_526 = arith.index_cast %add3A_492 : i32 to index
        %get3A_527 = arith.constant 96 : index
        %get3A_528 = tpu.vector_load %arg11[%get3A_526, %get3A_527] {strides = array<i32>} : memref<208x128xbf16, #tpu.memory_space<vmem>>, vector<32xbf16>,
        %unpack3A_529 = tpu.unpack_subelements %get3A_528, 0 {pack_format = #tpu.pack_format<interleaved>} : vector<32xbf16> -> vector<16xf32>
        %unpack3A_530 = tpu.unpack_subelements %get3A_528, 1 {pack_format = #tpu.pack_format<interleaved>} : vector<32xbf16> -> vector<16xf32>
        %sub3A_531 = arith.subf %unpack3A_529, %gather3A_340 : vector<16xf32>
        %sub3A_532 = arith.subf %unpack3A_530, %gather3A_350 : vector<16xf32>
        %mul3A_533 = arith.mulf %sub3A_531, %sub3A_531 : vector<16xf32>
        %add3A_534 = arith.addf %add3A_512, %mul3A_533 : vector<16xf32>
        %mul3A_535 = arith.mulf %sub3A_532, %sub3A_532 : vector<16xf32>
        %add3A_536 = arith.addf %add3A_514, %mul3A_535 : vector<16xf32>
        %add3A_537 = arith.addf %add3A_523, %add3A_525 : vector<16xf32>
        %add3A_538 = arith.addf %add3A_534, %add3A_536 : vector<16xf32>
        %add3A_539 = arith.addf %add3A_537, %add3A_538 : vector<16xf32>
        %swap3A_540 = arith.constant 2 : i32
        %swap3A_541 = arith.index_cast %swap3A_540 : i32 to index
        %swap3A_542 = arith.constant 0 : index
        %swap3A_543 = tpu.vector_load %arg14[%swap3A_541, %swap3A_542] {strides = array<i32>} : memref<16x17xf32, #tpu.memory_space<vmem>>, vector<16xf32>,
        tpu.vector_store %arg14[%swap3A_541, %swap3A_542], %add3A_539 {strides = array<i32>} : memref<16x17xf32, #tpu.memory_space<vmem>>, vector<16xf32>,
        %mul3A_544 = arith.constant 16 : i32
        %mul3A_545 = arith.muli %scan3A_380, %mul3A_544 : i32
        %add3A_546 = arith.constant 3 : i32
        %add3A_547 = arith.addi %mul3A_545, %add3A_546 : i32
        %get3A_548 = arith.index_cast %add3A_547 : i32 to index
        %get3A_549 = arith.constant 0 : index
        %get3A_550 = tpu.vector_load %arg11[%get3A_548, %get3A_549] {strides = array<i32>} : memref<208x128xbf16, #tpu.memory_space<vmem>>, vector<32xbf16>,
        %unpack3A_551 = tpu.unpack_subelements %get3A_550, 0 {pack_format = #tpu.pack_format<interleaved>} : vector<32xbf16> -> vector<16xf32>
        %unpack3A_552 = tpu.unpack_subelements %get3A_550, 1 {pack_format = #tpu.pack_format<interleaved>} : vector<32xbf16> -> vector<16xf32>
        %sub3A_553 = arith.subf %unpack3A_551, %gather3A_289 : vector<16xf32>
        %sub3A_554 = arith.subf %unpack3A_552, %gather3A_299 : vector<16xf32>
        %mul3A_555 = arith.mulf %sub3A_553, %sub3A_553 : vector<16xf32>
        %add3A_556 = arith.addf %broadcast_in_dim3A_3, %mul3A_555 : vector<16xf32>
        %mul3A_557 = arith.mulf %sub3A_554, %sub3A_554 : vector<16xf32>
        %add3A_558 = arith.addf %broadcast_in_dim3A_3, %mul3A_557 : vector<16xf32>
        %get3A_559 = arith.index_cast %add3A_547 : i32 to index
        %get3A_560 = arith.constant 32 : index
        %get3A_561 = tpu.vector_load %arg11[%get3A_559, %get3A_560] {strides = array<i32>} : memref<208x128xbf16, #tpu.memory_space<vmem>>, vector<32xbf16>,
        %unpack3A_562 = tpu.unpack_subelements %get3A_561, 0 {pack_format = #tpu.pack_format<interleaved>} : vector<32xbf16> -> vector<16xf32>
        %unpack3A_563 = tpu.unpack_subelements %get3A_561, 1 {pack_format = #tpu.pack_format<interleaved>} : vector<32xbf16> -> vector<16xf32>
        %sub3A_564 = arith.subf %unpack3A_562, %gather3A_306 : vector<16xf32>
        %sub3A_565 = arith.subf %unpack3A_563, %gather3A_316 : vector<16xf32>
        %mul3A_566 = arith.mulf %sub3A_564, %sub3A_564 : vector<16xf32>
        %add3A_567 = arith.addf %broadcast_in_dim3A_3, %mul3A_566 : vector<16xf32>
        %mul3A_568 = arith.mulf %sub3A_565, %sub3A_565 : vector<16xf32>
        %add3A_569 = arith.addf %broadcast_in_dim3A_3, %mul3A_568 : vector<16xf32>
        %get3A_570 = arith.index_cast %add3A_547 : i32 to index
        %get3A_571 = arith.constant 64 : index
        %get3A_572 = tpu.vector_load %arg11[%get3A_570, %get3A_571] {strides = array<i32>} : memref<208x128xbf16, #tpu.memory_space<vmem>>, vector<32xbf16>,
        %unpack3A_573 = tpu.unpack_subelements %get3A_572, 0 {pack_format = #tpu.pack_format<interleaved>} : vector<32xbf16> -> vector<16xf32>
        %unpack3A_574 = tpu.unpack_subelements %get3A_572, 1 {pack_format = #tpu.pack_format<interleaved>} : vector<32xbf16> -> vector<16xf32>
        %sub3A_575 = arith.subf %unpack3A_573, %gather3A_323 : vector<16xf32>
        %sub3A_576 = arith.subf %unpack3A_574, %gather3A_333 : vector<16xf32>
        %mul3A_577 = arith.mulf %sub3A_575, %sub3A_575 : vector<16xf32>
        %add3A_578 = arith.addf %add3A_556, %mul3A_577 : vector<16xf32>
        %mul3A_579 = arith.mulf %sub3A_576, %sub3A_576 : vector<16xf32>
        %add3A_580 = arith.addf %add3A_558, %mul3A_579 : vector<16xf32>
        %get3A_581 = arith.index_cast %add3A_547 : i32 to index
        %get3A_582 = arith.constant 96 : index
        %get3A_583 = tpu.vector_load %arg11[%get3A_581, %get3A_582] {strides = array<i32>} : memref<208x128xbf16, #tpu.memory_space<vmem>>, vector<32xbf16>,
        %unpack3A_584 = tpu.unpack_subelements %get3A_583, 0 {pack_format = #tpu.pack_format<interleaved>} : vector<32xbf16> -> vector<16xf32>
        %unpack3A_585 = tpu.unpack_subelements %get3A_583, 1 {pack_format = #tpu.pack_format<interleaved>} : vector<32xbf16> -> vector<16xf32>
        %sub3A_586 = arith.subf %unpack3A_584, %gather3A_340 : vector<16xf32>
        %sub3A_587 = arith.subf %unpack3A_585, %gather3A_350 : vector<16xf32>
        %mul3A_588 = arith.mulf %sub3A_586, %sub3A_586 : vector<16xf32>
        %add3A_589 = arith.addf %add3A_567, %mul3A_588 : vector<16xf32>
        %mul3A_590 = arith.mulf %sub3A_587, %sub3A_587 : vector<16xf32>
        %add3A_591 = arith.addf %add3A_569, %mul3A_590 : vector<16xf32>
        %add3A_592 = arith.addf %add3A_578, %add3A_580 : vector<16xf32>
        %add3A_593 = arith.addf %add3A_589, %add3A_591 : vector<16xf32>
        %add3A_594 = arith.addf %add3A_592, %add3A_593 : vector<16xf32>
        %swap3A_595 = arith.constant 3 : i32
        %swap3A_596 = arith.index_cast %swap3A_595 : i32 to index
        %swap3A_597 = arith.constant 0 : index
        %swap3A_598 = tpu.vector_load %arg14[%swap3A_596, %swap3A_597] {strides = array<i32>} : memref<16x17xf32, #tpu.memory_space<vmem>>, vector<16xf32>,
        tpu.vector_store %arg14[%swap3A_596, %swap3A_597], %add3A_594 {strides = array<i32>} : memref<16x17xf32, #tpu.memory_space<vmem>>, vector<16xf32>,
        %mul3A_599 = arith.constant 16 : i32
        %mul3A_600 = arith.muli %scan3A_380, %mul3A_599 : i32
        %add3A_601 = arith.constant 4 : i32
        %add3A_602 = arith.addi %mul3A_600, %add3A_601 : i32
        %get3A_603 = arith.index_cast %add3A_602 : i32 to index
        %get3A_604 = arith.constant 0 : index
        %get3A_605 = tpu.vector_load %arg11[%get3A_603, %get3A_604] {strides = array<i32>} : memref<208x128xbf16, #tpu.memory_space<vmem>>, vector<32xbf16>,
        %unpack3A_606 = tpu.unpack_subelements %get3A_605, 0 {pack_format = #tpu.pack_format<interleaved>} : vector<32xbf16> -> vector<16xf32>
        %unpack3A_607 = tpu.unpack_subelements %get3A_605, 1 {pack_format = #tpu.pack_format<interleaved>} : vector<32xbf16> -> vector<16xf32>
        %sub3A_608 = arith.subf %unpack3A_606, %gather3A_289 : vector<16xf32>
        %sub3A_609 = arith.subf %unpack3A_607, %gather3A_299 : vector<16xf32>
        %mul3A_610 = arith.mulf %sub3A_608, %sub3A_608 : vector<16xf32>
        %add3A_611 = arith.addf %broadcast_in_dim3A_3, %mul3A_610 : vector<16xf32>
        %mul3A_612 = arith.mulf %sub3A_609, %sub3A_609 : vector<16xf32>
        %add3A_613 = arith.addf %broadcast_in_dim3A_3, %mul3A_612 : vector<16xf32>
        %get3A_614 = arith.index_cast %add3A_602 : i32 to index
        %get3A_615 = arith.constant 32 : index
        %get3A_616 = tpu.vector_load %arg11[%get3A_614, %get3A_615] {strides = array<i32>} : memref<208x128xbf16, #tpu.memory_space<vmem>>, vector<32xbf16>,
        %unpack3A_617 = tpu.unpack_subelements %get3A_616, 0 {pack_format = #tpu.pack_format<interleaved>} : vector<32xbf16> -> vector<16xf32>
        %unpack3A_618 = tpu.unpack_subelements %get3A_616, 1 {pack_format = #tpu.pack_format<interleaved>} : vector<32xbf16> -> vector<16xf32>
        %sub3A_619 = arith.subf %unpack3A_617, %gather3A_306 : vector<16xf32>
        %sub3A_620 = arith.subf %unpack3A_618, %gather3A_316 : vector<16xf32>
        %mul3A_621 = arith.mulf %sub3A_619, %sub3A_619 : vector<16xf32>
        %add3A_622 = arith.addf %broadcast_in_dim3A_3, %mul3A_621 : vector<16xf32>
        %mul3A_623 = arith.mulf %sub3A_620, %sub3A_620 : vector<16xf32>
        %add3A_624 = arith.addf %broadcast_in_dim3A_3, %mul3A_623 : vector<16xf32>
        %get3A_625 = arith.index_cast %add3A_602 : i32 to index
        %get3A_626 = arith.constant 64 : index
        %get3A_627 = tpu.vector_load %arg11[%get3A_625, %get3A_626] {strides = array<i32>} : memref<208x128xbf16, #tpu.memory_space<vmem>>, vector<32xbf16>,
        %unpack3A_628 = tpu.unpack_subelements %get3A_627, 0 {pack_format = #tpu.pack_format<interleaved>} : vector<32xbf16> -> vector<16xf32>
        %unpack3A_629 = tpu.unpack_subelements %get3A_627, 1 {pack_format = #tpu.pack_format<interleaved>} : vector<32xbf16> -> vector<16xf32>
        %sub3A_630 = arith.subf %unpack3A_628, %gather3A_323 : vector<16xf32>
        %sub3A_631 = arith.subf %unpack3A_629, %gather3A_333 : vector<16xf32>
        %mul3A_632 = arith.mulf %sub3A_630, %sub3A_630 : vector<16xf32>
        %add3A_633 = arith.addf %add3A_611, %mul3A_632 : vector<16xf32>
        %mul3A_634 = arith.mulf %sub3A_631, %sub3A_631 : vector<16xf32>
        %add3A_635 = arith.addf %add3A_613, %mul3A_634 : vector<16xf32>
        %get3A_636 = arith.index_cast %add3A_602 : i32 to index
        %get3A_637 = arith.constant 96 : index
        %get3A_638 = tpu.vector_load %arg11[%get3A_636, %get3A_637] {strides = array<i32>} : memref<208x128xbf16, #tpu.memory_space<vmem>>, vector<32xbf16>,
        %unpack3A_639 = tpu.unpack_subelements %get3A_638, 0 {pack_format = #tpu.pack_format<interleaved>} : vector<32xbf16> -> vector<16xf32>
        %unpack3A_640 = tpu.unpack_subelements %get3A_638, 1 {pack_format = #tpu.pack_format<interleaved>} : vector<32xbf16> -> vector<16xf32>
        %sub3A_641 = arith.subf %unpack3A_639, %gather3A_340 : vector<16xf32>
        %sub3A_642 = arith.subf %unpack3A_640, %gather3A_350 : vector<16xf32>
        %mul3A_643 = arith.mulf %sub3A_641, %sub3A_641 : vector<16xf32>
        %add3A_644 = arith.addf %add3A_622, %mul3A_643 : vector<16xf32>
        %mul3A_645 = arith.mulf %sub3A_642, %sub3A_642 : vector<16xf32>
        %add3A_646 = arith.addf %add3A_624, %mul3A_645 : vector<16xf32>
        %add3A_647 = arith.addf %add3A_633, %add3A_635 : vector<16xf32>
        %add3A_648 = arith.addf %add3A_644, %add3A_646 : vector<16xf32>
        %add3A_649 = arith.addf %add3A_647, %add3A_648 : vector<16xf32>
        %swap3A_650 = arith.constant 4 : i32
        %swap3A_651 = arith.index_cast %swap3A_650 : i32 to index
        %swap3A_652 = arith.constant 0 : index
        %swap3A_653 = tpu.vector_load %arg14[%swap3A_651, %swap3A_652] {strides = array<i32>} : memref<16x17xf32, #tpu.memory_space<vmem>>, vector<16xf32>,
        tpu.vector_store %arg14[%swap3A_651, %swap3A_652], %add3A_649 {strides = array<i32>} : memref<16x17xf32, #tpu.memory_space<vmem>>, vector<16xf32>,
        %mul3A_654 = arith.constant 16 : i32
        %mul3A_655 = arith.muli %scan3A_380, %mul3A_654 : i32
        %add3A_656 = arith.constant 5 : i32
        %add3A_657 = arith.addi %mul3A_655, %add3A_656 : i32
        %get3A_658 = arith.index_cast %add3A_657 : i32 to index
        %get3A_659 = arith.constant 0 : index
        %get3A_660 = tpu.vector_load %arg11[%get3A_658, %get3A_659] {strides = array<i32>} : memref<208x128xbf16, #tpu.memory_space<vmem>>, vector<32xbf16>,
        %unpack3A_661 = tpu.unpack_subelements %get3A_660, 0 {pack_format = #tpu.pack_format<interleaved>} : vector<32xbf16> -> vector<16xf32>
        %unpack3A_662 = tpu.unpack_subelements %get3A_660, 1 {pack_format = #tpu.pack_format<interleaved>} : vector<32xbf16> -> vector<16xf32>
        %sub3A_663 = arith.subf %unpack3A_661, %gather3A_289 : vector<16xf32>
        %sub3A_664 = arith.subf %unpack3A_662, %gather3A_299 : vector<16xf32>
        %mul3A_665 = arith.mulf %sub3A_663, %sub3A_663 : vector<16xf32>
        %add3A_666 = arith.addf %broadcast_in_dim3A_3, %mul3A_665 : vector<16xf32>
        %mul3A_667 = arith.mulf %sub3A_664, %sub3A_664 : vector<16xf32>
        %add3A_668 = arith.addf %broadcast_in_dim3A_3, %mul3A_667 : vector<16xf32>
        %get3A_669 = arith.index_cast %add3A_657 : i32 to index
        %get3A_670 = arith.constant 32 : index
        %get3A_671 = tpu.vector_load %arg11[%get3A_669, %get3A_670] {strides = array<i32>} : memref<208x128xbf16, #tpu.memory_space<vmem>>, vector<32xbf16>,
        %unpack3A_672 = tpu.unpack_subelements %get3A_671, 0 {pack_format = #tpu.pack_format<interleaved>} : vector<32xbf16> -> vector<16xf32>
        %unpack3A_673 = tpu.unpack_subelements %get3A_671, 1 {pack_format = #tpu.pack_format<interleaved>} : vector<32xbf16> -> vector<16xf32>
        %sub3A_674 = arith.subf %unpack3A_672, %gather3A_306 : vector<16xf32>
        %sub3A_675 = arith.subf %unpack3A_673, %gather3A_316 : vector<16xf32>
        %mul3A_676 = arith.mulf %sub3A_674, %sub3A_674 : vector<16xf32>
        %add3A_677 = arith.addf %broadcast_in_dim3A_3, %mul3A_676 : vector<16xf32>
        %mul3A_678 = arith.mulf %sub3A_675, %sub3A_675 : vector<16xf32>
        %add3A_679 = arith.addf %broadcast_in_dim3A_3, %mul3A_678 : vector<16xf32>
        %get3A_680 = arith.index_cast %add3A_657 : i32 to index
        %get3A_681 = arith.constant 64 : index
        %get3A_682 = tpu.vector_load %arg11[%get3A_680, %get3A_681] {strides = array<i32>} : memref<208x128xbf16, #tpu.memory_space<vmem>>, vector<32xbf16>,
        %unpack3A_683 = tpu.unpack_subelements %get3A_682, 0 {pack_format = #tpu.pack_format<interleaved>} : vector<32xbf16> -> vector<16xf32>
        %unpack3A_684 = tpu.unpack_subelements %get3A_682, 1 {pack_format = #tpu.pack_format<interleaved>} : vector<32xbf16> -> vector<16xf32>
        %sub3A_685 = arith.subf %unpack3A_683, %gather3A_323 : vector<16xf32>
        %sub3A_686 = arith.subf %unpack3A_684, %gather3A_333 : vector<16xf32>
        %mul3A_687 = arith.mulf %sub3A_685, %sub3A_685 : vector<16xf32>
        %add3A_688 = arith.addf %add3A_666, %mul3A_687 : vector<16xf32>
        %mul3A_689 = arith.mulf %sub3A_686, %sub3A_686 : vector<16xf32>
        %add3A_690 = arith.addf %add3A_668, %mul3A_689 : vector<16xf32>
        %get3A_691 = arith.index_cast %add3A_657 : i32 to index
        %get3A_692 = arith.constant 96 : index
        %get3A_693 = tpu.vector_load %arg11[%get3A_691, %get3A_692] {strides = array<i32>} : memref<208x128xbf16, #tpu.memory_space<vmem>>, vector<32xbf16>,
        %unpack3A_694 = tpu.unpack_subelements %get3A_693, 0 {pack_format = #tpu.pack_format<interleaved>} : vector<32xbf16> -> vector<16xf32>
        %unpack3A_695 = tpu.unpack_subelements %get3A_693, 1 {pack_format = #tpu.pack_format<interleaved>} : vector<32xbf16> -> vector<16xf32>
        %sub3A_696 = arith.subf %unpack3A_694, %gather3A_340 : vector<16xf32>
        %sub3A_697 = arith.subf %unpack3A_695, %gather3A_350 : vector<16xf32>
        %mul3A_698 = arith.mulf %sub3A_696, %sub3A_696 : vector<16xf32>
        %add3A_699 = arith.addf %add3A_677, %mul3A_698 : vector<16xf32>
        %mul3A_700 = arith.mulf %sub3A_697, %sub3A_697 : vector<16xf32>
        %add3A_701 = arith.addf %add3A_679, %mul3A_700 : vector<16xf32>
        %add3A_702 = arith.addf %add3A_688, %add3A_690 : vector<16xf32>
        %add3A_703 = arith.addf %add3A_699, %add3A_701 : vector<16xf32>
        %add3A_704 = arith.addf %add3A_702, %add3A_703 : vector<16xf32>
        %swap3A_705 = arith.constant 5 : i32
        %swap3A_706 = arith.index_cast %swap3A_705 : i32 to index
        %swap3A_707 = arith.constant 0 : index
        %swap3A_708 = tpu.vector_load %arg14[%swap3A_706, %swap3A_707] {strides = array<i32>} : memref<16x17xf32, #tpu.memory_space<vmem>>, vector<16xf32>,
        tpu.vector_store %arg14[%swap3A_706, %swap3A_707], %add3A_704 {strides = array<i32>} : memref<16x17xf32, #tpu.memory_space<vmem>>, vector<16xf32>,
        %mul3A_709 = arith.constant 16 : i32
        %mul3A_710 = arith.muli %scan3A_380, %mul3A_709 : i32
        %add3A_711 = arith.constant 6 : i32
        %add3A_712 = arith.addi %mul3A_710, %add3A_711 : i32
        %get3A_713 = arith.index_cast %add3A_712 : i32 to index
        %get3A_714 = arith.constant 0 : index
        %get3A_715 = tpu.vector_load %arg11[%get3A_713, %get3A_714] {strides = array<i32>} : memref<208x128xbf16, #tpu.memory_space<vmem>>, vector<32xbf16>,
        %unpack3A_716 = tpu.unpack_subelements %get3A_715, 0 {pack_format = #tpu.pack_format<interleaved>} : vector<32xbf16> -> vector<16xf32>
        %unpack3A_717 = tpu.unpack_subelements %get3A_715, 1 {pack_format = #tpu.pack_format<interleaved>} : vector<32xbf16> -> vector<16xf32>
        %sub3A_718 = arith.subf %unpack3A_716, %gather3A_289 : vector<16xf32>
        %sub3A_719 = arith.subf %unpack3A_717, %gather3A_299 : vector<16xf32>
        %mul3A_720 = arith.mulf %sub3A_718, %sub3A_718 : vector<16xf32>
        %add3A_721 = arith.addf %broadcast_in_dim3A_3, %mul3A_720 : vector<16xf32>
        %mul3A_722 = arith.mulf %sub3A_719, %sub3A_719 : vector<16xf32>
        %add3A_723 = arith.addf %broadcast_in_dim3A_3, %mul3A_722 : vector<16xf32>
        %get3A_724 = arith.index_cast %add3A_712 : i32 to index
        %get3A_725 = arith.constant 32 : index
        %get3A_726 = tpu.vector_load %arg11[%get3A_724, %get3A_725] {strides = array<i32>} : memref<208x128xbf16, #tpu.memory_space<vmem>>, vector<32xbf16>,
        %unpack3A_727 = tpu.unpack_subelements %get3A_726, 0 {pack_format = #tpu.pack_format<interleaved>} : vector<32xbf16> -> vector<16xf32>
        %unpack3A_728 = tpu.unpack_subelements %get3A_726, 1 {pack_format = #tpu.pack_format<interleaved>} : vector<32xbf16> -> vector<16xf32>
        %sub3A_729 = arith.subf %unpack3A_727, %gather3A_306 : vector<16xf32>
        %sub3A_730 = arith.subf %unpack3A_728, %gather3A_316 : vector<16xf32>
        %mul3A_731 = arith.mulf %sub3A_729, %sub3A_729 : vector<16xf32>
        %add3A_732 = arith.addf %broadcast_in_dim3A_3, %mul3A_731 : vector<16xf32>
        %mul3A_733 = arith.mulf %sub3A_730, %sub3A_730 : vector<16xf32>
        %add3A_734 = arith.addf %broadcast_in_dim3A_3, %mul3A_733 : vector<16xf32>
        %get3A_735 = arith.index_cast %add3A_712 : i32 to index
        %get3A_736 = arith.constant 64 : index
        %get3A_737 = tpu.vector_load %arg11[%get3A_735, %get3A_736] {strides = array<i32>} : memref<208x128xbf16, #tpu.memory_space<vmem>>, vector<32xbf16>,
        %unpack3A_738 = tpu.unpack_subelements %get3A_737, 0 {pack_format = #tpu.pack_format<interleaved>} : vector<32xbf16> -> vector<16xf32>
        %unpack3A_739 = tpu.unpack_subelements %get3A_737, 1 {pack_format = #tpu.pack_format<interleaved>} : vector<32xbf16> -> vector<16xf32>
        %sub3A_740 = arith.subf %unpack3A_738, %gather3A_323 : vector<16xf32>
        %sub3A_741 = arith.subf %unpack3A_739, %gather3A_333 : vector<16xf32>
        %mul3A_742 = arith.mulf %sub3A_740, %sub3A_740 : vector<16xf32>
        %add3A_743 = arith.addf %add3A_721, %mul3A_742 : vector<16xf32>
        %mul3A_744 = arith.mulf %sub3A_741, %sub3A_741 : vector<16xf32>
        %add3A_745 = arith.addf %add3A_723, %mul3A_744 : vector<16xf32>
        %get3A_746 = arith.index_cast %add3A_712 : i32 to index
        %get3A_747 = arith.constant 96 : index
        %get3A_748 = tpu.vector_load %arg11[%get3A_746, %get3A_747] {strides = array<i32>} : memref<208x128xbf16, #tpu.memory_space<vmem>>, vector<32xbf16>,
        %unpack3A_749 = tpu.unpack_subelements %get3A_748, 0 {pack_format = #tpu.pack_format<interleaved>} : vector<32xbf16> -> vector<16xf32>
        %unpack3A_750 = tpu.unpack_subelements %get3A_748, 1 {pack_format = #tpu.pack_format<interleaved>} : vector<32xbf16> -> vector<16xf32>
        %sub3A_751 = arith.subf %unpack3A_749, %gather3A_340 : vector<16xf32>
        %sub3A_752 = arith.subf %unpack3A_750, %gather3A_350 : vector<16xf32>
        %mul3A_753 = arith.mulf %sub3A_751, %sub3A_751 : vector<16xf32>
        %add3A_754 = arith.addf %add3A_732, %mul3A_753 : vector<16xf32>
        %mul3A_755 = arith.mulf %sub3A_752, %sub3A_752 : vector<16xf32>
        %add3A_756 = arith.addf %add3A_734, %mul3A_755 : vector<16xf32>
        %add3A_757 = arith.addf %add3A_743, %add3A_745 : vector<16xf32>
        %add3A_758 = arith.addf %add3A_754, %add3A_756 : vector<16xf32>
        %add3A_759 = arith.addf %add3A_757, %add3A_758 : vector<16xf32>
        %swap3A_760 = arith.constant 6 : i32
        %swap3A_761 = arith.index_cast %swap3A_760 : i32 to index
        %swap3A_762 = arith.constant 0 : index
        %swap3A_763 = tpu.vector_load %arg14[%swap3A_761, %swap3A_762] {strides = array<i32>} : memref<16x17xf32, #tpu.memory_space<vmem>>, vector<16xf32>,
        tpu.vector_store %arg14[%swap3A_761, %swap3A_762], %add3A_759 {strides = array<i32>} : memref<16x17xf32, #tpu.memory_space<vmem>>, vector<16xf32>,
        %mul3A_764 = arith.constant 16 : i32
        %mul3A_765 = arith.muli %scan3A_380, %mul3A_764 : i32
        %add3A_766 = arith.constant 7 : i32
        %add3A_767 = arith.addi %mul3A_765, %add3A_766 : i32
        %get3A_768 = arith.index_cast %add3A_767 : i32 to index
        %get3A_769 = arith.constant 0 : index
        %get3A_770 = tpu.vector_load %arg11[%get3A_768, %get3A_769] {strides = array<i32>} : memref<208x128xbf16, #tpu.memory_space<vmem>>, vector<32xbf16>,
        %unpack3A_771 = tpu.unpack_subelements %get3A_770, 0 {pack_format = #tpu.pack_format<interleaved>} : vector<32xbf16> -> vector<16xf32>
        %unpack3A_772 = tpu.unpack_subelements %get3A_770, 1 {pack_format = #tpu.pack_format<interleaved>} : vector<32xbf16> -> vector<16xf32>
        %sub3A_773 = arith.subf %unpack3A_771, %gather3A_289 : vector<16xf32>
        %sub3A_774 = arith.subf %unpack3A_772, %gather3A_299 : vector<16xf32>
        %mul3A_775 = arith.mulf %sub3A_773, %sub3A_773 : vector<16xf32>
        %add3A_776 = arith.addf %broadcast_in_dim3A_3, %mul3A_775 : vector<16xf32>
        %mul3A_777 = arith.mulf %sub3A_774, %sub3A_774 : vector<16xf32>
        %add3A_778 = arith.addf %broadcast_in_dim3A_3, %mul3A_777 : vector<16xf32>
        %get3A_779 = arith.index_cast %add3A_767 : i32 to index
        %get3A_780 = arith.constant 32 : index
        %get3A_781 = tpu.vector_load %arg11[%get3A_779, %get3A_780] {strides = array<i32>} : memref<208x128xbf16, #tpu.memory_space<vmem>>, vector<32xbf16>,
        %unpack3A_782 = tpu.unpack_subelements %get3A_781, 0 {pack_format = #tpu.pack_format<interleaved>} : vector<32xbf16> -> vector<16xf32>
        %unpack3A_783 = tpu.unpack_subelements %get3A_781, 1 {pack_format = #tpu.pack_format<interleaved>} : vector<32xbf16> -> vector<16xf32>
        %sub3A_784 = arith.subf %unpack3A_782, %gather3A_306 : vector<16xf32>
        %sub3A_785 = arith.subf %unpack3A_783, %gather3A_316 : vector<16xf32>
        %mul3A_786 = arith.mulf %sub3A_784, %sub3A_784 : vector<16xf32>
        %add3A_787 = arith.addf %broadcast_in_dim3A_3, %mul3A_786 : vector<16xf32>
        %mul3A_788 = arith.mulf %sub3A_785, %sub3A_785 : vector<16xf32>
        %add3A_789 = arith.addf %broadcast_in_dim3A_3, %mul3A_788 : vector<16xf32>
        %get3A_790 = arith.index_cast %add3A_767 : i32 to index
        %get3A_791 = arith.constant 64 : index
        %get3A_792 = tpu.vector_load %arg11[%get3A_790, %get3A_791] {strides = array<i32>} : memref<208x128xbf16, #tpu.memory_space<vmem>>, vector<32xbf16>,
        %unpack3A_793 = tpu.unpack_subelements %get3A_792, 0 {pack_format = #tpu.pack_format<interleaved>} : vector<32xbf16> -> vector<16xf32>
        %unpack3A_794 = tpu.unpack_subelements %get3A_792, 1 {pack_format = #tpu.pack_format<interleaved>} : vector<32xbf16> -> vector<16xf32>
        %sub3A_795 = arith.subf %unpack3A_793, %gather3A_323 : vector<16xf32>
        %sub3A_796 = arith.subf %unpack3A_794, %gather3A_333 : vector<16xf32>
        %mul3A_797 = arith.mulf %sub3A_795, %sub3A_795 : vector<16xf32>
        %add3A_798 = arith.addf %add3A_776, %mul3A_797 : vector<16xf32>
        %mul3A_799 = arith.mulf %sub3A_796, %sub3A_796 : vector<16xf32>
        %add3A_800 = arith.addf %add3A_778, %mul3A_799 : vector<16xf32>
        %get3A_801 = arith.index_cast %add3A_767 : i32 to index
        %get3A_802 = arith.constant 96 : index
        %get3A_803 = tpu.vector_load %arg11[%get3A_801, %get3A_802] {strides = array<i32>} : memref<208x128xbf16, #tpu.memory_space<vmem>>, vector<32xbf16>,
        %unpack3A_804 = tpu.unpack_subelements %get3A_803, 0 {pack_format = #tpu.pack_format<interleaved>} : vector<32xbf16> -> vector<16xf32>
        %unpack3A_805 = tpu.unpack_subelements %get3A_803, 1 {pack_format = #tpu.pack_format<interleaved>} : vector<32xbf16> -> vector<16xf32>
        %sub3A_806 = arith.subf %unpack3A_804, %gather3A_340 : vector<16xf32>
        %sub3A_807 = arith.subf %unpack3A_805, %gather3A_350 : vector<16xf32>
        %mul3A_808 = arith.mulf %sub3A_806, %sub3A_806 : vector<16xf32>
        %add3A_809 = arith.addf %add3A_787, %mul3A_808 : vector<16xf32>
        %mul3A_810 = arith.mulf %sub3A_807, %sub3A_807 : vector<16xf32>
        %add3A_811 = arith.addf %add3A_789, %mul3A_810 : vector<16xf32>
        %add3A_812 = arith.addf %add3A_798, %add3A_800 : vector<16xf32>
        %add3A_813 = arith.addf %add3A_809, %add3A_811 : vector<16xf32>
        %add3A_814 = arith.addf %add3A_812, %add3A_813 : vector<16xf32>
        %swap3A_815 = arith.constant 7 : i32
        %swap3A_816 = arith.index_cast %swap3A_815 : i32 to index
        %swap3A_817 = arith.constant 0 : index
        %swap3A_818 = tpu.vector_load %arg14[%swap3A_816, %swap3A_817] {strides = array<i32>} : memref<16x17xf32, #tpu.memory_space<vmem>>, vector<16xf32>,
        tpu.vector_store %arg14[%swap3A_816, %swap3A_817], %add3A_814 {strides = array<i32>} : memref<16x17xf32, #tpu.memory_space<vmem>>, vector<16xf32>,
        %mul3A_819 = arith.constant 16 : i32
        %mul3A_820 = arith.muli %scan3A_380, %mul3A_819 : i32
        %add3A_821 = arith.constant 8 : i32
        %add3A_822 = arith.addi %mul3A_820, %add3A_821 : i32
        %get3A_823 = arith.index_cast %add3A_822 : i32 to index
        %get3A_824 = arith.constant 0 : index
        %get3A_825 = tpu.vector_load %arg11[%get3A_823, %get3A_824] {strides = array<i32>} : memref<208x128xbf16, #tpu.memory_space<vmem>>, vector<32xbf16>,
        %unpack3A_826 = tpu.unpack_subelements %get3A_825, 0 {pack_format = #tpu.pack_format<interleaved>} : vector<32xbf16> -> vector<16xf32>
        %unpack3A_827 = tpu.unpack_subelements %get3A_825, 1 {pack_format = #tpu.pack_format<interleaved>} : vector<32xbf16> -> vector<16xf32>
        %sub3A_828 = arith.subf %unpack3A_826, %gather3A_289 : vector<16xf32>
        %sub3A_829 = arith.subf %unpack3A_827, %gather3A_299 : vector<16xf32>
        %mul3A_830 = arith.mulf %sub3A_828, %sub3A_828 : vector<16xf32>
        %add3A_831 = arith.addf %broadcast_in_dim3A_3, %mul3A_830 : vector<16xf32>
        %mul3A_832 = arith.mulf %sub3A_829, %sub3A_829 : vector<16xf32>
        %add3A_833 = arith.addf %broadcast_in_dim3A_3, %mul3A_832 : vector<16xf32>
        %get3A_834 = arith.index_cast %add3A_822 : i32 to index
        %get3A_835 = arith.constant 32 : index
        %get3A_836 = tpu.vector_load %arg11[%get3A_834, %get3A_835] {strides = array<i32>} : memref<208x128xbf16, #tpu.memory_space<vmem>>, vector<32xbf16>,
        %unpack3A_837 = tpu.unpack_subelements %get3A_836, 0 {pack_format = #tpu.pack_format<interleaved>} : vector<32xbf16> -> vector<16xf32>
        %unpack3A_838 = tpu.unpack_subelements %get3A_836, 1 {pack_format = #tpu.pack_format<interleaved>} : vector<32xbf16> -> vector<16xf32>
        %sub3A_839 = arith.subf %unpack3A_837, %gather3A_306 : vector<16xf32>
        %sub3A_840 = arith.subf %unpack3A_838, %gather3A_316 : vector<16xf32>
        %mul3A_841 = arith.mulf %sub3A_839, %sub3A_839 : vector<16xf32>
        %add3A_842 = arith.addf %broadcast_in_dim3A_3, %mul3A_841 : vector<16xf32>
        %mul3A_843 = arith.mulf %sub3A_840, %sub3A_840 : vector<16xf32>
        %add3A_844 = arith.addf %broadcast_in_dim3A_3, %mul3A_843 : vector<16xf32>
        %get3A_845 = arith.index_cast %add3A_822 : i32 to index
        %get3A_846 = arith.constant 64 : index
        %get3A_847 = tpu.vector_load %arg11[%get3A_845, %get3A_846] {strides = array<i32>} : memref<208x128xbf16, #tpu.memory_space<vmem>>, vector<32xbf16>,
        %unpack3A_848 = tpu.unpack_subelements %get3A_847, 0 {pack_format = #tpu.pack_format<interleaved>} : vector<32xbf16> -> vector<16xf32>
        %unpack3A_849 = tpu.unpack_subelements %get3A_847, 1 {pack_format = #tpu.pack_format<interleaved>} : vector<32xbf16> -> vector<16xf32>
        %sub3A_850 = arith.subf %unpack3A_848, %gather3A_323 : vector<16xf32>
        %sub3A_851 = arith.subf %unpack3A_849, %gather3A_333 : vector<16xf32>
        %mul3A_852 = arith.mulf %sub3A_850, %sub3A_850 : vector<16xf32>
        %add3A_853 = arith.addf %add3A_831, %mul3A_852 : vector<16xf32>
        %mul3A_854 = arith.mulf %sub3A_851, %sub3A_851 : vector<16xf32>
        %add3A_855 = arith.addf %add3A_833, %mul3A_854 : vector<16xf32>
        %get3A_856 = arith.index_cast %add3A_822 : i32 to index
        %get3A_857 = arith.constant 96 : index
        %get3A_858 = tpu.vector_load %arg11[%get3A_856, %get3A_857] {strides = array<i32>} : memref<208x128xbf16, #tpu.memory_space<vmem>>, vector<32xbf16>,
        %unpack3A_859 = tpu.unpack_subelements %get3A_858, 0 {pack_format = #tpu.pack_format<interleaved>} : vector<32xbf16> -> vector<16xf32>
        %unpack3A_860 = tpu.unpack_subelements %get3A_858, 1 {pack_format = #tpu.pack_format<interleaved>} : vector<32xbf16> -> vector<16xf32>
        %sub3A_861 = arith.subf %unpack3A_859, %gather3A_340 : vector<16xf32>
        %sub3A_862 = arith.subf %unpack3A_860, %gather3A_350 : vector<16xf32>
        %mul3A_863 = arith.mulf %sub3A_861, %sub3A_861 : vector<16xf32>
        %add3A_864 = arith.addf %add3A_842, %mul3A_863 : vector<16xf32>
        %mul3A_865 = arith.mulf %sub3A_862, %sub3A_862 : vector<16xf32>
        %add3A_866 = arith.addf %add3A_844, %mul3A_865 : vector<16xf32>
        %add3A_867 = arith.addf %add3A_853, %add3A_855 : vector<16xf32>
        %add3A_868 = arith.addf %add3A_864, %add3A_866 : vector<16xf32>
        %add3A_869 = arith.addf %add3A_867, %add3A_868 : vector<16xf32>
        %swap3A_870 = arith.constant 8 : i32
        %swap3A_871 = arith.index_cast %swap3A_870 : i32 to index
        %swap3A_872 = arith.constant 0 : index
        %swap3A_873 = tpu.vector_load %arg14[%swap3A_871, %swap3A_872] {strides = array<i32>} : memref<16x17xf32, #tpu.memory_space<vmem>>, vector<16xf32>,
        tpu.vector_store %arg14[%swap3A_871, %swap3A_872], %add3A_869 {strides = array<i32>} : memref<16x17xf32, #tpu.memory_space<vmem>>, vector<16xf32>,
        %mul3A_874 = arith.constant 16 : i32
        %mul3A_875 = arith.muli %scan3A_380, %mul3A_874 : i32
        %add3A_876 = arith.constant 9 : i32
        %add3A_877 = arith.addi %mul3A_875, %add3A_876 : i32
        %get3A_878 = arith.index_cast %add3A_877 : i32 to index
        %get3A_879 = arith.constant 0 : index
        %get3A_880 = tpu.vector_load %arg11[%get3A_878, %get3A_879] {strides = array<i32>} : memref<208x128xbf16, #tpu.memory_space<vmem>>, vector<32xbf16>,
        %unpack3A_881 = tpu.unpack_subelements %get3A_880, 0 {pack_format = #tpu.pack_format<interleaved>} : vector<32xbf16> -> vector<16xf32>
        %unpack3A_882 = tpu.unpack_subelements %get3A_880, 1 {pack_format = #tpu.pack_format<interleaved>} : vector<32xbf16> -> vector<16xf32>
        %sub3A_883 = arith.subf %unpack3A_881, %gather3A_289 : vector<16xf32>
        %sub3A_884 = arith.subf %unpack3A_882, %gather3A_299 : vector<16xf32>
        %mul3A_885 = arith.mulf %sub3A_883, %sub3A_883 : vector<16xf32>
        %add3A_886 = arith.addf %broadcast_in_dim3A_3, %mul3A_885 : vector<16xf32>
        %mul3A_887 = arith.mulf %sub3A_884, %sub3A_884 : vector<16xf32>
        %add3A_888 = arith.addf %broadcast_in_dim3A_3, %mul3A_887 : vector<16xf32>
        %get3A_889 = arith.index_cast %add3A_877 : i32 to index
        %get3A_890 = arith.constant 32 : index
        %get3A_891 = tpu.vector_load %arg11[%get3A_889, %get3A_890] {strides = array<i32>} : memref<208x128xbf16, #tpu.memory_space<vmem>>, vector<32xbf16>,
        %unpack3A_892 = tpu.unpack_subelements %get3A_891, 0 {pack_format = #tpu.pack_format<interleaved>} : vector<32xbf16> -> vector<16xf32>
        %unpack3A_893 = tpu.unpack_subelements %get3A_891, 1 {pack_format = #tpu.pack_format<interleaved>} : vector<32xbf16> -> vector<16xf32>
        %sub3A_894 = arith.subf %unpack3A_892, %gather3A_306 : vector<16xf32>
        %sub3A_895 = arith.subf %unpack3A_893, %gather3A_316 : vector<16xf32>
        %mul3A_896 = arith.mulf %sub3A_894, %sub3A_894 : vector<16xf32>
        %add3A_897 = arith.addf %broadcast_in_dim3A_3, %mul3A_896 : vector<16xf32>
        %mul3A_898 = arith.mulf %sub3A_895, %sub3A_895 : vector<16xf32>
        %add3A_899 = arith.addf %broadcast_in_dim3A_3, %mul3A_898 : vector<16xf32>
        %get3A_900 = arith.index_cast %add3A_877 : i32 to index
        %get3A_901 = arith.constant 64 : index
        %get3A_902 = tpu.vector_load %arg11[%get3A_900, %get3A_901] {strides = array<i32>} : memref<208x128xbf16, #tpu.memory_space<vmem>>, vector<32xbf16>,
        %unpack3A_903 = tpu.unpack_subelements %get3A_902, 0 {pack_format = #tpu.pack_format<interleaved>} : vector<32xbf16> -> vector<16xf32>
        %unpack3A_904 = tpu.unpack_subelements %get3A_902, 1 {pack_format = #tpu.pack_format<interleaved>} : vector<32xbf16> -> vector<16xf32>
        %sub3A_905 = arith.subf %unpack3A_903, %gather3A_323 : vector<16xf32>
        %sub3A_906 = arith.subf %unpack3A_904, %gather3A_333 : vector<16xf32>
        %mul3A_907 = arith.mulf %sub3A_905, %sub3A_905 : vector<16xf32>
        %add3A_908 = arith.addf %add3A_886, %mul3A_907 : vector<16xf32>
        %mul3A_909 = arith.mulf %sub3A_906, %sub3A_906 : vector<16xf32>
        %add3A_910 = arith.addf %add3A_888, %mul3A_909 : vector<16xf32>
        %get3A_911 = arith.index_cast %add3A_877 : i32 to index
        %get3A_912 = arith.constant 96 : index
        %get3A_913 = tpu.vector_load %arg11[%get3A_911, %get3A_912] {strides = array<i32>} : memref<208x128xbf16, #tpu.memory_space<vmem>>, vector<32xbf16>,
        %unpack3A_914 = tpu.unpack_subelements %get3A_913, 0 {pack_format = #tpu.pack_format<interleaved>} : vector<32xbf16> -> vector<16xf32>
        %unpack3A_915 = tpu.unpack_subelements %get3A_913, 1 {pack_format = #tpu.pack_format<interleaved>} : vector<32xbf16> -> vector<16xf32>
        %sub3A_916 = arith.subf %unpack3A_914, %gather3A_340 : vector<16xf32>
        %sub3A_917 = arith.subf %unpack3A_915, %gather3A_350 : vector<16xf32>
        %mul3A_918 = arith.mulf %sub3A_916, %sub3A_916 : vector<16xf32>
        %add3A_919 = arith.addf %add3A_897, %mul3A_918 : vector<16xf32>
        %mul3A_920 = arith.mulf %sub3A_917, %sub3A_917 : vector<16xf32>
        %add3A_921 = arith.addf %add3A_899, %mul3A_920 : vector<16xf32>
        %add3A_922 = arith.addf %add3A_908, %add3A_910 : vector<16xf32>
        %add3A_923 = arith.addf %add3A_919, %add3A_921 : vector<16xf32>
        %add3A_924 = arith.addf %add3A_922, %add3A_923 : vector<16xf32>
        %swap3A_925 = arith.constant 9 : i32
        %swap3A_926 = arith.index_cast %swap3A_925 : i32 to index
        %swap3A_927 = arith.constant 0 : index
        %swap3A_928 = tpu.vector_load %arg14[%swap3A_926, %swap3A_927] {strides = array<i32>} : memref<16x17xf32, #tpu.memory_space<vmem>>, vector<16xf32>,
        tpu.vector_store %arg14[%swap3A_926, %swap3A_927], %add3A_924 {strides = array<i32>} : memref<16x17xf32, #tpu.memory_space<vmem>>, vector<16xf32>,
        %mul3A_929 = arith.constant 16 : i32
        %mul3A_930 = arith.muli %scan3A_380, %mul3A_929 : i32
        %add3A_931 = arith.constant 10 : i32
        %add3A_932 = arith.addi %mul3A_930, %add3A_931 : i32
        %get3A_933 = arith.index_cast %add3A_932 : i32 to index
        %get3A_934 = arith.constant 0 : index
        %get3A_935 = tpu.vector_load %arg11[%get3A_933, %get3A_934] {strides = array<i32>} : memref<208x128xbf16, #tpu.memory_space<vmem>>, vector<32xbf16>,
        %unpack3A_936 = tpu.unpack_subelements %get3A_935, 0 {pack_format = #tpu.pack_format<interleaved>} : vector<32xbf16> -> vector<16xf32>
        %unpack3A_937 = tpu.unpack_subelements %get3A_935, 1 {pack_format = #tpu.pack_format<interleaved>} : vector<32xbf16> -> vector<16xf32>
        %sub3A_938 = arith.subf %unpack3A_936, %gather3A_289 : vector<16xf32>
        %sub3A_939 = arith.subf %unpack3A_937, %gather3A_299 : vector<16xf32>
        %mul3A_940 = arith.mulf %sub3A_938, %sub3A_938 : vector<16xf32>
        %add3A_941 = arith.addf %broadcast_in_dim3A_3, %mul3A_940 : vector<16xf32>
        %mul3A_942 = arith.mulf %sub3A_939, %sub3A_939 : vector<16xf32>
        %add3A_943 = arith.addf %broadcast_in_dim3A_3, %mul3A_942 : vector<16xf32>
        %get3A_944 = arith.index_cast %add3A_932 : i32 to index
        %get3A_945 = arith.constant 32 : index
        %get3A_946 = tpu.vector_load %arg11[%get3A_944, %get3A_945] {strides = array<i32>} : memref<208x128xbf16, #tpu.memory_space<vmem>>, vector<32xbf16>,
        %unpack3A_947 = tpu.unpack_subelements %get3A_946, 0 {pack_format = #tpu.pack_format<interleaved>} : vector<32xbf16> -> vector<16xf32>
        %unpack3A_948 = tpu.unpack_subelements %get3A_946, 1 {pack_format = #tpu.pack_format<interleaved>} : vector<32xbf16> -> vector<16xf32>
        %sub3A_949 = arith.subf %unpack3A_947, %gather3A_306 : vector<16xf32>
        %sub3A_950 = arith.subf %unpack3A_948, %gather3A_316 : vector<16xf32>
        %mul3A_951 = arith.mulf %sub3A_949, %sub3A_949 : vector<16xf32>
        %add3A_952 = arith.addf %broadcast_in_dim3A_3, %mul3A_951 : vector<16xf32>
        %mul3A_953 = arith.mulf %sub3A_950, %sub3A_950 : vector<16xf32>
        %add3A_954 = arith.addf %broadcast_in_dim3A_3, %mul3A_953 : vector<16xf32>
        %get3A_955 = arith.index_cast %add3A_932 : i32 to index
        %get3A_956 = arith.constant 64 : index
        %get3A_957 = tpu.vector_load %arg11[%get3A_955, %get3A_956] {strides = array<i32>} : memref<208x128xbf16, #tpu.memory_space<vmem>>, vector<32xbf16>,
        %unpack3A_958 = tpu.unpack_subelements %get3A_957, 0 {pack_format = #tpu.pack_format<interleaved>} : vector<32xbf16> -> vector<16xf32>
        %unpack3A_959 = tpu.unpack_subelements %get3A_957, 1 {pack_format = #tpu.pack_format<interleaved>} : vector<32xbf16> -> vector<16xf32>
        %sub3A_960 = arith.subf %unpack3A_958, %gather3A_323 : vector<16xf32>
        %sub3A_961 = arith.subf %unpack3A_959, %gather3A_333 : vector<16xf32>
        %mul3A_962 = arith.mulf %sub3A_960, %sub3A_960 : vector<16xf32>
        %add3A_963 = arith.addf %add3A_941, %mul3A_962 : vector<16xf32>
        %mul3A_964 = arith.mulf %sub3A_961, %sub3A_961 : vector<16xf32>
        %add3A_965 = arith.addf %add3A_943, %mul3A_964 : vector<16xf32>
        %get3A_966 = arith.index_cast %add3A_932 : i32 to index
        %get3A_967 = arith.constant 96 : index
        %get3A_968 = tpu.vector_load %arg11[%get3A_966, %get3A_967] {strides = array<i32>} : memref<208x128xbf16, #tpu.memory_space<vmem>>, vector<32xbf16>,
        %unpack3A_969 = tpu.unpack_subelements %get3A_968, 0 {pack_format = #tpu.pack_format<interleaved>} : vector<32xbf16> -> vector<16xf32>
        %unpack3A_970 = tpu.unpack_subelements %get3A_968, 1 {pack_format = #tpu.pack_format<interleaved>} : vector<32xbf16> -> vector<16xf32>
        %sub3A_971 = arith.subf %unpack3A_969, %gather3A_340 : vector<16xf32>
        %sub3A_972 = arith.subf %unpack3A_970, %gather3A_350 : vector<16xf32>
        %mul3A_973 = arith.mulf %sub3A_971, %sub3A_971 : vector<16xf32>
        %add3A_974 = arith.addf %add3A_952, %mul3A_973 : vector<16xf32>
        %mul3A_975 = arith.mulf %sub3A_972, %sub3A_972 : vector<16xf32>
        %add3A_976 = arith.addf %add3A_954, %mul3A_975 : vector<16xf32>
        %add3A_977 = arith.addf %add3A_963, %add3A_965 : vector<16xf32>
        %add3A_978 = arith.addf %add3A_974, %add3A_976 : vector<16xf32>
        %add3A_979 = arith.addf %add3A_977, %add3A_978 : vector<16xf32>
        %swap3A_980 = arith.constant 10 : i32
        %swap3A_981 = arith.index_cast %swap3A_980 : i32 to index
        %swap3A_982 = arith.constant 0 : index
        %swap3A_983 = tpu.vector_load %arg14[%swap3A_981, %swap3A_982] {strides = array<i32>} : memref<16x17xf32, #tpu.memory_space<vmem>>, vector<16xf32>,
        tpu.vector_store %arg14[%swap3A_981, %swap3A_982], %add3A_979 {strides = array<i32>} : memref<16x17xf32, #tpu.memory_space<vmem>>, vector<16xf32>,
        %mul3A_984 = arith.constant 16 : i32
        %mul3A_985 = arith.muli %scan3A_380, %mul3A_984 : i32
        %add3A_986 = arith.constant 11 : i32
        %add3A_987 = arith.addi %mul3A_985, %add3A_986 : i32
        %get3A_988 = arith.index_cast %add3A_987 : i32 to index
        %get3A_989 = arith.constant 0 : index
        %get3A_990 = tpu.vector_load %arg11[%get3A_988, %get3A_989] {strides = array<i32>} : memref<208x128xbf16, #tpu.memory_space<vmem>>, vector<32xbf16>,
        %unpack3A_991 = tpu.unpack_subelements %get3A_990, 0 {pack_format = #tpu.pack_format<interleaved>} : vector<32xbf16> -> vector<16xf32>
        %unpack3A_992 = tpu.unpack_subelements %get3A_990, 1 {pack_format = #tpu.pack_format<interleaved>} : vector<32xbf16> -> vector<16xf32>
        %sub3A_993 = arith.subf %unpack3A_991, %gather3A_289 : vector<16xf32>
        %sub3A_994 = arith.subf %unpack3A_992, %gather3A_299 : vector<16xf32>
        %mul3A_995 = arith.mulf %sub3A_993, %sub3A_993 : vector<16xf32>
        %add3A_996 = arith.addf %broadcast_in_dim3A_3, %mul3A_995 : vector<16xf32>
        %mul3A_997 = arith.mulf %sub3A_994, %sub3A_994 : vector<16xf32>
        %add3A_998 = arith.addf %broadcast_in_dim3A_3, %mul3A_997 : vector<16xf32>
        %get3A_999 = arith.index_cast %add3A_987 : i32 to index
        %get3A_1000 = arith.constant 32 : index
        %get3A_1001 = tpu.vector_load %arg11[%get3A_999, %get3A_1000] {strides = array<i32>} : memref<208x128xbf16, #tpu.memory_space<vmem>>, vector<32xbf16>,
        %unpack3A_1002 = tpu.unpack_subelements %get3A_1001, 0 {pack_format = #tpu.pack_format<interleaved>} : vector<32xbf16> -> vector<16xf32>
        %unpack3A_1003 = tpu.unpack_subelements %get3A_1001, 1 {pack_format = #tpu.pack_format<interleaved>} : vector<32xbf16> -> vector<16xf32>
        %sub3A_1004 = arith.subf %unpack3A_1002, %gather3A_306 : vector<16xf32>
        %sub3A_1005 = arith.subf %unpack3A_1003, %gather3A_316 : vector<16xf32>
        %mul3A_1006 = arith.mulf %sub3A_1004, %sub3A_1004 : vector<16xf32>
        %add3A_1007 = arith.addf %broadcast_in_dim3A_3, %mul3A_1006 : vector<16xf32>
        %mul3A_1008 = arith.mulf %sub3A_1005, %sub3A_1005 : vector<16xf32>
        %add3A_1009 = arith.addf %broadcast_in_dim3A_3, %mul3A_1008 : vector<16xf32>
        %get3A_1010 = arith.index_cast %add3A_987 : i32 to index
        %get3A_1011 = arith.constant 64 : index
        %get3A_1012 = tpu.vector_load %arg11[%get3A_1010, %get3A_1011] {strides = array<i32>} : memref<208x128xbf16, #tpu.memory_space<vmem>>, vector<32xbf16>,
        %unpack3A_1013 = tpu.unpack_subelements %get3A_1012, 0 {pack_format = #tpu.pack_format<interleaved>} : vector<32xbf16> -> vector<16xf32>
        %unpack3A_1014 = tpu.unpack_subelements %get3A_1012, 1 {pack_format = #tpu.pack_format<interleaved>} : vector<32xbf16> -> vector<16xf32>
        %sub3A_1015 = arith.subf %unpack3A_1013, %gather3A_323 : vector<16xf32>
        %sub3A_1016 = arith.subf %unpack3A_1014, %gather3A_333 : vector<16xf32>
        %mul3A_1017 = arith.mulf %sub3A_1015, %sub3A_1015 : vector<16xf32>
        %add3A_1018 = arith.addf %add3A_996, %mul3A_1017 : vector<16xf32>
        %mul3A_1019 = arith.mulf %sub3A_1016, %sub3A_1016 : vector<16xf32>
        %add3A_1020 = arith.addf %add3A_998, %mul3A_1019 : vector<16xf32>
        %get3A_1021 = arith.index_cast %add3A_987 : i32 to index
        %get3A_1022 = arith.constant 96 : index
        %get3A_1023 = tpu.vector_load %arg11[%get3A_1021, %get3A_1022] {strides = array<i32>} : memref<208x128xbf16, #tpu.memory_space<vmem>>, vector<32xbf16>,
        %unpack3A_1024 = tpu.unpack_subelements %get3A_1023, 0 {pack_format = #tpu.pack_format<interleaved>} : vector<32xbf16> -> vector<16xf32>
        %unpack3A_1025 = tpu.unpack_subelements %get3A_1023, 1 {pack_format = #tpu.pack_format<interleaved>} : vector<32xbf16> -> vector<16xf32>
        %sub3A_1026 = arith.subf %unpack3A_1024, %gather3A_340 : vector<16xf32>
        %sub3A_1027 = arith.subf %unpack3A_1025, %gather3A_350 : vector<16xf32>
        %mul3A_1028 = arith.mulf %sub3A_1026, %sub3A_1026 : vector<16xf32>
        %add3A_1029 = arith.addf %add3A_1007, %mul3A_1028 : vector<16xf32>
        %mul3A_1030 = arith.mulf %sub3A_1027, %sub3A_1027 : vector<16xf32>
        %add3A_1031 = arith.addf %add3A_1009, %mul3A_1030 : vector<16xf32>
        %add3A_1032 = arith.addf %add3A_1018, %add3A_1020 : vector<16xf32>
        %add3A_1033 = arith.addf %add3A_1029, %add3A_1031 : vector<16xf32>
        %add3A_1034 = arith.addf %add3A_1032, %add3A_1033 : vector<16xf32>
        %swap3A_1035 = arith.constant 11 : i32
        %swap3A_1036 = arith.index_cast %swap3A_1035 : i32 to index
        %swap3A_1037 = arith.constant 0 : index
        %swap3A_1038 = tpu.vector_load %arg14[%swap3A_1036, %swap3A_1037] {strides = array<i32>} : memref<16x17xf32, #tpu.memory_space<vmem>>, vector<16xf32>,
        tpu.vector_store %arg14[%swap3A_1036, %swap3A_1037], %add3A_1034 {strides = array<i32>} : memref<16x17xf32, #tpu.memory_space<vmem>>, vector<16xf32>,
        %mul3A_1039 = arith.constant 16 : i32
        %mul3A_1040 = arith.muli %scan3A_380, %mul3A_1039 : i32
        %add3A_1041 = arith.constant 12 : i32
        %add3A_1042 = arith.addi %mul3A_1040, %add3A_1041 : i32
        %get3A_1043 = arith.index_cast %add3A_1042 : i32 to index
        %get3A_1044 = arith.constant 0 : index
        %get3A_1045 = tpu.vector_load %arg11[%get3A_1043, %get3A_1044] {strides = array<i32>} : memref<208x128xbf16, #tpu.memory_space<vmem>>, vector<32xbf16>,
        %unpack3A_1046 = tpu.unpack_subelements %get3A_1045, 0 {pack_format = #tpu.pack_format<interleaved>} : vector<32xbf16> -> vector<16xf32>
        %unpack3A_1047 = tpu.unpack_subelements %get3A_1045, 1 {pack_format = #tpu.pack_format<interleaved>} : vector<32xbf16> -> vector<16xf32>
        %sub3A_1048 = arith.subf %unpack3A_1046, %gather3A_289 : vector<16xf32>
        %sub3A_1049 = arith.subf %unpack3A_1047, %gather3A_299 : vector<16xf32>
        %mul3A_1050 = arith.mulf %sub3A_1048, %sub3A_1048 : vector<16xf32>
        %add3A_1051 = arith.addf %broadcast_in_dim3A_3, %mul3A_1050 : vector<16xf32>
        %mul3A_1052 = arith.mulf %sub3A_1049, %sub3A_1049 : vector<16xf32>
        %add3A_1053 = arith.addf %broadcast_in_dim3A_3, %mul3A_1052 : vector<16xf32>
        %get3A_1054 = arith.index_cast %add3A_1042 : i32 to index
        %get3A_1055 = arith.constant 32 : index
        %get3A_1056 = tpu.vector_load %arg11[%get3A_1054, %get3A_1055] {strides = array<i32>} : memref<208x128xbf16, #tpu.memory_space<vmem>>, vector<32xbf16>,
        %unpack3A_1057 = tpu.unpack_subelements %get3A_1056, 0 {pack_format = #tpu.pack_format<interleaved>} : vector<32xbf16> -> vector<16xf32>
        %unpack3A_1058 = tpu.unpack_subelements %get3A_1056, 1 {pack_format = #tpu.pack_format<interleaved>} : vector<32xbf16> -> vector<16xf32>
        %sub3A_1059 = arith.subf %unpack3A_1057, %gather3A_306 : vector<16xf32>
        %sub3A_1060 = arith.subf %unpack3A_1058, %gather3A_316 : vector<16xf32>
        %mul3A_1061 = arith.mulf %sub3A_1059, %sub3A_1059 : vector<16xf32>
        %add3A_1062 = arith.addf %broadcast_in_dim3A_3, %mul3A_1061 : vector<16xf32>
        %mul3A_1063 = arith.mulf %sub3A_1060, %sub3A_1060 : vector<16xf32>
        %add3A_1064 = arith.addf %broadcast_in_dim3A_3, %mul3A_1063 : vector<16xf32>
        %get3A_1065 = arith.index_cast %add3A_1042 : i32 to index
        %get3A_1066 = arith.constant 64 : index
        %get3A_1067 = tpu.vector_load %arg11[%get3A_1065, %get3A_1066] {strides = array<i32>} : memref<208x128xbf16, #tpu.memory_space<vmem>>, vector<32xbf16>,
        %unpack3A_1068 = tpu.unpack_subelements %get3A_1067, 0 {pack_format = #tpu.pack_format<interleaved>} : vector<32xbf16> -> vector<16xf32>
        %unpack3A_1069 = tpu.unpack_subelements %get3A_1067, 1 {pack_format = #tpu.pack_format<interleaved>} : vector<32xbf16> -> vector<16xf32>
        %sub3A_1070 = arith.subf %unpack3A_1068, %gather3A_323 : vector<16xf32>
        %sub3A_1071 = arith.subf %unpack3A_1069, %gather3A_333 : vector<16xf32>
        %mul3A_1072 = arith.mulf %sub3A_1070, %sub3A_1070 : vector<16xf32>
        %add3A_1073 = arith.addf %add3A_1051, %mul3A_1072 : vector<16xf32>
        %mul3A_1074 = arith.mulf %sub3A_1071, %sub3A_1071 : vector<16xf32>
        %add3A_1075 = arith.addf %add3A_1053, %mul3A_1074 : vector<16xf32>
        %get3A_1076 = arith.index_cast %add3A_1042 : i32 to index
        %get3A_1077 = arith.constant 96 : index
        %get3A_1078 = tpu.vector_load %arg11[%get3A_1076, %get3A_1077] {strides = array<i32>} : memref<208x128xbf16, #tpu.memory_space<vmem>>, vector<32xbf16>,
        %unpack3A_1079 = tpu.unpack_subelements %get3A_1078, 0 {pack_format = #tpu.pack_format<interleaved>} : vector<32xbf16> -> vector<16xf32>
        %unpack3A_1080 = tpu.unpack_subelements %get3A_1078, 1 {pack_format = #tpu.pack_format<interleaved>} : vector<32xbf16> -> vector<16xf32>
        %sub3A_1081 = arith.subf %unpack3A_1079, %gather3A_340 : vector<16xf32>
        %sub3A_1082 = arith.subf %unpack3A_1080, %gather3A_350 : vector<16xf32>
        %mul3A_1083 = arith.mulf %sub3A_1081, %sub3A_1081 : vector<16xf32>
        %add3A_1084 = arith.addf %add3A_1062, %mul3A_1083 : vector<16xf32>
        %mul3A_1085 = arith.mulf %sub3A_1082, %sub3A_1082 : vector<16xf32>
        %add3A_1086 = arith.addf %add3A_1064, %mul3A_1085 : vector<16xf32>
        %add3A_1087 = arith.addf %add3A_1073, %add3A_1075 : vector<16xf32>
        %add3A_1088 = arith.addf %add3A_1084, %add3A_1086 : vector<16xf32>
        %add3A_1089 = arith.addf %add3A_1087, %add3A_1088 : vector<16xf32>
        %swap3A_1090 = arith.constant 12 : i32
        %swap3A_1091 = arith.index_cast %swap3A_1090 : i32 to index
        %swap3A_1092 = arith.constant 0 : index
        %swap3A_1093 = tpu.vector_load %arg14[%swap3A_1091, %swap3A_1092] {strides = array<i32>} : memref<16x17xf32, #tpu.memory_space<vmem>>, vector<16xf32>,
        tpu.vector_store %arg14[%swap3A_1091, %swap3A_1092], %add3A_1089 {strides = array<i32>} : memref<16x17xf32, #tpu.memory_space<vmem>>, vector<16xf32>,
        %mul3A_1094 = arith.constant 16 : i32
        %mul3A_1095 = arith.muli %scan3A_380, %mul3A_1094 : i32
        %add3A_1096 = arith.constant 13 : i32
        %add3A_1097 = arith.addi %mul3A_1095, %add3A_1096 : i32
        %get3A_1098 = arith.index_cast %add3A_1097 : i32 to index
        %get3A_1099 = arith.constant 0 : index
        %get3A_1100 = tpu.vector_load %arg11[%get3A_1098, %get3A_1099] {strides = array<i32>} : memref<208x128xbf16, #tpu.memory_space<vmem>>, vector<32xbf16>,
        %unpack3A_1101 = tpu.unpack_subelements %get3A_1100, 0 {pack_format = #tpu.pack_format<interleaved>} : vector<32xbf16> -> vector<16xf32>
        %unpack3A_1102 = tpu.unpack_subelements %get3A_1100, 1 {pack_format = #tpu.pack_format<interleaved>} : vector<32xbf16> -> vector<16xf32>
        %sub3A_1103 = arith.subf %unpack3A_1101, %gather3A_289 : vector<16xf32>
        %sub3A_1104 = arith.subf %unpack3A_1102, %gather3A_299 : vector<16xf32>
        %mul3A_1105 = arith.mulf %sub3A_1103, %sub3A_1103 : vector<16xf32>
        %add3A_1106 = arith.addf %broadcast_in_dim3A_3, %mul3A_1105 : vector<16xf32>
        %mul3A_1107 = arith.mulf %sub3A_1104, %sub3A_1104 : vector<16xf32>
        %add3A_1108 = arith.addf %broadcast_in_dim3A_3, %mul3A_1107 : vector<16xf32>
        %get3A_1109 = arith.index_cast %add3A_1097 : i32 to index
        %get3A_1110 = arith.constant 32 : index
        %get3A_1111 = tpu.vector_load %arg11[%get3A_1109, %get3A_1110] {strides = array<i32>} : memref<208x128xbf16, #tpu.memory_space<vmem>>, vector<32xbf16>,
        %unpack3A_1112 = tpu.unpack_subelements %get3A_1111, 0 {pack_format = #tpu.pack_format<interleaved>} : vector<32xbf16> -> vector<16xf32>
        %unpack3A_1113 = tpu.unpack_subelements %get3A_1111, 1 {pack_format = #tpu.pack_format<interleaved>} : vector<32xbf16> -> vector<16xf32>
        %sub3A_1114 = arith.subf %unpack3A_1112, %gather3A_306 : vector<16xf32>
        %sub3A_1115 = arith.subf %unpack3A_1113, %gather3A_316 : vector<16xf32>
        %mul3A_1116 = arith.mulf %sub3A_1114, %sub3A_1114 : vector<16xf32>
        %add3A_1117 = arith.addf %broadcast_in_dim3A_3, %mul3A_1116 : vector<16xf32>
        %mul3A_1118 = arith.mulf %sub3A_1115, %sub3A_1115 : vector<16xf32>
        %add3A_1119 = arith.addf %broadcast_in_dim3A_3, %mul3A_1118 : vector<16xf32>
        %get3A_1120 = arith.index_cast %add3A_1097 : i32 to index
        %get3A_1121 = arith.constant 64 : index
        %get3A_1122 = tpu.vector_load %arg11[%get3A_1120, %get3A_1121] {strides = array<i32>} : memref<208x128xbf16, #tpu.memory_space<vmem>>, vector<32xbf16>,
        %unpack3A_1123 = tpu.unpack_subelements %get3A_1122, 0 {pack_format = #tpu.pack_format<interleaved>} : vector<32xbf16> -> vector<16xf32>
        %unpack3A_1124 = tpu.unpack_subelements %get3A_1122, 1 {pack_format = #tpu.pack_format<interleaved>} : vector<32xbf16> -> vector<16xf32>
        %sub3A_1125 = arith.subf %unpack3A_1123, %gather3A_323 : vector<16xf32>
        %sub3A_1126 = arith.subf %unpack3A_1124, %gather3A_333 : vector<16xf32>
        %mul3A_1127 = arith.mulf %sub3A_1125, %sub3A_1125 : vector<16xf32>
        %add3A_1128 = arith.addf %add3A_1106, %mul3A_1127 : vector<16xf32>
        %mul3A_1129 = arith.mulf %sub3A_1126, %sub3A_1126 : vector<16xf32>
        %add3A_1130 = arith.addf %add3A_1108, %mul3A_1129 : vector<16xf32>
        %get3A_1131 = arith.index_cast %add3A_1097 : i32 to index
        %get3A_1132 = arith.constant 96 : index
        %get3A_1133 = tpu.vector_load %arg11[%get3A_1131, %get3A_1132] {strides = array<i32>} : memref<208x128xbf16, #tpu.memory_space<vmem>>, vector<32xbf16>,
        %unpack3A_1134 = tpu.unpack_subelements %get3A_1133, 0 {pack_format = #tpu.pack_format<interleaved>} : vector<32xbf16> -> vector<16xf32>
        %unpack3A_1135 = tpu.unpack_subelements %get3A_1133, 1 {pack_format = #tpu.pack_format<interleaved>} : vector<32xbf16> -> vector<16xf32>
        %sub3A_1136 = arith.subf %unpack3A_1134, %gather3A_340 : vector<16xf32>
        %sub3A_1137 = arith.subf %unpack3A_1135, %gather3A_350 : vector<16xf32>
        %mul3A_1138 = arith.mulf %sub3A_1136, %sub3A_1136 : vector<16xf32>
        %add3A_1139 = arith.addf %add3A_1117, %mul3A_1138 : vector<16xf32>
        %mul3A_1140 = arith.mulf %sub3A_1137, %sub3A_1137 : vector<16xf32>
        %add3A_1141 = arith.addf %add3A_1119, %mul3A_1140 : vector<16xf32>
        %add3A_1142 = arith.addf %add3A_1128, %add3A_1130 : vector<16xf32>
        %add3A_1143 = arith.addf %add3A_1139, %add3A_1141 : vector<16xf32>
        %add3A_1144 = arith.addf %add3A_1142, %add3A_1143 : vector<16xf32>
        %swap3A_1145 = arith.constant 13 : i32
        %swap3A_1146 = arith.index_cast %swap3A_1145 : i32 to index
        %swap3A_1147 = arith.constant 0 : index
        %swap3A_1148 = tpu.vector_load %arg14[%swap3A_1146, %swap3A_1147] {strides = array<i32>} : memref<16x17xf32, #tpu.memory_space<vmem>>, vector<16xf32>,
        tpu.vector_store %arg14[%swap3A_1146, %swap3A_1147], %add3A_1144 {strides = array<i32>} : memref<16x17xf32, #tpu.memory_space<vmem>>, vector<16xf32>,
        %mul3A_1149 = arith.constant 16 : i32
        %mul3A_1150 = arith.muli %scan3A_380, %mul3A_1149 : i32
        %add3A_1151 = arith.constant 14 : i32
        %add3A_1152 = arith.addi %mul3A_1150, %add3A_1151 : i32
        %get3A_1153 = arith.index_cast %add3A_1152 : i32 to index
        %get3A_1154 = arith.constant 0 : index
        %get3A_1155 = tpu.vector_load %arg11[%get3A_1153, %get3A_1154] {strides = array<i32>} : memref<208x128xbf16, #tpu.memory_space<vmem>>, vector<32xbf16>,
        %unpack3A_1156 = tpu.unpack_subelements %get3A_1155, 0 {pack_format = #tpu.pack_format<interleaved>} : vector<32xbf16> -> vector<16xf32>
        %unpack3A_1157 = tpu.unpack_subelements %get3A_1155, 1 {pack_format = #tpu.pack_format<interleaved>} : vector<32xbf16> -> vector<16xf32>
        %sub3A_1158 = arith.subf %unpack3A_1156, %gather3A_289 : vector<16xf32>
        %sub3A_1159 = arith.subf %unpack3A_1157, %gather3A_299 : vector<16xf32>
        %mul3A_1160 = arith.mulf %sub3A_1158, %sub3A_1158 : vector<16xf32>
        %add3A_1161 = arith.addf %broadcast_in_dim3A_3, %mul3A_1160 : vector<16xf32>
        %mul3A_1162 = arith.mulf %sub3A_1159, %sub3A_1159 : vector<16xf32>
        %add3A_1163 = arith.addf %broadcast_in_dim3A_3, %mul3A_1162 : vector<16xf32>
        %get3A_1164 = arith.index_cast %add3A_1152 : i32 to index
        %get3A_1165 = arith.constant 32 : index
        %get3A_1166 = tpu.vector_load %arg11[%get3A_1164, %get3A_1165] {strides = array<i32>} : memref<208x128xbf16, #tpu.memory_space<vmem>>, vector<32xbf16>,
        %unpack3A_1167 = tpu.unpack_subelements %get3A_1166, 0 {pack_format = #tpu.pack_format<interleaved>} : vector<32xbf16> -> vector<16xf32>
        %unpack3A_1168 = tpu.unpack_subelements %get3A_1166, 1 {pack_format = #tpu.pack_format<interleaved>} : vector<32xbf16> -> vector<16xf32>
        %sub3A_1169 = arith.subf %unpack3A_1167, %gather3A_306 : vector<16xf32>
        %sub3A_1170 = arith.subf %unpack3A_1168, %gather3A_316 : vector<16xf32>
        %mul3A_1171 = arith.mulf %sub3A_1169, %sub3A_1169 : vector<16xf32>
        %add3A_1172 = arith.addf %broadcast_in_dim3A_3, %mul3A_1171 : vector<16xf32>
        %mul3A_1173 = arith.mulf %sub3A_1170, %sub3A_1170 : vector<16xf32>
        %add3A_1174 = arith.addf %broadcast_in_dim3A_3, %mul3A_1173 : vector<16xf32>
        %get3A_1175 = arith.index_cast %add3A_1152 : i32 to index
        %get3A_1176 = arith.constant 64 : index
        %get3A_1177 = tpu.vector_load %arg11[%get3A_1175, %get3A_1176] {strides = array<i32>} : memref<208x128xbf16, #tpu.memory_space<vmem>>, vector<32xbf16>,
        %unpack3A_1178 = tpu.unpack_subelements %get3A_1177, 0 {pack_format = #tpu.pack_format<interleaved>} : vector<32xbf16> -> vector<16xf32>
        %unpack3A_1179 = tpu.unpack_subelements %get3A_1177, 1 {pack_format = #tpu.pack_format<interleaved>} : vector<32xbf16> -> vector<16xf32>
        %sub3A_1180 = arith.subf %unpack3A_1178, %gather3A_323 : vector<16xf32>
        %sub3A_1181 = arith.subf %unpack3A_1179, %gather3A_333 : vector<16xf32>
        %mul3A_1182 = arith.mulf %sub3A_1180, %sub3A_1180 : vector<16xf32>
        %add3A_1183 = arith.addf %add3A_1161, %mul3A_1182 : vector<16xf32>
        %mul3A_1184 = arith.mulf %sub3A_1181, %sub3A_1181 : vector<16xf32>
        %add3A_1185 = arith.addf %add3A_1163, %mul3A_1184 : vector<16xf32>
        %get3A_1186 = arith.index_cast %add3A_1152 : i32 to index
        %get3A_1187 = arith.constant 96 : index
        %get3A_1188 = tpu.vector_load %arg11[%get3A_1186, %get3A_1187] {strides = array<i32>} : memref<208x128xbf16, #tpu.memory_space<vmem>>, vector<32xbf16>,
        %unpack3A_1189 = tpu.unpack_subelements %get3A_1188, 0 {pack_format = #tpu.pack_format<interleaved>} : vector<32xbf16> -> vector<16xf32>
        %unpack3A_1190 = tpu.unpack_subelements %get3A_1188, 1 {pack_format = #tpu.pack_format<interleaved>} : vector<32xbf16> -> vector<16xf32>
        %sub3A_1191 = arith.subf %unpack3A_1189, %gather3A_340 : vector<16xf32>
        %sub3A_1192 = arith.subf %unpack3A_1190, %gather3A_350 : vector<16xf32>
        %mul3A_1193 = arith.mulf %sub3A_1191, %sub3A_1191 : vector<16xf32>
        %add3A_1194 = arith.addf %add3A_1172, %mul3A_1193 : vector<16xf32>
        %mul3A_1195 = arith.mulf %sub3A_1192, %sub3A_1192 : vector<16xf32>
        %add3A_1196 = arith.addf %add3A_1174, %mul3A_1195 : vector<16xf32>
        %add3A_1197 = arith.addf %add3A_1183, %add3A_1185 : vector<16xf32>
        %add3A_1198 = arith.addf %add3A_1194, %add3A_1196 : vector<16xf32>
        %add3A_1199 = arith.addf %add3A_1197, %add3A_1198 : vector<16xf32>
        %swap3A_1200 = arith.constant 14 : i32
        %swap3A_1201 = arith.index_cast %swap3A_1200 : i32 to index
        %swap3A_1202 = arith.constant 0 : index
        %swap3A_1203 = tpu.vector_load %arg14[%swap3A_1201, %swap3A_1202] {strides = array<i32>} : memref<16x17xf32, #tpu.memory_space<vmem>>, vector<16xf32>,
        tpu.vector_store %arg14[%swap3A_1201, %swap3A_1202], %add3A_1199 {strides = array<i32>} : memref<16x17xf32, #tpu.memory_space<vmem>>, vector<16xf32>,
        %mul3A_1204 = arith.constant 16 : i32
        %mul3A_1205 = arith.muli %scan3A_380, %mul3A_1204 : i32
        %add3A_1206 = arith.constant 15 : i32
        %add3A_1207 = arith.addi %mul3A_1205, %add3A_1206 : i32
        %get3A_1208 = arith.index_cast %add3A_1207 : i32 to index
        %get3A_1209 = arith.constant 0 : index
        %get3A_1210 = tpu.vector_load %arg11[%get3A_1208, %get3A_1209] {strides = array<i32>} : memref<208x128xbf16, #tpu.memory_space<vmem>>, vector<32xbf16>,
        %unpack3A_1211 = tpu.unpack_subelements %get3A_1210, 0 {pack_format = #tpu.pack_format<interleaved>} : vector<32xbf16> -> vector<16xf32>
        %unpack3A_1212 = tpu.unpack_subelements %get3A_1210, 1 {pack_format = #tpu.pack_format<interleaved>} : vector<32xbf16> -> vector<16xf32>
        %sub3A_1213 = arith.subf %unpack3A_1211, %gather3A_289 : vector<16xf32>
        %sub3A_1214 = arith.subf %unpack3A_1212, %gather3A_299 : vector<16xf32>
        %mul3A_1215 = arith.mulf %sub3A_1213, %sub3A_1213 : vector<16xf32>
        %add3A_1216 = arith.addf %broadcast_in_dim3A_3, %mul3A_1215 : vector<16xf32>
        %mul3A_1217 = arith.mulf %sub3A_1214, %sub3A_1214 : vector<16xf32>
        %add3A_1218 = arith.addf %broadcast_in_dim3A_3, %mul3A_1217 : vector<16xf32>
        %get3A_1219 = arith.index_cast %add3A_1207 : i32 to index
        %get3A_1220 = arith.constant 32 : index
        %get3A_1221 = tpu.vector_load %arg11[%get3A_1219, %get3A_1220] {strides = array<i32>} : memref<208x128xbf16, #tpu.memory_space<vmem>>, vector<32xbf16>,
        %unpack3A_1222 = tpu.unpack_subelements %get3A_1221, 0 {pack_format = #tpu.pack_format<interleaved>} : vector<32xbf16> -> vector<16xf32>
        %unpack3A_1223 = tpu.unpack_subelements %get3A_1221, 1 {pack_format = #tpu.pack_format<interleaved>} : vector<32xbf16> -> vector<16xf32>
        %sub3A_1224 = arith.subf %unpack3A_1222, %gather3A_306 : vector<16xf32>
        %sub3A_1225 = arith.subf %unpack3A_1223, %gather3A_316 : vector<16xf32>
        %mul3A_1226 = arith.mulf %sub3A_1224, %sub3A_1224 : vector<16xf32>
        %add3A_1227 = arith.addf %broadcast_in_dim3A_3, %mul3A_1226 : vector<16xf32>
        %mul3A_1228 = arith.mulf %sub3A_1225, %sub3A_1225 : vector<16xf32>
        %add3A_1229 = arith.addf %broadcast_in_dim3A_3, %mul3A_1228 : vector<16xf32>
        %get3A_1230 = arith.index_cast %add3A_1207 : i32 to index
        %get3A_1231 = arith.constant 64 : index
        %get3A_1232 = tpu.vector_load %arg11[%get3A_1230, %get3A_1231] {strides = array<i32>} : memref<208x128xbf16, #tpu.memory_space<vmem>>, vector<32xbf16>,
        %unpack3A_1233 = tpu.unpack_subelements %get3A_1232, 0 {pack_format = #tpu.pack_format<interleaved>} : vector<32xbf16> -> vector<16xf32>
        %unpack3A_1234 = tpu.unpack_subelements %get3A_1232, 1 {pack_format = #tpu.pack_format<interleaved>} : vector<32xbf16> -> vector<16xf32>
        %sub3A_1235 = arith.subf %unpack3A_1233, %gather3A_323 : vector<16xf32>
        %sub3A_1236 = arith.subf %unpack3A_1234, %gather3A_333 : vector<16xf32>
        %mul3A_1237 = arith.mulf %sub3A_1235, %sub3A_1235 : vector<16xf32>
        %add3A_1238 = arith.addf %add3A_1216, %mul3A_1237 : vector<16xf32>
        %mul3A_1239 = arith.mulf %sub3A_1236, %sub3A_1236 : vector<16xf32>
        %add3A_1240 = arith.addf %add3A_1218, %mul3A_1239 : vector<16xf32>
        %get3A_1241 = arith.index_cast %add3A_1207 : i32 to index
        %get3A_1242 = arith.constant 96 : index
        %get3A_1243 = tpu.vector_load %arg11[%get3A_1241, %get3A_1242] {strides = array<i32>} : memref<208x128xbf16, #tpu.memory_space<vmem>>, vector<32xbf16>,
        %unpack3A_1244 = tpu.unpack_subelements %get3A_1243, 0 {pack_format = #tpu.pack_format<interleaved>} : vector<32xbf16> -> vector<16xf32>
        %unpack3A_1245 = tpu.unpack_subelements %get3A_1243, 1 {pack_format = #tpu.pack_format<interleaved>} : vector<32xbf16> -> vector<16xf32>
        %sub3A_1246 = arith.subf %unpack3A_1244, %gather3A_340 : vector<16xf32>
        %sub3A_1247 = arith.subf %unpack3A_1245, %gather3A_350 : vector<16xf32>
        %mul3A_1248 = arith.mulf %sub3A_1246, %sub3A_1246 : vector<16xf32>
        %add3A_1249 = arith.addf %add3A_1227, %mul3A_1248 : vector<16xf32>
        %mul3A_1250 = arith.mulf %sub3A_1247, %sub3A_1247 : vector<16xf32>
        %add3A_1251 = arith.addf %add3A_1229, %mul3A_1250 : vector<16xf32>
        %add3A_1252 = arith.addf %add3A_1238, %add3A_1240 : vector<16xf32>
        %add3A_1253 = arith.addf %add3A_1249, %add3A_1251 : vector<16xf32>
        %add3A_1254 = arith.addf %add3A_1252, %add3A_1253 : vector<16xf32>
        %swap3A_1255 = arith.constant 15 : i32
        %swap3A_1256 = arith.index_cast %swap3A_1255 : i32 to index
        %swap3A_1257 = arith.constant 0 : index
        %swap3A_1258 = tpu.vector_load %arg14[%swap3A_1256, %swap3A_1257] {strides = array<i32>} : memref<16x17xf32, #tpu.memory_space<vmem>>, vector<16xf32>,
        tpu.vector_store %arg14[%swap3A_1256, %swap3A_1257], %add3A_1254 {strides = array<i32>} : memref<16x17xf32, #tpu.memory_space<vmem>>, vector<16xf32>,
        %broadcast_in_dim3A_1259 = arith.constant 0 : i32
        %broadcast_in_dim3A_1260 = vector.broadcast %broadcast_in_dim3A_1259 : i32 to vector<16xi32>
        %gather3A_1261 = tpu.vector_load_idx %arg14[%iota3A, %broadcast_in_dim3A_1260] : memref<16x17xf32, #tpu.memory_space<vmem>>[vector<16xi32>, vector<16xi32>], vector<16xf32>,
        %broadcast_in_dim3A_1262 = arith.constant 1 : i32
        %broadcast_in_dim3A_1263 = vector.broadcast %broadcast_in_dim3A_1262 : i32 to vector<16xi32>
        %gather3A_1264 = tpu.vector_load_idx %arg14[%iota3A, %broadcast_in_dim3A_1263] : memref<16x17xf32, #tpu.memory_space<vmem>>[vector<16xi32>, vector<16xi32>], vector<16xf32>,
        %broadcast_in_dim3A_1265 = arith.constant 2 : i32
        %broadcast_in_dim3A_1266 = vector.broadcast %broadcast_in_dim3A_1265 : i32 to vector<16xi32>
        %gather3A_1267 = tpu.vector_load_idx %arg14[%iota3A, %broadcast_in_dim3A_1266] : memref<16x17xf32, #tpu.memory_space<vmem>>[vector<16xi32>, vector<16xi32>], vector<16xf32>,
        %broadcast_in_dim3A_1268 = arith.constant 3 : i32
        %broadcast_in_dim3A_1269 = vector.broadcast %broadcast_in_dim3A_1268 : i32 to vector<16xi32>
        %gather3A_1270 = tpu.vector_load_idx %arg14[%iota3A, %broadcast_in_dim3A_1269] : memref<16x17xf32, #tpu.memory_space<vmem>>[vector<16xi32>, vector<16xi32>], vector<16xf32>,
        %broadcast_in_dim3A_1271 = arith.constant 4 : i32
        %broadcast_in_dim3A_1272 = vector.broadcast %broadcast_in_dim3A_1271 : i32 to vector<16xi32>
        %gather3A_1273 = tpu.vector_load_idx %arg14[%iota3A, %broadcast_in_dim3A_1272] : memref<16x17xf32, #tpu.memory_space<vmem>>[vector<16xi32>, vector<16xi32>], vector<16xf32>,
        %broadcast_in_dim3A_1274 = arith.constant 5 : i32
        %broadcast_in_dim3A_1275 = vector.broadcast %broadcast_in_dim3A_1274 : i32 to vector<16xi32>
        %gather3A_1276 = tpu.vector_load_idx %arg14[%iota3A, %broadcast_in_dim3A_1275] : memref<16x17xf32, #tpu.memory_space<vmem>>[vector<16xi32>, vector<16xi32>], vector<16xf32>,
        %broadcast_in_dim3A_1277 = arith.constant 6 : i32
        %broadcast_in_dim3A_1278 = vector.broadcast %broadcast_in_dim3A_1277 : i32 to vector<16xi32>
        %gather3A_1279 = tpu.vector_load_idx %arg14[%iota3A, %broadcast_in_dim3A_1278] : memref<16x17xf32, #tpu.memory_space<vmem>>[vector<16xi32>, vector<16xi32>], vector<16xf32>,
        %broadcast_in_dim3A_1280 = arith.constant 7 : i32
        %broadcast_in_dim3A_1281 = vector.broadcast %broadcast_in_dim3A_1280 : i32 to vector<16xi32>
        %gather3A_1282 = tpu.vector_load_idx %arg14[%iota3A, %broadcast_in_dim3A_1281] : memref<16x17xf32, #tpu.memory_space<vmem>>[vector<16xi32>, vector<16xi32>], vector<16xf32>,
        %broadcast_in_dim3A_1283 = arith.constant 8 : i32
        %broadcast_in_dim3A_1284 = vector.broadcast %broadcast_in_dim3A_1283 : i32 to vector<16xi32>
        %gather3A_1285 = tpu.vector_load_idx %arg14[%iota3A, %broadcast_in_dim3A_1284] : memref<16x17xf32, #tpu.memory_space<vmem>>[vector<16xi32>, vector<16xi32>], vector<16xf32>,
        %broadcast_in_dim3A_1286 = arith.constant 9 : i32
        %broadcast_in_dim3A_1287 = vector.broadcast %broadcast_in_dim3A_1286 : i32 to vector<16xi32>
        %gather3A_1288 = tpu.vector_load_idx %arg14[%iota3A, %broadcast_in_dim3A_1287] : memref<16x17xf32, #tpu.memory_space<vmem>>[vector<16xi32>, vector<16xi32>], vector<16xf32>,
        %broadcast_in_dim3A_1289 = arith.constant 10 : i32
        %broadcast_in_dim3A_1290 = vector.broadcast %broadcast_in_dim3A_1289 : i32 to vector<16xi32>
        %gather3A_1291 = tpu.vector_load_idx %arg14[%iota3A, %broadcast_in_dim3A_1290] : memref<16x17xf32, #tpu.memory_space<vmem>>[vector<16xi32>, vector<16xi32>], vector<16xf32>,
        %broadcast_in_dim3A_1292 = arith.constant 11 : i32
        %broadcast_in_dim3A_1293 = vector.broadcast %broadcast_in_dim3A_1292 : i32 to vector<16xi32>
        %gather3A_1294 = tpu.vector_load_idx %arg14[%iota3A, %broadcast_in_dim3A_1293] : memref<16x17xf32, #tpu.memory_space<vmem>>[vector<16xi32>, vector<16xi32>], vector<16xf32>,
        %broadcast_in_dim3A_1295 = arith.constant 12 : i32
        %broadcast_in_dim3A_1296 = vector.broadcast %broadcast_in_dim3A_1295 : i32 to vector<16xi32>
        %gather3A_1297 = tpu.vector_load_idx %arg14[%iota3A, %broadcast_in_dim3A_1296] : memref<16x17xf32, #tpu.memory_space<vmem>>[vector<16xi32>, vector<16xi32>], vector<16xf32>,
        %broadcast_in_dim3A_1298 = arith.constant 13 : i32
        %broadcast_in_dim3A_1299 = vector.broadcast %broadcast_in_dim3A_1298 : i32 to vector<16xi32>
        %gather3A_1300 = tpu.vector_load_idx %arg14[%iota3A, %broadcast_in_dim3A_1299] : memref<16x17xf32, #tpu.memory_space<vmem>>[vector<16xi32>, vector<16xi32>], vector<16xf32>,
        %broadcast_in_dim3A_1301 = arith.constant 14 : i32
        %broadcast_in_dim3A_1302 = vector.broadcast %broadcast_in_dim3A_1301 : i32 to vector<16xi32>
        %gather3A_1303 = tpu.vector_load_idx %arg14[%iota3A, %broadcast_in_dim3A_1302] : memref<16x17xf32, #tpu.memory_space<vmem>>[vector<16xi32>, vector<16xi32>], vector<16xf32>,
        %broadcast_in_dim3A_1304 = arith.constant 15 : i32
        %broadcast_in_dim3A_1305 = vector.broadcast %broadcast_in_dim3A_1304 : i32 to vector<16xi32>
        %gather3A_1306 = tpu.vector_load_idx %arg14[%iota3A, %broadcast_in_dim3A_1305] : memref<16x17xf32, #tpu.memory_space<vmem>>[vector<16xi32>, vector<16xi32>], vector<16xf32>,
        %add3A_1307 = arith.addf %gather3A_1261, %gather3A_1264 : vector<16xf32>
        %add3A_1308 = arith.addf %gather3A_1267, %gather3A_1270 : vector<16xf32>
        %add3A_1309 = arith.addf %gather3A_1273, %gather3A_1276 : vector<16xf32>
        %add3A_1310 = arith.addf %gather3A_1279, %gather3A_1282 : vector<16xf32>
        %add3A_1311 = arith.addf %gather3A_1285, %gather3A_1288 : vector<16xf32>
        %add3A_1312 = arith.addf %gather3A_1291, %gather3A_1294 : vector<16xf32>
        %add3A_1313 = arith.addf %gather3A_1297, %gather3A_1300 : vector<16xf32>
        %add3A_1314 = arith.addf %gather3A_1303, %gather3A_1306 : vector<16xf32>
        %add3A_1315 = arith.addf %add3A_1307, %add3A_1308 : vector<16xf32>
        %add3A_1316 = arith.addf %add3A_1309, %add3A_1310 : vector<16xf32>
        %add3A_1317 = arith.addf %add3A_1311, %add3A_1312 : vector<16xf32>
        %add3A_1318 = arith.addf %add3A_1313, %add3A_1314 : vector<16xf32>
        %add3A_1319 = arith.addf %add3A_1315, %add3A_1316 : vector<16xf32>
        %add3A_1320 = arith.addf %add3A_1317, %add3A_1318 : vector<16xf32>
        %add3A_1321 = arith.addf %add3A_1319, %add3A_1320 : vector<16xf32>
        %mul3A_1322 = arith.constant 16 : i32
        %mul3A_1323 = arith.muli %scan3A_380, %mul3A_1322 : i32
        %add3A_1324 = vector.broadcast %mul3A_1323 : i32 to vector<16xi32>
        %add3A_1325 = arith.addi %iota3A, %add3A_1324 : vector<16xi32>
        %mul3A_1326 = arith.constant -1.562500e-02 : f32
        %mul3A_1327 = vector.broadcast %mul3A_1326 : f32 to vector<16xf32>
        %mul3A_1328 = arith.mulf %add3A_1321, %mul3A_1327 : vector<16xf32>
        %exp3A = math.exp %mul3A_1328 : vector<16xf32>
        %lt3A_1329 = arith.constant 200 : i32
        %lt3A_1330 = vector.broadcast %lt3A_1329 : i32 to vector<16xi32>
        %lt3A_1331 = arith.cmpi slt, %add3A_1325, %lt3A_1330 : vector<16xi32>
        %jit3A = arith.constant 0.000000e+00 : f32
        %broadcast_in_dim3A_1332 = vector.broadcast %jit3A : f32 to vector<16xf32>
        %select_n3A = arith.select %lt3A_1331, %exp3A, %broadcast_in_dim3A_1332 : vector<16xi1>, vector<16xf32>
        %mul3A_1333 = arith.constant 16 : i32
        %mul3A_1334 = arith.muli %scan3A_380, %mul3A_1333 : i32
        %swap3A_1335 = arith.index_cast %mul3A_1334 : i32 to index
        %swap3A_1336 = tpu.vector_load %arg13[%swap3A_1335] {strides = array<i32>} : memref<208xf32, #tpu.memory_space<vmem>>, vector<16xf32>,
        tpu.vector_store %arg13[%swap3A_1335], %select_n3A {strides = array<i32>} : memref<208xf32, #tpu.memory_space<vmem>>, vector<16xf32>,
        %add3A_1337 = arith.addf %scan3A_381, %select_n3A : vector<16xf32>
        scf.yield %add3A_1337 : vector<16xf32>
      }
      %scan3A_356 = arith.constant 13 : i32
      %reduce_sum3A_357 = arith.constant true
      %reduce_sum3A_358 = vector.broadcast %reduce_sum3A_357 : i1 to vector<16xi1>
      %reduce_sum3A_359 = tpu.scan <sum>, %scan3A_355 masked %reduce_sum3A_358 : vector<16xf32>, vector<16xi1> -> vector<16xf32>
      %reduce_sum3A_360 = vector.extract %reduce_sum3A_359[15] : f32 from vector<16xf32>
      %broadcast_in_dim3A_361 = vector.broadcast %reduce_sum3A_360 : f32 to vector<16xf32>
      %add3A_362 = arith.constant 9.99999996E-13 : f32
      %add3A_363 = vector.broadcast %add3A_362 : f32 to vector<16xf32>
      %add3A_364 = arith.addf %broadcast_in_dim3A_361, %add3A_363 : vector<16xf32>
      %div3A_365 = arith.constant 1.000000e+00 : f32
      %div3A_366 = vector.broadcast %div3A_365 : f32 to vector<16xf32>
      %div3A_367 = arith.divf %div3A_366, %add3A_364 : vector<16xf32>
      %scan3A_368 = arith.constant 0 : i32
      %scan3A_369 = arith.constant 13 : i32
      %scan3A_370 = arith.addi %scan3A_368, %scan3A_369 : i32
      %scan3A_371 = arith.constant 1 : i32
      %scan3A_372:4 = scf.for %scan3A_380 = %scan3A_368 to %scan3A_370 step %scan3A_371 iter_args(%scan3A_381 = %broadcast_in_dim3A_3, %scan3A_382 = %broadcast_in_dim3A_3, %scan3A_383 = %broadcast_in_dim3A_3, %scan3A_384 = %broadcast_in_dim3A_3) -> (vector<16xf32>, vector<16xf32>, vector<16xf32>, vector<16xf32>)  : i32 {
        %mul3A_385 = arith.constant 16 : i32
        %mul3A_386 = arith.muli %scan3A_380, %mul3A_385 : i32
        %get3A = arith.index_cast %mul3A_386 : i32 to index
        %get3A_387 = tpu.vector_load %arg13[%get3A] {strides = array<i32>} : memref<208xf32, #tpu.memory_space<vmem>>, vector<16xf32>,
        %mul3A_388 = arith.constant 16 : i32
        %mul3A_389 = arith.muli %scan3A_380, %mul3A_388 : i32
        %add3A_390 = arith.constant 0 : i32
        %add3A_391 = arith.addi %mul3A_389, %add3A_390 : i32
        %get3A_392 = arith.index_cast %add3A_391 : i32 to index
        %get3A_393 = arith.constant 0 : index
        %get3A_394 = tpu.vector_load %arg12[%get3A_392, %get3A_393] {strides = array<i32>} : memref<208x16xf32, #tpu.memory_space<vmem>>, vector<16xf32>,
        %mul3A_395 = arith.mulf %get3A_394, %get3A_394 : vector<16xf32>
        %swap3A_396 = arith.constant 0 : i32
        %swap3A_397 = arith.index_cast %swap3A_396 : i32 to index
        %swap3A_398 = arith.constant 0 : index
        %swap3A_399 = tpu.vector_load %arg14[%swap3A_397, %swap3A_398] {strides = array<i32>} : memref<16x17xf32, #tpu.memory_space<vmem>>, vector<16xf32>,
        tpu.vector_store %arg14[%swap3A_397, %swap3A_398], %mul3A_395 {strides = array<i32>} : memref<16x17xf32, #tpu.memory_space<vmem>>, vector<16xf32>,
        %mul3A_400 = arith.constant 16 : i32
        %mul3A_401 = arith.muli %scan3A_380, %mul3A_400 : i32
        %add3A_402 = arith.constant 1 : i32
        %add3A_403 = arith.addi %mul3A_401, %add3A_402 : i32
        %get3A_404 = arith.index_cast %add3A_403 : i32 to index
        %get3A_405 = arith.constant 0 : index
        %get3A_406 = tpu.vector_load %arg12[%get3A_404, %get3A_405] {strides = array<i32>} : memref<208x16xf32, #tpu.memory_space<vmem>>, vector<16xf32>,
        %mul3A_407 = arith.mulf %get3A_406, %get3A_406 : vector<16xf32>
        %swap3A_408 = arith.constant 1 : i32
        %swap3A_409 = arith.index_cast %swap3A_408 : i32 to index
        %swap3A_410 = arith.constant 0 : index
        %swap3A_411 = tpu.vector_load %arg14[%swap3A_409, %swap3A_410] {strides = array<i32>} : memref<16x17xf32, #tpu.memory_space<vmem>>, vector<16xf32>,
        tpu.vector_store %arg14[%swap3A_409, %swap3A_410], %mul3A_407 {strides = array<i32>} : memref<16x17xf32, #tpu.memory_space<vmem>>, vector<16xf32>,
        %mul3A_412 = arith.constant 16 : i32
        %mul3A_413 = arith.muli %scan3A_380, %mul3A_412 : i32
        %add3A_414 = arith.constant 2 : i32
        %add3A_415 = arith.addi %mul3A_413, %add3A_414 : i32
        %get3A_416 = arith.index_cast %add3A_415 : i32 to index
        %get3A_417 = arith.constant 0 : index
        %get3A_418 = tpu.vector_load %arg12[%get3A_416, %get3A_417] {strides = array<i32>} : memref<208x16xf32, #tpu.memory_space<vmem>>, vector<16xf32>,
        %mul3A_419 = arith.mulf %get3A_418, %get3A_418 : vector<16xf32>
        %swap3A_420 = arith.constant 2 : i32
        %swap3A_421 = arith.index_cast %swap3A_420 : i32 to index
        %swap3A_422 = arith.constant 0 : index
        %swap3A_423 = tpu.vector_load %arg14[%swap3A_421, %swap3A_422] {strides = array<i32>} : memref<16x17xf32, #tpu.memory_space<vmem>>, vector<16xf32>,
        tpu.vector_store %arg14[%swap3A_421, %swap3A_422], %mul3A_419 {strides = array<i32>} : memref<16x17xf32, #tpu.memory_space<vmem>>, vector<16xf32>,
        %mul3A_424 = arith.constant 16 : i32
        %mul3A_425 = arith.muli %scan3A_380, %mul3A_424 : i32
        %add3A_426 = arith.constant 3 : i32
        %add3A_427 = arith.addi %mul3A_425, %add3A_426 : i32
        %get3A_428 = arith.index_cast %add3A_427 : i32 to index
        %get3A_429 = arith.constant 0 : index
        %get3A_430 = tpu.vector_load %arg12[%get3A_428, %get3A_429] {strides = array<i32>} : memref<208x16xf32, #tpu.memory_space<vmem>>, vector<16xf32>,
        %mul3A_431 = arith.mulf %get3A_430, %get3A_430 : vector<16xf32>
        %swap3A_432 = arith.constant 3 : i32
        %swap3A_433 = arith.index_cast %swap3A_432 : i32 to index
        %swap3A_434 = arith.constant 0 : index
        %swap3A_435 = tpu.vector_load %arg14[%swap3A_433, %swap3A_434] {strides = array<i32>} : memref<16x17xf32, #tpu.memory_space<vmem>>, vector<16xf32>,
        tpu.vector_store %arg14[%swap3A_433, %swap3A_434], %mul3A_431 {strides = array<i32>} : memref<16x17xf32, #tpu.memory_space<vmem>>, vector<16xf32>,
        %mul3A_436 = arith.constant 16 : i32
        %mul3A_437 = arith.muli %scan3A_380, %mul3A_436 : i32
        %add3A_438 = arith.constant 4 : i32
        %add3A_439 = arith.addi %mul3A_437, %add3A_438 : i32
        %get3A_440 = arith.index_cast %add3A_439 : i32 to index
        %get3A_441 = arith.constant 0 : index
        %get3A_442 = tpu.vector_load %arg12[%get3A_440, %get3A_441] {strides = array<i32>} : memref<208x16xf32, #tpu.memory_space<vmem>>, vector<16xf32>,
        %mul3A_443 = arith.mulf %get3A_442, %get3A_442 : vector<16xf32>
        %swap3A_444 = arith.constant 4 : i32
        %swap3A_445 = arith.index_cast %swap3A_444 : i32 to index
        %swap3A_446 = arith.constant 0 : index
        %swap3A_447 = tpu.vector_load %arg14[%swap3A_445, %swap3A_446] {strides = array<i32>} : memref<16x17xf32, #tpu.memory_space<vmem>>, vector<16xf32>,
        tpu.vector_store %arg14[%swap3A_445, %swap3A_446], %mul3A_443 {strides = array<i32>} : memref<16x17xf32, #tpu.memory_space<vmem>>, vector<16xf32>,
        %mul3A_448 = arith.constant 16 : i32
        %mul3A_449 = arith.muli %scan3A_380, %mul3A_448 : i32
        %add3A_450 = arith.constant 5 : i32
        %add3A_451 = arith.addi %mul3A_449, %add3A_450 : i32
        %get3A_452 = arith.index_cast %add3A_451 : i32 to index
        %get3A_453 = arith.constant 0 : index
        %get3A_454 = tpu.vector_load %arg12[%get3A_452, %get3A_453] {strides = array<i32>} : memref<208x16xf32, #tpu.memory_space<vmem>>, vector<16xf32>,
        %mul3A_455 = arith.mulf %get3A_454, %get3A_454 : vector<16xf32>
        %swap3A_456 = arith.constant 5 : i32
        %swap3A_457 = arith.index_cast %swap3A_456 : i32 to index
        %swap3A_458 = arith.constant 0 : index
        %swap3A_459 = tpu.vector_load %arg14[%swap3A_457, %swap3A_458] {strides = array<i32>} : memref<16x17xf32, #tpu.memory_space<vmem>>, vector<16xf32>,
        tpu.vector_store %arg14[%swap3A_457, %swap3A_458], %mul3A_455 {strides = array<i32>} : memref<16x17xf32, #tpu.memory_space<vmem>>, vector<16xf32>,
        %mul3A_460 = arith.constant 16 : i32
        %mul3A_461 = arith.muli %scan3A_380, %mul3A_460 : i32
        %add3A_462 = arith.constant 6 : i32
        %add3A_463 = arith.addi %mul3A_461, %add3A_462 : i32
        %get3A_464 = arith.index_cast %add3A_463 : i32 to index
        %get3A_465 = arith.constant 0 : index
        %get3A_466 = tpu.vector_load %arg12[%get3A_464, %get3A_465] {strides = array<i32>} : memref<208x16xf32, #tpu.memory_space<vmem>>, vector<16xf32>,
        %mul3A_467 = arith.mulf %get3A_466, %get3A_466 : vector<16xf32>
        %swap3A_468 = arith.constant 6 : i32
        %swap3A_469 = arith.index_cast %swap3A_468 : i32 to index
        %swap3A_470 = arith.constant 0 : index
        %swap3A_471 = tpu.vector_load %arg14[%swap3A_469, %swap3A_470] {strides = array<i32>} : memref<16x17xf32, #tpu.memory_space<vmem>>, vector<16xf32>,
        tpu.vector_store %arg14[%swap3A_469, %swap3A_470], %mul3A_467 {strides = array<i32>} : memref<16x17xf32, #tpu.memory_space<vmem>>, vector<16xf32>,
        %mul3A_472 = arith.constant 16 : i32
        %mul3A_473 = arith.muli %scan3A_380, %mul3A_472 : i32
        %add3A_474 = arith.constant 7 : i32
        %add3A_475 = arith.addi %mul3A_473, %add3A_474 : i32
        %get3A_476 = arith.index_cast %add3A_475 : i32 to index
        %get3A_477 = arith.constant 0 : index
        %get3A_478 = tpu.vector_load %arg12[%get3A_476, %get3A_477] {strides = array<i32>} : memref<208x16xf32, #tpu.memory_space<vmem>>, vector<16xf32>,
        %mul3A_479 = arith.mulf %get3A_478, %get3A_478 : vector<16xf32>
        %swap3A_480 = arith.constant 7 : i32
        %swap3A_481 = arith.index_cast %swap3A_480 : i32 to index
        %swap3A_482 = arith.constant 0 : index
        %swap3A_483 = tpu.vector_load %arg14[%swap3A_481, %swap3A_482] {strides = array<i32>} : memref<16x17xf32, #tpu.memory_space<vmem>>, vector<16xf32>,
        tpu.vector_store %arg14[%swap3A_481, %swap3A_482], %mul3A_479 {strides = array<i32>} : memref<16x17xf32, #tpu.memory_space<vmem>>, vector<16xf32>,
        %mul3A_484 = arith.constant 16 : i32
        %mul3A_485 = arith.muli %scan3A_380, %mul3A_484 : i32
        %add3A_486 = arith.constant 8 : i32
        %add3A_487 = arith.addi %mul3A_485, %add3A_486 : i32
        %get3A_488 = arith.index_cast %add3A_487 : i32 to index
        %get3A_489 = arith.constant 0 : index
        %get3A_490 = tpu.vector_load %arg12[%get3A_488, %get3A_489] {strides = array<i32>} : memref<208x16xf32, #tpu.memory_space<vmem>>, vector<16xf32>,
        %mul3A_491 = arith.mulf %get3A_490, %get3A_490 : vector<16xf32>
        %swap3A_492 = arith.constant 8 : i32
        %swap3A_493 = arith.index_cast %swap3A_492 : i32 to index
        %swap3A_494 = arith.constant 0 : index
        %swap3A_495 = tpu.vector_load %arg14[%swap3A_493, %swap3A_494] {strides = array<i32>} : memref<16x17xf32, #tpu.memory_space<vmem>>, vector<16xf32>,
        tpu.vector_store %arg14[%swap3A_493, %swap3A_494], %mul3A_491 {strides = array<i32>} : memref<16x17xf32, #tpu.memory_space<vmem>>, vector<16xf32>,
        %mul3A_496 = arith.constant 16 : i32
        %mul3A_497 = arith.muli %scan3A_380, %mul3A_496 : i32
        %add3A_498 = arith.constant 9 : i32
        %add3A_499 = arith.addi %mul3A_497, %add3A_498 : i32
        %get3A_500 = arith.index_cast %add3A_499 : i32 to index
        %get3A_501 = arith.constant 0 : index
        %get3A_502 = tpu.vector_load %arg12[%get3A_500, %get3A_501] {strides = array<i32>} : memref<208x16xf32, #tpu.memory_space<vmem>>, vector<16xf32>,
        %mul3A_503 = arith.mulf %get3A_502, %get3A_502 : vector<16xf32>
        %swap3A_504 = arith.constant 9 : i32
        %swap3A_505 = arith.index_cast %swap3A_504 : i32 to index
        %swap3A_506 = arith.constant 0 : index
        %swap3A_507 = tpu.vector_load %arg14[%swap3A_505, %swap3A_506] {strides = array<i32>} : memref<16x17xf32, #tpu.memory_space<vmem>>, vector<16xf32>,
        tpu.vector_store %arg14[%swap3A_505, %swap3A_506], %mul3A_503 {strides = array<i32>} : memref<16x17xf32, #tpu.memory_space<vmem>>, vector<16xf32>,
        %mul3A_508 = arith.constant 16 : i32
        %mul3A_509 = arith.muli %scan3A_380, %mul3A_508 : i32
        %add3A_510 = arith.constant 10 : i32
        %add3A_511 = arith.addi %mul3A_509, %add3A_510 : i32
        %get3A_512 = arith.index_cast %add3A_511 : i32 to index
        %get3A_513 = arith.constant 0 : index
        %get3A_514 = tpu.vector_load %arg12[%get3A_512, %get3A_513] {strides = array<i32>} : memref<208x16xf32, #tpu.memory_space<vmem>>, vector<16xf32>,
        %mul3A_515 = arith.mulf %get3A_514, %get3A_514 : vector<16xf32>
        %swap3A_516 = arith.constant 10 : i32
        %swap3A_517 = arith.index_cast %swap3A_516 : i32 to index
        %swap3A_518 = arith.constant 0 : index
        %swap3A_519 = tpu.vector_load %arg14[%swap3A_517, %swap3A_518] {strides = array<i32>} : memref<16x17xf32, #tpu.memory_space<vmem>>, vector<16xf32>,
        tpu.vector_store %arg14[%swap3A_517, %swap3A_518], %mul3A_515 {strides = array<i32>} : memref<16x17xf32, #tpu.memory_space<vmem>>, vector<16xf32>,
        %mul3A_520 = arith.constant 16 : i32
        %mul3A_521 = arith.muli %scan3A_380, %mul3A_520 : i32
        %add3A_522 = arith.constant 11 : i32
        %add3A_523 = arith.addi %mul3A_521, %add3A_522 : i32
        %get3A_524 = arith.index_cast %add3A_523 : i32 to index
        %get3A_525 = arith.constant 0 : index
        %get3A_526 = tpu.vector_load %arg12[%get3A_524, %get3A_525] {strides = array<i32>} : memref<208x16xf32, #tpu.memory_space<vmem>>, vector<16xf32>,
        %mul3A_527 = arith.mulf %get3A_526, %get3A_526 : vector<16xf32>
        %swap3A_528 = arith.constant 11 : i32
        %swap3A_529 = arith.index_cast %swap3A_528 : i32 to index
        %swap3A_530 = arith.constant 0 : index
        %swap3A_531 = tpu.vector_load %arg14[%swap3A_529, %swap3A_530] {strides = array<i32>} : memref<16x17xf32, #tpu.memory_space<vmem>>, vector<16xf32>,
        tpu.vector_store %arg14[%swap3A_529, %swap3A_530], %mul3A_527 {strides = array<i32>} : memref<16x17xf32, #tpu.memory_space<vmem>>, vector<16xf32>,
        %mul3A_532 = arith.constant 16 : i32
        %mul3A_533 = arith.muli %scan3A_380, %mul3A_532 : i32
        %add3A_534 = arith.constant 12 : i32
        %add3A_535 = arith.addi %mul3A_533, %add3A_534 : i32
        %get3A_536 = arith.index_cast %add3A_535 : i32 to index
        %get3A_537 = arith.constant 0 : index
        %get3A_538 = tpu.vector_load %arg12[%get3A_536, %get3A_537] {strides = array<i32>} : memref<208x16xf32, #tpu.memory_space<vmem>>, vector<16xf32>,
        %mul3A_539 = arith.mulf %get3A_538, %get3A_538 : vector<16xf32>
        %swap3A_540 = arith.constant 12 : i32
        %swap3A_541 = arith.index_cast %swap3A_540 : i32 to index
        %swap3A_542 = arith.constant 0 : index
        %swap3A_543 = tpu.vector_load %arg14[%swap3A_541, %swap3A_542] {strides = array<i32>} : memref<16x17xf32, #tpu.memory_space<vmem>>, vector<16xf32>,
        tpu.vector_store %arg14[%swap3A_541, %swap3A_542], %mul3A_539 {strides = array<i32>} : memref<16x17xf32, #tpu.memory_space<vmem>>, vector<16xf32>,
        %mul3A_544 = arith.constant 16 : i32
        %mul3A_545 = arith.muli %scan3A_380, %mul3A_544 : i32
        %add3A_546 = arith.constant 13 : i32
        %add3A_547 = arith.addi %mul3A_545, %add3A_546 : i32
        %get3A_548 = arith.index_cast %add3A_547 : i32 to index
        %get3A_549 = arith.constant 0 : index
        %get3A_550 = tpu.vector_load %arg12[%get3A_548, %get3A_549] {strides = array<i32>} : memref<208x16xf32, #tpu.memory_space<vmem>>, vector<16xf32>,
        %mul3A_551 = arith.mulf %get3A_550, %get3A_550 : vector<16xf32>
        %swap3A_552 = arith.constant 13 : i32
        %swap3A_553 = arith.index_cast %swap3A_552 : i32 to index
        %swap3A_554 = arith.constant 0 : index
        %swap3A_555 = tpu.vector_load %arg14[%swap3A_553, %swap3A_554] {strides = array<i32>} : memref<16x17xf32, #tpu.memory_space<vmem>>, vector<16xf32>,
        tpu.vector_store %arg14[%swap3A_553, %swap3A_554], %mul3A_551 {strides = array<i32>} : memref<16x17xf32, #tpu.memory_space<vmem>>, vector<16xf32>,
        %mul3A_556 = arith.constant 16 : i32
        %mul3A_557 = arith.muli %scan3A_380, %mul3A_556 : i32
        %add3A_558 = arith.constant 14 : i32
        %add3A_559 = arith.addi %mul3A_557, %add3A_558 : i32
        %get3A_560 = arith.index_cast %add3A_559 : i32 to index
        %get3A_561 = arith.constant 0 : index
        %get3A_562 = tpu.vector_load %arg12[%get3A_560, %get3A_561] {strides = array<i32>} : memref<208x16xf32, #tpu.memory_space<vmem>>, vector<16xf32>,
        %mul3A_563 = arith.mulf %get3A_562, %get3A_562 : vector<16xf32>
        %swap3A_564 = arith.constant 14 : i32
        %swap3A_565 = arith.index_cast %swap3A_564 : i32 to index
        %swap3A_566 = arith.constant 0 : index
        %swap3A_567 = tpu.vector_load %arg14[%swap3A_565, %swap3A_566] {strides = array<i32>} : memref<16x17xf32, #tpu.memory_space<vmem>>, vector<16xf32>,
        tpu.vector_store %arg14[%swap3A_565, %swap3A_566], %mul3A_563 {strides = array<i32>} : memref<16x17xf32, #tpu.memory_space<vmem>>, vector<16xf32>,
        %mul3A_568 = arith.constant 16 : i32
        %mul3A_569 = arith.muli %scan3A_380, %mul3A_568 : i32
        %add3A_570 = arith.constant 15 : i32
        %add3A_571 = arith.addi %mul3A_569, %add3A_570 : i32
        %get3A_572 = arith.index_cast %add3A_571 : i32 to index
        %get3A_573 = arith.constant 0 : index
        %get3A_574 = tpu.vector_load %arg12[%get3A_572, %get3A_573] {strides = array<i32>} : memref<208x16xf32, #tpu.memory_space<vmem>>, vector<16xf32>,
        %mul3A_575 = arith.mulf %get3A_574, %get3A_574 : vector<16xf32>
        %swap3A_576 = arith.constant 15 : i32
        %swap3A_577 = arith.index_cast %swap3A_576 : i32 to index
        %swap3A_578 = arith.constant 0 : index
        %swap3A_579 = tpu.vector_load %arg14[%swap3A_577, %swap3A_578] {strides = array<i32>} : memref<16x17xf32, #tpu.memory_space<vmem>>, vector<16xf32>,
        tpu.vector_store %arg14[%swap3A_577, %swap3A_578], %mul3A_575 {strides = array<i32>} : memref<16x17xf32, #tpu.memory_space<vmem>>, vector<16xf32>,
        %broadcast_in_dim3A_580 = arith.constant 0 : i32
        %broadcast_in_dim3A_581 = vector.broadcast %broadcast_in_dim3A_580 : i32 to vector<16xi32>
        %gather3A_582 = tpu.vector_load_idx %arg14[%iota3A, %broadcast_in_dim3A_581] : memref<16x17xf32, #tpu.memory_space<vmem>>[vector<16xi32>, vector<16xi32>], vector<16xf32>,
        %broadcast_in_dim3A_583 = arith.constant 1 : i32
        %broadcast_in_dim3A_584 = vector.broadcast %broadcast_in_dim3A_583 : i32 to vector<16xi32>
        %gather3A_585 = tpu.vector_load_idx %arg14[%iota3A, %broadcast_in_dim3A_584] : memref<16x17xf32, #tpu.memory_space<vmem>>[vector<16xi32>, vector<16xi32>], vector<16xf32>,
        %broadcast_in_dim3A_586 = arith.constant 2 : i32
        %broadcast_in_dim3A_587 = vector.broadcast %broadcast_in_dim3A_586 : i32 to vector<16xi32>
        %gather3A_588 = tpu.vector_load_idx %arg14[%iota3A, %broadcast_in_dim3A_587] : memref<16x17xf32, #tpu.memory_space<vmem>>[vector<16xi32>, vector<16xi32>], vector<16xf32>,
        %broadcast_in_dim3A_589 = arith.constant 3 : i32
        %broadcast_in_dim3A_590 = vector.broadcast %broadcast_in_dim3A_589 : i32 to vector<16xi32>
        %gather3A_591 = tpu.vector_load_idx %arg14[%iota3A, %broadcast_in_dim3A_590] : memref<16x17xf32, #tpu.memory_space<vmem>>[vector<16xi32>, vector<16xi32>], vector<16xf32>,
        %broadcast_in_dim3A_592 = arith.constant 4 : i32
        %broadcast_in_dim3A_593 = vector.broadcast %broadcast_in_dim3A_592 : i32 to vector<16xi32>
        %gather3A_594 = tpu.vector_load_idx %arg14[%iota3A, %broadcast_in_dim3A_593] : memref<16x17xf32, #tpu.memory_space<vmem>>[vector<16xi32>, vector<16xi32>], vector<16xf32>,
        %broadcast_in_dim3A_595 = arith.constant 5 : i32
        %broadcast_in_dim3A_596 = vector.broadcast %broadcast_in_dim3A_595 : i32 to vector<16xi32>
        %gather3A_597 = tpu.vector_load_idx %arg14[%iota3A, %broadcast_in_dim3A_596] : memref<16x17xf32, #tpu.memory_space<vmem>>[vector<16xi32>, vector<16xi32>], vector<16xf32>,
        %broadcast_in_dim3A_598 = arith.constant 6 : i32
        %broadcast_in_dim3A_599 = vector.broadcast %broadcast_in_dim3A_598 : i32 to vector<16xi32>
        %gather3A_600 = tpu.vector_load_idx %arg14[%iota3A, %broadcast_in_dim3A_599] : memref<16x17xf32, #tpu.memory_space<vmem>>[vector<16xi32>, vector<16xi32>], vector<16xf32>,
        %broadcast_in_dim3A_601 = arith.constant 7 : i32
        %broadcast_in_dim3A_602 = vector.broadcast %broadcast_in_dim3A_601 : i32 to vector<16xi32>
        %gather3A_603 = tpu.vector_load_idx %arg14[%iota3A, %broadcast_in_dim3A_602] : memref<16x17xf32, #tpu.memory_space<vmem>>[vector<16xi32>, vector<16xi32>], vector<16xf32>,
        %broadcast_in_dim3A_604 = arith.constant 8 : i32
        %broadcast_in_dim3A_605 = vector.broadcast %broadcast_in_dim3A_604 : i32 to vector<16xi32>
        %gather3A_606 = tpu.vector_load_idx %arg14[%iota3A, %broadcast_in_dim3A_605] : memref<16x17xf32, #tpu.memory_space<vmem>>[vector<16xi32>, vector<16xi32>], vector<16xf32>,
        %broadcast_in_dim3A_607 = arith.constant 9 : i32
        %broadcast_in_dim3A_608 = vector.broadcast %broadcast_in_dim3A_607 : i32 to vector<16xi32>
        %gather3A_609 = tpu.vector_load_idx %arg14[%iota3A, %broadcast_in_dim3A_608] : memref<16x17xf32, #tpu.memory_space<vmem>>[vector<16xi32>, vector<16xi32>], vector<16xf32>,
        %broadcast_in_dim3A_610 = arith.constant 10 : i32
        %broadcast_in_dim3A_611 = vector.broadcast %broadcast_in_dim3A_610 : i32 to vector<16xi32>
        %gather3A_612 = tpu.vector_load_idx %arg14[%iota3A, %broadcast_in_dim3A_611] : memref<16x17xf32, #tpu.memory_space<vmem>>[vector<16xi32>, vector<16xi32>], vector<16xf32>,
        %broadcast_in_dim3A_613 = arith.constant 11 : i32
        %broadcast_in_dim3A_614 = vector.broadcast %broadcast_in_dim3A_613 : i32 to vector<16xi32>
        %gather3A_615 = tpu.vector_load_idx %arg14[%iota3A, %broadcast_in_dim3A_614] : memref<16x17xf32, #tpu.memory_space<vmem>>[vector<16xi32>, vector<16xi32>], vector<16xf32>,
        %broadcast_in_dim3A_616 = arith.constant 12 : i32
        %broadcast_in_dim3A_617 = vector.broadcast %broadcast_in_dim3A_616 : i32 to vector<16xi32>
        %gather3A_618 = tpu.vector_load_idx %arg14[%iota3A, %broadcast_in_dim3A_617] : memref<16x17xf32, #tpu.memory_space<vmem>>[vector<16xi32>, vector<16xi32>], vector<16xf32>,
        %broadcast_in_dim3A_619 = arith.constant 13 : i32
        %broadcast_in_dim3A_620 = vector.broadcast %broadcast_in_dim3A_619 : i32 to vector<16xi32>
        %gather3A_621 = tpu.vector_load_idx %arg14[%iota3A, %broadcast_in_dim3A_620] : memref<16x17xf32, #tpu.memory_space<vmem>>[vector<16xi32>, vector<16xi32>], vector<16xf32>,
        %broadcast_in_dim3A_622 = arith.constant 14 : i32
        %broadcast_in_dim3A_623 = vector.broadcast %broadcast_in_dim3A_622 : i32 to vector<16xi32>
        %gather3A_624 = tpu.vector_load_idx %arg14[%iota3A, %broadcast_in_dim3A_623] : memref<16x17xf32, #tpu.memory_space<vmem>>[vector<16xi32>, vector<16xi32>], vector<16xf32>,
        %broadcast_in_dim3A_625 = arith.constant 15 : i32
        %broadcast_in_dim3A_626 = vector.broadcast %broadcast_in_dim3A_625 : i32 to vector<16xi32>
        %gather3A_627 = tpu.vector_load_idx %arg14[%iota3A, %broadcast_in_dim3A_626] : memref<16x17xf32, #tpu.memory_space<vmem>>[vector<16xi32>, vector<16xi32>], vector<16xf32>,
        %add3A_628 = arith.addf %gather3A_582, %gather3A_585 : vector<16xf32>
        %add3A_629 = arith.addf %gather3A_588, %gather3A_591 : vector<16xf32>
        %add3A_630 = arith.addf %gather3A_594, %gather3A_597 : vector<16xf32>
        %add3A_631 = arith.addf %gather3A_600, %gather3A_603 : vector<16xf32>
        %add3A_632 = arith.addf %gather3A_606, %gather3A_609 : vector<16xf32>
        %add3A_633 = arith.addf %gather3A_612, %gather3A_615 : vector<16xf32>
        %add3A_634 = arith.addf %gather3A_618, %gather3A_621 : vector<16xf32>
        %add3A_635 = arith.addf %gather3A_624, %gather3A_627 : vector<16xf32>
        %add3A_636 = arith.addf %add3A_628, %add3A_629 : vector<16xf32>
        %add3A_637 = arith.addf %add3A_630, %add3A_631 : vector<16xf32>
        %add3A_638 = arith.addf %add3A_632, %add3A_633 : vector<16xf32>
        %add3A_639 = arith.addf %add3A_634, %add3A_635 : vector<16xf32>
        %add3A_640 = arith.addf %add3A_636, %add3A_637 : vector<16xf32>
        %add3A_641 = arith.addf %add3A_638, %add3A_639 : vector<16xf32>
        %add3A_642 = arith.addf %add3A_640, %add3A_641 : vector<16xf32>
        %bitcast_convert_type3A = tpu.bitcast %add3A_642 : vector<16xf32> -> vector<16xi32>
        %broadcast_in_dim3A_643 = arith.constant 1 : i32
        %broadcast_in_dim3A_644 = vector.broadcast %broadcast_in_dim3A_643 : i32 to vector<16xi32>
        %shift_right_arithmetic3A = arith.shrsi %bitcast_convert_type3A, %broadcast_in_dim3A_644 : vector<16xi32>
        %sub3A = arith.constant 1597463007 : i32
        %sub3A_645 = vector.broadcast %sub3A : i32 to vector<16xi32>
        %sub3A_646 = arith.subi %sub3A_645, %shift_right_arithmetic3A : vector<16xi32>
        %bitcast_convert_type3A_647 = tpu.bitcast %sub3A_646 : vector<16xi32> -> vector<16xf32>
        %mul3A_648 = arith.constant 5.000000e-01 : f32
        %mul3A_649 = vector.broadcast %mul3A_648 : f32 to vector<16xf32>
        %mul3A_650 = arith.mulf %mul3A_649, %add3A_642 : vector<16xf32>
        %mul3A_651 = arith.mulf %mul3A_650, %bitcast_convert_type3A_647 : vector<16xf32>
        %mul3A_652 = arith.mulf %mul3A_651, %bitcast_convert_type3A_647 : vector<16xf32>
        %sub3A_653 = arith.constant 1.500000e+00 : f32
        %sub3A_654 = vector.broadcast %sub3A_653 : f32 to vector<16xf32>
        %sub3A_655 = arith.subf %sub3A_654, %mul3A_652 : vector<16xf32>
        %mul3A_656 = arith.mulf %bitcast_convert_type3A_647, %sub3A_655 : vector<16xf32>
        %mul3A_657 = arith.constant 5.000000e-01 : f32
        %mul3A_658 = vector.broadcast %mul3A_657 : f32 to vector<16xf32>
        %mul3A_659 = arith.mulf %mul3A_658, %add3A_642 : vector<16xf32>
        %mul3A_660 = arith.mulf %mul3A_659, %mul3A_656 : vector<16xf32>
        %mul3A_661 = arith.mulf %mul3A_660, %mul3A_656 : vector<16xf32>
        %sub3A_662 = arith.constant 1.500000e+00 : f32
        %sub3A_663 = vector.broadcast %sub3A_662 : f32 to vector<16xf32>
        %sub3A_664 = arith.subf %sub3A_663, %mul3A_661 : vector<16xf32>
        %mul3A_665 = arith.mulf %mul3A_656, %sub3A_664 : vector<16xf32>
        %mul3A_666 = arith.constant 5.000000e-01 : f32
        %mul3A_667 = vector.broadcast %mul3A_666 : f32 to vector<16xf32>
        %mul3A_668 = arith.mulf %mul3A_667, %add3A_642 : vector<16xf32>
        %mul3A_669 = arith.mulf %mul3A_668, %mul3A_665 : vector<16xf32>
        %mul3A_670 = arith.mulf %mul3A_669, %mul3A_665 : vector<16xf32>
        %sub3A_671 = arith.constant 1.500000e+00 : f32
        %sub3A_672 = vector.broadcast %sub3A_671 : f32 to vector<16xf32>
        %sub3A_673 = arith.subf %sub3A_672, %mul3A_670 : vector<16xf32>
        %mul3A_674 = arith.mulf %mul3A_665, %sub3A_673 : vector<16xf32>
        %mul3A_675 = arith.mulf %add3A_642, %mul3A_674 : vector<16xf32>
        %add3A_676 = arith.constant 9.99999996E-13 : f32
        %add3A_677 = vector.broadcast %add3A_676 : f32 to vector<16xf32>
        %add3A_678 = arith.addf %mul3A_675, %add3A_677 : vector<16xf32>
        %mul3A_679 = arith.mulf %get3A_387, %div3A_367 : vector<16xf32>
        %mul3A_680 = arith.mulf %add3A_678, %add3A_678 : vector<16xf32>
        %div3A_681 = arith.divf %mul3A_679, %mul3A_680 : vector<16xf32>
        %mul3A_682 = arith.constant 16 : i32
        %mul3A_683 = arith.muli %scan3A_380, %mul3A_682 : i32
        %add3A_684 = vector.broadcast %mul3A_683 : i32 to vector<16xi32>
        %add3A_685 = arith.addi %iota3A, %add3A_684 : vector<16xi32>
        %lt3A_686 = arith.constant 200 : i32
        %lt3A_687 = vector.broadcast %lt3A_686 : i32 to vector<16xi32>
        %lt3A_688 = arith.cmpi slt, %add3A_685, %lt3A_687 : vector<16xi32>
        %jit3A = arith.constant 0.000000e+00 : f32
        %broadcast_in_dim3A_689 = vector.broadcast %jit3A : f32 to vector<16xf32>
        %select_n3A = arith.select %lt3A_688, %div3A_681, %broadcast_in_dim3A_689 : vector<16xi1>, vector<16xf32>
        %eq3A = arith.constant 0 : i32
        %eq3A_690 = vector.broadcast %eq3A : i32 to vector<16xi32>
        %eq3A_691 = arith.cmpi eq, %iota3A, %eq3A_690 : vector<16xi32>
        %jit3A_692 = arith.constant 0.000000e+00 : f32
        %broadcast_in_dim3A_693 = vector.broadcast %jit3A_692 : f32 to vector<16xf32>
        %select_n3A_694 = arith.select %eq3A_691, %select_n3A, %broadcast_in_dim3A_693 : vector<16xi1>, vector<16xf32>
        %reduce_sum3A_695 = arith.constant true
        %reduce_sum3A_696 = vector.broadcast %reduce_sum3A_695 : i1 to vector<16xi1>
        %reduce_sum3A_697 = tpu.scan <sum>, %select_n3A_694 masked %reduce_sum3A_696 : vector<16xf32>, vector<16xi1> -> vector<16xf32>
        %reduce_sum3A_698 = vector.extract %reduce_sum3A_697[15] : f32 from vector<16xf32>
        %broadcast_in_dim3A_699 = vector.broadcast %reduce_sum3A_698 : f32 to vector<16xf32>
        %get3A_700 = arith.constant 0 : i32
        %get3A_701 = arith.index_cast %get3A_700 : i32 to index
        %get3A_702 = arith.constant 0 : index
        %get3A_703 = tpu.vector_load %arg14[%get3A_701, %get3A_702] {strides = array<i32>} : memref<16x17xf32, #tpu.memory_space<vmem>>, vector<16xf32>,
        %mul3A_704 = arith.mulf %broadcast_in_dim3A_699, %get3A_703 : vector<16xf32>
        %add3A_705 = arith.addf %scan3A_381, %mul3A_704 : vector<16xf32>
        %eq3A_706 = arith.constant 1 : i32
        %eq3A_707 = vector.broadcast %eq3A_706 : i32 to vector<16xi32>
        %eq3A_708 = arith.cmpi eq, %iota3A, %eq3A_707 : vector<16xi32>
        %jit3A_709 = arith.constant 0.000000e+00 : f32
        %broadcast_in_dim3A_710 = vector.broadcast %jit3A_709 : f32 to vector<16xf32>
        %select_n3A_711 = arith.select %eq3A_708, %select_n3A, %broadcast_in_dim3A_710 : vector<16xi1>, vector<16xf32>
        %reduce_sum3A_712 = arith.constant true
        %reduce_sum3A_713 = vector.broadcast %reduce_sum3A_712 : i1 to vector<16xi1>
        %reduce_sum3A_714 = tpu.scan <sum>, %select_n3A_711 masked %reduce_sum3A_713 : vector<16xf32>, vector<16xi1> -> vector<16xf32>
        %reduce_sum3A_715 = vector.extract %reduce_sum3A_714[15] : f32 from vector<16xf32>
        %broadcast_in_dim3A_716 = vector.broadcast %reduce_sum3A_715 : f32 to vector<16xf32>
        %get3A_717 = arith.constant 1 : i32
        %get3A_718 = arith.index_cast %get3A_717 : i32 to index
        %get3A_719 = arith.constant 0 : index
        %get3A_720 = tpu.vector_load %arg14[%get3A_718, %get3A_719] {strides = array<i32>} : memref<16x17xf32, #tpu.memory_space<vmem>>, vector<16xf32>,
        %mul3A_721 = arith.mulf %broadcast_in_dim3A_716, %get3A_720 : vector<16xf32>
        %add3A_722 = arith.addf %scan3A_382, %mul3A_721 : vector<16xf32>
        %eq3A_723 = arith.constant 2 : i32
        %eq3A_724 = vector.broadcast %eq3A_723 : i32 to vector<16xi32>
        %eq3A_725 = arith.cmpi eq, %iota3A, %eq3A_724 : vector<16xi32>
        %jit3A_726 = arith.constant 0.000000e+00 : f32
        %broadcast_in_dim3A_727 = vector.broadcast %jit3A_726 : f32 to vector<16xf32>
        %select_n3A_728 = arith.select %eq3A_725, %select_n3A, %broadcast_in_dim3A_727 : vector<16xi1>, vector<16xf32>
        %reduce_sum3A_729 = arith.constant true
        %reduce_sum3A_730 = vector.broadcast %reduce_sum3A_729 : i1 to vector<16xi1>
        %reduce_sum3A_731 = tpu.scan <sum>, %select_n3A_728 masked %reduce_sum3A_730 : vector<16xf32>, vector<16xi1> -> vector<16xf32>
        %reduce_sum3A_732 = vector.extract %reduce_sum3A_731[15] : f32 from vector<16xf32>
        %broadcast_in_dim3A_733 = vector.broadcast %reduce_sum3A_732 : f32 to vector<16xf32>
        %get3A_734 = arith.constant 2 : i32
        %get3A_735 = arith.index_cast %get3A_734 : i32 to index
        %get3A_736 = arith.constant 0 : index
        %get3A_737 = tpu.vector_load %arg14[%get3A_735, %get3A_736] {strides = array<i32>} : memref<16x17xf32, #tpu.memory_space<vmem>>, vector<16xf32>,
        %mul3A_738 = arith.mulf %broadcast_in_dim3A_733, %get3A_737 : vector<16xf32>
        %add3A_739 = arith.addf %scan3A_383, %mul3A_738 : vector<16xf32>
        %eq3A_740 = arith.constant 3 : i32
        %eq3A_741 = vector.broadcast %eq3A_740 : i32 to vector<16xi32>
        %eq3A_742 = arith.cmpi eq, %iota3A, %eq3A_741 : vector<16xi32>
        %jit3A_743 = arith.constant 0.000000e+00 : f32
        %broadcast_in_dim3A_744 = vector.broadcast %jit3A_743 : f32 to vector<16xf32>
        %select_n3A_745 = arith.select %eq3A_742, %select_n3A, %broadcast_in_dim3A_744 : vector<16xi1>, vector<16xf32>
        %reduce_sum3A_746 = arith.constant true
        %reduce_sum3A_747 = vector.broadcast %reduce_sum3A_746 : i1 to vector<16xi1>
        %reduce_sum3A_748 = tpu.scan <sum>, %select_n3A_745 masked %reduce_sum3A_747 : vector<16xf32>, vector<16xi1> -> vector<16xf32>
        %reduce_sum3A_749 = vector.extract %reduce_sum3A_748[15] : f32 from vector<16xf32>
        %broadcast_in_dim3A_750 = vector.broadcast %reduce_sum3A_749 : f32 to vector<16xf32>
        %get3A_751 = arith.constant 3 : i32
        %get3A_752 = arith.index_cast %get3A_751 : i32 to index
        %get3A_753 = arith.constant 0 : index
        %get3A_754 = tpu.vector_load %arg14[%get3A_752, %get3A_753] {strides = array<i32>} : memref<16x17xf32, #tpu.memory_space<vmem>>, vector<16xf32>,
        %mul3A_755 = arith.mulf %broadcast_in_dim3A_750, %get3A_754 : vector<16xf32>
        %add3A_756 = arith.addf %scan3A_384, %mul3A_755 : vector<16xf32>
        %eq3A_757 = arith.constant 4 : i32
        %eq3A_758 = vector.broadcast %eq3A_757 : i32 to vector<16xi32>
        %eq3A_759 = arith.cmpi eq, %iota3A, %eq3A_758 : vector<16xi32>
        %jit3A_760 = arith.constant 0.000000e+00 : f32
        %broadcast_in_dim3A_761 = vector.broadcast %jit3A_760 : f32 to vector<16xf32>
        %select_n3A_762 = arith.select %eq3A_759, %select_n3A, %broadcast_in_dim3A_761 : vector<16xi1>, vector<16xf32>
        %reduce_sum3A_763 = arith.constant true
        %reduce_sum3A_764 = vector.broadcast %reduce_sum3A_763 : i1 to vector<16xi1>
        %reduce_sum3A_765 = tpu.scan <sum>, %select_n3A_762 masked %reduce_sum3A_764 : vector<16xf32>, vector<16xi1> -> vector<16xf32>
        %reduce_sum3A_766 = vector.extract %reduce_sum3A_765[15] : f32 from vector<16xf32>
        %broadcast_in_dim3A_767 = vector.broadcast %reduce_sum3A_766 : f32 to vector<16xf32>
        %get3A_768 = arith.constant 4 : i32
        %get3A_769 = arith.index_cast %get3A_768 : i32 to index
        %get3A_770 = arith.constant 0 : index
        %get3A_771 = tpu.vector_load %arg14[%get3A_769, %get3A_770] {strides = array<i32>} : memref<16x17xf32, #tpu.memory_space<vmem>>, vector<16xf32>,
        %mul3A_772 = arith.mulf %broadcast_in_dim3A_767, %get3A_771 : vector<16xf32>
        %add3A_773 = arith.addf %add3A_705, %mul3A_772 : vector<16xf32>
        %eq3A_774 = arith.constant 5 : i32
        %eq3A_775 = vector.broadcast %eq3A_774 : i32 to vector<16xi32>
        %eq3A_776 = arith.cmpi eq, %iota3A, %eq3A_775 : vector<16xi32>
        %jit3A_777 = arith.constant 0.000000e+00 : f32
        %broadcast_in_dim3A_778 = vector.broadcast %jit3A_777 : f32 to vector<16xf32>
        %select_n3A_779 = arith.select %eq3A_776, %select_n3A, %broadcast_in_dim3A_778 : vector<16xi1>, vector<16xf32>
        %reduce_sum3A_780 = arith.constant true
        %reduce_sum3A_781 = vector.broadcast %reduce_sum3A_780 : i1 to vector<16xi1>
        %reduce_sum3A_782 = tpu.scan <sum>, %select_n3A_779 masked %reduce_sum3A_781 : vector<16xf32>, vector<16xi1> -> vector<16xf32>
        %reduce_sum3A_783 = vector.extract %reduce_sum3A_782[15] : f32 from vector<16xf32>
        %broadcast_in_dim3A_784 = vector.broadcast %reduce_sum3A_783 : f32 to vector<16xf32>
        %get3A_785 = arith.constant 5 : i32
        %get3A_786 = arith.index_cast %get3A_785 : i32 to index
        %get3A_787 = arith.constant 0 : index
        %get3A_788 = tpu.vector_load %arg14[%get3A_786, %get3A_787] {strides = array<i32>} : memref<16x17xf32, #tpu.memory_space<vmem>>, vector<16xf32>,
        %mul3A_789 = arith.mulf %broadcast_in_dim3A_784, %get3A_788 : vector<16xf32>
        %add3A_790 = arith.addf %add3A_722, %mul3A_789 : vector<16xf32>
        %eq3A_791 = arith.constant 6 : i32
        %eq3A_792 = vector.broadcast %eq3A_791 : i32 to vector<16xi32>
        %eq3A_793 = arith.cmpi eq, %iota3A, %eq3A_792 : vector<16xi32>
        %jit3A_794 = arith.constant 0.000000e+00 : f32
        %broadcast_in_dim3A_795 = vector.broadcast %jit3A_794 : f32 to vector<16xf32>
        %select_n3A_796 = arith.select %eq3A_793, %select_n3A, %broadcast_in_dim3A_795 : vector<16xi1>, vector<16xf32>
        %reduce_sum3A_797 = arith.constant true
        %reduce_sum3A_798 = vector.broadcast %reduce_sum3A_797 : i1 to vector<16xi1>
        %reduce_sum3A_799 = tpu.scan <sum>, %select_n3A_796 masked %reduce_sum3A_798 : vector<16xf32>, vector<16xi1> -> vector<16xf32>
        %reduce_sum3A_800 = vector.extract %reduce_sum3A_799[15] : f32 from vector<16xf32>
        %broadcast_in_dim3A_801 = vector.broadcast %reduce_sum3A_800 : f32 to vector<16xf32>
        %get3A_802 = arith.constant 6 : i32
        %get3A_803 = arith.index_cast %get3A_802 : i32 to index
        %get3A_804 = arith.constant 0 : index
        %get3A_805 = tpu.vector_load %arg14[%get3A_803, %get3A_804] {strides = array<i32>} : memref<16x17xf32, #tpu.memory_space<vmem>>, vector<16xf32>,
        %mul3A_806 = arith.mulf %broadcast_in_dim3A_801, %get3A_805 : vector<16xf32>
        %add3A_807 = arith.addf %add3A_739, %mul3A_806 : vector<16xf32>
        %eq3A_808 = arith.constant 7 : i32
        %eq3A_809 = vector.broadcast %eq3A_808 : i32 to vector<16xi32>
        %eq3A_810 = arith.cmpi eq, %iota3A, %eq3A_809 : vector<16xi32>
        %jit3A_811 = arith.constant 0.000000e+00 : f32
        %broadcast_in_dim3A_812 = vector.broadcast %jit3A_811 : f32 to vector<16xf32>
        %select_n3A_813 = arith.select %eq3A_810, %select_n3A, %broadcast_in_dim3A_812 : vector<16xi1>, vector<16xf32>
        %reduce_sum3A_814 = arith.constant true
        %reduce_sum3A_815 = vector.broadcast %reduce_sum3A_814 : i1 to vector<16xi1>
        %reduce_sum3A_816 = tpu.scan <sum>, %select_n3A_813 masked %reduce_sum3A_815 : vector<16xf32>, vector<16xi1> -> vector<16xf32>
        %reduce_sum3A_817 = vector.extract %reduce_sum3A_816[15] : f32 from vector<16xf32>
        %broadcast_in_dim3A_818 = vector.broadcast %reduce_sum3A_817 : f32 to vector<16xf32>
        %get3A_819 = arith.constant 7 : i32
        %get3A_820 = arith.index_cast %get3A_819 : i32 to index
        %get3A_821 = arith.constant 0 : index
        %get3A_822 = tpu.vector_load %arg14[%get3A_820, %get3A_821] {strides = array<i32>} : memref<16x17xf32, #tpu.memory_space<vmem>>, vector<16xf32>,
        %mul3A_823 = arith.mulf %broadcast_in_dim3A_818, %get3A_822 : vector<16xf32>
        %add3A_824 = arith.addf %add3A_756, %mul3A_823 : vector<16xf32>
        %eq3A_825 = arith.constant 8 : i32
        %eq3A_826 = vector.broadcast %eq3A_825 : i32 to vector<16xi32>
        %eq3A_827 = arith.cmpi eq, %iota3A, %eq3A_826 : vector<16xi32>
        %jit3A_828 = arith.constant 0.000000e+00 : f32
        %broadcast_in_dim3A_829 = vector.broadcast %jit3A_828 : f32 to vector<16xf32>
        %select_n3A_830 = arith.select %eq3A_827, %select_n3A, %broadcast_in_dim3A_829 : vector<16xi1>, vector<16xf32>
        %reduce_sum3A_831 = arith.constant true
        %reduce_sum3A_832 = vector.broadcast %reduce_sum3A_831 : i1 to vector<16xi1>
        %reduce_sum3A_833 = tpu.scan <sum>, %select_n3A_830 masked %reduce_sum3A_832 : vector<16xf32>, vector<16xi1> -> vector<16xf32>
        %reduce_sum3A_834 = vector.extract %reduce_sum3A_833[15] : f32 from vector<16xf32>
        %broadcast_in_dim3A_835 = vector.broadcast %reduce_sum3A_834 : f32 to vector<16xf32>
        %get3A_836 = arith.constant 8 : i32
        %get3A_837 = arith.index_cast %get3A_836 : i32 to index
        %get3A_838 = arith.constant 0 : index
        %get3A_839 = tpu.vector_load %arg14[%get3A_837, %get3A_838] {strides = array<i32>} : memref<16x17xf32, #tpu.memory_space<vmem>>, vector<16xf32>,
        %mul3A_840 = arith.mulf %broadcast_in_dim3A_835, %get3A_839 : vector<16xf32>
        %add3A_841 = arith.addf %add3A_773, %mul3A_840 : vector<16xf32>
        %eq3A_842 = arith.constant 9 : i32
        %eq3A_843 = vector.broadcast %eq3A_842 : i32 to vector<16xi32>
        %eq3A_844 = arith.cmpi eq, %iota3A, %eq3A_843 : vector<16xi32>
        %jit3A_845 = arith.constant 0.000000e+00 : f32
        %broadcast_in_dim3A_846 = vector.broadcast %jit3A_845 : f32 to vector<16xf32>
        %select_n3A_847 = arith.select %eq3A_844, %select_n3A, %broadcast_in_dim3A_846 : vector<16xi1>, vector<16xf32>
        %reduce_sum3A_848 = arith.constant true
        %reduce_sum3A_849 = vector.broadcast %reduce_sum3A_848 : i1 to vector<16xi1>
        %reduce_sum3A_850 = tpu.scan <sum>, %select_n3A_847 masked %reduce_sum3A_849 : vector<16xf32>, vector<16xi1> -> vector<16xf32>
        %reduce_sum3A_851 = vector.extract %reduce_sum3A_850[15] : f32 from vector<16xf32>
        %broadcast_in_dim3A_852 = vector.broadcast %reduce_sum3A_851 : f32 to vector<16xf32>
        %get3A_853 = arith.constant 9 : i32
        %get3A_854 = arith.index_cast %get3A_853 : i32 to index
        %get3A_855 = arith.constant 0 : index
        %get3A_856 = tpu.vector_load %arg14[%get3A_854, %get3A_855] {strides = array<i32>} : memref<16x17xf32, #tpu.memory_space<vmem>>, vector<16xf32>,
        %mul3A_857 = arith.mulf %broadcast_in_dim3A_852, %get3A_856 : vector<16xf32>
        %add3A_858 = arith.addf %add3A_790, %mul3A_857 : vector<16xf32>
        %eq3A_859 = arith.constant 10 : i32
        %eq3A_860 = vector.broadcast %eq3A_859 : i32 to vector<16xi32>
        %eq3A_861 = arith.cmpi eq, %iota3A, %eq3A_860 : vector<16xi32>
        %jit3A_862 = arith.constant 0.000000e+00 : f32
        %broadcast_in_dim3A_863 = vector.broadcast %jit3A_862 : f32 to vector<16xf32>
        %select_n3A_864 = arith.select %eq3A_861, %select_n3A, %broadcast_in_dim3A_863 : vector<16xi1>, vector<16xf32>
        %reduce_sum3A_865 = arith.constant true
        %reduce_sum3A_866 = vector.broadcast %reduce_sum3A_865 : i1 to vector<16xi1>
        %reduce_sum3A_867 = tpu.scan <sum>, %select_n3A_864 masked %reduce_sum3A_866 : vector<16xf32>, vector<16xi1> -> vector<16xf32>
        %reduce_sum3A_868 = vector.extract %reduce_sum3A_867[15] : f32 from vector<16xf32>
        %broadcast_in_dim3A_869 = vector.broadcast %reduce_sum3A_868 : f32 to vector<16xf32>
        %get3A_870 = arith.constant 10 : i32
        %get3A_871 = arith.index_cast %get3A_870 : i32 to index
        %get3A_872 = arith.constant 0 : index
        %get3A_873 = tpu.vector_load %arg14[%get3A_871, %get3A_872] {strides = array<i32>} : memref<16x17xf32, #tpu.memory_space<vmem>>, vector<16xf32>,
        %mul3A_874 = arith.mulf %broadcast_in_dim3A_869, %get3A_873 : vector<16xf32>
        %add3A_875 = arith.addf %add3A_807, %mul3A_874 : vector<16xf32>
        %eq3A_876 = arith.constant 11 : i32
        %eq3A_877 = vector.broadcast %eq3A_876 : i32 to vector<16xi32>
        %eq3A_878 = arith.cmpi eq, %iota3A, %eq3A_877 : vector<16xi32>
        %jit3A_879 = arith.constant 0.000000e+00 : f32
        %broadcast_in_dim3A_880 = vector.broadcast %jit3A_879 : f32 to vector<16xf32>
        %select_n3A_881 = arith.select %eq3A_878, %select_n3A, %broadcast_in_dim3A_880 : vector<16xi1>, vector<16xf32>
        %reduce_sum3A_882 = arith.constant true
        %reduce_sum3A_883 = vector.broadcast %reduce_sum3A_882 : i1 to vector<16xi1>
        %reduce_sum3A_884 = tpu.scan <sum>, %select_n3A_881 masked %reduce_sum3A_883 : vector<16xf32>, vector<16xi1> -> vector<16xf32>
        %reduce_sum3A_885 = vector.extract %reduce_sum3A_884[15] : f32 from vector<16xf32>
        %broadcast_in_dim3A_886 = vector.broadcast %reduce_sum3A_885 : f32 to vector<16xf32>
        %get3A_887 = arith.constant 11 : i32
        %get3A_888 = arith.index_cast %get3A_887 : i32 to index
        %get3A_889 = arith.constant 0 : index
        %get3A_890 = tpu.vector_load %arg14[%get3A_888, %get3A_889] {strides = array<i32>} : memref<16x17xf32, #tpu.memory_space<vmem>>, vector<16xf32>,
        %mul3A_891 = arith.mulf %broadcast_in_dim3A_886, %get3A_890 : vector<16xf32>
        %add3A_892 = arith.addf %add3A_824, %mul3A_891 : vector<16xf32>
        %eq3A_893 = arith.constant 12 : i32
        %eq3A_894 = vector.broadcast %eq3A_893 : i32 to vector<16xi32>
        %eq3A_895 = arith.cmpi eq, %iota3A, %eq3A_894 : vector<16xi32>
        %jit3A_896 = arith.constant 0.000000e+00 : f32
        %broadcast_in_dim3A_897 = vector.broadcast %jit3A_896 : f32 to vector<16xf32>
        %select_n3A_898 = arith.select %eq3A_895, %select_n3A, %broadcast_in_dim3A_897 : vector<16xi1>, vector<16xf32>
        %reduce_sum3A_899 = arith.constant true
        %reduce_sum3A_900 = vector.broadcast %reduce_sum3A_899 : i1 to vector<16xi1>
        %reduce_sum3A_901 = tpu.scan <sum>, %select_n3A_898 masked %reduce_sum3A_900 : vector<16xf32>, vector<16xi1> -> vector<16xf32>
        %reduce_sum3A_902 = vector.extract %reduce_sum3A_901[15] : f32 from vector<16xf32>
        %broadcast_in_dim3A_903 = vector.broadcast %reduce_sum3A_902 : f32 to vector<16xf32>
        %get3A_904 = arith.constant 12 : i32
        %get3A_905 = arith.index_cast %get3A_904 : i32 to index
        %get3A_906 = arith.constant 0 : index
        %get3A_907 = tpu.vector_load %arg14[%get3A_905, %get3A_906] {strides = array<i32>} : memref<16x17xf32, #tpu.memory_space<vmem>>, vector<16xf32>,
        %mul3A_908 = arith.mulf %broadcast_in_dim3A_903, %get3A_907 : vector<16xf32>
        %add3A_909 = arith.addf %add3A_841, %mul3A_908 : vector<16xf32>
        %eq3A_910 = arith.constant 13 : i32
        %eq3A_911 = vector.broadcast %eq3A_910 : i32 to vector<16xi32>
        %eq3A_912 = arith.cmpi eq, %iota3A, %eq3A_911 : vector<16xi32>
        %jit3A_913 = arith.constant 0.000000e+00 : f32
        %broadcast_in_dim3A_914 = vector.broadcast %jit3A_913 : f32 to vector<16xf32>
        %select_n3A_915 = arith.select %eq3A_912, %select_n3A, %broadcast_in_dim3A_914 : vector<16xi1>, vector<16xf32>
        %reduce_sum3A_916 = arith.constant true
        %reduce_sum3A_917 = vector.broadcast %reduce_sum3A_916 : i1 to vector<16xi1>
        %reduce_sum3A_918 = tpu.scan <sum>, %select_n3A_915 masked %reduce_sum3A_917 : vector<16xf32>, vector<16xi1> -> vector<16xf32>
        %reduce_sum3A_919 = vector.extract %reduce_sum3A_918[15] : f32 from vector<16xf32>
        %broadcast_in_dim3A_920 = vector.broadcast %reduce_sum3A_919 : f32 to vector<16xf32>
        %get3A_921 = arith.constant 13 : i32
        %get3A_922 = arith.index_cast %get3A_921 : i32 to index
        %get3A_923 = arith.constant 0 : index
        %get3A_924 = tpu.vector_load %arg14[%get3A_922, %get3A_923] {strides = array<i32>} : memref<16x17xf32, #tpu.memory_space<vmem>>, vector<16xf32>,
        %mul3A_925 = arith.mulf %broadcast_in_dim3A_920, %get3A_924 : vector<16xf32>
        %add3A_926 = arith.addf %add3A_858, %mul3A_925 : vector<16xf32>
        %eq3A_927 = arith.constant 14 : i32
        %eq3A_928 = vector.broadcast %eq3A_927 : i32 to vector<16xi32>
        %eq3A_929 = arith.cmpi eq, %iota3A, %eq3A_928 : vector<16xi32>
        %jit3A_930 = arith.constant 0.000000e+00 : f32
        %broadcast_in_dim3A_931 = vector.broadcast %jit3A_930 : f32 to vector<16xf32>
        %select_n3A_932 = arith.select %eq3A_929, %select_n3A, %broadcast_in_dim3A_931 : vector<16xi1>, vector<16xf32>
        %reduce_sum3A_933 = arith.constant true
        %reduce_sum3A_934 = vector.broadcast %reduce_sum3A_933 : i1 to vector<16xi1>
        %reduce_sum3A_935 = tpu.scan <sum>, %select_n3A_932 masked %reduce_sum3A_934 : vector<16xf32>, vector<16xi1> -> vector<16xf32>
        %reduce_sum3A_936 = vector.extract %reduce_sum3A_935[15] : f32 from vector<16xf32>
        %broadcast_in_dim3A_937 = vector.broadcast %reduce_sum3A_936 : f32 to vector<16xf32>
        %get3A_938 = arith.constant 14 : i32
        %get3A_939 = arith.index_cast %get3A_938 : i32 to index
        %get3A_940 = arith.constant 0 : index
        %get3A_941 = tpu.vector_load %arg14[%get3A_939, %get3A_940] {strides = array<i32>} : memref<16x17xf32, #tpu.memory_space<vmem>>, vector<16xf32>,
        %mul3A_942 = arith.mulf %broadcast_in_dim3A_937, %get3A_941 : vector<16xf32>
        %add3A_943 = arith.addf %add3A_875, %mul3A_942 : vector<16xf32>
        %eq3A_944 = arith.constant 15 : i32
        %eq3A_945 = vector.broadcast %eq3A_944 : i32 to vector<16xi32>
        %eq3A_946 = arith.cmpi eq, %iota3A, %eq3A_945 : vector<16xi32>
        %jit3A_947 = arith.constant 0.000000e+00 : f32
        %broadcast_in_dim3A_948 = vector.broadcast %jit3A_947 : f32 to vector<16xf32>
        %select_n3A_949 = arith.select %eq3A_946, %select_n3A, %broadcast_in_dim3A_948 : vector<16xi1>, vector<16xf32>
        %reduce_sum3A_950 = arith.constant true
        %reduce_sum3A_951 = vector.broadcast %reduce_sum3A_950 : i1 to vector<16xi1>
        %reduce_sum3A_952 = tpu.scan <sum>, %select_n3A_949 masked %reduce_sum3A_951 : vector<16xf32>, vector<16xi1> -> vector<16xf32>
        %reduce_sum3A_953 = vector.extract %reduce_sum3A_952[15] : f32 from vector<16xf32>
        %broadcast_in_dim3A_954 = vector.broadcast %reduce_sum3A_953 : f32 to vector<16xf32>
        %get3A_955 = arith.constant 15 : i32
        %get3A_956 = arith.index_cast %get3A_955 : i32 to index
        %get3A_957 = arith.constant 0 : index
        %get3A_958 = tpu.vector_load %arg14[%get3A_956, %get3A_957] {strides = array<i32>} : memref<16x17xf32, #tpu.memory_space<vmem>>, vector<16xf32>,
        %mul3A_959 = arith.mulf %broadcast_in_dim3A_954, %get3A_958 : vector<16xf32>
        %add3A_960 = arith.addf %add3A_892, %mul3A_959 : vector<16xf32>
        scf.yield %add3A_909, %add3A_926, %add3A_943, %add3A_960 : vector<16xf32>, vector<16xf32>, vector<16xf32>, vector<16xf32>
      }
      %scan3A_373 = arith.constant 13 : i32
      %add3A_374 = arith.addf %scan3A_372#0, %scan3A_372#1 : vector<16xf32>
      %add3A_375 = arith.addf %scan3A_372#2, %scan3A_372#3 : vector<16xf32>
      %add3A_376 = arith.addf %add3A_374, %add3A_375 : vector<16xf32>
      %swap3A_377 = arith.index_cast %add3A_281 : i32 to index
      %swap3A_378 = arith.constant 0 : index
      %swap3A_379 = tpu.vector_load %arg15[%swap3A_377, %swap3A_378] {strides = array<i32>} : memref<32x16xf32, #tpu.memory_space<vmem>>, vector<16xf32>,
      tpu.vector_store %arg15[%swap3A_377, %swap3A_378], %add3A_376 {strides = array<i32>} : memref<32x16xf32, #tpu.memory_space<vmem>>, vector<16xf32>,
    }
    %scan3A_47 = arith.constant 16 : i32
    "tpu.region"() ({
      %run_scoped3A = tpu.sem_alloc : memref<!tpu.dma_semaphore, #tpu.memory_space<semaphore_mem>>
      %dma_start3A_48 = arith.constant 0 : i32
      %dma_start3A_49 = tpu.memref_slice %arg6[%mul3A_2, %dma_start3A_48] : memref<1024x16xf32, #tpu.memory_space<hbm>> -> memref<32x16xf32, #tpu.memory_space<hbm>>
      %dma_start3A_50 = arith.constant 0 : i32
      %dma_start3A_51 = tpu.memref_slice %arg6[%mul3A_2, %dma_start3A_50] : memref<1024x16xf32, #tpu.memory_space<hbm>> -> memref<32x16xf32, #tpu.memory_space<hbm>>
      tpu.enqueue_dma source(%arg15 : memref<32x16xf32, #tpu.memory_space<vmem>>) target(%dma_start3A_51 : memref<32x16xf32, #tpu.memory_space<hbm>>) target_semaphore(%run_scoped3A : memref<!tpu.dma_semaphore, #tpu.memory_space<semaphore_mem>>)
      %dma_wait3A = arith.constant 0 : i32
      %dma_wait3A_52 = tpu.memref_slice %arg6[%mul3A_2, %dma_wait3A] : memref<1024x16xf32, #tpu.memory_space<hbm>> -> memref<32x16xf32, #tpu.memory_space<hbm>>
      %dma_wait3A_53 = arith.constant 0 : i32
      %dma_wait3A_54 = tpu.memref_slice %arg6[%mul3A_2, %dma_wait3A_53] : memref<1024x16xf32, #tpu.memory_space<hbm>> -> memref<32x16xf32, #tpu.memory_space<hbm>>
      tpu.wait_dma2 semaphore(%run_scoped3A : memref<!tpu.dma_semaphore, #tpu.memory_space<semaphore_mem>>) src(%arg15 : memref<32x16xf32, #tpu.memory_space<vmem>>) dst(%dma_wait3A_54 : memref<32x16xf32, #tpu.memory_space<hbm>>)
      tpu.yield
    }) : () -> ()
    return
  }
}

</mosaic_0001>

<sc_bundles>
// kernel: kernel.3.cloned.1.call-start
scs
__scs_entry_jumppad:
0x0: {  	(pc) =	sbr.rel $0x88, $3  }
0x1: {  	(tag) =	ssettag $0x0;
	lr =	simm.s32 $0x1  }
0x2: {  	[smem:$0x3F9D] =	sst lr;
	_ =	strace $0xD0000000  }
0x3: {  	_ = 	snop  }
0x4: {  	_ = 	snop  }
0x5: {  	_ = 	snop  }
0x6: {  	_ = 	snop  }
0x7: {  	_ = 	snop  }
__scs_overlays_trampoline_lowered:
0x8: {  	[smem:$0x3FAC] =	sst s0  }
0x9: {  	[smem:$0x3FAD] =	sst s1  }
0xa: {  	[smem:$0x3FAE] =	sst s2  }
0xb: {  	[smem:$0x3FAF] =	sst s3  }
0xc: {  	[smem:$0x3FB0] =	sst s4  }
0xd: {  	[smem:$0x3FB1] =	sst s5  }
0xe: {  	[smem:$0x3FB2] =	sst s6  }
0xf: {  	[smem:$0x3FB3] =	sst s7  }
0x10: {  	[smem:$0x3FB4] =	sst s8  }
0x11: {  	[smem:$0x3FB5] =	sst s9;
	s0 =	simm.s32 @!p0 $0x0  }
0x12: {  	s1 =	sld [smem:$0x3F9B];
	s0 =	simm.s32 @p0 $0x1  }
0x13: {  	[smem:$0x3FB6] =	sst s0;
	s0 =	simm.s32 @!p1 $0x0  }
0x14: {  	s2 =	sld [smem:$0x3F9A];
	s0 =	simm.s32 @p1 $0x1  }
0x15: {  	[smem:$0x3FB7] =	sst s0;
	s0 =	simm.s32 @!p2 $0x0  }
0x16: {  	s3 =	sld [smem:$0x3FDB];
	s0 =	simm.s32 @p2 $0x1  }
0x17: {  	s4 =	simm.s32 $0x1BF5;
	[smem:$0x3FB9] =	sst s0  }
0x18: {  	s0 =	sld [smem:$0x3F9C];
	_ =	swait.ge [sflag:s4], $0x0  }
0x19: {  	s7 =	sld [smem:$0x3F9D]  }
0x1a: {  	s8 =	sadd.s32 $0xFFFFE003, lr  }
0x1b: {  	s9 =	sadd.s32 $0xFFFFFEF7, lr;
	s5 =	simm.s32 $0xFFFFFFFF;
	p2 =	slt.u32 s8, $0xFFFFF086  }
0x1c: {  	p1 =	slt.u32 s9, $0xF7A;
	s5 =	simm.s32 @!p2 $0x0  }
0x1d: {  	s5 =	simm.s32 @p1 $0x1;
	p0 =	seq.s32 s7, s2  }
0x1e: {  	s7 =	smul.u32 @!p0 $0xF7A, s2;
	p2 =	seq.s32 @!p0 s5, $0x0  }
0x1f: {  	s9 =	smul.u32 $0xF7A, s1;
	s8 =	simm.s32 @!p0 $0x1BF5;
	p2 =	por !p2, p0  }
0x20: {  	[sflag:s8] =	ssyncset.s32 @!p0 $0xFFFFF086;
	s6 =	sadd.s32 @!p0 s3, s7;
	s7 =	simm.s32 @!p0 $0x108  }
0x21: {  	s3 =	sadd.s32 s3, s9;
	s6 =	sadd.s32 @!p0 $0x88, s6;
	s7 =	simm.s32 @p2 $0x1082  }
0x22: {  	[simem:s7], [sflag:s8] =	dma.local @!p0 [hbm:s6], $0xF7A  }
0x23: {  	s9 =	sor.u32 $0xD0000000, s2;
	s6 =	simm.s32 $0x108;
	_ =	swait.ge @!p0 [sflag:s8], $0x0  }
0x24: {  	s3 =	sadd.s32 $0x88, s3;
	s6 =	simm.s32 @!p1 $0x1082;
	[sflag:s4] =	ssyncset.s32 $0xFFFFF086  }
0x25: {  	[simem:s6], [sflag:s4] =	dma.local [hbm:s3], $0xF7A  }
0x26: {  	[smem:$0x3F9D] =	sst s1;
	(tag) =	ssettag s2;
	_ =	strace s9  }
0x27: {  	s1 =	sld [smem:$0x3FAD]  }
0x28: {  	s2 =	sld [smem:$0x3FAE]  }
0x29: {  	s4 =	sld [smem:$0x3FB0]  }
0x2a: {  	p0 =	seq.s32 s5, $0x0;
	s5 =	sld [smem:$0x3FB1]  }
0x2b: {  	s6 =	sld [smem:$0x3FB2]  }
0x2c: {  	s7 =	sld [smem:$0x3FB3]  }
0x2d: {  	s3 =	simm.s32 $0x108;
	s8 =	sld [smem:$0x3FB4]  }
0x2e: {  	s3 =	simm.s32 @!p0 $0x1082;
	s9 =	sld [smem:$0x3FB5]  }
0x2f: {  	lr =	sadd.s32 s0, s3;
	s0 =	sld [smem:$0x3FAC]  }
0x30: {  	s3 =	sld [smem:$0x3FAF]  }
0x31: {  	[smem:$0x3FB8] =	sst s10  }
0x32: {  	s10 =	sld [smem:$0x3FB6];
	_ =	sdelay $0x3  }
0x33: {  	p0 =	seq.s32 s10, $0x1;
	s10 =	sld [smem:$0x3FB8];
	_ =	sdelay $0x3  }
0x34: {  	[smem:$0x3FB8] =	sst s10  }
0x35: {  	s10 =	sld [smem:$0x3FB7];
	_ =	sdelay $0x3  }
0x36: {  	p1 =	seq.s32 s10, $0x1;
	s10 =	sld [smem:$0x3FB8];
	_ =	sdelay $0x3  }
0x37: {  	[smem:$0x3FB8] =	sst s10  }
0x38: {  	s10 =	sld [smem:$0x3FB9]  }
0x39: {  	_ = 	snop;
	(pc) =	sbr.ind lr, $3  }
0x3a: {  	_ = 	snop  }
0x3b: {  	_ = 	snop  }
0x3c: {  	p2 =	seq.s32 s10, $0x1;
	s10 =	sld [smem:$0x3FB8]  }
0x3d: {  	_ =	shalt  }
0x3e: {  	_ =	shalt  }
0x3f: {  	_ =	shalt  }
0x40: {  	_ =	shalt  }
0x41: {  	_ =	shalt  }
0x42: {  	_ =	shalt  }
0x43: {  	_ =	shalt  }
0x44: {  	_ =	shalt  }
0x45: {  	_ =	shalt  }
0x46: {  	_ =	shalt  }
0x47: {  	_ =	shalt  }
0x48: {  	_ =	shalt  }
0x49: {  	_ =	shalt  }
0x4a: {  	_ =	shalt  }
0x4b: {  	_ =	shalt  }
0x4c: {  	_ =	shalt  }
0x4d: {  	_ =	shalt  }
0x4e: {  	_ =	shalt  }
0x4f: {  	_ =	shalt  }
0x50: {  	_ =	shalt  }
0x51: {  	_ =	shalt  }
0x52: {  	_ =	shalt  }
0x53: {  	_ =	shalt  }
0x54: {  	_ =	shalt  }
0x55: {  	_ =	shalt  }
0x56: {  	_ =	shalt  }
0x57: {  	_ =	shalt  }
0x58: {  	_ =	shalt  }
0x59: {  	_ =	shalt  }
0x5a: {  	_ =	shalt  }
0x5b: {  	_ =	shalt  }
0x5c: {  	_ =	shalt  }
0x5d: {  	_ =	shalt  }
0x5e: {  	_ =	shalt  }
0x5f: {  	_ =	shalt  }
0x60: {  	_ =	shalt  }
0x61: {  	_ =	shalt  }
0x62: {  	_ =	shalt  }
0x63: {  	_ =	shalt  }
0x64: {  	_ =	shalt  }
0x65: {  	_ =	shalt  }
0x66: {  	_ =	shalt  }
0x67: {  	_ =	shalt  }
0x68: {  	_ =	shalt  }
0x69: {  	_ =	shalt  }
0x6a: {  	_ =	shalt  }
0x6b: {  	_ =	shalt  }
0x6c: {  	_ =	shalt  }
0x6d: {  	_ =	shalt  }
0x6e: {  	_ =	shalt  }
0x6f: {  	_ =	shalt  }
0x70: {  	_ =	shalt  }
0x71: {  	_ =	shalt  }
0x72: {  	_ =	shalt  }
0x73: {  	_ =	shalt  }
0x74: {  	_ =	shalt  }
0x75: {  	_ =	shalt  }
0x76: {  	_ =	shalt  }
0x77: {  	_ =	shalt  }
0x78: {  	_ =	shalt  }
0x79: {  	_ =	shalt  }
0x7a: {  	_ =	shalt  }
0x7b: {  	_ =	shalt  }
0x7c: {  	_ =	shalt  }
0x7d: {  	_ =	shalt  }
0x7e: {  	_ =	shalt  }
0x7f: {  	_ =	shalt  }
0x80: {  	_ =	shalt  }
0x81: {  	_ =	shalt  }
0x82: {  	_ =	shalt  }
0x83: {  	_ =	shalt  }
0x84: {  	_ =	shalt  }
0x85: {  	_ =	shalt  }
0x86: {  	_ =	shalt  }
0x87: {  	_ =	shalt  }
.Lfunc_end0:
.L_simem_size_0:
called_computation_lowered:
.L_overlay_start_0:
0x88: {  	s2 =	sld [smem:$0x3FD9]  }
0x89: {  	s3 =	sld [smem:$0x3FFE];
	_ =	sdelay $0x1  }
0x8a: {  	s1 =	srdreg.scid  }
0x8b: {  	s0 =	sand.u32 $0x1, s1  }
0x8c: {  	s17 =	sshll.u32 s0, $0xA;
	s2 =	sadd.s32 s3, s2  }
0x8d: {  	s2 =	sadd.s32 s2, s17  }
0x8e: {  	[smem:$0x3FC4] =	sst s2  }
0x8f: {  	_ = 	snop  }
0x90: {  	s2 =	sld [smem:$0x3FC9]  }
0x91: {  	s18 =	sld [smem:$0x3FD0];
	(tm) =	ssettm $0x1  }
0x92: {  	s4 =	sld [smem:$0x3FFB];
	_ =	sdelay $0x3  }
0x93: {  	_ =	strace s4  }
0x94: {  	s4 =	sld [smem:$0x3FFC];
	_ =	sdelay $0x3  }
0x95: {  	_ =	strace s4  }
0x96: {  	s4 =	sld [smem:$0x3FFD];
	_ =	sdelay $0x3  }
0x97: {  	_ =	strace s4  }
0x98: {  	_ =	strace $0x8FFFFFFF  }
0x99: {  	s19 =	sld [smem:$0x3FDB];
	_ =	sdelay $0x1  }
0x9a: {  	s5 =	simm.s32 $_scs_section_size  }
0x9b: {  	s6 =	simm.s32 $_size__tile_overlayer_lowered;
	s7 =	simm.s32 $_tile_overlayer_lowered  }
0x9c: {  	s22 =	simm.s32 $0x1BFF;
	s21 =	sshll.u32 s7, $0x1;
	s4 =	sadd.s32 s5, s19  }
0x9d: {  	s8 =	simm.s32 $0x0;
	s20 =	sshll.u32 s6, $0x1;
	s6 =	sadd.s32 s21, s4  }
0x9e: {  	[timem:s8], [sflag:s22] =	dma.local [hbm:s6], s20  }
0x9f: {  	_ =	swait.ge [sflag:s22], s20  }
0xa0: {  	s5 =	ssub.s32 $0x0, s20;
	[sflag:s22] =	ssyncset.done $0x0  }
0xa1: {  	[sflag:s22] =	ssyncadd.s32 s5;
	_ =	sdelay $0x1  }
0xa2: {  	s23 =	simm.s32 $0x1B8B  }
0xa3: {  	_ =	swait.ge [sflag:s23], $0x1  }
0xa4: {  	[sflag:s23] =	ssyncset.done $0x0  }
0xa5: {  	s25 =	simm.s32 $0x1B8E;
	s24 =	sld [smem:$0x3FFE];
	[sflag:s23] =	ssyncadd.s32 $0xFFFFFFFF  }
0xa6: {  	s26 =	simm.s32 $execute0_lowered;
	[smem:$0x3FD2] =	sst s25  }
0xa7: {  	s6 =	sshll.u32 s26, $0x1;
	_ =	strace $0x80000046;
	[dreg:$0x1] =	wrdreg $0xFFFFFFFF  }
0xa8: {  	s28 =	simm.s32 $_size_execute0_lowered;
	s4 =	sadd.s32 s4, s6;
	[dreg:$0x0] =	wrdreg $0x0  }
0xa9: {  	s6 =	sshll.u32 s28, $0x1;
	[dreg:$0x2] =	wrdreg s4  }
0xaa: {  	[dreg:$0x3] =	wrdreg s6  }
0xab: {  	[dreg:$0x4] =	wrdreg $0xC0  }
0xac: {  	_ =	task [dreg:s8], $0x5FFFF  }
0xad: {  	[dreg:$0x1] =	wrdreg $0xFFFFFFFF  }
0xae: {  	[dreg:$0x0] =	wrdreg $0x60  }
0xaf: {  	[dreg:$0x2] =	wrdreg s2  }
0xb0: {  	[dreg:$0x3] =	wrdreg s24  }
0xb1: {  	[dreg:$0x4] =	wrdreg s18  }
0xb2: {  	[dreg:$0x5] =	wrdreg $0x9  }
0xb3: {  	_ =	task.clear_ibuf [dreg:s8], $0x6FFFF;
	_ =	strace $0x90000046  }
0xb4: {  	s29 =	simm.s32 $0x9;
	_ =	strace $0x80000048  }
0xb5: {  	_ =	swait.ge [sflag:s29], $0x1  }
0xb6: {  	[sflag:s29] =	ssyncadd.s32 $0xFFFFFFFF  }
0xb7: {  	_ =	strace $0x90000048  }
0xb8: {  	_ =	sfence  }
0xb9: {  	s30 =	sld [smem:$0x0];
	_ =	sdelay $0x2  }
0xba: {  	s31 =	sshll.u32 s1, $0xD;
	s1 =	sshrl.u32 s1, $0x2  }
0xbb: {  	s3 =	sand.u32 $0x4000, s31;
	s1 =	sadd.s32 s1, s30  }
0xbc: {  	s0 =	sor.u32 s3, s0;
	s1 =	sshll.u32 s1, $0x11  }
0xbd: {  	s0 =	sor.u32 s1, s0  }
0xbe: {  	s0 =	sadd.s32 $0x8F2B, s0  }
0xbf: {  	[sflag:s0] =	ssyncadd.remote.s32 $0x1  }
0xc0: {  	_ =	sfence.sel $0xFFFF  }
0xc1: {  	[dreg:$0x0] =	wrdreg $0xFFFFFFFF;
	(pc) =	sbr.abs _section_cstart, $3  }
0xc2: {  	[dreg:$0x1] =	wrdreg $0xFFFFFFFF  }
0xc3: {  	_ =	task.clear_ibuf [dreg:s8], $0x2FFFF;
	_ =	strace $0x9FFFFFFF  }
0xc4: {  	(tm) =	ssettm $0x7FFFFFFF  }
0xc5: {  	_ =	shalt  }
tec
execute0_lowered:
.L_overlay_start_1:
0x0: {  	(tag) =	ssettag $0x1  }
0x1: {  	v0 =	vlaneseq.u32  }
0x2: {  	v1 =	vmul.u32 $0x2, v0;
	_ =	sdelay $0x1  }
0x3: {  	v2 =	vor.u32 $0x1, v1;
	[tilespmem:$0x1FF60] =	vst v1  }
0x4: {  	s1 =	rddreg [dreg:$0x0];
	[tilespmem:$0x1FF00] =	vst v2;
	v2 =	vor.u32 $0x20, v1  }
0x5: {  	s0 =	srdreg.scid;
	s4 =	rddreg [dreg:$0x1];
	[tilespmem:$0x1FF10] =	vst v2;
	v2 =	vor.u32 $0x21, v1  }
0x6: {  	s2 =	stileid.u32;
	s7 =	rddreg [dreg:$0x2];
	s10 =	simm.s32 $0x1900;
	[tilespmem:$0x1FF20] =	vst v2;
	v2 =	vor.u32 $0x40, v1  }
0x7: {  	s11 =	simm.s32 $0x68;
	s12 =	simm.s32 $0x2900;
	s0 =	sand.u32 $0x1, s0;
	[tilespmem:$0x1FF30] =	vst v2;
	v2 =	vor.u32 $0x41, v1  }
0x8: {  	s13 =	simm.s32 $0x5D00;
	vm0 =	vcmask $0x308;
	s2 =	sshll.u32 s2, $0x6;
	s3 =	sshll.u32 s0, $0x5;
	[tilespmem:$0x1FF40] =	vst v2;
	v2 =	vor.u32 $0x60, v1  }
0x9: {  	vm1 =	vcmask $0x70C;
	s15 =	simm.s32 $0x4300;
	v3 =	vmul.u32 $0x18, v0;
	s5 =	sor.u32 s3, s2;
	s2 =	simm.s32 $0x0;
	v1 =	vor.u32 $0x61, v1;
	[tilespmem:$0x1FF50] =	vst v2  }
0xa: {  	s14 =	simm.s32 $0x60;
	s16 =	simm.s32 $0x6380;
	vm2 =	vcmask $0xB10;
	vm3 =	vcmask $0xF14;
	vm4 =	vcmask $0x1318;
	[smem:$0x7FF] =	sst s2;
	[tilespmem:$0x1FF70] =	vst v1  }
0xb: {  	s17 =	simm.s32 $0x6A00;
	s18 =	simm.s32 $0x9E00;
	vm5 =	vcmask $0x1B20;
	v11 =	vor.u32 $0x3, v3;
	_ =	strace $0x80000047;
	[tilespmem:$0x1FF80] =	vst v3  }
0xc: {  	s19 =	simm.s32 $0x8400;
	s20 =	simm.s32 $0xA480;
	s21 =	simm.s32 $0x1;
	vm7 =	vcmask $0x2328;
	vm8 =	vcmask $0x272C;
	v15 =	vor.u32 $0x7, v3;
	[tilespmem:$0x1FF90] =	vst v11  }
0xd: {  	s22 =	simm.s32 $0xABD0;
	vm9 =	vcmask $0x2B30;
	vm6 =	vcmask $0x3338;
	s23 =	simm.s32 $0x2;
	s0 =	ssub.s32 $0x2, s0;
	v13 =	vor.u32 $0x5, v3;
	[tilespmem:$0x1FFA0] =	vst v15  }
0xe: {  	s24 =	simm.s32 $0xAD50;
	s25 =	simm.s32 $0x0;
	vm15 =	vmmov $0x7fff;
	v0 =	vmul.u32 $0xFFFFFFFF, v0;
	s8 =	sshrl.u32 s0, $0x1;
	v23 =	vadd.s32 $0xF, v3;
	[tilespmem:$0x1FFB0] =	vst v13  }
0xf: {  	v53 =	vor.u32 $0x1, v3;
	v10 =	vor.u32 $0x2, v3;
	v12 =	vor.u32 $0x4, v3;
	s3 =	smul.u32 $0x19, s5;
	s0 =	ssub.s32 s0, s8;
	s9 =	sshll.u32 s5, $0x1;
	[tilespmem:$0x1FFC0] =	vst v23  }
0x10: {  	v14 =	vor.u32 $0x6, v3;
	v16 =	vadd.s32 $0x8, v3;
	v17 =	vadd.s32 $0x9, v3;
	s31 =	sshll.u32 s5, $0x4;
	s7 =	sadd.s32 s7, s9;
	s8 =	smax.u32 s0, $0x1;
	[tilespmem:$0x1FFD0] =	vst v10  }
0x11: {  	v18 =	vadd.s32 $0xA, v3;
	v19 =	vadd.s32 $0xB, v3;
	v20 =	vadd.s32 $0xC, v3;
	s9 =	simm.s32 $0x3;
	s6 =	sadd.s32 s3, s4;
	s3 =	sadd.s32 $0xF4A00, s4;
	[tilespmem:$0x1FFE0] =	vst v12  }
0x12: {  	v21 =	vadd.s32 $0xD, v3;
	v22 =	vadd.s32 $0xE, v3;
	v9 =	vadd.s32 $0xC8, v0;
	s4 =	sadd.s32 $0x600, s4;
	s5 =	sadd.s32 $0x31400, s6;
	s6 =	sadd.s32 s1, s31;
	[tilespmem:$0x1FFF0] =	vst v14  }
.LBB2_1:
0x13: {  	[tilespmem:s2], [sflag:$0x3] =	stream.linear.gather [hbm4b:s5+s2], $0x1900, $0x38;
	[tilespmem:$0xAF50] =	vst v63  }
0x14: {  	_ =	swait.ge [sflag:s9], $0x1900  }
0x15: {  	[sflag:s9] =	ssyncset.done $0x0  }
0x16: {  	[sflag:s9] =	ssyncadd.s32 $0xFFFFE700  }
0x17: {  	[tilespmem:s10], [sflag:$0x3] =	stream.linear.gather [hbm4b:s6+s2], $0x1000, $0x38;
	[tilespmem:$0xAF50] =	vst v63  }
0x18: {  	_ =	swait.ge [sflag:s9], $0x1000  }
0x19: {  	[sflag:s9] =	ssyncset.done $0x0  }
0x1a: {  	[sflag:s9] =	ssyncadd.s32 $0xFFFFF000  }
0x1b: {  	[tilespmem:s12], [sflag:$0x1] =	stream.indirect.gather [hbm4b:s3+s11], $0x40, s2, s11, $0xb8;
	[tilespmem:$0xAF50] =	vst v63  }
0x1c: {  	_ = 	snop  }
0x1d: {  	[tilespmem:s13], [sflag:$0x1] =	stream.indirect.gather [hbm4b:s4+s11], $0x10, s2, s11, $0xb8;
	[tilespmem:$0xAF50] =	vst v63  }
0x1e: {  	_ = 	snop  }
0x1f: {  	[tilespmem:s15], [sflag:$0x1] =	stream.indirect.gather [hbm4b:s3+s14], $0x40, s11, s14, $0xb8;
	[tilespmem:$0xAF50] =	vst v63  }
0x20: {  	s26 =	simm.s32 $0x0  }
0x21: {  	[tilespmem:s16], [sflag:$0x1] =	stream.indirect.gather [hbm4b:s4+s14], $0x10, s11, s14, $0xb8;
	[tilespmem:$0xAF50] =	vst v63  }
.LBB2_2:
0x22: {  	s28 =	sshllo.u32 s26, $0x1  }
0x23: {  	s0 =	smul.u32 $0x320, s28;
	_ =	sdelay $0x1  }
0x24: {  	s0 =	sshra.s32 s0, $0x2  }
0x25: {  	[tilespmem:s17], [sflag:$0x2] =	stream.indirect.gather [hbm4b:s3+s11], $0x40, s0, s11, $0xb8;
	[tilespmem:$0xAF50] =	vst v63  }
0x26: {  	_ = 	snop  }
0x27: {  	[tilespmem:s18], [sflag:$0x2] =	stream.indirect.gather [hbm4b:s4+s11], $0x10, s0, s11, $0xb8;
	[tilespmem:$0xAF50] =	vst v63  }
0x28: {  	s0 =	sadd.s32 $0x68, s0  }
0x29: {  	[tilespmem:s19], [sflag:$0x2] =	stream.indirect.gather [hbm4b:s3+s14], $0x40, s0, s14, $0xb8;
	[tilespmem:$0xAF50] =	vst v63  }
0x2a: {  	_ = 	snop  }
0x2b: {  	[tilespmem:s20], [sflag:$0x2] =	stream.indirect.gather [hbm4b:s4+s14], $0x10, s0, s14, $0xb8;
	[tilespmem:$0xAF50] =	vst v63  }
0x2c: {  	_ =	swait.ge [sflag:s21], $0x1A00  }
0x2d: {  	[sflag:s21] =	ssyncset.done $0x0  }
0x2e: {  	[sflag:s21] =	ssyncadd.s32 $0xFFFFE600  }
0x2f: {  	_ =	swait.ge [sflag:s21], $0x680  }
0x30: {  	[sflag:s21] =	ssyncset.done $0x0  }
0x31: {  	[sflag:s21] =	ssyncadd.s32 $0xFFFFF980  }
0x32: {  	_ =	swait.ge [sflag:s21], $0x1800  }
0x33: {  	v0 =	vld [tilespmem:$0x1FF60]  }
0x34: {  	[sflag:s21] =	ssyncset.done $0x0  }
0x35: {  	v1 =	vld [tilespmem:$0x1FF00];
	[sflag:s21] =	ssyncadd.s32 $0xFFFFE800  }
0x36: {  	_ =	swait.ge [sflag:s21], $0x600  }
0x37: {  	s1 =	sshll.u32 s26, $0x8;
	v2 =	vld [tilespmem:$0x1FF10]  }
0x38: {  	v0 =	vor.u32 s1, v0;
	_ =	sdelay $0x1  }
0x39: {  	v1 =	vor.u32 s1, v1  }
0x3a: {  	[sflag:s21] =	ssyncset.done $0x0;
	v4 =	vld [tilespmem:$0x1FF20]  }
0x3b: {  	v5 =	vld [tilespmem:$0x1FF30];
	[sflag:s21] =	ssyncadd.s32 $0xFFFFFA00;
	v2 =	vor.u32 s1, v2  }
0x3c: {  	v26 =	vld.idx.msk [tilespmem:v0+s10+$0x0], $0xffff  }
0x3d: {  	v0 =	vld [tilespmem:$0x1FF40]  }
0x3e: {  	v27 =	vld.idx.msk [tilespmem:v1+s10+$0x0], $0xffff  }
0x3f: {  	v1 =	vld [tilespmem:$0x1FF50]  }
0x40: {  	v28 =	vld.idx.msk [tilespmem:v2+s10+$0x0], $0xffff  }
0x41: {  	v2 =	vld [tilespmem:$0x1FF70]  }
0x42: {  	v4 =	vor.u32 s1, v4  }
0x43: {  	v5 =	vor.u32 s1, v5  }
0x44: {  	v0 =	vor.u32 s1, v0  }
0x45: {  	v1 =	vor.u32 s1, v1  }
0x46: {  	v2 =	vor.u32 s1, v2  }
0x47: {  	v29 =	vld.idx.msk [tilespmem:v4+s10+$0x0], $0xffff  }
0x48: {  	v30 =	vld.idx.msk [tilespmem:v5+s10+$0x0], $0xffff  }
0x49: {  	v31 =	vld.idx.msk [tilespmem:v0+s10+$0x0], $0xffff  }
0x4a: {  	v32 =	vld.idx.msk [tilespmem:v1+s10+$0x0], $0xffff  }
0x4b: {  	v25 =	vimm.f32 $0.0e+00;
	s29 =	simm.s32 $0x0;
	s30 =	simm.s32 $0xAB00;
	s31 =	simm.s32 $0x2B00;
	v33 =	vld.idx.msk [tilespmem:v2+s10+$0x0], $0xffff  }
.LBB2_3:
0x4c: {  	v0 =	vld [tilespmem:s31+$0xFFFFFE00]  }
0x4d: {  	v1 =	vld [tilespmem:s31+$0xFFFFFE10]  }
0x4e: {  	v2 =	vld [tilespmem:s31+$0xFFFFFE20];
	_ =	sdelay $0x1  }
0x4f: {  	v5 =	vld [tilespmem:s31+$0xFFFFFE30];
	_ =	sdelay $0x1  }
0x50: {  	v4 =	vunpack.i.l.bf16.f32 v0;
	v0 =	vunpack.i.u.bf16.f32 v0  }
0x51: {  	v6 =	vunpack.i.l.bf16.f32 v1;
	v1 =	vunpack.i.u.bf16.f32 v1;
	v7 =	vunpack.i.l.bf16.f32 v2  }
0x52: {  	v2 =	vunpack.i.u.bf16.f32 v2;
	v4 =	vsub.f32 v4, v26;
	v0 =	vsub.f32 v0, v27  }
0x53: {  	v8 =	vunpack.i.u.bf16.f32 v5;
	v6 =	vsub.f32 v6, v28;
	v1 =	vsub.f32 v1, v29  }
0x54: {  	v5 =	vunpack.i.l.bf16.f32 v5;
	v7 =	vsub.f32 v7, v30;
	v2 =	vsub.f32 v2, v31  }
0x55: {  	v5 =	vsub.f32 v5, v32;
	v4 =	vmul.f32 v4, v4;
	v0 =	vmul.f32 v0, v0  }
0x56: {  	v8 =	vsub.f32 v8, v33;
	v6 =	vmul.f32 v6, v6;
	v1 =	vmul.f32 v1, v1  }
0x57: {  	v7 =	vmul.f32 v7, v7;
	v2 =	vmul.f32 v2, v2  }
0x58: {  	v5 =	vmul.f32 v5, v5;
	v8 =	vmul.f32 v8, v8  }
0x59: {  	v4 =	vadd.f32 v7, v4;
	v0 =	vadd.f32 v2, v0  }
0x5a: {  	v2 =	vadd.f32 v5, v6;
	v1 =	vadd.f32 v8, v1;
	_ =	sdelay $0x1  }
0x5b: {  	v0 =	vadd.f32 v4, v0;
	v1 =	vadd.f32 v2, v1;
	_ =	sdelay $0x1  }
0x5c: {  	v0 =	vadd.f32 v1, v0;
	_ =	sdelay $0x1  }
0x5d: {  	[tilespmem:$0xABD0] =	vst v0  }
0x5e: {  	v0 =	vld [tilespmem:s31+$0xFFFFFE40]  }
0x5f: {  	v1 =	vld [tilespmem:s31+$0xFFFFFE50]  }
0x60: {  	v2 =	vld [tilespmem:s31+$0xFFFFFE60];
	_ =	sdelay $0x1  }
0x61: {  	v5 =	vld [tilespmem:s31+$0xFFFFFE70];
	_ =	sdelay $0x1  }
0x62: {  	v4 =	vunpack.i.l.bf16.f32 v0;
	v0 =	vunpack.i.u.bf16.f32 v0  }
0x63: {  	v59 =	vunpack.i.l.bf16.f32 v1;
	v1 =	vunpack.i.u.bf16.f32 v1;
	v60 =	vunpack.i.l.bf16.f32 v2  }
0x64: {  	v2 =	vunpack.i.u.bf16.f32 v2;
	v4 =	vsub.f32 v4, v26;
	v0 =	vsub.f32 v0, v27  }
0x65: {  	v8 =	vunpack.i.u.bf16.f32 v5;
	v6 =	vsub.f32 v59, v28;
	v1 =	vsub.f32 v1, v29  }
0x66: {  	v5 =	vunpack.i.l.bf16.f32 v5;
	v7 =	vsub.f32 v60, v30;
	v2 =	vsub.f32 v2, v31  }
0x67: {  	v5 =	vsub.f32 v5, v32;
	v4 =	vmul.f32 v4, v4;
	v0 =	vmul.f32 v0, v0  }
0x68: {  	v8 =	vsub.f32 v8, v33;
	v6 =	vmul.f32 v6, v6;
	v1 =	vmul.f32 v1, v1  }
0x69: {  	v7 =	vmul.f32 v7, v7;
	v2 =	vmul.f32 v2, v2  }
0x6a: {  	v5 =	vmul.f32 v5, v5;
	v8 =	vmul.f32 v8, v8  }
0x6b: {  	v4 =	vadd.f32 v7, v4;
	v0 =	vadd.f32 v2, v0  }
0x6c: {  	v2 =	vadd.f32 v5, v6;
	v1 =	vadd.f32 v8, v1;
	_ =	sdelay $0x1  }
0x6d: {  	v0 =	vadd.f32 v4, v0;
	v1 =	vadd.f32 v2, v1;
	_ =	sdelay $0x1  }
0x6e: {  	v0 =	vadd.f32 v1, v0;
	_ =	sdelay $0x1  }
0x6f: {  	[tilespmem:$0xABE8] =	vst v0  }
0x70: {  	v0 =	vld [tilespmem:s31+$0xFFFFFE80]  }
0x71: {  	v1 =	vld [tilespmem:s31+$0xFFFFFE90]  }
0x72: {  	v2 =	vld [tilespmem:s31+$0xFFFFFEA0];
	_ =	sdelay $0x1  }
0x73: {  	v5 =	vld [tilespmem:s31+$0xFFFFFEB0];
	_ =	sdelay $0x1  }
0x74: {  	v4 =	vunpack.i.l.bf16.f32 v0;
	v0 =	vunpack.i.u.bf16.f32 v0  }
0x75: {  	v61 =	vunpack.i.l.bf16.f32 v1;
	v1 =	vunpack.i.u.bf16.f32 v1;
	v62 =	vunpack.i.l.bf16.f32 v2  }
0x76: {  	v2 =	vunpack.i.u.bf16.f32 v2;
	v4 =	vsub.f32 v4, v26;
	v0 =	vsub.f32 v0, v27  }
0x77: {  	v8 =	vunpack.i.u.bf16.f32 v5;
	v6 =	vsub.f32 v61, v28;
	v1 =	vsub.f32 v1, v29  }
0x78: {  	v5 =	vunpack.i.l.bf16.f32 v5;
	v7 =	vsub.f32 v62, v30;
	v2 =	vsub.f32 v2, v31  }
0x79: {  	v5 =	vsub.f32 v5, v32;
	v4 =	vmul.f32 v4, v4;
	v0 =	vmul.f32 v0, v0  }
0x7a: {  	v8 =	vsub.f32 v8, v33;
	v6 =	vmul.f32 v6, v6;
	v1 =	vmul.f32 v1, v1  }
0x7b: {  	v7 =	vmul.f32 v7, v7;
	v2 =	vmul.f32 v2, v2  }
0x7c: {  	v5 =	vmul.f32 v5, v5;
	v8 =	vmul.f32 v8, v8  }
0x7d: {  	v4 =	vadd.f32 v7, v4;
	v0 =	vadd.f32 v2, v0  }
0x7e: {  	v2 =	vadd.f32 v5, v6;
	v1 =	vadd.f32 v8, v1;
	_ =	sdelay $0x1  }
0x7f: {  	v0 =	vadd.f32 v4, v0;
	v1 =	vadd.f32 v2, v1;
	_ =	sdelay $0x1  }
0x80: {  	v0 =	vadd.f32 v1, v0;
	_ =	sdelay $0x1  }
0x81: {  	[tilespmem:$0xAC00] =	vst v0  }
0x82: {  	v0 =	vld [tilespmem:s31+$0xFFFFFEC0]  }
0x83: {  	v1 =	vld [tilespmem:s31+$0xFFFFFED0]  }
0x84: {  	v2 =	vld [tilespmem:s31+$0xFFFFFEE0];
	_ =	sdelay $0x1  }
0x85: {  	v5 =	vld [tilespmem:s31+$0xFFFFFEF0];
	_ =	sdelay $0x1  }
0x86: {  	v4 =	vunpack.i.l.bf16.f32 v0;
	v0 =	vunpack.i.u.bf16.f32 v0  }
0x87: {  	v63 =	vunpack.i.l.bf16.f32 v1;
	v1 =	vunpack.i.u.bf16.f32 v1;
	v34 =	vunpack.i.l.bf16.f32 v2  }
0x88: {  	v2 =	vunpack.i.u.bf16.f32 v2;
	v4 =	vsub.f32 v4, v26;
	v0 =	vsub.f32 v0, v27  }
0x89: {  	v8 =	vunpack.i.u.bf16.f32 v5;
	v6 =	vsub.f32 v63, v28;
	v1 =	vsub.f32 v1, v29  }
0x8a: {  	v5 =	vunpack.i.l.bf16.f32 v5;
	v7 =	vsub.f32 v34, v30;
	v2 =	vsub.f32 v2, v31  }
0x8b: {  	v5 =	vsub.f32 v5, v32;
	v4 =	vmul.f32 v4, v4;
	v0 =	vmul.f32 v0, v0  }
0x8c: {  	v8 =	vsub.f32 v8, v33;
	v6 =	vmul.f32 v6, v6;
	v1 =	vmul.f32 v1, v1  }
0x8d: {  	v7 =	vmul.f32 v7, v7;
	v2 =	vmul.f32 v2, v2  }
0x8e: {  	v5 =	vmul.f32 v5, v5;
	v8 =	vmul.f32 v8, v8  }
0x8f: {  	v4 =	vadd.f32 v7, v4;
	v0 =	vadd.f32 v2, v0  }
0x90: {  	v2 =	vadd.f32 v5, v6;
	v1 =	vadd.f32 v8, v1;
	_ =	sdelay $0x1  }
0x91: {  	v0 =	vadd.f32 v4, v0;
	v1 =	vadd.f32 v2, v1;
	_ =	sdelay $0x1  }
0x92: {  	v0 =	vadd.f32 v1, v0;
	_ =	sdelay $0x1  }
0x93: {  	[tilespmem:$0xAC18] =	vst v0  }
0x94: {  	v0 =	vld [tilespmem:s31+$0xFFFFFF00]  }
0x95: {  	v1 =	vld [tilespmem:s31+$0xFFFFFF10]  }
0x96: {  	v2 =	vld [tilespmem:s31+$0xFFFFFF20];
	_ =	sdelay $0x1  }
0x97: {  	v5 =	vld [tilespmem:s31+$0xFFFFFF30];
	_ =	sdelay $0x1  }
0x98: {  	v4 =	vunpack.i.l.bf16.f32 v0;
	v0 =	vunpack.i.u.bf16.f32 v0  }
0x99: {  	v35 =	vunpack.i.l.bf16.f32 v1;
	v1 =	vunpack.i.u.bf16.f32 v1;
	v36 =	vunpack.i.l.bf16.f32 v2  }
0x9a: {  	v2 =	vunpack.i.u.bf16.f32 v2;
	v4 =	vsub.f32 v4, v26;
	v0 =	vsub.f32 v0, v27  }
0x9b: {  	v8 =	vunpack.i.u.bf16.f32 v5;
	v6 =	vsub.f32 v35, v28;
	v1 =	vsub.f32 v1, v29  }
0x9c: {  	v5 =	vunpack.i.l.bf16.f32 v5;
	v7 =	vsub.f32 v36, v30;
	v2 =	vsub.f32 v2, v31  }
0x9d: {  	v5 =	vsub.f32 v5, v32;
	v4 =	vmul.f32 v4, v4;
	v0 =	vmul.f32 v0, v0  }
0x9e: {  	v8 =	vsub.f32 v8, v33;
	v6 =	vmul.f32 v6, v6;
	v1 =	vmul.f32 v1, v1  }
0x9f: {  	v7 =	vmul.f32 v7, v7;
	v2 =	vmul.f32 v2, v2  }
0xa0: {  	v5 =	vmul.f32 v5, v5;
	v8 =	vmul.f32 v8, v8  }
0xa1: {  	v4 =	vadd.f32 v7, v4;
	v0 =	vadd.f32 v2, v0  }
0xa2: {  	v2 =	vadd.f32 v5, v6;
	v1 =	vadd.f32 v8, v1;
	_ =	sdelay $0x1  }
0xa3: {  	v0 =	vadd.f32 v4, v0;
	v1 =	vadd.f32 v2, v1;
	_ =	sdelay $0x1  }
0xa4: {  	v0 =	vadd.f32 v1, v0;
	_ =	sdelay $0x1  }
0xa5: {  	[tilespmem:$0xAC30] =	vst v0  }
0xa6: {  	v0 =	vld [tilespmem:s31+$0xFFFFFF40]  }
0xa7: {  	v1 =	vld [tilespmem:s31+$0xFFFFFF50]  }
0xa8: {  	v2 =	vld [tilespmem:s31+$0xFFFFFF60];
	_ =	sdelay $0x1  }
0xa9: {  	v5 =	vld [tilespmem:s31+$0xFFFFFF70];
	_ =	sdelay $0x1  }
0xaa: {  	v4 =	vunpack.i.l.bf16.f32 v0;
	v0 =	vunpack.i.u.bf16.f32 v0  }
0xab: {  	v37 =	vunpack.i.l.bf16.f32 v1;
	v1 =	vunpack.i.u.bf16.f32 v1;
	v38 =	vunpack.i.l.bf16.f32 v2  }
0xac: {  	v2 =	vunpack.i.u.bf16.f32 v2;
	v4 =	vsub.f32 v4, v26;
	v0 =	vsub.f32 v0, v27  }
0xad: {  	v8 =	vunpack.i.u.bf16.f32 v5;
	v6 =	vsub.f32 v37, v28;
	v1 =	vsub.f32 v1, v29  }
0xae: {  	v5 =	vunpack.i.l.bf16.f32 v5;
	v7 =	vsub.f32 v38, v30;
	v2 =	vsub.f32 v2, v31  }
0xaf: {  	v5 =	vsub.f32 v5, v32;
	v4 =	vmul.f32 v4, v4;
	v0 =	vmul.f32 v0, v0  }
0xb0: {  	v8 =	vsub.f32 v8, v33;
	v6 =	vmul.f32 v6, v6;
	v1 =	vmul.f32 v1, v1  }
0xb1: {  	v7 =	vmul.f32 v7, v7;
	v2 =	vmul.f32 v2, v2  }
0xb2: {  	v5 =	vmul.f32 v5, v5;
	v8 =	vmul.f32 v8, v8  }
0xb3: {  	v4 =	vadd.f32 v7, v4;
	v0 =	vadd.f32 v2, v0  }
0xb4: {  	v2 =	vadd.f32 v5, v6;
	v1 =	vadd.f32 v8, v1;
	_ =	sdelay $0x1  }
0xb5: {  	v0 =	vadd.f32 v4, v0;
	v1 =	vadd.f32 v2, v1;
	_ =	sdelay $0x1  }
0xb6: {  	v0 =	vadd.f32 v1, v0;
	_ =	sdelay $0x1  }
0xb7: {  	[tilespmem:$0xAC48] =	vst v0  }
0xb8: {  	v0 =	vld [tilespmem:s31+$0xFFFFFF80]  }
0xb9: {  	v1 =	vld [tilespmem:s31+$0xFFFFFF90]  }
0xba: {  	v2 =	vld [tilespmem:s31+$0xFFFFFFA0];
	_ =	sdelay $0x1  }
0xbb: {  	v5 =	vld [tilespmem:s31+$0xFFFFFFB0];
	_ =	sdelay $0x1  }
0xbc: {  	v4 =	vunpack.i.l.bf16.f32 v0;
	v0 =	vunpack.i.u.bf16.f32 v0  }
0xbd: {  	v39 =	vunpack.i.l.bf16.f32 v1;
	v1 =	vunpack.i.u.bf16.f32 v1;
	v40 =	vunpack.i.l.bf16.f32 v2  }
0xbe: {  	v2 =	vunpack.i.u.bf16.f32 v2;
	v4 =	vsub.f32 v4, v26;
	v0 =	vsub.f32 v0, v27  }
0xbf: {  	v8 =	vunpack.i.u.bf16.f32 v5;
	v6 =	vsub.f32 v39, v28;
	v1 =	vsub.f32 v1, v29  }
0xc0: {  	v5 =	vunpack.i.l.bf16.f32 v5;
	v7 =	vsub.f32 v40, v30;
	v2 =	vsub.f32 v2, v31  }
0xc1: {  	v5 =	vsub.f32 v5, v32;
	v4 =	vmul.f32 v4, v4;
	v0 =	vmul.f32 v0, v0  }
0xc2: {  	v8 =	vsub.f32 v8, v33;
	v6 =	vmul.f32 v6, v6;
	v1 =	vmul.f32 v1, v1  }
0xc3: {  	v7 =	vmul.f32 v7, v7;
	v2 =	vmul.f32 v2, v2  }
0xc4: {  	v5 =	vmul.f32 v5, v5;
	v8 =	vmul.f32 v8, v8  }
0xc5: {  	v4 =	vadd.f32 v7, v4;
	v0 =	vadd.f32 v2, v0  }
0xc6: {  	v2 =	vadd.f32 v5, v6;
	v1 =	vadd.f32 v8, v1;
	_ =	sdelay $0x1  }
0xc7: {  	v0 =	vadd.f32 v4, v0;
	v1 =	vadd.f32 v2, v1;
	_ =	sdelay $0x1  }
0xc8: {  	v0 =	vadd.f32 v1, v0;
	_ =	sdelay $0x1  }
0xc9: {  	[tilespmem:$0xAC60] =	vst v0  }
0xca: {  	v0 =	vld [tilespmem:s31+$0xFFFFFFC0]  }
0xcb: {  	v1 =	vld [tilespmem:s31+$0xFFFFFFD0]  }
0xcc: {  	v2 =	vld [tilespmem:s31+$0xFFFFFFE0];
	_ =	sdelay $0x1  }
0xcd: {  	v5 =	vld [tilespmem:s31+$0xFFFFFFF0];
	_ =	sdelay $0x1  }
0xce: {  	v4 =	vunpack.i.l.bf16.f32 v0;
	v0 =	vunpack.i.u.bf16.f32 v0  }
0xcf: {  	v41 =	vunpack.i.l.bf16.f32 v1;
	v1 =	vunpack.i.u.bf16.f32 v1;
	v42 =	vunpack.i.l.bf16.f32 v2  }
0xd0: {  	v2 =	vunpack.i.u.bf16.f32 v2;
	v4 =	vsub.f32 v4, v26;
	v0 =	vsub.f32 v0, v27  }
0xd1: {  	v8 =	vunpack.i.u.bf16.f32 v5;
	v6 =	vsub.f32 v41, v28;
	v1 =	vsub.f32 v1, v29  }
0xd2: {  	v5 =	vunpack.i.l.bf16.f32 v5;
	v7 =	vsub.f32 v42, v30;
	v2 =	vsub.f32 v2, v31  }
0xd3: {  	v5 =	vsub.f32 v5, v32;
	v4 =	vmul.f32 v4, v4;
	v0 =	vmul.f32 v0, v0  }
0xd4: {  	v8 =	vsub.f32 v8, v33;
	v6 =	vmul.f32 v6, v6;
	v1 =	vmul.f32 v1, v1  }
0xd5: {  	v7 =	vmul.f32 v7, v7;
	v2 =	vmul.f32 v2, v2  }
0xd6: {  	v5 =	vmul.f32 v5, v5;
	v8 =	vmul.f32 v8, v8  }
0xd7: {  	v4 =	vadd.f32 v7, v4;
	v0 =	vadd.f32 v2, v0  }
0xd8: {  	v2 =	vadd.f32 v5, v6;
	v1 =	vadd.f32 v8, v1;
	_ =	sdelay $0x1  }
0xd9: {  	v0 =	vadd.f32 v4, v0;
	v1 =	vadd.f32 v2, v1;
	_ =	sdelay $0x1  }
0xda: {  	v0 =	vadd.f32 v1, v0;
	_ =	sdelay $0x1  }
0xdb: {  	[tilespmem:$0xAC78] =	vst v0  }
0xdc: {  	v0 =	vld [tilespmem:s31+$0x0]  }
0xdd: {  	v1 =	vld [tilespmem:s31+$0x10]  }
0xde: {  	v2 =	vld [tilespmem:s31+$0x20];
	_ =	sdelay $0x1  }
0xdf: {  	v5 =	vld [tilespmem:s31+$0x30];
	_ =	sdelay $0x1  }
0xe0: {  	v4 =	vunpack.i.l.bf16.f32 v0;
	v0 =	vunpack.i.u.bf16.f32 v0  }
0xe1: {  	v43 =	vunpack.i.l.bf16.f32 v1;
	v1 =	vunpack.i.u.bf16.f32 v1;
	v44 =	vunpack.i.l.bf16.f32 v2  }
0xe2: {  	v2 =	vunpack.i.u.bf16.f32 v2;
	v4 =	vsub.f32 v4, v26;
	v0 =	vsub.f32 v0, v27  }
0xe3: {  	v8 =	vunpack.i.u.bf16.f32 v5;
	v6 =	vsub.f32 v43, v28;
	v1 =	vsub.f32 v1, v29  }
0xe4: {  	v5 =	vunpack.i.l.bf16.f32 v5;
	v7 =	vsub.f32 v44, v30;
	v2 =	vsub.f32 v2, v31  }
0xe5: {  	v5 =	vsub.f32 v5, v32;
	v4 =	vmul.f32 v4, v4;
	v0 =	vmul.f32 v0, v0  }
0xe6: {  	v8 =	vsub.f32 v8, v33;
	v6 =	vmul.f32 v6, v6;
	v1 =	vmul.f32 v1, v1  }
0xe7: {  	v7 =	vmul.f32 v7, v7;
	v2 =	vmul.f32 v2, v2  }
0xe8: {  	v5 =	vmul.f32 v5, v5;
	v8 =	vmul.f32 v8, v8  }
0xe9: {  	v4 =	vadd.f32 v7, v4;
	v0 =	vadd.f32 v2, v0  }
0xea: {  	v2 =	vadd.f32 v5, v6;
	v1 =	vadd.f32 v8, v1;
	_ =	sdelay $0x1  }
0xeb: {  	v0 =	vadd.f32 v4, v0;
	v1 =	vadd.f32 v2, v1;
	_ =	sdelay $0x1  }
0xec: {  	v0 =	vadd.f32 v1, v0;
	_ =	sdelay $0x1  }
0xed: {  	[tilespmem:$0xAC90] =	vst v0  }
0xee: {  	v0 =	vld [tilespmem:s31+$0x40]  }
0xef: {  	v1 =	vld [tilespmem:s31+$0x50]  }
0xf0: {  	v2 =	vld [tilespmem:s31+$0x60];
	_ =	sdelay $0x1  }
0xf1: {  	v5 =	vld [tilespmem:s31+$0x70];
	_ =	sdelay $0x1  }
0xf2: {  	v4 =	vunpack.i.l.bf16.f32 v0;
	v0 =	vunpack.i.u.bf16.f32 v0  }
0xf3: {  	v45 =	vunpack.i.l.bf16.f32 v1;
	v1 =	vunpack.i.u.bf16.f32 v1;
	v46 =	vunpack.i.l.bf16.f32 v2  }
0xf4: {  	v2 =	vunpack.i.u.bf16.f32 v2;
	v4 =	vsub.f32 v4, v26;
	v0 =	vsub.f32 v0, v27  }
0xf5: {  	v8 =	vunpack.i.u.bf16.f32 v5;
	v6 =	vsub.f32 v45, v28;
	v1 =	vsub.f32 v1, v29  }
0xf6: {  	v5 =	vunpack.i.l.bf16.f32 v5;
	v7 =	vsub.f32 v46, v30;
	v2 =	vsub.f32 v2, v31  }
0xf7: {  	v5 =	vsub.f32 v5, v32;
	v4 =	vmul.f32 v4, v4;
	v0 =	vmul.f32 v0, v0  }
0xf8: {  	v8 =	vsub.f32 v8, v33;
	v6 =	vmul.f32 v6, v6;
	v1 =	vmul.f32 v1, v1  }
0xf9: {  	v7 =	vmul.f32 v7, v7;
	v2 =	vmul.f32 v2, v2  }
0xfa: {  	v5 =	vmul.f32 v5, v5;
	v8 =	vmul.f32 v8, v8  }
0xfb: {  	v4 =	vadd.f32 v7, v4;
	v0 =	vadd.f32 v2, v0  }
0xfc: {  	v2 =	vadd.f32 v5, v6;
	v1 =	vadd.f32 v8, v1;
	_ =	sdelay $0x1  }
0xfd: {  	v0 =	vadd.f32 v4, v0;
	v1 =	vadd.f32 v2, v1;
	_ =	sdelay $0x1  }
0xfe: {  	v0 =	vadd.f32 v1, v0;
	_ =	sdelay $0x1  }
0xff: {  	[tilespmem:$0xACA8] =	vst v0  }
0x100: {  	v0 =	vld [tilespmem:s31+$0x80]  }
0x101: {  	v1 =	vld [tilespmem:s31+$0x90]  }
0x102: {  	v2 =	vld [tilespmem:s31+$0xA0];
	_ =	sdelay $0x1  }
0x103: {  	v5 =	vld [tilespmem:s31+$0xB0];
	_ =	sdelay $0x1  }
0x104: {  	v4 =	vunpack.i.l.bf16.f32 v0;
	v0 =	vunpack.i.u.bf16.f32 v0  }
0x105: {  	v47 =	vunpack.i.l.bf16.f32 v1;
	v1 =	vunpack.i.u.bf16.f32 v1;
	v48 =	vunpack.i.l.bf16.f32 v2  }
0x106: {  	v2 =	vunpack.i.u.bf16.f32 v2;
	v4 =	vsub.f32 v4, v26;
	v0 =	vsub.f32 v0, v27  }
0x107: {  	v8 =	vunpack.i.u.bf16.f32 v5;
	v6 =	vsub.f32 v47, v28;
	v1 =	vsub.f32 v1, v29  }
0x108: {  	v5 =	vunpack.i.l.bf16.f32 v5;
	v7 =	vsub.f32 v48, v30;
	v2 =	vsub.f32 v2, v31  }
0x109: {  	v5 =	vsub.f32 v5, v32;
	v4 =	vmul.f32 v4, v4;
	v0 =	vmul.f32 v0, v0  }
0x10a: {  	v8 =	vsub.f32 v8, v33;
	v6 =	vmul.f32 v6, v6;
	v1 =	vmul.f32 v1, v1  }
0x10b: {  	v7 =	vmul.f32 v7, v7;
	v2 =	vmul.f32 v2, v2  }
0x10c: {  	v5 =	vmul.f32 v5, v5;
	v8 =	vmul.f32 v8, v8  }
0x10d: {  	v4 =	vadd.f32 v7, v4;
	v0 =	vadd.f32 v2, v0  }
0x10e: {  	v2 =	vadd.f32 v5, v6;
	v1 =	vadd.f32 v8, v1;
	_ =	sdelay $0x1  }
0x10f: {  	v0 =	vadd.f32 v4, v0;
	v1 =	vadd.f32 v2, v1;
	_ =	sdelay $0x1  }
0x110: {  	v0 =	vadd.f32 v1, v0;
	_ =	sdelay $0x1  }
0x111: {  	[tilespmem:$0xACC0] =	vst v0  }
0x112: {  	v0 =	vld [tilespmem:s31+$0xC0]  }
0x113: {  	v1 =	vld [tilespmem:s31+$0xD0]  }
0x114: {  	v2 =	vld [tilespmem:s31+$0xE0];
	_ =	sdelay $0x1  }
0x115: {  	v5 =	vld [tilespmem:s31+$0xF0];
	_ =	sdelay $0x1  }
0x116: {  	v4 =	vunpack.i.l.bf16.f32 v0;
	v0 =	vunpack.i.u.bf16.f32 v0  }
0x117: {  	v49 =	vunpack.i.l.bf16.f32 v1;
	v1 =	vunpack.i.u.bf16.f32 v1;
	v50 =	vunpack.i.l.bf16.f32 v2  }
0x118: {  	v2 =	vunpack.i.u.bf16.f32 v2;
	v4 =	vsub.f32 v4, v26;
	v0 =	vsub.f32 v0, v27  }
0x119: {  	v8 =	vunpack.i.u.bf16.f32 v5;
	v6 =	vsub.f32 v49, v28;
	v1 =	vsub.f32 v1, v29  }
0x11a: {  	v5 =	vunpack.i.l.bf16.f32 v5;
	v7 =	vsub.f32 v50, v30;
	v2 =	vsub.f32 v2, v31  }
0x11b: {  	v5 =	vsub.f32 v5, v32;
	v4 =	vmul.f32 v4, v4;
	v0 =	vmul.f32 v0, v0  }
0x11c: {  	v8 =	vsub.f32 v8, v33;
	v6 =	vmul.f32 v6, v6;
	v1 =	vmul.f32 v1, v1  }
0x11d: {  	v7 =	vmul.f32 v7, v7;
	v2 =	vmul.f32 v2, v2  }
0x11e: {  	v5 =	vmul.f32 v5, v5;
	v8 =	vmul.f32 v8, v8  }
0x11f: {  	v4 =	vadd.f32 v7, v4;
	v0 =	vadd.f32 v2, v0  }
0x120: {  	v2 =	vadd.f32 v5, v6;
	v1 =	vadd.f32 v8, v1;
	_ =	sdelay $0x1  }
0x121: {  	v0 =	vadd.f32 v4, v0;
	v1 =	vadd.f32 v2, v1;
	_ =	sdelay $0x1  }
0x122: {  	v0 =	vadd.f32 v1, v0;
	_ =	sdelay $0x1  }
0x123: {  	[tilespmem:$0xACD8] =	vst v0  }
0x124: {  	v0 =	vld [tilespmem:s31+$0x100]  }
0x125: {  	v1 =	vld [tilespmem:s31+$0x110]  }
0x126: {  	v2 =	vld [tilespmem:s31+$0x120];
	_ =	sdelay $0x1  }
0x127: {  	v5 =	vld [tilespmem:s31+$0x130];
	_ =	sdelay $0x1  }
0x128: {  	v4 =	vunpack.i.l.bf16.f32 v0;
	v0 =	vunpack.i.u.bf16.f32 v0  }
0x129: {  	v51 =	vunpack.i.l.bf16.f32 v1;
	v1 =	vunpack.i.u.bf16.f32 v1;
	v52 =	vunpack.i.l.bf16.f32 v2  }
0x12a: {  	v2 =	vunpack.i.u.bf16.f32 v2;
	v4 =	vsub.f32 v4, v26;
	v0 =	vsub.f32 v0, v27  }
0x12b: {  	v8 =	vunpack.i.u.bf16.f32 v5;
	v6 =	vsub.f32 v51, v28;
	v1 =	vsub.f32 v1, v29  }
0x12c: {  	v5 =	vunpack.i.l.bf16.f32 v5;
	v7 =	vsub.f32 v52, v30;
	v2 =	vsub.f32 v2, v31  }
0x12d: {  	v5 =	vsub.f32 v5, v32;
	v4 =	vmul.f32 v4, v4;
	v0 =	vmul.f32 v0, v0  }
0x12e: {  	v8 =	vsub.f32 v8, v33;
	v6 =	vmul.f32 v6, v6;
	v1 =	vmul.f32 v1, v1  }
0x12f: {  	v7 =	vmul.f32 v7, v7;
	v2 =	vmul.f32 v2, v2  }
0x130: {  	v5 =	vmul.f32 v5, v5;
	v8 =	vmul.f32 v8, v8  }
0x131: {  	v4 =	vadd.f32 v7, v4;
	v0 =	vadd.f32 v2, v0  }
0x132: {  	v2 =	vadd.f32 v5, v6;
	v1 =	vadd.f32 v8, v1;
	_ =	sdelay $0x1  }
0x133: {  	v0 =	vadd.f32 v4, v0;
	v1 =	vadd.f32 v2, v1;
	_ =	sdelay $0x1  }
0x134: {  	v0 =	vadd.f32 v1, v0;
	_ =	sdelay $0x1  }
0x135: {  	[tilespmem:$0xACF0] =	vst v0  }
0x136: {  	v0 =	vld [tilespmem:s31+$0x140]  }
0x137: {  	v1 =	vld [tilespmem:s31+$0x150]  }
0x138: {  	v2 =	vld [tilespmem:s31+$0x160];
	_ =	sdelay $0x1  }
0x139: {  	v5 =	vld [tilespmem:s31+$0x170];
	_ =	sdelay $0x1  }
0x13a: {  	v4 =	vunpack.i.l.bf16.f32 v0;
	v0 =	vunpack.i.u.bf16.f32 v0  }
0x13b: {  	v54 =	vunpack.i.l.bf16.f32 v1;
	v1 =	vunpack.i.u.bf16.f32 v1;
	v55 =	vunpack.i.l.bf16.f32 v2  }
0x13c: {  	v2 =	vunpack.i.u.bf16.f32 v2;
	v4 =	vsub.f32 v4, v26;
	v0 =	vsub.f32 v0, v27  }
0x13d: {  	v8 =	vunpack.i.u.bf16.f32 v5;
	v6 =	vsub.f32 v54, v28;
	v1 =	vsub.f32 v1, v29  }
0x13e: {  	v5 =	vunpack.i.l.bf16.f32 v5;
	v7 =	vsub.f32 v55, v30;
	v2 =	vsub.f32 v2, v31  }
0x13f: {  	v5 =	vsub.f32 v5, v32;
	v4 =	vmul.f32 v4, v4;
	v0 =	vmul.f32 v0, v0  }
0x140: {  	v8 =	vsub.f32 v8, v33;
	v6 =	vmul.f32 v6, v6;
	v1 =	vmul.f32 v1, v1  }
0x141: {  	v7 =	vmul.f32 v7, v7;
	v2 =	vmul.f32 v2, v2  }
0x142: {  	v5 =	vmul.f32 v5, v5;
	v8 =	vmul.f32 v8, v8  }
0x143: {  	v4 =	vadd.f32 v7, v4;
	v0 =	vadd.f32 v2, v0  }
0x144: {  	v2 =	vadd.f32 v5, v6;
	v1 =	vadd.f32 v8, v1;
	_ =	sdelay $0x1  }
0x145: {  	v0 =	vadd.f32 v4, v0;
	v1 =	vadd.f32 v2, v1;
	_ =	sdelay $0x1  }
0x146: {  	v0 =	vadd.f32 v1, v0;
	_ =	sdelay $0x1  }
0x147: {  	[tilespmem:$0xAD08] =	vst v0  }
0x148: {  	v0 =	vld [tilespmem:s31+$0x180]  }
0x149: {  	v1 =	vld [tilespmem:s31+$0x190]  }
0x14a: {  	v2 =	vld [tilespmem:s31+$0x1A0];
	_ =	sdelay $0x1  }
0x14b: {  	v5 =	vld [tilespmem:s31+$0x1B0];
	_ =	sdelay $0x1  }
0x14c: {  	v4 =	vunpack.i.l.bf16.f32 v0;
	v0 =	vunpack.i.u.bf16.f32 v0  }
0x14d: {  	v56 =	vunpack.i.l.bf16.f32 v1;
	v1 =	vunpack.i.u.bf16.f32 v1;
	v57 =	vunpack.i.l.bf16.f32 v2  }
0x14e: {  	v2 =	vunpack.i.u.bf16.f32 v2;
	v4 =	vsub.f32 v4, v26;
	v0 =	vsub.f32 v0, v27  }
0x14f: {  	v8 =	vunpack.i.u.bf16.f32 v5;
	v6 =	vsub.f32 v56, v28;
	v1 =	vsub.f32 v1, v29  }
0x150: {  	v5 =	vunpack.i.l.bf16.f32 v5;
	v7 =	vsub.f32 v57, v30;
	v2 =	vsub.f32 v2, v31  }
0x151: {  	v5 =	vsub.f32 v5, v32;
	v4 =	vmul.f32 v4, v4;
	v0 =	vmul.f32 v0, v0  }
0x152: {  	v8 =	vsub.f32 v8, v33;
	v6 =	vmul.f32 v6, v6;
	v1 =	vmul.f32 v1, v1  }
0x153: {  	v7 =	vmul.f32 v7, v7;
	v2 =	vmul.f32 v2, v2  }
0x154: {  	v5 =	vmul.f32 v5, v5;
	v8 =	vmul.f32 v8, v8  }
0x155: {  	v4 =	vadd.f32 v7, v4;
	v0 =	vadd.f32 v2, v0  }
0x156: {  	v2 =	vadd.f32 v5, v6;
	v1 =	vadd.f32 v8, v1;
	_ =	sdelay $0x1  }
0x157: {  	v0 =	vadd.f32 v4, v0;
	v1 =	vadd.f32 v2, v1;
	_ =	sdelay $0x1  }
0x158: {  	v0 =	vadd.f32 v1, v0;
	_ =	sdelay $0x1  }
0x159: {  	[tilespmem:$0xAD20] =	vst v0  }
0x15a: {  	v0 =	vld [tilespmem:s31+$0x1C0]  }
0x15b: {  	v1 =	vld [tilespmem:s31+$0x1D0]  }
0x15c: {  	v2 =	vld [tilespmem:s31+$0x1E0];
	_ =	sdelay $0x1  }
0x15d: {  	v5 =	vld [tilespmem:s31+$0x1F0];
	_ =	sdelay $0x1  }
0x15e: {  	v4 =	vunpack.i.l.bf16.f32 v0;
	v0 =	vunpack.i.u.bf16.f32 v0  }
0x15f: {  	v58 =	vunpack.i.l.bf16.f32 v1;
	v1 =	vunpack.i.u.bf16.f32 v1;
	v59 =	vunpack.i.l.bf16.f32 v2  }
0x160: {  	v2 =	vunpack.i.u.bf16.f32 v2;
	v4 =	vsub.f32 v4, v26;
	v0 =	vsub.f32 v0, v27  }
0x161: {  	v8 =	vunpack.i.u.bf16.f32 v5;
	v6 =	vsub.f32 v58, v28;
	v1 =	vsub.f32 v1, v29  }
0x162: {  	v5 =	vunpack.i.l.bf16.f32 v5;
	v7 =	vsub.f32 v59, v30;
	v2 =	vsub.f32 v2, v31  }
0x163: {  	v5 =	vsub.f32 v5, v32;
	v4 =	vmul.f32 v4, v4;
	v0 =	vmul.f32 v0, v0  }
0x164: {  	v8 =	vsub.f32 v8, v33;
	v6 =	vmul.f32 v6, v6;
	v1 =	vmul.f32 v1, v1  }
0x165: {  	v7 =	vmul.f32 v7, v7;
	v2 =	vmul.f32 v2, v2  }
0x166: {  	v5 =	vmul.f32 v5, v5;
	v8 =	vmul.f32 v8, v8  }
0x167: {  	v4 =	vadd.f32 v7, v4;
	v0 =	vadd.f32 v2, v0  }
0x168: {  	v2 =	vadd.f32 v5, v6;
	v1 =	vadd.f32 v8, v1;
	_ =	sdelay $0x1  }
0x169: {  	v0 =	vadd.f32 v4, v0;
	v1 =	vadd.f32 v2, v1;
	_ =	sdelay $0x1  }
0x16a: {  	v0 =	vadd.f32 v1, v0;
	_ =	sdelay $0x1  }
0x16b: {  	[tilespmem:$0xAD38] =	vst v0  }
0x16c: {  	v0 =	vld.idx.msk [tilespmem:v3+s22+$0x0], $0xffff  }
0x16d: {  	v1 =	vld.idx.msk [tilespmem:v53+s22+$0x0], $0xffff  }
0x16e: {  	v2 =	vld.idx.msk [tilespmem:v10+s22+$0x0], $0xffff  }
0x16f: {  	v4 =	vld.idx.msk [tilespmem:v11+s22+$0x0], $0xffff  }
0x170: {  	v5 =	vld.idx.msk [tilespmem:v12+s22+$0x0], $0xffff  }
0x171: {  	v60 =	vld.idx.msk [tilespmem:v13+s22+$0x0], $0xffff  }
0x172: {  	v61 =	vld.idx.msk [tilespmem:v14+s22+$0x0], $0xffff  }
0x173: {  	v8 =	vld.idx.msk [tilespmem:v15+s22+$0x0], $0xffff  }
0x174: {  	v34 =	vld.idx.msk [tilespmem:v16+s22+$0x0], $0xffff  }
0x175: {  	v35 =	vld.idx.msk [tilespmem:v17+s22+$0x0], $0xffff  }
0x176: {  	v36 =	vld.idx.msk [tilespmem:v18+s22+$0x0], $0xffff  }
0x177: {  	v37 =	vld.idx.msk [tilespmem:v19+s22+$0x0], $0xffff  }
0x178: {  	v38 =	vld.idx.msk [tilespmem:v20+s22+$0x0], $0xffff  }
0x179: {  	v39 =	vld.idx.msk [tilespmem:v21+s22+$0x0], $0xffff  }
0x17a: {  	v40 =	vld.idx.msk [tilespmem:v22+s22+$0x0], $0xffff  }
0x17b: {  	v41 =	vld.idx.msk [tilespmem:v23+s22+$0x0], $0xffff;
	_ =	sdelay $0x1  }
0x17c: {  	v0 =	vadd.f32 v1, v0;
	v1 =	vadd.f32 v4, v2  }
0x17d: {  	v2 =	vadd.f32 v60, v5;
	v4 =	vadd.f32 v8, v61  }
0x17e: {  	v5 =	vadd.f32 v35, v34;
	v62 =	vadd.f32 v37, v36  }
0x17f: {  	v63 =	vadd.f32 v39, v38;
	v8 =	vadd.f32 v41, v40  }
0x180: {  	v0 =	vadd.f32 v1, v0;
	v1 =	vadd.f32 v4, v2  }
0x181: {  	v2 =	vadd.f32 v62, v5;
	v4 =	vadd.f32 v8, v63;
	_ =	sdelay $0x1  }
0x182: {  	v0 =	vadd.f32 v1, v0;
	v1 =	vadd.f32 v4, v2;
	_ =	sdelay $0x1  }
0x183: {  	v0 =	vadd.f32 v1, v0;
	_ =	sdelay $0x1  }
0x184: {  	v0 =	vmul.f32 $-1.562500000e-02, v0;
	_ =	sdelay $0x1  }
0x185: {  	v0 =	vmul.f32 $1.442695020e+00, v0;
	_ =	sdelay $0x1  }
0x186: {  	(erf) = vpow2.f32 v0;
	_ =	sdelay $0x5  }
0x187: {  	p0 =	sne.s32 s29, $0xC0  }
.Ltmp0:
0x188: {  	_ = 	snop;
	(pc) =	sbr.rel @p0 .LBB2_3-.Ltmp0, $4  }
0x189: {  	v0 =	vmov s29  }
0x18a: {  	vm14 =	vlt.u32 v0, v9;
	v1 =	vpop (erf)  }
0x18b: {  	v0 =	vnsel vm14, $0x0, v1  }
0x18c: {  	s31 =	sadd.s32 $0x400, s31;
	s29 =	sadd.s32 $0x10, s29;
	[tilespmem:s30+$0x0] =	vst v0;
	v25 =	vadd.f32 v0, v25;
	s30 =	sadd.s32 $0x10, s30  }
0x18d: {  	s0 =	simm.s32 $0x5D80  }
0x18e: {  	v0 =	vld [tilespmem:s0+$0xFFFFFF80];
	_ =	sdelay $0x4  }
0x18f: {  	v27 =	vmul.f32 v0, v0  }
0x190: {  	s1 =	simm.s32 $0xAB00  }
0x191: {  	v0 =	vld [tilespmem:s1+$0x0];
	[tilespmem:$0xABD0] =	vst v27  }
0x192: {  	v1 =	vld [tilespmem:s0+$0xFFFFFF90];
	_ =	sdelay $0x4  }
0x193: {  	v36 =	vmul.f32 v1, v1;
	_ =	sdelay $0x1  }
0x194: {  	[tilespmem:$0xABE8] =	vst v36  }
0x195: {  	v1 =	vld [tilespmem:s0+$0xFFFFFFA0];
	_ =	sdelay $0x4  }
0x196: {  	v26 =	vmul.f32 v1, v1;
	_ =	sdelay $0x1  }
0x197: {  	[tilespmem:$0xAC00] =	vst v26  }
0x198: {  	v1 =	vld [tilespmem:s0+$0xFFFFFFB0];
	_ =	sdelay $0x4  }
0x199: {  	v28 =	vmul.f32 v1, v1;
	_ =	sdelay $0x1  }
0x19a: {  	[tilespmem:$0xAC18] =	vst v28  }
0x19b: {  	v1 =	vld [tilespmem:s0+$0xFFFFFFC0];
	_ =	sdelay $0x4  }
0x19c: {  	v37 =	vmul.f32 v1, v1;
	_ =	sdelay $0x1  }
0x19d: {  	[tilespmem:$0xAC30] =	vst v37  }
0x19e: {  	v1 =	vld [tilespmem:s0+$0xFFFFFFD0];
	_ =	sdelay $0x4  }
0x19f: {  	v34 =	vmul.f32 v1, v1;
	_ =	sdelay $0x1  }
0x1a0: {  	[tilespmem:$0xAC48] =	vst v34  }
0x1a1: {  	v1 =	vld [tilespmem:s0+$0xFFFFFFE0];
	_ =	sdelay $0x4  }
0x1a2: {  	v31 =	vmul.f32 v1, v1;
	_ =	sdelay $0x1  }
0x1a3: {  	[tilespmem:$0xAC60] =	vst v31  }
0x1a4: {  	v1 =	vld [tilespmem:s0+$0xFFFFFFF0];
	_ =	sdelay $0x4  }
0x1a5: {  	v40 =	vmul.f32 v1, v1;
	_ =	sdelay $0x1  }
0x1a6: {  	[tilespmem:$0xAC78] =	vst v40  }
0x1a7: {  	v1 =	vld [tilespmem:s0+$0x0];
	_ =	sdelay $0x4  }
0x1a8: {  	v33 =	vmul.f32 v1, v1;
	_ =	sdelay $0x1  }
0x1a9: {  	[tilespmem:$0xAC90] =	vst v33  }
0x1aa: {  	v1 =	vld [tilespmem:s0+$0x10];
	_ =	sdelay $0x4  }
0x1ab: {  	v38 =	vmul.f32 v1, v1;
	_ =	sdelay $0x1  }
0x1ac: {  	[tilespmem:$0xACA8] =	vst v38  }
0x1ad: {  	v1 =	vld [tilespmem:s0+$0x20];
	_ =	sdelay $0x4  }
0x1ae: {  	v35 =	vmul.f32 v1, v1;
	_ =	sdelay $0x1  }
0x1af: {  	[tilespmem:$0xACC0] =	vst v35  }
0x1b0: {  	v1 =	vld [tilespmem:s0+$0x30];
	_ =	sdelay $0x4  }
0x1b1: {  	v30 =	vmul.f32 v1, v1;
	_ =	sdelay $0x1  }
0x1b2: {  	[tilespmem:$0xACD8] =	vst v30  }
0x1b3: {  	v1 =	vld [tilespmem:s0+$0x40];
	_ =	sdelay $0x4  }
0x1b4: {  	v42 =	vmul.f32 v1, v1;
	_ =	sdelay $0x1  }
0x1b5: {  	[tilespmem:$0xACF0] =	vst v42  }
0x1b6: {  	v1 =	vld [tilespmem:s0+$0x50];
	_ =	sdelay $0x4  }
0x1b7: {  	v46 =	vmul.f32 v1, v1;
	_ =	sdelay $0x1  }
0x1b8: {  	[tilespmem:$0xAD08] =	vst v46  }
0x1b9: {  	v1 =	vld [tilespmem:s0+$0x60];
	_ =	sdelay $0x4  }
0x1ba: {  	v32 =	vmul.f32 v1, v1;
	_ =	sdelay $0x1  }
0x1bb: {  	[tilespmem:$0xAD20] =	vst v32  }
0x1bc: {  	v1 =	vld [tilespmem:s0+$0x70];
	_ =	sdelay $0x4  }
0x1bd: {  	v29 =	vmul.f32 v1, v1;
	_ =	sdelay $0x1  }
0x1be: {  	s29 =	simm.s32 $0x5E80;
	[tilespmem:$0xAD38] =	vst v29  }
0x1bf: {  	v1 =	vld [tilespmem:s29+$0xFFFFFF80]  }
0x1c0: {  	v2 =	vld.idx.msk [tilespmem:v11+s22+$0x0], $0xffff  }
0x1c1: {  	v4 =	vld.idx.msk [tilespmem:v23+s22+$0x0], $0xffff  }
0x1c2: {  	v5 =	vld.idx.msk [tilespmem:v10+s22+$0x0], $0xffff  }
0x1c3: {  	v6 =	vld.idx.msk [tilespmem:v13+s22+$0x0], $0xffff  }
0x1c4: {  	v7 =	vld.idx.msk [tilespmem:v12+s22+$0x0], $0xffff  }
0x1c5: {  	v8 =	vld.idx.msk [tilespmem:v15+s22+$0x0], $0xffff  }
0x1c6: {  	v41 =	vld.idx.msk [tilespmem:v19+s22+$0x0], $0xffff  }
0x1c7: {  	v43 =	vld.idx.msk [tilespmem:v3+s22+$0x0], $0xffff  }
0x1c8: {  	v45 =	vld.idx.msk [tilespmem:v17+s22+$0x0], $0xffff  }
0x1c9: {  	v47 =	vld.idx.msk [tilespmem:v21+s22+$0x0], $0xffff  }
0x1ca: {  	v48 =	vld.idx.msk [tilespmem:v14+s22+$0x0], $0xffff  }
0x1cb: {  	v49 =	vld.idx.msk [tilespmem:v18+s22+$0x0], $0xffff  }
0x1cc: {  	v50 =	vld.idx.msk [tilespmem:v22+s22+$0x0], $0xffff  }
0x1cd: {  	v51 =	vld.idx.msk [tilespmem:v20+s22+$0x0], $0xffff  }
0x1ce: {  	v52 =	vld.idx.msk [tilespmem:v16+s22+$0x0], $0xffff;
	v39 =	vmul.f32 v1, v1  }
0x1cf: {  	s30 =	simm.s32 $0xAB10;
	v1 =	vld.idx.msk [tilespmem:v53+s22+$0x0], $0xffff  }
0x1d0: {  	v44 =	vld [tilespmem:s30+$0x0];
	[tilespmem:$0xABD0] =	vst v39  }
0x1d1: {  	v6 =	vadd.f32 v6, v7;
	v7 =	vadd.f32 v8, v48;
	v8 =	vld [tilespmem:s29+$0xFFFFFF90]  }
0x1d2: {  	v41 =	vadd.f32 v41, v49;
	v4 =	vadd.f32 v4, v50  }
0x1d3: {  	v47 =	vadd.f32 v47, v51;
	v45 =	vadd.f32 v45, v52  }
0x1d4: {  	v2 =	vadd.f32 v2, v5;
	v1 =	vadd.f32 v1, v43  }
0x1d5: {  	v4 =	vadd.f32 v4, v47;
	v5 =	vadd.f32 v41, v45  }
0x1d6: {  	v1 =	vadd.f32 v2, v1;
	v2 =	vadd.f32 v7, v6;
	v48 =	vmul.f32 v8, v8;
	_ =	sdelay $0x1  }
0x1d7: {  	v1 =	vadd.f32 v2, v1;
	v2 =	vadd.f32 v4, v5;
	[tilespmem:$0xABE8] =	vst v48  }
0x1d8: {  	v4 =	vld [tilespmem:s29+$0xFFFFFFA0]  }
0x1d9: {  	v1 =	vadd.f32 v2, v1;
	_ =	sdelay $0x1  }
0x1da: {  	v2 =	vshra.s32 v1, $0x1;
	v5 =	vmul.f32 $5.000000000e-01, v1  }
0x1db: {  	v2 =	vsub.s32 $0x5F3759DF, v2  }
0x1dc: {  	v41 =	vmul.f32 v4, v4;
	v4 =	vmul.f32 v2, v5;
	_ =	sdelay $0x1  }
0x1dd: {  	v4 =	vmul.f32 v2, v4  }
0x1de: {  	[tilespmem:$0xAC00] =	vst v41  }
0x1df: {  	v6 =	vld [tilespmem:s29+$0xFFFFFFB0];
	v4 =	vsub.f32 $1.500000000e+00, v4;
	_ =	sdelay $0x1  }
0x1e0: {  	v2 =	vmul.f32 v2, v4;
	_ =	sdelay $0x1  }
0x1e1: {  	v4 =	vmul.f32 v2, v5  }
0x1e2: {  	v43 =	vmul.f32 v6, v6  }
0x1e3: {  	v4 =	vmul.f32 v4, v2  }
0x1e4: {  	[tilespmem:$0xAC18] =	vst v43  }
0x1e5: {  	v6 =	vld [tilespmem:s29+$0xFFFFFFC0];
	v4 =	vsub.f32 $1.500000000e+00, v4;
	_ =	sdelay $0x1  }
0x1e6: {  	(xrf2) =	vadd.scan.msk.f32 $0xffff, v25;
	v2 =	vmul.f32 v4, v2;
	_ =	sdelay $0x1  }
0x1e7: {  	v4 =	vmul.f32 v2, v5  }
0x1e8: {  	v52 =	vmul.f32 v6, v6  }
0x1e9: {  	v4 =	vmul.f32 v4, v2  }
0x1ea: {  	[tilespmem:$0xAC30] =	vst v52  }
0x1eb: {  	v5 =	vld [tilespmem:s29+$0xFFFFFFD0];
	v4 =	vsub.f32 $1.500000000e+00, v4;
	_ =	sdelay $0x2  }
0x1ec: {  	v2 =	vmul.f32 v4, v2  }
0x1ed: {  	v4, _, _ =	vpop (xrf2)  }
0x1ee: {  	v24 =	vmovc v53;
	v53 =	vmul.f32 v5, v5;
	v1 =	vmul.f32 v2, v1;
	v4 =	vadd.f32 $9.999999960e-13, v4;
	_ =	sdelay $0x1  }
0x1ef: {  	[tilespmem:$0xAC48] =	vst v53;
	v1 =	vadd.f32 $9.999999960e-13, v1;
	v2 =	vbroadcast v4, $0xF  }
0x1f0: {  	v4 =	vld [tilespmem:s29+$0xFFFFFFE0]  }
0x1f1: {  	v1 =	vmul.f32 v1, v1;
	(erf) = vrcp.f32 v2;
	_ =	sdelay $0x1  }
0x1f2: {  	(erf) = vrcp.f32 v1;
	_ =	sdelay $0x1  }
0x1f3: {  	v51 =	vmul.f32 v4, v4;
	_ =	sdelay $0x1  }
0x1f4: {  	[tilespmem:$0xAC60] =	vst v51  }
0x1f5: {  	v1 =	vld [tilespmem:s29+$0xFFFFFFF0];
	_ =	sdelay $0x1  }
0x1f6: {  	v50 =	vpop (erf)  }
0x1f7: {  	v0 =	vmul.f32 v0, v50  }
0x1f8: {  	vm13 =	vmmov vm6;
	vm10 =	vmmov vm8;
	s1 =	simm.s32 $0x0;
	v2 =	vpop (erf)  }
0x1f9: {  	v55 =	vmul.f32 v1, v1;
	v1 =	vmov s1;
	v0 =	vmul.f32 v2, v0  }
0x1fa: {  	vm12 =	vcmask $0x2F34;
	vm11 =	vmmov vm9;
	vm14 =	vlt.u32 v1, v9  }
0x1fb: {  	v49 =	vimm.f32 $0.0e+00;
	v2 =	vnsel vm14, $0x0, v0;
	vm14 =	vmmov $0x1  }
0x1fc: {  	v47 =	vimm.f32 $0.0e+00;
	v45 =	vimm.f32 $0.0e+00;
	v61 =	vnsel vm14, $0x0, v2  }
0x1fd: {  	v59 =	vsel vm0, $0x0, v2;
	v25 =	vsel vm6, $0x0, v2;
	v56 =	vsel vm1, $0x0, v2  }
0x1fe: {  	v58 =	vsel vm2, $0x0, v2;
	v7 =	vsel vm4, $0x0, v2;
	vm6 =	vcmask $0x171C  }
0x1ff: {  	[tilespmem:$0xAC78] =	vst v55;
	v5 =	vsel vm8, $0x0, v2;
	v0 =	vsel vm9, $0x0, v2;
	v60 =	vsel vm3, $0x0, v2  }
0x200: {  	v4 =	vld [tilespmem:s29+$0x0];
	v8 =	vsel vm7, $0x0, v2;
	v62 =	vsel vm5, $0x0, v2;
	vm8 =	vcmask $0x1F24  }
0x201: {  	v57 =	vsel vm15, $0x0, v2;
	vm9 =	vmmov vm7;
	vm7 =	vmmov vm5  }
0x202: {  	vm5 =	vmmov vm4;
	vm4 =	vmmov vm3;
	vm3 =	vmmov vm2  }
0x203: {  	vm2 =	vmmov vm1;
	vm1 =	vmmov vm0;
	v1 =	vsel vm6, $0x0, v2  }
0x204: {  	vm6 =	vcmask $0x373C;
	v6 =	vsel vm8, $0x0, v2;
	(xrf2) =	vadd.scan.msk.f32 $0xffff, v25;
	v25 =	vsel vm12, $0x0, v2  }
0x205: {  	s31 =	simm.s32 $0x10;
	s1 =	simm.s32 $0x20;
	v63 =	vsel vm6, $0x0, v2;
	(xrf2) =	vadd.scan.msk.f32 $0xffff, v25;
	v25 =	vimm.f32 $0.0e+00;
	v54 =	vmul.f32 v4, v4  }
.LBB2_5:
0x206: {  	_ = 	snop  }
0x207: {  	[tilespmem:$0xAC90] =	vst v54  }
0x208: {  	v2 =	vld [tilespmem:s29+$0x10];
	_ =	sdelay $0x2  }
0x209: {  	(xrf2) =	vadd.scan.msk.f32 $0xffff, v61;
	_ =	sdelay $0x1  }
0x20a: {  	v61 =	vmul.f32 v2, v2  }
0x20b: {  	(xrf2) =	vadd.scan.msk.f32 $0xffff, v63  }
0x20c: {  	[tilespmem:$0xACA8] =	vst v61  }
0x20d: {  	v63 =	vld [tilespmem:s29+$0x20];
	_ =	sdelay $0x2  }
0x20e: {  	v4, _, _ =	vpop (xrf2);
	(xrf2) =	vadd.scan.msk.f32 $0xffff, v62  }
0x20f: {  	v2, _, _ =	vpop (xrf2);
	(xrf2) =	vadd.scan.msk.f32 $0xffff, v59  }
0x210: {  	v59, _, _ =	vpop (xrf2);
	(xrf2) =	vadd.scan.msk.f32 $0xffff, v60;
	v60 =	vmul.f32 v63, v63;
	_ =	sdelay $0x1  }
0x211: {  	[tilespmem:$0xACC0] =	vst v60  }
0x212: {  	v62, _, _ =	vpop (xrf2);
	(xrf2) =	vadd.scan.msk.f32 $0xffff, v7;
	v7 =	vld [tilespmem:s29+$0x30];
	_ =	sdelay $0x3  }
0x213: {  	v3 =	vbroadcast v4, $0xF  }
0x214: {  	v2 =	vbroadcast v2, $0xF;
	v7 =	vmul.f32 v7, v7  }
0x215: {  	v4 =	vmul.f32 v3, v46;
	v46, _, _ =	vpop (xrf2)  }
0x216: {  	v2 =	vmul.f32 v2, v42;
	v42 =	vbroadcast v46, $0xF;
	v46, _, _ =	vpop (xrf2);
	(xrf2) =	vadd.scan.msk.f32 $0xffff, v8;
	[tilespmem:$0xACD8] =	vst v7  }
0x217: {  	v8, _, _ =	vpop (xrf2);
	(xrf2) =	vadd.scan.msk.f32 $0xffff, v5;
	v5 =	vld [tilespmem:s29+$0x40];
	_ =	sdelay $0x4  }
0x218: {  	v63 =	vmul.f32 v42, v40;
	v42 =	vmul.f32 v5, v5;
	_ =	sdelay $0x1  }
0x219: {  	v40 =	vmov v55;
	v55, _, _ =	vpop (xrf2);
	(xrf2) =	vadd.scan.msk.f32 $0xffff, v6;
	[tilespmem:$0xACF0] =	vst v42  }
0x21a: {  	v5 =	vbroadcast v8, $0xF;
	v8 =	vld [tilespmem:s29+$0x50];
	_ =	sdelay $0x3  }
0x21b: {  	v55 =	vbroadcast v55, $0xF  }
0x21c: {  	v6, _, _ =	vpop (xrf2);
	(xrf2) =	vadd.scan.msk.f32 $0xffff, v0;
	v0 =	vbroadcast v46, $0xF;
	v46 =	vmul.f32 v8, v8  }
0x21d: {  	(xrf2) =	vadd.scan.msk.f32 $0xffff, v1  }
0x21e: {  	[tilespmem:$0xAD08] =	vst v46  }
0x21f: {  	v1, _, _ =	vpop (xrf2);
	v0 =	vmul.f32 v0, v36;
	(xrf2) =	vadd.scan.msk.f32 $0xffff, v58;
	v8 =	vld [tilespmem:s29+$0x60]  }
0x220: {  	v5 =	vmul.f32 v5, v37;
	v37 =	vmov v52;
	v52 =	vmul.f32 v55, v34;
	v55, _, _ =	vpop (xrf2);
	(xrf2) =	vadd.scan.msk.f32 $0xffff, v56  }
0x221: {  	v6 =	vbroadcast v6, $0xF;
	v0 =	vadd.f32 v0, v49;
	_ =	sdelay $0x1  }
0x222: {  	v3 =	vmul.f32 v6, v38;
	v0 =	vadd.f32 v0, v52  }
0x223: {  	v8 =	vmul.f32 v8, v8  }
0x224: {  	v0 =	vadd.f32 v0, v3  }
0x225: {  	v1 =	vbroadcast v1, $0xF;
	v58 =	vbroadcast v55, $0xF;
	v6, _, _ =	vpop (xrf2);
	[tilespmem:$0xAD20] =	vst v8  }
0x226: {  	v38 =	vmov v61;
	v61 =	vbroadcast v59, $0xF;
	v49 =	vadd.f32 v0, v4;
	v4, _, _ =	vpop (xrf2);
	(xrf2) =	vadd.scan.msk.f32 $0xffff, v57;
	v56 =	vld [tilespmem:s29+$0x70]  }
0x227: {  	v1 =	vmul.f32 v1, v35;
	v4 =	vbroadcast v4, $0xF  }
0x228: {  	v35 =	vmov v60;
	v0 =	vmul.f32 v58, v33;
	v6 =	vbroadcast v6, $0xF;
	v60, _, _ =	vpop (xrf2)  }
0x229: {  	v4 =	vmul.f32 v4, v31;
	v31 =	vmov v51;
	v58, _, _ =	vpop (xrf2);
	v51 =	vmul.f32 v61, v27  }
0x22a: {  	v34 =	vmov v53;
	v6 =	vmul.f32 v6, v30;
	v53 =	vbroadcast v58, $0xF  }
0x22b: {  	v30 =	vmovc v7;
	v7 =	vbroadcast v60, $0xF;
	v3 =	vadd.f32 v51, v47;
	v61 =	vmul.f32 v56, v56  }
0x22c: {  	v60 =	vmul.f32 v53, v26  }
0x22d: {  	v57 =	vbroadcast v62, $0xF;
	v7 =	vmul.f32 v7, v28;
	v5 =	vadd.f32 v3, v5;
	v3 =	vld [tilespmem:$0x1FF80];
	s29 =	sadd.s32 $0x100, s29;
	[tilespmem:$0xAD38] =	vst v61  }
0x22e: {  	v25 =	vadd.f32 v60, v25;
	v62 =	vld [tilespmem:s29+$0xFFFFFF80]  }
0x22f: {  	v59 =	vmul.f32 v57, v32;
	v7 =	vadd.f32 v7, v45;
	v0 =	vadd.f32 v5, v0;
	v5 =	vld.idx.msk [tilespmem:v11+s22+$0x0], $0xffff  }
0x230: {  	v26 =	vmov v41;
	v32 =	vmov v8;
	v4 =	vadd.f32 v25, v4;
	v8, _, _ =	vpop (xrf2);
	v41 =	vld.idx.msk [tilespmem:v23+s22+$0x0], $0xffff  }
0x231: {  	v7 =	vadd.f32 v7, v63;
	v47 =	vadd.f32 v0, v2;
	v8 =	vbroadcast v8, $0xF;
	v0 =	vld.idx.msk [tilespmem:v10+s22+$0x0], $0xffff  }
0x232: {  	v1 =	vadd.f32 v4, v1;
	v2 =	vld.idx.msk [tilespmem:v13+s22+$0x0], $0xffff  }
0x233: {  	v6 =	vadd.f32 v7, v6;
	v8 =	vmul.f32 v8, v29;
	v4 =	vld.idx.msk [tilespmem:v12+s22+$0x0], $0xffff  }
0x234: {  	v25 =	vadd.f32 v1, v59;
	v1 =	vld.idx.msk [tilespmem:v15+s22+$0x0], $0xffff  }
0x235: {  	v45 =	vadd.f32 v6, v8;
	v6 =	vld.idx.msk [tilespmem:v19+s22+$0x0], $0xffff  }
0x236: {  	v7 =	vld.idx.msk [tilespmem:v3+s22+$0x0], $0xffff  }
0x237: {  	v8 =	vld.idx.msk [tilespmem:v17+s22+$0x0], $0xffff  }
0x238: {  	v36 =	vmov v48;
	v48 =	vld.idx.msk [tilespmem:v21+s22+$0x0], $0xffff  }
0x239: {  	v57 =	vld.idx.msk [tilespmem:v14+s22+$0x0], $0xffff  }
0x23a: {  	v58 =	vld.idx.msk [tilespmem:v18+s22+$0x0], $0xffff  }
0x23b: {  	v59 =	vld.idx.msk [tilespmem:v22+s22+$0x0], $0xffff  }
0x23c: {  	v60 =	vld.idx.msk [tilespmem:v20+s22+$0x0], $0xffff  }
0x23d: {  	v27 =	vmov v39;
	v29 =	vmov v61;
	v61 =	vld.idx.msk [tilespmem:v16+s22+$0x0], $0xffff;
	v39 =	vmul.f32 v62, v62  }
0x23e: {  	s30 =	sadd.s32 $0x10, s30;
	v62 =	vld.idx.msk [tilespmem:v24+s22+$0x0], $0xffff  }
0x23f: {  	v2 =	vadd.f32 v2, v4;
	v4 =	vld [tilespmem:s30+$0x0];
	[tilespmem:$0xABD0] =	vst v39  }
0x240: {  	v6 =	vadd.f32 v6, v58;
	v63 =	vld [tilespmem:s29+$0xFFFFFF90]  }
0x241: {  	v41 =	vadd.f32 v41, v59;
	v0 =	vadd.f32 v5, v0  }
0x242: {  	v5 =	vadd.f32 v48, v60;
	v8 =	vadd.f32 v8, v61  }
0x243: {  	v1 =	vadd.f32 v1, v57;
	v7 =	vadd.f32 v62, v7  }
0x244: {  	v5 =	vadd.f32 v41, v5;
	v6 =	vadd.f32 v6, v8  }
0x245: {  	v1 =	vadd.f32 v1, v2;
	v0 =	vadd.f32 v0, v7;
	v48 =	vmul.f32 v63, v63;
	_ =	sdelay $0x1  }
0x246: {  	v0 =	vadd.f32 v1, v0;
	v1 =	vadd.f32 v5, v6;
	[tilespmem:$0xABE8] =	vst v48  }
0x247: {  	v2 =	vld [tilespmem:s29+$0xFFFFFFA0]  }
0x248: {  	v0 =	vadd.f32 v1, v0;
	_ =	sdelay $0x1  }
0x249: {  	v1 =	vshra.s32 v0, $0x1;
	v5 =	vmul.f32 $5.000000000e-01, v0  }
0x24a: {  	v1 =	vsub.s32 $0x5F3759DF, v1  }
0x24b: {  	v41 =	vmul.f32 v2, v2;
	v2 =	vmul.f32 v1, v5;
	_ =	sdelay $0x1  }
0x24c: {  	[tilespmem:$0xAC00] =	vst v41;
	v2 =	vmul.f32 v1, v2  }
0x24d: {  	v6 =	vld [tilespmem:s29+$0xFFFFFFB0]  }
0x24e: {  	v2 =	vsub.f32 $1.500000000e+00, v2;
	_ =	sdelay $0x1  }
0x24f: {  	v1 =	vmul.f32 v1, v2;
	_ =	sdelay $0x1  }
0x250: {  	v28 =	vmov v43;
	v43 =	vmul.f32 v6, v6;
	v2 =	vmul.f32 v1, v5;
	_ =	sdelay $0x1  }
0x251: {  	[tilespmem:$0xAC18] =	vst v43;
	v2 =	vmul.f32 v2, v1  }
0x252: {  	v6 =	vld [tilespmem:s29+$0xFFFFFFC0]  }
0x253: {  	v2 =	vsub.f32 $1.500000000e+00, v2;
	_ =	sdelay $0x1  }
0x254: {  	v1 =	vmul.f32 v2, v1;
	_ =	sdelay $0x1  }
0x255: {  	v52 =	vmul.f32 v6, v6;
	v2 =	vmul.f32 v1, v5;
	_ =	sdelay $0x1  }
0x256: {  	[tilespmem:$0xAC30] =	vst v52;
	v2 =	vmul.f32 v2, v1  }
0x257: {  	v5 =	vld [tilespmem:s29+$0xFFFFFFD0]  }
0x258: {  	v2 =	vsub.f32 $1.500000000e+00, v2;
	_ =	sdelay $0x1  }
0x259: {  	v1 =	vmul.f32 v2, v1;
	_ =	sdelay $0x1  }
0x25a: {  	v53 =	vmul.f32 v5, v5;
	v0 =	vmul.f32 v1, v0;
	_ =	sdelay $0x1  }
0x25b: {  	[tilespmem:$0xAC48] =	vst v53;
	v0 =	vadd.f32 $9.999999960e-13, v0  }
0x25c: {  	v1 =	vld [tilespmem:s29+$0xFFFFFFE0]  }
0x25d: {  	v0 =	vmul.f32 v0, v0;
	_ =	sdelay $0x1  }
0x25e: {  	(erf) = vrcp.f32 v0;
	_ =	sdelay $0x1  }
0x25f: {  	v51 =	vmul.f32 v1, v1;
	_ =	sdelay $0x1  }
0x260: {  	[tilespmem:$0xAC60] =	vst v51  }
0x261: {  	v0 =	vld [tilespmem:s29+$0xFFFFFFF0];
	_ =	sdelay $0x2  }
0x262: {  	v1 =	vmul.f32 v44, v50  }
0x263: {  	v2 =	vpop (erf)  }
0x264: {  	v55 =	vmul.f32 v0, v0;
	v0 =	vmul.f32 v2, v1;
	v1 =	vmov s31  }
0x265: {  	vm0 =	vlt.u32 v1, v9  }
0x266: {  	[tilespmem:$0xAC78] =	vst v55;
	v2 =	vnsel vm0, $0x0, v0  }
0x267: {  	p0 =	sne.s32 s1, $0xC0;
	v44 =	vmovc v4;
	vm0 =	vcmask $0x171C;
	v4 =	vld [tilespmem:s29+$0x0];
	v61 =	vnsel vm14, $0x0, v2;
	v59 =	vsel vm1, $0x0, v2  }
.Ltmp1:
0x268: {  	v6 =	vsel vm13, $0x0, v2;
	v56 =	vsel vm2, $0x0, v2;
	v58 =	vsel vm3, $0x0, v2;
	(pc) =	sbr.rel @p0 .LBB2_5-.Ltmp1, $4  }
0x269: {  	v7 =	vsel vm5, $0x0, v2;
	v1 =	vsel vm0, $0x0, v2;
	v5 =	vsel vm10, $0x0, v2  }
0x26a: {  	v0 =	vsel vm11, $0x0, v2;
	v60 =	vsel vm4, $0x0, v2;
	v8 =	vsel vm9, $0x0, v2  }
0x26b: {  	s0 =	smov.u32 s1;
	v63 =	vsel vm6, $0x0, v2;
	v62 =	vsel vm7, $0x0, v2;
	v3 =	vsel vm12, $0x0, v2;
	(xrf2) =	vadd.scan.msk.f32 $0xffff, v6  }
0x26c: {  	s1 =	sadd.s32 $0x10, s1;
	v33 =	vmovc v54;
	s31 =	smov.u32 s0;
	v57 =	vsel vm15, $0x0, v2;
	v6 =	vsel vm8, $0x0, v2;
	(xrf2) =	vadd.scan.msk.f32 $0xffff, v3;
	v54 =	vmul.f32 v4, v4  }
0x26d: {  	_ = 	snop  }
0x26e: {  	[tilespmem:$0xAC90] =	vst v54  }
0x26f: {  	v2 =	vld [tilespmem:s29+$0x10];
	_ =	sdelay $0x4  }
0x270: {  	v2 =	vmul.f32 v2, v2;
	_ =	sdelay $0x1  }
0x271: {  	[tilespmem:$0xACA8] =	vst v2  }
0x272: {  	[tilespmem:$0x1FEB0] =	vst v2;
	v2 =	vld [tilespmem:s29+$0x20];
	_ =	sdelay $0x4  }
0x273: {  	v2 =	vmul.f32 v2, v2;
	_ =	sdelay $0x1  }
0x274: {  	[tilespmem:$0xACC0] =	vst v2  }
0x275: {  	[tilespmem:$0x1FEC0] =	vst v2;
	v2 =	vld [tilespmem:s29+$0x30];
	_ =	sdelay $0x4  }
0x276: {  	v2 =	vmul.f32 v2, v2;
	_ =	sdelay $0x1  }
0x277: {  	[tilespmem:$0xACD8] =	vst v2  }
0x278: {  	[tilespmem:$0x1FED0] =	vst v2;
	v2 =	vld [tilespmem:s29+$0x40];
	_ =	sdelay $0x4  }
0x279: {  	v2 =	vmul.f32 v2, v2;
	_ =	sdelay $0x1  }
0x27a: {  	[tilespmem:$0xACF0] =	vst v2  }
0x27b: {  	v3 =	vld [tilespmem:s29+$0x50];
	_ =	sdelay $0x4  }
0x27c: {  	v4 =	vmul.f32 v3, v3;
	_ =	sdelay $0x1  }
0x27d: {  	[tilespmem:$0xAD08] =	vst v4  }
0x27e: {  	v3 =	vld [tilespmem:s29+$0x60];
	_ =	sdelay $0x4  }
0x27f: {  	[tilespmem:$0x1FE90] =	vst v4;
	v4 =	vmul.f32 v3, v3;
	_ =	sdelay $0x1  }
0x280: {  	[tilespmem:$0xAD20] =	vst v4  }
0x281: {  	v3 =	vld [tilespmem:s29+$0x70];
	_ =	sdelay $0x4  }
0x282: {  	[tilespmem:$0x1FEE0] =	vst v4;
	v4 =	vmul.f32 v3, v3;
	_ =	sdelay $0x1  }
0x283: {  	[tilespmem:$0xAD38] =	vst v4  }
0x284: {  	[tilespmem:$0x1FEF0] =	vst v4;
	v4 =	vld.idx.msk [tilespmem:v23+s22+$0x0], $0xffff;
	_ =	sdelay $0x4  }
0x285: {  	[tilespmem:$0x1FDD0] =	vst v4;
	v4 =	vld.idx.msk [tilespmem:v10+s22+$0x0], $0xffff;
	_ =	sdelay $0x4  }
0x286: {  	[tilespmem:$0x1FE20] =	vst v4;
	v4 =	vld.idx.msk [tilespmem:v12+s22+$0x0], $0xffff;
	_ =	sdelay $0x4  }
0x287: {  	[tilespmem:$0x1FDA0] =	vst v4;
	v4 =	vld.idx.msk [tilespmem:v15+s22+$0x0], $0xffff;
	_ =	sdelay $0x4  }
0x288: {  	[tilespmem:$0x1FDB0] =	vst v4;
	v4 =	vld.idx.msk [tilespmem:v19+s22+$0x0], $0xffff  }
0x289: {  	[tilespmem:$0x1FEA0] =	vst v2;
	v2 =	vld.idx.msk [tilespmem:v11+s22+$0x0], $0xffff  }
0x28a: {  	v11 =	vld.idx.msk [tilespmem:v16+s22+$0x0], $0xffff;
	_ =	sdelay $0x2  }
0x28b: {  	[tilespmem:$0x1FDC0] =	vst v4;
	v4 =	vld [tilespmem:$0x1FF80];
	_ =	sdelay $0x1  }
0x28c: {  	[tilespmem:$0x1FE00] =	vst v11;
	v11 =	vld.idx.msk [tilespmem:v24+s22+$0x0], $0xffff;
	_ =	sdelay $0x3  }
0x28d: {  	v10 =	vld.idx.msk [tilespmem:v13+s22+$0x0], $0xffff  }
0x28e: {  	[tilespmem:$0x1FE40] =	vst v11;
	v11 =	vld [tilespmem:$0x1FDA0]  }
0x28f: {  	[tilespmem:$0x1FE10] =	vst v2;
	v2 =	vld.idx.msk [tilespmem:v4+s22+$0x0], $0xffff;
	_ =	sdelay $0x3  }
0x290: {  	v11 =	vadd.f32 v10, v11;
	v10 =	vld [tilespmem:$0x1FDB0]  }
0x291: {  	[tilespmem:$0x1FE30] =	vst v2;
	v2 =	vld.idx.msk [tilespmem:v14+s22+$0x0], $0xffff  }
0x292: {  	v4 =	vld.idx.msk [tilespmem:v17+s22+$0x0], $0xffff;
	_ =	sdelay $0x2  }
0x293: {  	v3 =	vld.idx.msk [tilespmem:v18+s22+$0x0], $0xffff  }
0x294: {  	v10 =	vadd.f32 v10, v2;
	v2 =	vld [tilespmem:$0x1FDC0]  }
0x295: {  	[tilespmem:$0x1FDF0] =	vst v4;
	v4 =	vld.idx.msk [tilespmem:v21+s22+$0x0], $0xffff;
	_ =	sdelay $0x3  }
0x296: {  	v2 =	vadd.f32 v2, v3  }
0x297: {  	[tilespmem:$0x1FDE0] =	vst v4;
	v4 =	vld.idx.msk [tilespmem:v22+s22+$0x0], $0xffff  }
0x298: {  	[tilespmem:$0x1FE70] =	vst v2;
	v2 =	vld [tilespmem:$0x1FDD0];
	_ =	sdelay $0x3  }
0x299: {  	v23 =	vld.idx.msk [tilespmem:v20+s22+$0x0], $0xffff  }
0x29a: {  	v2 =	vadd.f32 v2, v4;
	v4 =	vld [tilespmem:$0x1FDE0];
	_ =	sdelay $0x4  }
0x29b: {  	[tilespmem:$0x1FE50] =	vst v2;
	v2 =	vadd.f32 v4, v23  }
0x29c: {  	v3 =	vld [tilespmem:$0x1FE00]  }
0x29d: {  	[tilespmem:$0x1FE60] =	vst v2;
	v2 =	vld [tilespmem:$0x1FDF0];
	_ =	sdelay $0x3  }
0x29e: {  	v4 =	vld [tilespmem:$0x1FE20]  }
0x29f: {  	v3 =	vadd.f32 v2, v3;
	v2 =	vld [tilespmem:$0x1FE10];
	_ =	sdelay $0x3  }
0x2a0: {  	v23 =	vld [tilespmem:$0x1FE40]  }
0x2a1: {  	v4 =	vadd.f32 v2, v4;
	v2 =	vld [tilespmem:$0x1FE30];
	_ =	sdelay $0x3  }
0x2a2: {  	v13 =	vmov v12;
	v12 =	vmov v24;
	v24 =	vld [tilespmem:$0x1FE60]  }
0x2a3: {  	v2 =	vadd.f32 v23, v2;
	v23 =	vld [tilespmem:$0x1FE50];
	_ =	sdelay $0x4  }
0x2a4: {  	v23 =	vadd.f32 v23, v24;
	_ =	sdelay $0x1  }
0x2a5: {  	v2 =	vadd.f32 v4, v2;
	v4 =	vadd.f32 v10, v11;
	[tilespmem:$0x1FE80] =	vst v23;
	v23 =	vld [tilespmem:$0x1FE70];
	_ =	sdelay $0x1  }
0x2a6: {  	v2 =	vadd.f32 v4, v2;
	v4 =	vld [tilespmem:$0x1FE80];
	_ =	sdelay $0x2  }
0x2a7: {  	v3 =	vadd.f32 v23, v3;
	_ =	sdelay $0x1  }
0x2a8: {  	v3 =	vadd.f32 v4, v3;
	_ =	sdelay $0x1  }
0x2a9: {  	v10 =	vadd.f32 v3, v2;
	_ =	sdelay $0x1  }
0x2aa: {  	v3 =	vshra.s32 v10, $0x1;
	v4 =	vmul.f32 $5.000000000e-01, v10  }
0x2ab: {  	v3 =	vsub.s32 $0x5F3759DF, v3  }
0x2ac: {  	v2 =	vmul.f32 v3, v4;
	_ =	sdelay $0x1  }
0x2ad: {  	v2 =	vmul.f32 v3, v2;
	_ =	sdelay $0x1  }
0x2ae: {  	v2 =	vsub.f32 $1.500000000e+00, v2;
	_ =	sdelay $0x1  }
0x2af: {  	v2 =	vmul.f32 v3, v2;
	_ =	sdelay $0x1  }
0x2b0: {  	v3 =	vmul.f32 v2, v4;
	_ =	sdelay $0x1  }
0x2b1: {  	v3 =	vmul.f32 v3, v2;
	_ =	sdelay $0x1  }
0x2b2: {  	v3 =	vsub.f32 $1.500000000e+00, v3;
	_ =	sdelay $0x1  }
0x2b3: {  	v2 =	vmul.f32 v3, v2;
	_ =	sdelay $0x1  }
0x2b4: {  	v3 =	vmul.f32 v2, v4;
	_ =	sdelay $0x1  }
0x2b5: {  	v3 =	vmul.f32 v3, v2;
	_ =	sdelay $0x1  }
0x2b6: {  	v3 =	vsub.f32 $1.500000000e+00, v3;
	_ =	sdelay $0x1  }
0x2b7: {  	v2 =	vmul.f32 v3, v2;
	_ =	sdelay $0x1  }
0x2b8: {  	v2 =	vmul.f32 v2, v10;
	_ =	sdelay $0x1  }
0x2b9: {  	v2 =	vadd.f32 $9.999999960e-13, v2;
	_ =	sdelay $0x1  }
0x2ba: {  	(xrf2) =	vadd.scan.msk.f32 $0xffff, v61;
	v2 =	vmul.f32 v2, v2  }
0x2bb: {  	(xrf2) =	vadd.scan.msk.f32 $0xffff, v63  }
0x2bc: {  	(xrf2) =	vadd.scan.msk.f32 $0xffff, v62;
	(erf) = vrcp.f32 v2  }
0x2bd: {  	(xrf2) =	vadd.scan.msk.f32 $0xffff, v59  }
0x2be: {  	(xrf2) =	vadd.scan.msk.f32 $0xffff, v60  }
0x2bf: {  	(xrf2) =	vadd.scan.msk.f32 $0xffff, v7  }
0x2c0: {  	(xrf2) =	vadd.scan.msk.f32 $0xffff, v8  }
0x2c1: {  	(xrf2) =	vadd.scan.msk.f32 $0xffff, v5  }
0x2c2: {  	v61, _, _ =	vpop (xrf2);
	(xrf2) =	vadd.scan.msk.f32 $0xffff, v6  }
0x2c3: {  	v63, _, _ =	vpop (xrf2);
	(xrf2) =	vadd.scan.msk.f32 $0xffff, v0  }
0x2c4: {  	v62 =	vmul.f32 v44, v50;
	(xrf2) =	vadd.scan.msk.f32 $0xffff, v1;
	v1, _, _ =	vpop (xrf2)  }
0x2c5: {  	v44 =	vpop (erf)  }
0x2c6: {  	v50 =	vmov s31;
	v5, _, _ =	vpop (xrf2);
	v0 =	vmul.f32 v44, v62  }
0x2c7: {  	vm0 =	vlt.u32 v50, v9;
	(xrf2) =	vadd.scan.msk.f32 $0xffff, v58;
	v1 =	vbroadcast v1, $0xF;
	v59, _, _ =	vpop (xrf2)  }
0x2c8: {  	(xrf2) =	vadd.scan.msk.f32 $0xffff, v56;
	v5 =	vbroadcast v5, $0xF;
	v60, _, _ =	vpop (xrf2);
	v0 =	vnsel vm0, $0x0, v0  }
0x2c9: {  	(xrf2) =	vadd.scan.msk.f32 $0xffff, v57;
	v1 =	vmul.f32 v1, v27;
	v8, _, _ =	vpop (xrf2);
	v2 =	vbroadcast v61, $0xF;
	v61 =	vsel vm13, $0x0, v0  }
0x2ca: {  	v6 =	vbroadcast v60, $0xF;
	v4 =	vbroadcast v63, $0xF;
	v63, _, _ =	vpop (xrf2);
	v62 =	vsel vm12, $0x0, v0;
	(xrf2) =	vadd.scan.msk.f32 $0xffff, v61  }
0x2cb: {  	v8 =	vbroadcast v8, $0xF;
	v50, _, _ =	vpop (xrf2);
	v2 =	vmul.f32 v2, v46;
	v46 =	vnsel vm14, $0x0, v0;
	(xrf2) =	vadd.scan.msk.f32 $0xffff, v62  }
0x2cc: {  	v5 =	vmul.f32 v5, v32;
	v6 =	vmul.f32 v6, v36;
	v58, _, _ =	vpop (xrf2);
	v56 =	vsel vm6, $0x0, v0;
	(xrf2) =	vadd.scan.msk.f32 $0xffff, v46  }
0x2cd: {  	v8 =	vmul.f32 v8, v37;
	v3 =	vbroadcast v59, $0xF;
	v59 =	vsel vm7, $0x0, v0;
	v61, _, _ =	vpop (xrf2);
	(xrf2) =	vadd.scan.msk.f32 $0xffff, v56  }
0x2ce: {  	v6 =	vadd.f32 v6, v49;
	v60 =	vbroadcast v50, $0xF;
	v62 =	vsel vm1, $0x0, v0;
	v36, _, _ =	vpop (xrf2);
	(xrf2) =	vadd.scan.msk.f32 $0xffff, v59  }
0x2cf: {  	v57 =	vbroadcast v63, $0xF;
	v4 =	vmul.f32 v4, v42;
	v63 =	vsel vm4, $0x0, v0;
	v46, _, _ =	vpop (xrf2);
	(xrf2) =	vadd.scan.msk.f32 $0xffff, v62  }
0x2d0: {  	v37 =	vmul.f32 v60, v38;
	v49 =	vsel vm5, $0x0, v0;
	v38 =	vbroadcast v46, $0xF;
	(xrf2) =	vadd.scan.msk.f32 $0xffff, v63  }
0x2d1: {  	v34 =	vmul.f32 v57, v34;
	v42 =	vbroadcast v58, $0xF;
	v57 =	vsel vm9, $0x0, v0;
	v56, _, _ =	vpop (xrf2);
	(xrf2) =	vadd.scan.msk.f32 $0xffff, v49  }
0x2d2: {  	v59 =	vsel vm10, $0x0, v0;
	v58, _, _ =	vpop (xrf2);
	v7 =	vmul.f32 v38, v31;
	v31 =	vsel vm11, $0x0, v0;
	(xrf2) =	vadd.scan.msk.f32 $0xffff, v57  }
0x2d3: {  	v50 =	vbroadcast v61, $0xF;
	v61 =	vsel vm8, $0x0, v0;
	v63 =	vbroadcast v56, $0xF;
	v60, _, _ =	vpop (xrf2);
	(xrf2) =	vadd.scan.msk.f32 $0xffff, v59  }
0x2d4: {  	v1 =	vadd.f32 v1, v47;
	vm0 =	vcmask $0x171C;
	v27 =	vsel vm3, $0x0, v0;
	v62, _, _ =	vpop (xrf2);
	(xrf2) =	vadd.scan.msk.f32 $0xffff, v61  }
0x2d5: {  	v6 =	vadd.f32 v6, v34;
	v44 =	vsel vm0, $0x0, v0;
	v28 =	vmul.f32 v63, v28;
	(xrf2) =	vadd.scan.msk.f32 $0xffff, v31;
	v31, _, _ =	vpop (xrf2)  }
0x2d6: {  	v3 =	vmul.f32 v3, v40;
	v33 =	vmul.f32 v50, v33;
	v50 =	vsel vm2, $0x0, v0;
	(xrf2) =	vadd.scan.msk.f32 $0xffff, v44;
	v46, _, _ =	vpop (xrf2)  }
0x2d7: {  	v49 =	vbroadcast v58, $0xF;
	v34 =	vbroadcast v60, $0xF;
	v60 =	vld [tilespmem:$0x1FEA0];
	v28 =	vadd.f32 v28, v45;
	(xrf2) =	vadd.scan.msk.f32 $0xffff, v27;
	v27, _, _ =	vpop (xrf2)  }
0x2d8: {  	v1 =	vadd.f32 v1, v8;
	v6 =	vadd.f32 v6, v37;
	v36 =	vbroadcast v36, $0xF;
	(xrf2) =	vadd.scan.msk.f32 $0xffff, v50;
	v56, _, _ =	vpop (xrf2)  }
0x2d9: {  	v35 =	vmul.f32 v42, v35;
	v57 =	vmul.f32 v49, v26;
	v3 =	vadd.f32 v28, v3;
	v28 =	vld [tilespmem:$0x1FE90];
	v26, _, _ =	vpop (xrf2)  }
0x2da: {  	v2 =	vadd.f32 v6, v2;
	v30 =	vmul.f32 v36, v30;
	v31 =	vbroadcast v31, $0xF;
	v8, _, _ =	vpop (xrf2)  }
0x2db: {  	v58 =	vbroadcast v62, $0xF;
	v6 =	vadd.f32 v57, v25;
	v25 =	vmul.f32 v34, v29;
	v29, _, _ =	vpop (xrf2)  }
0x2dc: {  	v45 =	vbroadcast v46, $0xF;
	v31 =	vmul.f32 v31, v60;
	v3 =	vadd.f32 v3, v30;
	v59, _, _ =	vpop (xrf2)  }
0x2dd: {  	v0 =	vsel vm15, $0x0, v0;
	v32 =	vbroadcast v56, $0xF;
	v8 =	vbroadcast v8, $0xF;
	v61, _, _ =	vpop (xrf2)  }
0x2de: {  	v26 =	vbroadcast v26, $0xF;
	v3 =	vadd.f32 v3, v25;
	v25 =	vld [tilespmem:$0x1FEC0];
	v28 =	vmul.f32 v58, v28;
	v62, _, _ =	vpop (xrf2)  }
0x2df: {  	v44 =	vld [tilespmem:$0x1FEB0];
	(xrf2) =	vadd.scan.msk.f32 $0xffff, v0;
	v63 =	vmul.f32 v8, v52;
	v8 =	vbroadcast v29, $0xF;
	v37, _, _ =	vpop (xrf2)  }
0x2e0: {  	v1 =	vadd.f32 v1, v33;
	v32 =	vmul.f32 v32, v55;
	v26 =	vmul.f32 v26, v48;
	v30, _, _ =	vpop (xrf2)  }
0x2e1: {  	v6 =	vadd.f32 v6, v7;
	v38 =	vmul.f32 v8, v53;
	v8 =	vbroadcast v61, $0xF;
	v42, _, _ =	vpop (xrf2)  }
0x2e2: {  	v29 =	vbroadcast v59, $0xF;
	v2 =	vadd.f32 v26, v2;
	v26 =	vmul.f32 v45, v39;
	v46, _, _ =	vpop (xrf2)  }
0x2e3: {  	v6 =	vadd.f32 v6, v35;
	v8 =	vmul.f32 v8, v25;
	v25 =	vbroadcast v46, $0xF  }
0x2e4: {  	v1 =	vadd.f32 v1, v4;
	v50 =	vld [tilespmem:$0x1FED0];
	v29 =	vmul.f32 v29, v44;
	v33 =	vbroadcast v42, $0xF  }
0x2e5: {  	v5 =	vadd.f32 v6, v5;
	v47 =	vmul.f32 v25, v41;
	v25 =	vbroadcast v62, $0xF  }
0x2e6: {  	v53 =	vld [tilespmem:$0x1FEE0];
	v1 =	vadd.f32 v26, v1;
	v30 =	vbroadcast v30, $0xF;
	v48 =	vmul.f32 v33, v43  }
0x2e7: {  	v0 =	vbroadcast v37, $0xF;
	v2 =	vadd.f32 v2, v38;
	v25 =	vmul.f32 v25, v54;
	v54 =	vld [tilespmem:$0x1FEF0]  }
0x2e8: {  	v26 =	vmul.f32 v30, v51;
	v3 =	vadd.f32 v48, v3;
	v49 =	vadd.f32 v47, v5  }
0x2e9: {  	v0 =	vmul.f32 v0, v50;
	v1 =	vadd.f32 v1, v63;
	v51 =	vbroadcast v27, $0xF;
	v52, _, _ =	vpop (xrf2)  }
0x2ea: {  	v6 =	vbroadcast v52, $0xF;
	v3 =	vadd.f32 v3, v32;
	v4 =	vadd.f32 v49, v26  }
0x2eb: {  	v2 =	vadd.f32 v2, v29;
	v5 =	vmul.f32 v51, v53;
	v1 =	vadd.f32 v1, v25  }
0x2ec: {  	v0 =	vadd.f32 v3, v0;
	v55 =	vadd.f32 v4, v8;
	v6 =	vmul.f32 v6, v54  }
0x2ed: {  	v2 =	vadd.f32 v2, v28;
	v1 =	vadd.f32 v1, v31  }
0x2ee: {  	v3 =	vadd.f32 v55, v5;
	v0 =	vadd.f32 v0, v6;
	_ =	sdelay $0x1  }
0x2ef: {  	p0 =	seq.s32 s26, $0xF;
	v1 =	vadd.f32 v2, v1;
	v0 =	vadd.f32 v0, v3  }
0x2f0: {  	s0 =	smul.u32 @!p0 $0x640, s26  }
0x2f1: {  	s1 =	sshll.u32 s26, $0x5;
	v0 =	vadd.f32 v0, v1  }
0x2f2: {  	s1 =	sand.u32 $0x3FFFFFE0, s1;
	s0 =	sshra.s32 @!p0 s0, $0x2  }
0x2f3: {  	s30 =	simm.s32 @!p0 $0x2900;
	s29 =	simm.s32 @!p0 $0x68;
	[tilespmem:s1+$0xAD50] =	vst v0;
	s1 =	sadd.s32 @!p0 $0x190, s0  }
0x2f4: {  	[tilespmem:s30], [sflag:$0x1] =	stream.indirect.gather @!p0 [hbm4b:s3+s29], $0x40, s1, s29, $0xb8;
	[tilespmem:$0xAF50] =	vst v63  }
0x2f5: {  	s30 =	simm.s32 @!p0 $0x5D00  }
0x2f6: {  	[tilespmem:s30], [sflag:$0x1] =	stream.indirect.gather @!p0 [hbm4b:s4+s29], $0x10, s1, s29, $0xb8;
	[tilespmem:$0xAF50] =	vst v63  }
0x2f7: {  	s0 =	sadd.s32 @!p0 $0x1F8, s0;
	s1 =	simm.s32 @!p0 $0x60;
	s29 =	simm.s32 @!p0 $0x4300  }
0x2f8: {  	[tilespmem:s29], [sflag:$0x1] =	stream.indirect.gather @!p0 [hbm4b:s3+s1], $0x40, s0, s1, $0xb8;
	[tilespmem:$0xAF50] =	vst v63  }
0x2f9: {  	s29 =	simm.s32 @!p0 $0x6380  }
0x2fa: {  	[tilespmem:s29], [sflag:$0x1] =	stream.indirect.gather @!p0 [hbm4b:s4+s1], $0x10, s0, s1, $0xb8;
	[tilespmem:$0xAF50] =	vst v63  }
0x2fb: {  	_ =	swait.ge [sflag:s23], $0x1A00  }
0x2fc: {  	[sflag:s23] =	ssyncset.done $0x0  }
0x2fd: {  	[sflag:s23] =	ssyncadd.s32 $0xFFFFE600  }
0x2fe: {  	_ =	swait.ge [sflag:s23], $0x680  }
0x2ff: {  	[sflag:s23] =	ssyncset.done $0x0  }
0x300: {  	[sflag:s23] =	ssyncadd.s32 $0xFFFFF980  }
0x301: {  	_ =	swait.ge [sflag:s23], $0x1800  }
0x302: {  	[sflag:s23] =	ssyncset.done $0x0  }
0x303: {  	v56 =	vld [tilespmem:$0x1FF60];
	[sflag:s23] =	ssyncadd.s32 $0xFFFFE800  }
0x304: {  	v57 =	vld [tilespmem:$0x1FF00];
	_ =	swait.ge [sflag:s23], $0x600  }
0x305: {  	v58 =	vld [tilespmem:$0x1FF10]  }
0x306: {  	v59 =	vld [tilespmem:$0x1FF20]  }
0x307: {  	v60 =	vld [tilespmem:$0x1FF30]  }
0x308: {  	v61 =	vld [tilespmem:$0x1FF40]  }
0x309: {  	v62 =	vld [tilespmem:$0x1FF50]  }
0x30a: {  	s1 =	sshll.u32 s28, $0x7;
	v63 =	vld [tilespmem:$0x1FF70]  }
0x30b: {  	v42 =	vld [tilespmem:$0x1FF80];
	v0 =	vor.u32 s1, v56  }
0x30c: {  	v10 =	vld [tilespmem:$0x1FFD0];
	v1 =	vor.u32 s1, v57  }
0x30d: {  	v11 =	vld [tilespmem:$0x1FF90];
	v2 =	vor.u32 s1, v58  }
0x30e: {  	v24 =	vmovc v9;
	v9 =	vmov v12;
	v12 =	vmov v13;
	[sflag:s23] =	ssyncset.done $0x0;
	v13 =	vld [tilespmem:$0x1FFB0];
	v3 =	vor.u32 s1, v59  }
0x30f: {  	v23 =	vld [tilespmem:$0x1FFC0];
	[sflag:s23] =	ssyncadd.s32 $0xFFFFFA00;
	v4 =	vor.u32 s1, v60  }
0x310: {  	v26 =	vld.idx.msk [tilespmem:v0+s10+$0x0], $0xffff;
	v0 =	vor.u32 s1, v61  }
0x311: {  	v27 =	vld.idx.msk [tilespmem:v1+s10+$0x0], $0xffff;
	v1 =	vor.u32 s1, v62  }
0x312: {  	v28 =	vld.idx.msk [tilespmem:v2+s10+$0x0], $0xffff;
	v2 =	vor.u32 s1, v63  }
0x313: {  	v29 =	vld.idx.msk [tilespmem:v3+s10+$0x0], $0xffff  }
0x314: {  	v30 =	vld.idx.msk [tilespmem:v4+s10+$0x0], $0xffff  }
0x315: {  	v31 =	vld.idx.msk [tilespmem:v0+s10+$0x0], $0xffff  }
0x316: {  	vm9 =	vmmov vm11;
	v32 =	vld.idx.msk [tilespmem:v1+s10+$0x0], $0xffff  }
0x317: {  	s31 =	simm.s32 $0x6C00;
	vm3 =	vmmov vm0;
	vm13 =	vmmov vm6;
	v25 =	vimm.f32 $0.0e+00;
	s30 =	simm.s32 $0xAB00;
	s29 =	simm.s32 $0x0;
	v33 =	vld.idx.msk [tilespmem:v2+s10+$0x0], $0xffff  }
.LBB2_7:
0x318: {  	v0 =	vld [tilespmem:s31+$0xFFFFFE00]  }
0x319: {  	v1 =	vld [tilespmem:s31+$0xFFFFFE10]  }
0x31a: {  	v2 =	vld [tilespmem:s31+$0xFFFFFE20];
	_ =	sdelay $0x1  }
0x31b: {  	v4 =	vld [tilespmem:s31+$0xFFFFFE30];
	_ =	sdelay $0x1  }
0x31c: {  	v3 =	vunpack.i.l.bf16.f32 v0;
	v0 =	vunpack.i.u.bf16.f32 v0  }
0x31d: {  	v5 =	vunpack.i.l.bf16.f32 v1;
	v1 =	vunpack.i.u.bf16.f32 v1;
	v6 =	vunpack.i.l.bf16.f32 v2  }
0x31e: {  	v2 =	vunpack.i.u.bf16.f32 v2;
	v3 =	vsub.f32 v3, v26;
	v0 =	vsub.f32 v0, v27  }
0x31f: {  	v7 =	vunpack.i.u.bf16.f32 v4;
	v5 =	vsub.f32 v5, v28;
	v1 =	vsub.f32 v1, v29  }
0x320: {  	v4 =	vunpack.i.l.bf16.f32 v4;
	v6 =	vsub.f32 v6, v30;
	v2 =	vsub.f32 v2, v31  }
0x321: {  	v4 =	vsub.f32 v4, v32;
	v3 =	vmul.f32 v3, v3;
	v0 =	vmul.f32 v0, v0  }
0x322: {  	v7 =	vsub.f32 v7, v33;
	v5 =	vmul.f32 v5, v5;
	v1 =	vmul.f32 v1, v1  }
0x323: {  	v6 =	vmul.f32 v6, v6;
	v2 =	vmul.f32 v2, v2  }
0x324: {  	v4 =	vmul.f32 v4, v4;
	v7 =	vmul.f32 v7, v7  }
0x325: {  	v3 =	vadd.f32 v6, v3;
	v0 =	vadd.f32 v2, v0  }
0x326: {  	v39 =	vadd.f32 v4, v5;
	v1 =	vadd.f32 v7, v1;
	_ =	sdelay $0x1  }
0x327: {  	v0 =	vadd.f32 v3, v0;
	v1 =	vadd.f32 v39, v1;
	_ =	sdelay $0x1  }
0x328: {  	v0 =	vadd.f32 v1, v0;
	_ =	sdelay $0x1  }
0x329: {  	[tilespmem:$0xABD0] =	vst v0  }
0x32a: {  	v0 =	vld [tilespmem:s31+$0xFFFFFE40]  }
0x32b: {  	v40 =	vld [tilespmem:s31+$0xFFFFFE50]  }
0x32c: {  	v41 =	vld [tilespmem:s31+$0xFFFFFE60];
	_ =	sdelay $0x1  }
0x32d: {  	v44 =	vld [tilespmem:s31+$0xFFFFFE70];
	_ =	sdelay $0x1  }
0x32e: {  	v43 =	vunpack.i.l.bf16.f32 v0;
	v0 =	vunpack.i.u.bf16.f32 v0  }
0x32f: {  	v45 =	vunpack.i.l.bf16.f32 v40;
	v1 =	vunpack.i.u.bf16.f32 v40;
	v46 =	vunpack.i.l.bf16.f32 v41  }
0x330: {  	v2 =	vunpack.i.u.bf16.f32 v41;
	v3 =	vsub.f32 v43, v26;
	v0 =	vsub.f32 v0, v27  }
0x331: {  	v47 =	vunpack.i.u.bf16.f32 v44;
	v5 =	vsub.f32 v45, v28;
	v1 =	vsub.f32 v1, v29  }
0x332: {  	v4 =	vunpack.i.l.bf16.f32 v44;
	v6 =	vsub.f32 v46, v30;
	v2 =	vsub.f32 v2, v31  }
0x333: {  	v4 =	vsub.f32 v4, v32;
	v3 =	vmul.f32 v3, v3;
	v0 =	vmul.f32 v0, v0  }
0x334: {  	v7 =	vsub.f32 v47, v33;
	v5 =	vmul.f32 v5, v5;
	v1 =	vmul.f32 v1, v1  }
0x335: {  	v6 =	vmul.f32 v6, v6;
	v2 =	vmul.f32 v2, v2  }
0x336: {  	v4 =	vmul.f32 v4, v4;
	v7 =	vmul.f32 v7, v7  }
0x337: {  	v3 =	vadd.f32 v6, v3;
	v0 =	vadd.f32 v2, v0  }
0x338: {  	v48 =	vadd.f32 v4, v5;
	v1 =	vadd.f32 v7, v1;
	_ =	sdelay $0x1  }
0x339: {  	v0 =	vadd.f32 v3, v0;
	v1 =	vadd.f32 v48, v1;
	_ =	sdelay $0x1  }
0x33a: {  	v0 =	vadd.f32 v1, v0;
	_ =	sdelay $0x1  }
0x33b: {  	[tilespmem:$0xABE8] =	vst v0  }
0x33c: {  	v0 =	vld [tilespmem:s31+$0xFFFFFE80]  }
0x33d: {  	v49 =	vld [tilespmem:s31+$0xFFFFFE90]  }
0x33e: {  	v50 =	vld [tilespmem:s31+$0xFFFFFEA0];
	_ =	sdelay $0x1  }
0x33f: {  	v52 =	vld [tilespmem:s31+$0xFFFFFEB0];
	_ =	sdelay $0x1  }
0x340: {  	v51 =	vunpack.i.l.bf16.f32 v0;
	v0 =	vunpack.i.u.bf16.f32 v0  }
0x341: {  	v53 =	vunpack.i.l.bf16.f32 v49;
	v1 =	vunpack.i.u.bf16.f32 v49;
	v54 =	vunpack.i.l.bf16.f32 v50  }
0x342: {  	v2 =	vunpack.i.u.bf16.f32 v50;
	v3 =	vsub.f32 v51, v26;
	v0 =	vsub.f32 v0, v27  }
0x343: {  	v55 =	vunpack.i.u.bf16.f32 v52;
	v5 =	vsub.f32 v53, v28;
	v1 =	vsub.f32 v1, v29  }
0x344: {  	v4 =	vunpack.i.l.bf16.f32 v52;
	v6 =	vsub.f32 v54, v30;
	v2 =	vsub.f32 v2, v31  }
0x345: {  	v4 =	vsub.f32 v4, v32;
	v3 =	vmul.f32 v3, v3;
	v0 =	vmul.f32 v0, v0  }
0x346: {  	v7 =	vsub.f32 v55, v33;
	v5 =	vmul.f32 v5, v5;
	v1 =	vmul.f32 v1, v1  }
0x347: {  	v6 =	vmul.f32 v6, v6;
	v2 =	vmul.f32 v2, v2  }
0x348: {  	v4 =	vmul.f32 v4, v4;
	v7 =	vmul.f32 v7, v7  }
0x349: {  	v3 =	vadd.f32 v6, v3;
	v0 =	vadd.f32 v2, v0  }
0x34a: {  	v56 =	vadd.f32 v4, v5;
	v1 =	vadd.f32 v7, v1;
	_ =	sdelay $0x1  }
0x34b: {  	v0 =	vadd.f32 v3, v0;
	v1 =	vadd.f32 v56, v1;
	_ =	sdelay $0x1  }
0x34c: {  	v0 =	vadd.f32 v1, v0;
	_ =	sdelay $0x1  }
0x34d: {  	[tilespmem:$0xAC00] =	vst v0  }
0x34e: {  	v0 =	vld [tilespmem:s31+$0xFFFFFEC0]  }
0x34f: {  	v57 =	vld [tilespmem:s31+$0xFFFFFED0]  }
0x350: {  	v58 =	vld [tilespmem:s31+$0xFFFFFEE0];
	_ =	sdelay $0x1  }
0x351: {  	v60 =	vld [tilespmem:s31+$0xFFFFFEF0];
	_ =	sdelay $0x1  }
0x352: {  	v59 =	vunpack.i.l.bf16.f32 v0;
	v0 =	vunpack.i.u.bf16.f32 v0  }
0x353: {  	v61 =	vunpack.i.l.bf16.f32 v57;
	v1 =	vunpack.i.u.bf16.f32 v57;
	v62 =	vunpack.i.l.bf16.f32 v58  }
0x354: {  	v2 =	vunpack.i.u.bf16.f32 v58;
	v3 =	vsub.f32 v59, v26;
	v0 =	vsub.f32 v0, v27  }
0x355: {  	v63 =	vunpack.i.u.bf16.f32 v60;
	v5 =	vsub.f32 v61, v28;
	v1 =	vsub.f32 v1, v29  }
0x356: {  	v4 =	vunpack.i.l.bf16.f32 v60;
	v6 =	vsub.f32 v62, v30;
	v2 =	vsub.f32 v2, v31  }
0x357: {  	v4 =	vsub.f32 v4, v32;
	v3 =	vmul.f32 v3, v3;
	v0 =	vmul.f32 v0, v0  }
0x358: {  	v7 =	vsub.f32 v63, v33;
	v5 =	vmul.f32 v5, v5;
	v1 =	vmul.f32 v1, v1  }
0x359: {  	v6 =	vmul.f32 v6, v6;
	v2 =	vmul.f32 v2, v2  }
0x35a: {  	v4 =	vmul.f32 v4, v4;
	v7 =	vmul.f32 v7, v7  }
0x35b: {  	v3 =	vadd.f32 v6, v3;
	v0 =	vadd.f32 v2, v0  }
0x35c: {  	v6 =	vadd.f32 v4, v5;
	v1 =	vadd.f32 v7, v1;
	_ =	sdelay $0x1  }
0x35d: {  	v0 =	vadd.f32 v3, v0;
	v1 =	vadd.f32 v6, v1;
	_ =	sdelay $0x1  }
0x35e: {  	v0 =	vadd.f32 v1, v0;
	_ =	sdelay $0x1  }
0x35f: {  	[tilespmem:$0xAC18] =	vst v0  }
0x360: {  	v0 =	vld [tilespmem:s31+$0xFFFFFF00]  }
0x361: {  	v34 =	vld [tilespmem:s31+$0xFFFFFF10]  }
0x362: {  	v35 =	vld [tilespmem:s31+$0xFFFFFF20];
	_ =	sdelay $0x1  }
0x363: {  	v37 =	vld [tilespmem:s31+$0xFFFFFF30];
	_ =	sdelay $0x1  }
0x364: {  	v36 =	vunpack.i.l.bf16.f32 v0;
	v0 =	vunpack.i.u.bf16.f32 v0  }
0x365: {  	v38 =	vunpack.i.l.bf16.f32 v34;
	v1 =	vunpack.i.u.bf16.f32 v34;
	v39 =	vunpack.i.l.bf16.f32 v35  }
0x366: {  	v2 =	vunpack.i.u.bf16.f32 v35;
	v3 =	vsub.f32 v36, v26;
	v0 =	vsub.f32 v0, v27  }
0x367: {  	v40 =	vunpack.i.u.bf16.f32 v37;
	v5 =	vsub.f32 v38, v28;
	v1 =	vsub.f32 v1, v29  }
0x368: {  	v4 =	vunpack.i.l.bf16.f32 v37;
	v6 =	vsub.f32 v39, v30;
	v2 =	vsub.f32 v2, v31  }
0x369: {  	v4 =	vsub.f32 v4, v32;
	v3 =	vmul.f32 v3, v3;
	v0 =	vmul.f32 v0, v0  }
0x36a: {  	v7 =	vsub.f32 v40, v33;
	v5 =	vmul.f32 v5, v5;
	v1 =	vmul.f32 v1, v1  }
0x36b: {  	v6 =	vmul.f32 v6, v6;
	v2 =	vmul.f32 v2, v2  }
0x36c: {  	v4 =	vmul.f32 v4, v4;
	v7 =	vmul.f32 v7, v7  }
0x36d: {  	v3 =	vadd.f32 v6, v3;
	v0 =	vadd.f32 v2, v0  }
0x36e: {  	v41 =	vadd.f32 v4, v5;
	v1 =	vadd.f32 v7, v1;
	_ =	sdelay $0x1  }
0x36f: {  	v0 =	vadd.f32 v3, v0;
	v1 =	vadd.f32 v41, v1;
	_ =	sdelay $0x1  }
0x370: {  	v0 =	vadd.f32 v1, v0;
	_ =	sdelay $0x1  }
0x371: {  	[tilespmem:$0xAC30] =	vst v0  }
0x372: {  	v0 =	vld [tilespmem:s31+$0xFFFFFF40]  }
0x373: {  	v43 =	vld [tilespmem:s31+$0xFFFFFF50]  }
0x374: {  	v44 =	vld [tilespmem:s31+$0xFFFFFF60];
	_ =	sdelay $0x1  }
0x375: {  	v46 =	vld [tilespmem:s31+$0xFFFFFF70];
	_ =	sdelay $0x1  }
0x376: {  	v45 =	vunpack.i.l.bf16.f32 v0;
	v0 =	vunpack.i.u.bf16.f32 v0  }
0x377: {  	v47 =	vunpack.i.l.bf16.f32 v43;
	v1 =	vunpack.i.u.bf16.f32 v43;
	v48 =	vunpack.i.l.bf16.f32 v44  }
0x378: {  	v2 =	vunpack.i.u.bf16.f32 v44;
	v3 =	vsub.f32 v45, v26;
	v0 =	vsub.f32 v0, v27  }
0x379: {  	v49 =	vunpack.i.u.bf16.f32 v46;
	v5 =	vsub.f32 v47, v28;
	v1 =	vsub.f32 v1, v29  }
0x37a: {  	v4 =	vunpack.i.l.bf16.f32 v46;
	v6 =	vsub.f32 v48, v30;
	v2 =	vsub.f32 v2, v31  }
0x37b: {  	v4 =	vsub.f32 v4, v32;
	v3 =	vmul.f32 v3, v3;
	v0 =	vmul.f32 v0, v0  }
0x37c: {  	v7 =	vsub.f32 v49, v33;
	v5 =	vmul.f32 v5, v5;
	v1 =	vmul.f32 v1, v1  }
0x37d: {  	v6 =	vmul.f32 v6, v6;
	v2 =	vmul.f32 v2, v2  }
0x37e: {  	v4 =	vmul.f32 v4, v4;
	v7 =	vmul.f32 v7, v7  }
0x37f: {  	v3 =	vadd.f32 v6, v3;
	v0 =	vadd.f32 v2, v0  }
0x380: {  	v50 =	vadd.f32 v4, v5;
	v1 =	vadd.f32 v7, v1;
	_ =	sdelay $0x1  }
0x381: {  	v0 =	vadd.f32 v3, v0;
	v1 =	vadd.f32 v50, v1;
	_ =	sdelay $0x1  }
0x382: {  	v0 =	vadd.f32 v1, v0;
	_ =	sdelay $0x1  }
0x383: {  	[tilespmem:$0xAC48] =	vst v0  }
0x384: {  	v0 =	vld [tilespmem:s31+$0xFFFFFF80]  }
0x385: {  	v51 =	vld [tilespmem:s31+$0xFFFFFF90]  }
0x386: {  	v52 =	vld [tilespmem:s31+$0xFFFFFFA0];
	_ =	sdelay $0x1  }
0x387: {  	v54 =	vld [tilespmem:s31+$0xFFFFFFB0];
	_ =	sdelay $0x1  }
0x388: {  	v53 =	vunpack.i.l.bf16.f32 v0;
	v0 =	vunpack.i.u.bf16.f32 v0  }
0x389: {  	v55 =	vunpack.i.l.bf16.f32 v51;
	v1 =	vunpack.i.u.bf16.f32 v51;
	v56 =	vunpack.i.l.bf16.f32 v52  }
0x38a: {  	v2 =	vunpack.i.u.bf16.f32 v52;
	v3 =	vsub.f32 v53, v26;
	v0 =	vsub.f32 v0, v27  }
0x38b: {  	v57 =	vunpack.i.u.bf16.f32 v54;
	v5 =	vsub.f32 v55, v28;
	v1 =	vsub.f32 v1, v29  }
0x38c: {  	v4 =	vunpack.i.l.bf16.f32 v54;
	v6 =	vsub.f32 v56, v30;
	v2 =	vsub.f32 v2, v31  }
0x38d: {  	v4 =	vsub.f32 v4, v32;
	v3 =	vmul.f32 v3, v3;
	v0 =	vmul.f32 v0, v0  }
0x38e: {  	v7 =	vsub.f32 v57, v33;
	v5 =	vmul.f32 v5, v5;
	v1 =	vmul.f32 v1, v1  }
0x38f: {  	v6 =	vmul.f32 v6, v6;
	v2 =	vmul.f32 v2, v2  }
0x390: {  	v4 =	vmul.f32 v4, v4;
	v7 =	vmul.f32 v7, v7  }
0x391: {  	v3 =	vadd.f32 v6, v3;
	v0 =	vadd.f32 v2, v0  }
0x392: {  	v58 =	vadd.f32 v4, v5;
	v1 =	vadd.f32 v7, v1;
	_ =	sdelay $0x1  }
0x393: {  	v0 =	vadd.f32 v3, v0;
	v1 =	vadd.f32 v58, v1;
	_ =	sdelay $0x1  }
0x394: {  	v0 =	vadd.f32 v1, v0;
	_ =	sdelay $0x1  }
0x395: {  	[tilespmem:$0xAC60] =	vst v0  }
0x396: {  	v0 =	vld [tilespmem:s31+$0xFFFFFFC0]  }
0x397: {  	v59 =	vld [tilespmem:s31+$0xFFFFFFD0]  }
0x398: {  	v60 =	vld [tilespmem:s31+$0xFFFFFFE0];
	_ =	sdelay $0x1  }
0x399: {  	v62 =	vld [tilespmem:s31+$0xFFFFFFF0];
	_ =	sdelay $0x1  }
0x39a: {  	v61 =	vunpack.i.l.bf16.f32 v0;
	v0 =	vunpack.i.u.bf16.f32 v0  }
0x39b: {  	v63 =	vunpack.i.l.bf16.f32 v59;
	v1 =	vunpack.i.u.bf16.f32 v59;
	v34 =	vunpack.i.l.bf16.f32 v60  }
0x39c: {  	v2 =	vunpack.i.u.bf16.f32 v60;
	v3 =	vsub.f32 v61, v26;
	v0 =	vsub.f32 v0, v27  }
0x39d: {  	v35 =	vunpack.i.u.bf16.f32 v62;
	v5 =	vsub.f32 v63, v28;
	v1 =	vsub.f32 v1, v29  }
0x39e: {  	v4 =	vunpack.i.l.bf16.f32 v62;
	v6 =	vsub.f32 v34, v30;
	v2 =	vsub.f32 v2, v31  }
0x39f: {  	v4 =	vsub.f32 v4, v32;
	v3 =	vmul.f32 v3, v3;
	v0 =	vmul.f32 v0, v0  }
0x3a0: {  	v7 =	vsub.f32 v35, v33;
	v5 =	vmul.f32 v5, v5;
	v1 =	vmul.f32 v1, v1  }
0x3a1: {  	v6 =	vmul.f32 v6, v6;
	v2 =	vmul.f32 v2, v2  }
0x3a2: {  	v4 =	vmul.f32 v4, v4;
	v7 =	vmul.f32 v7, v7  }
0x3a3: {  	v3 =	vadd.f32 v6, v3;
	v0 =	vadd.f32 v2, v0  }
0x3a4: {  	v36 =	vadd.f32 v4, v5;
	v1 =	vadd.f32 v7, v1;
	_ =	sdelay $0x1  }
0x3a5: {  	v0 =	vadd.f32 v3, v0;
	v1 =	vadd.f32 v36, v1;
	_ =	sdelay $0x1  }
0x3a6: {  	v0 =	vadd.f32 v1, v0;
	_ =	sdelay $0x1  }
0x3a7: {  	[tilespmem:$0xAC78] =	vst v0  }
0x3a8: {  	v0 =	vld [tilespmem:s31+$0x0]  }
0x3a9: {  	v37 =	vld [tilespmem:s31+$0x10]  }
0x3aa: {  	v38 =	vld [tilespmem:s31+$0x20];
	_ =	sdelay $0x1  }
0x3ab: {  	v40 =	vld [tilespmem:s31+$0x30];
	_ =	sdelay $0x1  }
0x3ac: {  	v39 =	vunpack.i.l.bf16.f32 v0;
	v0 =	vunpack.i.u.bf16.f32 v0  }
0x3ad: {  	v41 =	vunpack.i.l.bf16.f32 v37;
	v1 =	vunpack.i.u.bf16.f32 v37;
	v43 =	vunpack.i.l.bf16.f32 v38  }
0x3ae: {  	v2 =	vunpack.i.u.bf16.f32 v38;
	v3 =	vsub.f32 v39, v26;
	v0 =	vsub.f32 v0, v27  }
0x3af: {  	v44 =	vunpack.i.u.bf16.f32 v40;
	v5 =	vsub.f32 v41, v28;
	v1 =	vsub.f32 v1, v29  }
0x3b0: {  	v4 =	vunpack.i.l.bf16.f32 v40;
	v6 =	vsub.f32 v43, v30;
	v2 =	vsub.f32 v2, v31  }
0x3b1: {  	v4 =	vsub.f32 v4, v32;
	v3 =	vmul.f32 v3, v3;
	v0 =	vmul.f32 v0, v0  }
0x3b2: {  	v7 =	vsub.f32 v44, v33;
	v5 =	vmul.f32 v5, v5;
	v1 =	vmul.f32 v1, v1  }
0x3b3: {  	v6 =	vmul.f32 v6, v6;
	v2 =	vmul.f32 v2, v2  }
0x3b4: {  	v4 =	vmul.f32 v4, v4;
	v7 =	vmul.f32 v7, v7  }
0x3b5: {  	v3 =	vadd.f32 v6, v3;
	v0 =	vadd.f32 v2, v0  }
0x3b6: {  	v45 =	vadd.f32 v4, v5;
	v1 =	vadd.f32 v7, v1;
	_ =	sdelay $0x1  }
0x3b7: {  	v0 =	vadd.f32 v3, v0;
	v1 =	vadd.f32 v45, v1;
	_ =	sdelay $0x1  }
0x3b8: {  	v0 =	vadd.f32 v1, v0;
	_ =	sdelay $0x1  }
0x3b9: {  	[tilespmem:$0xAC90] =	vst v0  }
0x3ba: {  	v0 =	vld [tilespmem:s31+$0x40]  }
0x3bb: {  	v46 =	vld [tilespmem:s31+$0x50]  }
0x3bc: {  	v47 =	vld [tilespmem:s31+$0x60];
	_ =	sdelay $0x1  }
0x3bd: {  	v49 =	vld [tilespmem:s31+$0x70];
	_ =	sdelay $0x1  }
0x3be: {  	v48 =	vunpack.i.l.bf16.f32 v0;
	v0 =	vunpack.i.u.bf16.f32 v0  }
0x3bf: {  	v50 =	vunpack.i.l.bf16.f32 v46;
	v1 =	vunpack.i.u.bf16.f32 v46;
	v51 =	vunpack.i.l.bf16.f32 v47  }
0x3c0: {  	v2 =	vunpack.i.u.bf16.f32 v47;
	v3 =	vsub.f32 v48, v26;
	v0 =	vsub.f32 v0, v27  }
0x3c1: {  	v52 =	vunpack.i.u.bf16.f32 v49;
	v5 =	vsub.f32 v50, v28;
	v1 =	vsub.f32 v1, v29  }
0x3c2: {  	v4 =	vunpack.i.l.bf16.f32 v49;
	v6 =	vsub.f32 v51, v30;
	v2 =	vsub.f32 v2, v31  }
0x3c3: {  	v4 =	vsub.f32 v4, v32;
	v3 =	vmul.f32 v3, v3;
	v0 =	vmul.f32 v0, v0  }
0x3c4: {  	v7 =	vsub.f32 v52, v33;
	v5 =	vmul.f32 v5, v5;
	v1 =	vmul.f32 v1, v1  }
0x3c5: {  	v6 =	vmul.f32 v6, v6;
	v2 =	vmul.f32 v2, v2  }
0x3c6: {  	v4 =	vmul.f32 v4, v4;
	v7 =	vmul.f32 v7, v7  }
0x3c7: {  	v3 =	vadd.f32 v6, v3;
	v0 =	vadd.f32 v2, v0  }
0x3c8: {  	v53 =	vadd.f32 v4, v5;
	v1 =	vadd.f32 v7, v1;
	_ =	sdelay $0x1  }
0x3c9: {  	v0 =	vadd.f32 v3, v0;
	v1 =	vadd.f32 v53, v1;
	_ =	sdelay $0x1  }
0x3ca: {  	v0 =	vadd.f32 v1, v0;
	_ =	sdelay $0x1  }
0x3cb: {  	[tilespmem:$0xACA8] =	vst v0  }
0x3cc: {  	v0 =	vld [tilespmem:s31+$0x80]  }
0x3cd: {  	v54 =	vld [tilespmem:s31+$0x90]  }
0x3ce: {  	v55 =	vld [tilespmem:s31+$0xA0];
	_ =	sdelay $0x1  }
0x3cf: {  	v57 =	vld [tilespmem:s31+$0xB0];
	_ =	sdelay $0x1  }
0x3d0: {  	v56 =	vunpack.i.l.bf16.f32 v0;
	v0 =	vunpack.i.u.bf16.f32 v0  }
0x3d1: {  	v58 =	vunpack.i.l.bf16.f32 v54;
	v1 =	vunpack.i.u.bf16.f32 v54;
	v59 =	vunpack.i.l.bf16.f32 v55  }
0x3d2: {  	v2 =	vunpack.i.u.bf16.f32 v55;
	v3 =	vsub.f32 v56, v26;
	v0 =	vsub.f32 v0, v27  }
0x3d3: {  	v60 =	vunpack.i.u.bf16.f32 v57;
	v5 =	vsub.f32 v58, v28;
	v1 =	vsub.f32 v1, v29  }
0x3d4: {  	v4 =	vunpack.i.l.bf16.f32 v57;
	v6 =	vsub.f32 v59, v30;
	v2 =	vsub.f32 v2, v31  }
0x3d5: {  	v4 =	vsub.f32 v4, v32;
	v3 =	vmul.f32 v3, v3;
	v0 =	vmul.f32 v0, v0  }
0x3d6: {  	v7 =	vsub.f32 v60, v33;
	v5 =	vmul.f32 v5, v5;
	v1 =	vmul.f32 v1, v1  }
0x3d7: {  	v6 =	vmul.f32 v6, v6;
	v2 =	vmul.f32 v2, v2  }
0x3d8: {  	v4 =	vmul.f32 v4, v4;
	v7 =	vmul.f32 v7, v7  }
0x3d9: {  	v3 =	vadd.f32 v6, v3;
	v0 =	vadd.f32 v2, v0  }
0x3da: {  	v61 =	vadd.f32 v4, v5;
	v1 =	vadd.f32 v7, v1;
	_ =	sdelay $0x1  }
0x3db: {  	v0 =	vadd.f32 v3, v0;
	v1 =	vadd.f32 v61, v1;
	_ =	sdelay $0x1  }
0x3dc: {  	v0 =	vadd.f32 v1, v0;
	_ =	sdelay $0x1  }
0x3dd: {  	[tilespmem:$0xACC0] =	vst v0  }
0x3de: {  	v0 =	vld [tilespmem:s31+$0xC0]  }
0x3df: {  	v62 =	vld [tilespmem:s31+$0xD0]  }
0x3e0: {  	v63 =	vld [tilespmem:s31+$0xE0];
	_ =	sdelay $0x1  }
0x3e1: {  	v35 =	vld [tilespmem:s31+$0xF0];
	_ =	sdelay $0x1  }
0x3e2: {  	v34 =	vunpack.i.l.bf16.f32 v0;
	v0 =	vunpack.i.u.bf16.f32 v0  }
0x3e3: {  	v36 =	vunpack.i.l.bf16.f32 v62;
	v1 =	vunpack.i.u.bf16.f32 v62;
	v37 =	vunpack.i.l.bf16.f32 v63  }
0x3e4: {  	v2 =	vunpack.i.u.bf16.f32 v63;
	v3 =	vsub.f32 v34, v26;
	v0 =	vsub.f32 v0, v27  }
0x3e5: {  	v38 =	vunpack.i.u.bf16.f32 v35;
	v5 =	vsub.f32 v36, v28;
	v1 =	vsub.f32 v1, v29  }
0x3e6: {  	v4 =	vunpack.i.l.bf16.f32 v35;
	v6 =	vsub.f32 v37, v30;
	v2 =	vsub.f32 v2, v31  }
0x3e7: {  	v4 =	vsub.f32 v4, v32;
	v3 =	vmul.f32 v3, v3;
	v0 =	vmul.f32 v0, v0  }
0x3e8: {  	v7 =	vsub.f32 v38, v33;
	v5 =	vmul.f32 v5, v5;
	v1 =	vmul.f32 v1, v1  }
0x3e9: {  	v6 =	vmul.f32 v6, v6;
	v2 =	vmul.f32 v2, v2  }
0x3ea: {  	v4 =	vmul.f32 v4, v4;
	v7 =	vmul.f32 v7, v7  }
0x3eb: {  	v3 =	vadd.f32 v6, v3;
	v0 =	vadd.f32 v2, v0  }
0x3ec: {  	v39 =	vadd.f32 v4, v5;
	v1 =	vadd.f32 v7, v1;
	_ =	sdelay $0x1  }
0x3ed: {  	v0 =	vadd.f32 v3, v0;
	v1 =	vadd.f32 v39, v1;
	_ =	sdelay $0x1  }
0x3ee: {  	v0 =	vadd.f32 v1, v0;
	_ =	sdelay $0x1  }
0x3ef: {  	[tilespmem:$0xACD8] =	vst v0  }
0x3f0: {  	v0 =	vld [tilespmem:s31+$0x100]  }
0x3f1: {  	v40 =	vld [tilespmem:s31+$0x110]  }
0x3f2: {  	v41 =	vld [tilespmem:s31+$0x120];
	_ =	sdelay $0x1  }
0x3f3: {  	v44 =	vld [tilespmem:s31+$0x130];
	_ =	sdelay $0x1  }
0x3f4: {  	v43 =	vunpack.i.l.bf16.f32 v0;
	v0 =	vunpack.i.u.bf16.f32 v0  }
0x3f5: {  	v45 =	vunpack.i.l.bf16.f32 v40;
	v1 =	vunpack.i.u.bf16.f32 v40;
	v46 =	vunpack.i.l.bf16.f32 v41  }
0x3f6: {  	v2 =	vunpack.i.u.bf16.f32 v41;
	v3 =	vsub.f32 v43, v26;
	v0 =	vsub.f32 v0, v27  }
0x3f7: {  	v47 =	vunpack.i.u.bf16.f32 v44;
	v5 =	vsub.f32 v45, v28;
	v1 =	vsub.f32 v1, v29  }
0x3f8: {  	v4 =	vunpack.i.l.bf16.f32 v44;
	v6 =	vsub.f32 v46, v30;
	v2 =	vsub.f32 v2, v31  }
0x3f9: {  	v4 =	vsub.f32 v4, v32;
	v3 =	vmul.f32 v3, v3;
	v0 =	vmul.f32 v0, v0  }
0x3fa: {  	v7 =	vsub.f32 v47, v33;
	v5 =	vmul.f32 v5, v5;
	v1 =	vmul.f32 v1, v1  }
0x3fb: {  	v6 =	vmul.f32 v6, v6;
	v2 =	vmul.f32 v2, v2  }
0x3fc: {  	v4 =	vmul.f32 v4, v4;
	v7 =	vmul.f32 v7, v7  }
0x3fd: {  	v3 =	vadd.f32 v6, v3;
	v0 =	vadd.f32 v2, v0  }
0x3fe: {  	v48 =	vadd.f32 v4, v5;
	v1 =	vadd.f32 v7, v1;
	_ =	sdelay $0x1  }
0x3ff: {  	v0 =	vadd.f32 v3, v0;
	v1 =	vadd.f32 v48, v1;
	_ =	sdelay $0x1  }
0x400: {  	v0 =	vadd.f32 v1, v0;
	_ =	sdelay $0x1  }
0x401: {  	[tilespmem:$0xACF0] =	vst v0  }
0x402: {  	v0 =	vld [tilespmem:s31+$0x140]  }
0x403: {  	v49 =	vld [tilespmem:s31+$0x150]  }
0x404: {  	v50 =	vld [tilespmem:s31+$0x160];
	_ =	sdelay $0x1  }
0x405: {  	v52 =	vld [tilespmem:s31+$0x170];
	_ =	sdelay $0x1  }
0x406: {  	v51 =	vunpack.i.l.bf16.f32 v0;
	v0 =	vunpack.i.u.bf16.f32 v0  }
0x407: {  	v53 =	vunpack.i.l.bf16.f32 v49;
	v1 =	vunpack.i.u.bf16.f32 v49;
	v54 =	vunpack.i.l.bf16.f32 v50  }
0x408: {  	v2 =	vunpack.i.u.bf16.f32 v50;
	v3 =	vsub.f32 v51, v26;
	v0 =	vsub.f32 v0, v27  }
0x409: {  	v55 =	vunpack.i.u.bf16.f32 v52;
	v5 =	vsub.f32 v53, v28;
	v1 =	vsub.f32 v1, v29  }
0x40a: {  	v4 =	vunpack.i.l.bf16.f32 v52;
	v6 =	vsub.f32 v54, v30;
	v2 =	vsub.f32 v2, v31  }
0x40b: {  	v4 =	vsub.f32 v4, v32;
	v3 =	vmul.f32 v3, v3;
	v0 =	vmul.f32 v0, v0  }
0x40c: {  	v7 =	vsub.f32 v55, v33;
	v5 =	vmul.f32 v5, v5;
	v1 =	vmul.f32 v1, v1  }
0x40d: {  	v6 =	vmul.f32 v6, v6;
	v2 =	vmul.f32 v2, v2  }
0x40e: {  	v4 =	vmul.f32 v4, v4;
	v7 =	vmul.f32 v7, v7  }
0x40f: {  	v3 =	vadd.f32 v6, v3;
	v0 =	vadd.f32 v2, v0  }
0x410: {  	v56 =	vadd.f32 v4, v5;
	v1 =	vadd.f32 v7, v1;
	_ =	sdelay $0x1  }
0x411: {  	v0 =	vadd.f32 v3, v0;
	v1 =	vadd.f32 v56, v1;
	_ =	sdelay $0x1  }
0x412: {  	v0 =	vadd.f32 v1, v0;
	_ =	sdelay $0x1  }
0x413: {  	[tilespmem:$0xAD08] =	vst v0  }
0x414: {  	v0 =	vld [tilespmem:s31+$0x180]  }
0x415: {  	v57 =	vld [tilespmem:s31+$0x190]  }
0x416: {  	v58 =	vld [tilespmem:s31+$0x1A0];
	_ =	sdelay $0x1  }
0x417: {  	v60 =	vld [tilespmem:s31+$0x1B0];
	_ =	sdelay $0x1  }
0x418: {  	v59 =	vunpack.i.l.bf16.f32 v0;
	v0 =	vunpack.i.u.bf16.f32 v0  }
0x419: {  	v61 =	vunpack.i.l.bf16.f32 v57;
	v1 =	vunpack.i.u.bf16.f32 v57;
	v62 =	vunpack.i.l.bf16.f32 v58  }
0x41a: {  	v2 =	vunpack.i.u.bf16.f32 v58;
	v3 =	vsub.f32 v59, v26;
	v0 =	vsub.f32 v0, v27  }
0x41b: {  	v63 =	vunpack.i.u.bf16.f32 v60;
	v5 =	vsub.f32 v61, v28;
	v1 =	vsub.f32 v1, v29  }
0x41c: {  	v4 =	vunpack.i.l.bf16.f32 v60;
	v6 =	vsub.f32 v62, v30;
	v2 =	vsub.f32 v2, v31  }
0x41d: {  	v4 =	vsub.f32 v4, v32;
	v3 =	vmul.f32 v3, v3;
	v0 =	vmul.f32 v0, v0  }
0x41e: {  	v7 =	vsub.f32 v63, v33;
	v5 =	vmul.f32 v5, v5;
	v1 =	vmul.f32 v1, v1  }
0x41f: {  	v6 =	vmul.f32 v6, v6;
	v2 =	vmul.f32 v2, v2  }
0x420: {  	v4 =	vmul.f32 v4, v4;
	v7 =	vmul.f32 v7, v7  }
0x421: {  	v3 =	vadd.f32 v6, v3;
	v0 =	vadd.f32 v2, v0  }
0x422: {  	v34 =	vadd.f32 v4, v5;
	v1 =	vadd.f32 v7, v1;
	_ =	sdelay $0x1  }
0x423: {  	v0 =	vadd.f32 v3, v0;
	v1 =	vadd.f32 v34, v1;
	_ =	sdelay $0x1  }
0x424: {  	v0 =	vadd.f32 v1, v0;
	_ =	sdelay $0x1  }
0x425: {  	[tilespmem:$0xAD20] =	vst v0  }
0x426: {  	v0 =	vld [tilespmem:s31+$0x1C0]  }
0x427: {  	v35 =	vld [tilespmem:s31+$0x1D0]  }
0x428: {  	v36 =	vld [tilespmem:s31+$0x1E0];
	_ =	sdelay $0x1  }
0x429: {  	v38 =	vld [tilespmem:s31+$0x1F0];
	_ =	sdelay $0x1  }
0x42a: {  	v37 =	vunpack.i.l.bf16.f32 v0;
	v0 =	vunpack.i.u.bf16.f32 v0  }
0x42b: {  	v39 =	vunpack.i.l.bf16.f32 v35;
	v1 =	vunpack.i.u.bf16.f32 v35;
	v40 =	vunpack.i.l.bf16.f32 v36  }
0x42c: {  	v2 =	vunpack.i.u.bf16.f32 v36;
	v3 =	vsub.f32 v37, v26;
	v0 =	vsub.f32 v0, v27  }
0x42d: {  	v41 =	vunpack.i.u.bf16.f32 v38;
	v5 =	vsub.f32 v39, v28;
	v1 =	vsub.f32 v1, v29  }
0x42e: {  	v4 =	vunpack.i.l.bf16.f32 v38;
	v6 =	vsub.f32 v40, v30;
	v2 =	vsub.f32 v2, v31  }
0x42f: {  	v4 =	vsub.f32 v4, v32;
	v3 =	vmul.f32 v3, v3;
	v0 =	vmul.f32 v0, v0  }
0x430: {  	v7 =	vsub.f32 v41, v33;
	v5 =	vmul.f32 v5, v5;
	v1 =	vmul.f32 v1, v1  }
0x431: {  	v6 =	vmul.f32 v6, v6;
	v2 =	vmul.f32 v2, v2  }
0x432: {  	v4 =	vmul.f32 v4, v4;
	v7 =	vmul.f32 v7, v7  }
0x433: {  	v3 =	vadd.f32 v6, v3;
	v0 =	vadd.f32 v2, v0  }
0x434: {  	v43 =	vadd.f32 v4, v5;
	v1 =	vadd.f32 v7, v1;
	_ =	sdelay $0x1  }
0x435: {  	v0 =	vadd.f32 v3, v0;
	v1 =	vadd.f32 v43, v1;
	_ =	sdelay $0x1  }
0x436: {  	v0 =	vadd.f32 v1, v0;
	_ =	sdelay $0x1  }
0x437: {  	[tilespmem:$0xAD38] =	vst v0  }
0x438: {  	v0 =	vld.idx.msk [tilespmem:v42+s22+$0x0], $0xffff  }
0x439: {  	v44 =	vld.idx.msk [tilespmem:v9+s22+$0x0], $0xffff  }
0x43a: {  	v45 =	vld.idx.msk [tilespmem:v10+s22+$0x0], $0xffff  }
0x43b: {  	v46 =	vld.idx.msk [tilespmem:v11+s22+$0x0], $0xffff  }
0x43c: {  	v47 =	vld.idx.msk [tilespmem:v12+s22+$0x0], $0xffff  }
0x43d: {  	v48 =	vld.idx.msk [tilespmem:v13+s22+$0x0], $0xffff  }
0x43e: {  	v49 =	vld.idx.msk [tilespmem:v14+s22+$0x0], $0xffff  }
0x43f: {  	v50 =	vld.idx.msk [tilespmem:v15+s22+$0x0], $0xffff  }
0x440: {  	v8 =	vld.idx.msk [tilespmem:v16+s22+$0x0], $0xffff  }
0x441: {  	v34 =	vld.idx.msk [tilespmem:v17+s22+$0x0], $0xffff  }
0x442: {  	v35 =	vld.idx.msk [tilespmem:v18+s22+$0x0], $0xffff  }
0x443: {  	v36 =	vld.idx.msk [tilespmem:v19+s22+$0x0], $0xffff  }
0x444: {  	v37 =	vld.idx.msk [tilespmem:v20+s22+$0x0], $0xffff  }
0x445: {  	v38 =	vld.idx.msk [tilespmem:v21+s22+$0x0], $0xffff  }
0x446: {  	v39 =	vld.idx.msk [tilespmem:v22+s22+$0x0], $0xffff  }
0x447: {  	v40 =	vld.idx.msk [tilespmem:v23+s22+$0x0], $0xffff;
	_ =	sdelay $0x1  }
0x448: {  	v0 =	vadd.f32 v44, v0;
	v51 =	vadd.f32 v46, v45  }
0x449: {  	v52 =	vadd.f32 v48, v47;
	v53 =	vadd.f32 v50, v49  }
0x44a: {  	v54 =	vadd.f32 v34, v8;
	v55 =	vadd.f32 v36, v35  }
0x44b: {  	v56 =	vadd.f32 v38, v37;
	v57 =	vadd.f32 v40, v39  }
0x44c: {  	v0 =	vadd.f32 v51, v0;
	v58 =	vadd.f32 v53, v52  }
0x44d: {  	v59 =	vadd.f32 v55, v54;
	v60 =	vadd.f32 v57, v56;
	_ =	sdelay $0x1  }
0x44e: {  	v0 =	vadd.f32 v58, v0;
	v61 =	vadd.f32 v60, v59;
	_ =	sdelay $0x1  }
0x44f: {  	v0 =	vadd.f32 v61, v0;
	_ =	sdelay $0x1  }
0x450: {  	v0 =	vmul.f32 $-1.562500000e-02, v0;
	_ =	sdelay $0x1  }
0x451: {  	v0 =	vmul.f32 $1.442695020e+00, v0;
	_ =	sdelay $0x1  }
0x452: {  	(erf) = vpow2.f32 v0;
	_ =	sdelay $0x5  }
0x453: {  	p0 =	sne.s32 s29, $0xC0  }
.Ltmp2:
0x454: {  	_ = 	snop;
	(pc) =	sbr.rel @p0 .LBB2_7-.Ltmp2, $4  }
0x455: {  	v62 =	vmov s29  }
0x456: {  	vm0 =	vlt.u32 v62, v24;
	v63 =	vpop (erf)  }
0x457: {  	v0 =	vnsel vm0, $0x0, v63  }
0x458: {  	s29 =	sadd.s32 $0x10, s29;
	s31 =	sadd.s32 $0x400, s31;
	[tilespmem:s30+$0x0] =	vst v0;
	v25 =	vadd.f32 v0, v25;
	s30 =	sadd.s32 $0x10, s30  }
0x459: {  	s0 =	simm.s32 $0x9E80  }
0x45a: {  	v0 =	vld [tilespmem:s0+$0xFFFFFF80];
	_ =	sdelay $0x4  }
0x45b: {  	v34 =	vmul.f32 v0, v0  }
0x45c: {  	s1 =	simm.s32 $0xAB00  }
0x45d: {  	v0 =	vld [tilespmem:s1+$0x0];
	[tilespmem:$0xABD0] =	vst v34  }
0x45e: {  	v1 =	vld [tilespmem:s0+$0xFFFFFF90];
	_ =	sdelay $0x4  }
0x45f: {  	v26 =	vmul.f32 v1, v1;
	_ =	sdelay $0x1  }
0x460: {  	[tilespmem:$0xABE8] =	vst v26  }
0x461: {  	v1 =	vld [tilespmem:s0+$0xFFFFFFA0];
	_ =	sdelay $0x4  }
0x462: {  	v29 =	vmul.f32 v1, v1;
	_ =	sdelay $0x1  }
0x463: {  	[tilespmem:$0xAC00] =	vst v29  }
0x464: {  	v1 =	vld [tilespmem:s0+$0xFFFFFFB0];
	_ =	sdelay $0x4  }
0x465: {  	v27 =	vmul.f32 v1, v1;
	_ =	sdelay $0x1  }
0x466: {  	[tilespmem:$0xAC18] =	vst v27  }
0x467: {  	v1 =	vld [tilespmem:s0+$0xFFFFFFC0];
	_ =	sdelay $0x4  }
0x468: {  	v33 =	vmul.f32 v1, v1;
	_ =	sdelay $0x1  }
0x469: {  	[tilespmem:$0xAC30] =	vst v33  }
0x46a: {  	v1 =	vld [tilespmem:s0+$0xFFFFFFD0];
	_ =	sdelay $0x4  }
0x46b: {  	v37 =	vmul.f32 v1, v1;
	_ =	sdelay $0x1  }
0x46c: {  	[tilespmem:$0xAC48] =	vst v37  }
0x46d: {  	v1 =	vld [tilespmem:s0+$0xFFFFFFE0];
	_ =	sdelay $0x4  }
0x46e: {  	v32 =	vmul.f32 v1, v1;
	_ =	sdelay $0x1  }
0x46f: {  	[tilespmem:$0xAC60] =	vst v32  }
0x470: {  	v1 =	vld [tilespmem:s0+$0xFFFFFFF0];
	_ =	sdelay $0x4  }
0x471: {  	v39 =	vmul.f32 v1, v1;
	_ =	sdelay $0x1  }
0x472: {  	[tilespmem:$0xAC78] =	vst v39  }
0x473: {  	v1 =	vld [tilespmem:s0+$0x0];
	_ =	sdelay $0x4  }
0x474: {  	v31 =	vmul.f32 v1, v1;
	_ =	sdelay $0x1  }
0x475: {  	[tilespmem:$0xAC90] =	vst v31  }
0x476: {  	v1 =	vld [tilespmem:s0+$0x10];
	_ =	sdelay $0x4  }
0x477: {  	v38 =	vmul.f32 v1, v1;
	_ =	sdelay $0x1  }
0x478: {  	[tilespmem:$0xACA8] =	vst v38  }
0x479: {  	v1 =	vld [tilespmem:s0+$0x20];
	_ =	sdelay $0x4  }
0x47a: {  	v36 =	vmul.f32 v1, v1;
	_ =	sdelay $0x1  }
0x47b: {  	[tilespmem:$0xACC0] =	vst v36  }
0x47c: {  	v1 =	vld [tilespmem:s0+$0x30];
	_ =	sdelay $0x4  }
0x47d: {  	v35 =	vmul.f32 v1, v1;
	_ =	sdelay $0x1  }
0x47e: {  	[tilespmem:$0xACD8] =	vst v35  }
0x47f: {  	v1 =	vld [tilespmem:s0+$0x40];
	_ =	sdelay $0x4  }
0x480: {  	v30 =	vmul.f32 v1, v1;
	_ =	sdelay $0x1  }
0x481: {  	[tilespmem:$0xACF0] =	vst v30  }
0x482: {  	v1 =	vld [tilespmem:s0+$0x50];
	_ =	sdelay $0x4  }
0x483: {  	v28 =	vmul.f32 v1, v1;
	_ =	sdelay $0x1  }
0x484: {  	[tilespmem:$0xAD08] =	vst v28  }
0x485: {  	v1 =	vld [tilespmem:s0+$0x60];
	_ =	sdelay $0x4  }
0x486: {  	v41 =	vmul.f32 v1, v1;
	_ =	sdelay $0x1  }
0x487: {  	[tilespmem:$0xAD20] =	vst v41  }
0x488: {  	v1 =	vld [tilespmem:s0+$0x70];
	_ =	sdelay $0x4  }
0x489: {  	v50 =	vmul.f32 v1, v1;
	_ =	sdelay $0x1  }
0x48a: {  	s29 =	simm.s32 $0x9F80;
	[tilespmem:$0xAD38] =	vst v50  }
0x48b: {  	v1 =	vld [tilespmem:s29+$0xFFFFFF80]  }
0x48c: {  	v2 =	vld.idx.msk [tilespmem:v15+s22+$0x0], $0xffff  }
0x48d: {  	v3 =	vld.idx.msk [tilespmem:v13+s22+$0x0], $0xffff  }
0x48e: {  	v4 =	vld.idx.msk [tilespmem:v12+s22+$0x0], $0xffff  }
0x48f: {  	v5 =	vld.idx.msk [tilespmem:v14+s22+$0x0], $0xffff  }
0x490: {  	v6 =	vld.idx.msk [tilespmem:v23+s22+$0x0], $0xffff  }
0x491: {  	v7 =	vld.idx.msk [tilespmem:v19+s22+$0x0], $0xffff  }
0x492: {  	v8 =	vld.idx.msk [tilespmem:v17+s22+$0x0], $0xffff  }
0x493: {  	v40 =	vld.idx.msk [tilespmem:v18+s22+$0x0], $0xffff  }
0x494: {  	v43 =	vld.idx.msk [tilespmem:v42+s22+$0x0], $0xffff  }
0x495: {  	v44 =	vld.idx.msk [tilespmem:v21+s22+$0x0], $0xffff  }
0x496: {  	v46 =	vld.idx.msk [tilespmem:v11+s22+$0x0], $0xffff  }
0x497: {  	v47 =	vld.idx.msk [tilespmem:v10+s22+$0x0], $0xffff  }
0x498: {  	v48 =	vld.idx.msk [tilespmem:v22+s22+$0x0], $0xffff  }
0x499: {  	v49 =	vld.idx.msk [tilespmem:v20+s22+$0x0], $0xffff  }
0x49a: {  	v51 =	vld.idx.msk [tilespmem:v16+s22+$0x0], $0xffff;
	v45 =	vmul.f32 v1, v1  }
0x49b: {  	s31 =	simm.s32 $0xAB10;
	v1 =	vld.idx.msk [tilespmem:v9+s22+$0x0], $0xffff  }
0x49c: {  	v42 =	vld [tilespmem:s31+$0x0];
	[tilespmem:$0xABD0] =	vst v45  }
0x49d: {  	v3 =	vadd.f32 v3, v4;
	v4 =	vadd.f32 v7, v40;
	v7 =	vld [tilespmem:s29+$0xFFFFFF90]  }
0x49e: {  	v46 =	vadd.f32 v46, v47;
	v2 =	vadd.f32 v2, v5  }
0x49f: {  	v5 =	vadd.f32 v6, v48;
	v6 =	vadd.f32 v44, v49  }
0x4a0: {  	v8 =	vadd.f32 v8, v51;
	v1 =	vadd.f32 v1, v43  }
0x4a1: {  	v2 =	vadd.f32 v2, v3;
	v3 =	vadd.f32 v5, v6  }
0x4a2: {  	v4 =	vadd.f32 v4, v8;
	v1 =	vadd.f32 v46, v1;
	v40 =	vmul.f32 v7, v7;
	_ =	sdelay $0x1  }
0x4a3: {  	v3 =	vadd.f32 v3, v4;
	v1 =	vadd.f32 v2, v1;
	[tilespmem:$0xABE8] =	vst v40  }
0x4a4: {  	v2 =	vld [tilespmem:s29+$0xFFFFFFA0]  }
0x4a5: {  	v1 =	vadd.f32 v3, v1;
	_ =	sdelay $0x1  }
0x4a6: {  	v3 =	vshra.s32 v1, $0x1;
	v4 =	vmul.f32 $5.000000000e-01, v1  }
0x4a7: {  	v3 =	vsub.s32 $0x5F3759DF, v3  }
0x4a8: {  	v43 =	vmul.f32 v2, v2;
	v2 =	vmul.f32 v3, v4;
	_ =	sdelay $0x1  }
0x4a9: {  	v2 =	vmul.f32 v3, v2  }
0x4aa: {  	[tilespmem:$0xAC00] =	vst v43  }
0x4ab: {  	v5 =	vld [tilespmem:s29+$0xFFFFFFB0];
	v2 =	vsub.f32 $1.500000000e+00, v2;
	_ =	sdelay $0x1  }
0x4ac: {  	v2 =	vmul.f32 v3, v2;
	_ =	sdelay $0x1  }
0x4ad: {  	v3 =	vmul.f32 v2, v4  }
0x4ae: {  	v44 =	vmul.f32 v5, v5  }
0x4af: {  	v3 =	vmul.f32 v3, v2  }
0x4b0: {  	[tilespmem:$0xAC18] =	vst v44  }
0x4b1: {  	v5 =	vld [tilespmem:s29+$0xFFFFFFC0];
	v3 =	vsub.f32 $1.500000000e+00, v3;
	_ =	sdelay $0x1  }
0x4b2: {  	(xrf2) =	vadd.scan.msk.f32 $0xffff, v25;
	v2 =	vmul.f32 v3, v2;
	_ =	sdelay $0x1  }
0x4b3: {  	v3 =	vmul.f32 v2, v4  }
0x4b4: {  	v51 =	vmul.f32 v5, v5  }
0x4b5: {  	v3 =	vmul.f32 v3, v2  }
0x4b6: {  	[tilespmem:$0xAC30] =	vst v51  }
0x4b7: {  	v4 =	vld [tilespmem:s29+$0xFFFFFFD0];
	v3 =	vsub.f32 $1.500000000e+00, v3;
	_ =	sdelay $0x2  }
0x4b8: {  	v2 =	vmul.f32 v3, v2  }
0x4b9: {  	v3, _, _ =	vpop (xrf2)  }
0x4ba: {  	v54 =	vmul.f32 v4, v4;
	v1 =	vmul.f32 v2, v1;
	v3 =	vadd.f32 $9.999999960e-13, v3;
	_ =	sdelay $0x1  }
0x4bb: {  	[tilespmem:$0xAC48] =	vst v54;
	v1 =	vadd.f32 $9.999999960e-13, v1;
	v2 =	vbroadcast v3, $0xF  }
0x4bc: {  	v3 =	vld [tilespmem:s29+$0xFFFFFFE0]  }
0x4bd: {  	v1 =	vmul.f32 v1, v1;
	(erf) = vrcp.f32 v2;
	_ =	sdelay $0x1  }
0x4be: {  	(erf) = vrcp.f32 v1;
	_ =	sdelay $0x1  }
0x4bf: {  	v52 =	vmul.f32 v3, v3;
	_ =	sdelay $0x1  }
0x4c0: {  	[tilespmem:$0xAC60] =	vst v52  }
0x4c1: {  	v1 =	vld [tilespmem:s29+$0xFFFFFFF0]  }
0x4c2: {  	vm5 =	vcmask $0x308;
	vm11 =	vcmask $0x1B20  }
0x4c3: {  	vm1 =	vcmask $0x70C;
	vm2 =	vcmask $0xB10;
	vm10 =	vcmask $0x1F24;
	v48 =	vpop (erf)  }
0x4c4: {  	vm8 =	vcmask $0x272C;
	vm12 =	vcmask $0x2F34;
	v0 =	vmul.f32 v0, v48  }
0x4c5: {  	vm4 =	vcmask $0x1318;
	vm7 =	vcmask $0x2328;
	vm6 =	vcmask $0x3338;
	s1 =	simm.s32 $0x0;
	v2 =	vpop (erf)  }
0x4c6: {  	v55 =	vmul.f32 v1, v1;
	v1 =	vmov s1;
	v0 =	vmul.f32 v2, v0  }
0x4c7: {  	v25 =	vimm.f32 $0.0e+00;
	v49 =	vimm.f32 $0.0e+00;
	vm0 =	vlt.u32 v1, v24  }
0x4c8: {  	v47 =	vimm.f32 $0.0e+00;
	v46 =	vimm.f32 $0.0e+00;
	[tilespmem:$0xAC78] =	vst v55;
	v3 =	vnsel vm0, $0x0, v0  }
0x4c9: {  	v4 =	vld [tilespmem:s29+$0x0];
	v62 =	vnsel vm14, $0x0, v3;
	v56 =	vsel vm5, $0x0, v3;
	v6 =	vsel vm11, $0x0, v3  }
0x4ca: {  	v2 =	vsel vm1, $0x0, v3;
	v61 =	vsel vm2, $0x0, v3;
	v5 =	vsel vm3, $0x0, v3  }
0x4cb: {  	vm3 =	vcmask $0xF14;
	v63 =	vsel vm10, $0x0, v3;
	v7 =	vsel vm9, $0x0, v3  }
0x4cc: {  	v60 =	vsel vm8, $0x0, v3;
	v57 =	vsel vm12, $0x0, v3;
	v59 =	vsel vm13, $0x0, v3  }
0x4cd: {  	v1 =	vsel vm4, $0x0, v3;
	v0 =	vsel vm7, $0x0, v3;
	(xrf2) =	vadd.scan.msk.f32 $0xffff, v6;
	v6 =	vsel vm15, $0x0, v3  }
0x4ce: {  	s30 =	simm.s32 $0x10;
	s1 =	simm.s32 $0x20;
	v58 =	vsel vm6, $0x0, v3;
	v8 =	vsel vm3, $0x0, v3;
	(xrf2) =	vadd.scan.msk.f32 $0xffff, v6;
	v53 =	vmul.f32 v4, v4  }
.LBB2_9:
0x4cf: {  	_ = 	snop  }
0x4d0: {  	[tilespmem:$0xAC90] =	vst v53  }
0x4d1: {  	v3 =	vld [tilespmem:s29+$0x10];
	_ =	sdelay $0x3  }
0x4d2: {  	(xrf2) =	vadd.scan.msk.f32 $0xffff, v1  }
0x4d3: {  	v3 =	vmul.f32 v3, v3  }
0x4d4: {  	(xrf2) =	vadd.scan.msk.f32 $0xffff, v62  }
0x4d5: {  	[tilespmem:$0xACA8] =	vst v3  }
0x4d6: {  	v6 =	vld [tilespmem:s29+$0x20];
	_ =	sdelay $0x1  }
0x4d7: {  	v1, _, _ =	vpop (xrf2)  }
0x4d8: {  	v4, _, _ =	vpop (xrf2);
	(xrf2) =	vadd.scan.msk.f32 $0xffff, v0;
	_ =	sdelay $0x1  }
0x4d9: {  	v6 =	vmul.f32 v6, v6  }
0x4da: {  	v0 =	vbroadcast v4, $0xF;
	v4, _, _ =	vpop (xrf2);
	(xrf2) =	vadd.scan.msk.f32 $0xffff, v60  }
0x4db: {  	[tilespmem:$0xACC0] =	vst v6  }
0x4dc: {  	v62, _, _ =	vpop (xrf2);
	(xrf2) =	vadd.scan.msk.f32 $0xffff, v59;
	v59 =	vld [tilespmem:s29+$0x30];
	_ =	sdelay $0x3  }
0x4dd: {  	(xrf2) =	vadd.scan.msk.f32 $0xffff, v8  }
0x4de: {  	v8, _, _ =	vpop (xrf2);
	(xrf2) =	vadd.scan.msk.f32 $0xffff, v7;
	v7 =	vmul.f32 v59, v59;
	_ =	sdelay $0x1  }
0x4df: {  	[tilespmem:$0xACD8] =	vst v7  }
0x4e0: {  	v60, _, _ =	vpop (xrf2);
	(xrf2) =	vadd.scan.msk.f32 $0xffff, v5;
	v5 =	vld [tilespmem:s29+$0x40];
	_ =	sdelay $0x1  }
0x4e1: {  	v4 =	vbroadcast v4, $0xF  }
0x4e2: {  	v0 =	vmul.f32 v0, v50  }
0x4e3: {  	v4 =	vmul.f32 v4, v37;
	v37 =	vmov v54;
	v54 =	vbroadcast v60, $0xF  }
0x4e4: {  	v50 =	vbroadcast v62, $0xF;
	v62, _, _ =	vpop (xrf2);
	(xrf2) =	vadd.scan.msk.f32 $0xffff, v2;
	v5 =	vmul.f32 v5, v5;
	_ =	sdelay $0x1  }
0x4e5: {  	[tilespmem:$0xACF0] =	vst v5  }
0x4e6: {  	v2 =	vmul.f32 v54, v36;
	v54, _, _ =	vpop (xrf2);
	(xrf2) =	vadd.scan.msk.f32 $0xffff, v63;
	v60 =	vld [tilespmem:s29+$0x50]  }
0x4e7: {  	v1 =	vbroadcast v1, $0xF  }
0x4e8: {  	v8 =	vbroadcast v8, $0xF  }
0x4e9: {  	v1 =	vmul.f32 v1, v39;
	v59, _, _ =	vpop (xrf2);
	(xrf2) =	vadd.scan.msk.f32 $0xffff, v61  }
0x4ea: {  	v8 =	vmul.f32 v8, v38;
	v38 =	vmov v3;
	v3 =	vmul.f32 v50, v34  }
0x4eb: {  	v39 =	vmov v55;
	v50 =	vbroadcast v59, $0xF;
	v59 =	vmul.f32 v60, v60  }
0x4ec: {  	v36 =	vmov v6;
	v6 =	vbroadcast v62, $0xF;
	v55 =	vbroadcast v54, $0xF;
	v62, _, _ =	vpop (xrf2);
	(xrf2) =	vadd.scan.msk.f32 $0xffff, v56  }
0x4ed: {  	v54 =	vmul.f32 v50, v35;
	v35 =	vmov v7;
	v7, _, _ =	vpop (xrf2);
	(xrf2) =	vadd.scan.msk.f32 $0xffff, v57;
	[tilespmem:$0xAD08] =	vst v59  }
0x4ee: {  	v63 =	vbroadcast v62, $0xF;
	v7 =	vbroadcast v7, $0xF;
	v62 =	vld [tilespmem:s29+$0x60];
	_ =	sdelay $0x1  }
0x4ef: {  	v61, _, _ =	vpop (xrf2);
	v7 =	vmul.f32 v7, v29  }
0x4f0: {  	v34 =	vmovc v45;
	v3 =	vadd.f32 v3, v49;
	v6 =	vmul.f32 v6, v41;
	v41 =	vbroadcast v61, $0xF  }
0x4f1: {  	v45 =	vmul.f32 v55, v33;
	(xrf2) =	vadd.scan.msk.f32 $0xffff, v58;
	v7 =	vadd.f32 v7, v47;
	v60 =	vmul.f32 v63, v32  }
0x4f2: {  	v32 =	vmov v52;
	v63, _, _ =	vpop (xrf2);
	v52 =	vmul.f32 v41, v31;
	v41 =	vmul.f32 v62, v62  }
0x4f3: {  	v3 =	vadd.f32 v3, v45;
	v45 =	vbroadcast v63, $0xF  }
0x4f4: {  	[tilespmem:$0xAD20] =	vst v41  }
0x4f5: {  	v31 =	vmov v53;
	v53, _, _ =	vpop (xrf2);
	v45 =	vmul.f32 v45, v27;
	v56 =	vld [tilespmem:s29+$0x70]  }
0x4f6: {  	v29 =	vmov v43;
	v47 =	vadd.f32 v7, v60;
	v43 =	vbroadcast v53, $0xF;
	v7, _, _ =	vpop (xrf2)  }
0x4f7: {  	v7 =	vbroadcast v7, $0xF;
	v45 =	vadd.f32 v45, v46  }
0x4f8: {  	v57 =	vadd.f32 v47, v2;
	v43 =	vmul.f32 v43, v26  }
0x4f9: {  	v3 =	vadd.f32 v3, v52;
	v7 =	vmul.f32 v7, v30;
	v1 =	vadd.f32 v45, v1  }
0x4fa: {  	v47 =	vadd.f32 v57, v6;
	v6 =	vadd.f32 v43, v25;
	v50 =	vmul.f32 v56, v56  }
0x4fb: {  	v2, _, _ =	vpop (xrf2);
	v1 =	vadd.f32 v1, v54  }
0x4fc: {  	v58 =	vld [tilespmem:$0x1FF80];
	v2 =	vbroadcast v2, $0xF;
	v49 =	vadd.f32 v3, v7;
	v3 =	vadd.f32 v6, v4;
	s29 =	sadd.s32 $0x100, s29;
	[tilespmem:$0xAD38] =	vst v50  }
0x4fd: {  	v46 =	vadd.f32 v1, v0;
	v0 =	vld [tilespmem:s29+$0xFFFFFF80]  }
0x4fe: {  	v2 =	vmul.f32 v2, v28;
	v1 =	vadd.f32 v3, v8;
	v3 =	vld.idx.msk [tilespmem:v15+s22+$0x0], $0xffff  }
0x4ff: {  	v4 =	vld.idx.msk [tilespmem:v13+s22+$0x0], $0xffff  }
0x500: {  	v25 =	vadd.f32 v1, v2;
	v1 =	vld.idx.msk [tilespmem:v12+s22+$0x0], $0xffff  }
0x501: {  	v2 =	vld.idx.msk [tilespmem:v14+s22+$0x0], $0xffff  }
0x502: {  	v30 =	vmov v5;
	v5 =	vld.idx.msk [tilespmem:v23+s22+$0x0], $0xffff  }
0x503: {  	v6 =	vld.idx.msk [tilespmem:v19+s22+$0x0], $0xffff  }
0x504: {  	v7 =	vld.idx.msk [tilespmem:v17+s22+$0x0], $0xffff  }
0x505: {  	v8 =	vld.idx.msk [tilespmem:v18+s22+$0x0], $0xffff  }
0x506: {  	v26 =	vmov v40;
	v40 =	vld.idx.msk [tilespmem:v58+s22+$0x0], $0xffff  }
0x507: {  	v28 =	vmov v59;
	v59 =	vld.idx.msk [tilespmem:v11+s22+$0x0], $0xffff  }
0x508: {  	v60 =	vld.idx.msk [tilespmem:v10+s22+$0x0], $0xffff  }
0x509: {  	v61 =	vld.idx.msk [tilespmem:v22+s22+$0x0], $0xffff  }
0x50a: {  	v62 =	vld.idx.msk [tilespmem:v20+s22+$0x0], $0xffff  }
0x50b: {  	v1 =	vadd.f32 v4, v1;
	v4 =	vld.idx.msk [tilespmem:v21+s22+$0x0], $0xffff  }
0x50c: {  	v6 =	vadd.f32 v6, v8;
	v8 =	vld.idx.msk [tilespmem:v16+s22+$0x0], $0xffff;
	v45 =	vmul.f32 v0, v0  }
0x50d: {  	s31 =	sadd.s32 $0x10, s31;
	v0 =	vld.idx.msk [tilespmem:v9+s22+$0x0], $0xffff  }
0x50e: {  	v63 =	vld [tilespmem:s31+$0x0];
	[tilespmem:$0xABD0] =	vst v45  }
0x50f: {  	v2 =	vadd.f32 v3, v2;
	v3 =	vld [tilespmem:s29+$0xFFFFFF90]  }
0x510: {  	v43 =	vadd.f32 v59, v60;
	v5 =	vadd.f32 v5, v61  }
0x511: {  	v1 =	vadd.f32 v2, v1;
	v4 =	vadd.f32 v4, v62  }
0x512: {  	v2 =	vadd.f32 v7, v8;
	v0 =	vadd.f32 v0, v40  }
0x513: {  	v4 =	vadd.f32 v5, v4  }
0x514: {  	v2 =	vadd.f32 v6, v2;
	v0 =	vadd.f32 v43, v0;
	v40 =	vmul.f32 v3, v3;
	_ =	sdelay $0x1  }
0x515: {  	v2 =	vadd.f32 v4, v2;
	v0 =	vadd.f32 v1, v0;
	[tilespmem:$0xABE8] =	vst v40  }
0x516: {  	v1 =	vld [tilespmem:s29+$0xFFFFFFA0]  }
0x517: {  	v0 =	vadd.f32 v2, v0;
	_ =	sdelay $0x1  }
0x518: {  	v2 =	vshra.s32 v0, $0x1;
	v3 =	vmul.f32 $5.000000000e-01, v0  }
0x519: {  	v2 =	vsub.s32 $0x5F3759DF, v2  }
0x51a: {  	v43 =	vmul.f32 v1, v1;
	v1 =	vmul.f32 v2, v3;
	_ =	sdelay $0x1  }
0x51b: {  	[tilespmem:$0xAC00] =	vst v43;
	v1 =	vmul.f32 v2, v1  }
0x51c: {  	v4 =	vld [tilespmem:s29+$0xFFFFFFB0]  }
0x51d: {  	v1 =	vsub.f32 $1.500000000e+00, v1;
	_ =	sdelay $0x1  }
0x51e: {  	v1 =	vmul.f32 v2, v1;
	_ =	sdelay $0x1  }
0x51f: {  	v27 =	vmov v44;
	v44 =	vmul.f32 v4, v4;
	v2 =	vmul.f32 v1, v3;
	_ =	sdelay $0x1  }
0x520: {  	[tilespmem:$0xAC18] =	vst v44;
	v2 =	vmul.f32 v2, v1  }
0x521: {  	v4 =	vld [tilespmem:s29+$0xFFFFFFC0]  }
0x522: {  	v2 =	vsub.f32 $1.500000000e+00, v2;
	_ =	sdelay $0x1  }
0x523: {  	v1 =	vmul.f32 v2, v1;
	_ =	sdelay $0x1  }
0x524: {  	v33 =	vmov v51;
	v51 =	vmul.f32 v4, v4;
	v2 =	vmul.f32 v1, v3;
	_ =	sdelay $0x1  }
0x525: {  	[tilespmem:$0xAC30] =	vst v51;
	v2 =	vmul.f32 v2, v1  }
0x526: {  	v3 =	vld [tilespmem:s29+$0xFFFFFFD0]  }
0x527: {  	v2 =	vsub.f32 $1.500000000e+00, v2;
	_ =	sdelay $0x1  }
0x528: {  	v1 =	vmul.f32 v2, v1;
	_ =	sdelay $0x1  }
0x529: {  	v54 =	vmul.f32 v3, v3;
	v0 =	vmul.f32 v1, v0;
	_ =	sdelay $0x1  }
0x52a: {  	[tilespmem:$0xAC48] =	vst v54;
	v0 =	vadd.f32 $9.999999960e-13, v0  }
0x52b: {  	v1 =	vld [tilespmem:s29+$0xFFFFFFE0]  }
0x52c: {  	v0 =	vmul.f32 v0, v0;
	_ =	sdelay $0x1  }
0x52d: {  	(erf) = vrcp.f32 v0;
	_ =	sdelay $0x1  }
0x52e: {  	v52 =	vmul.f32 v1, v1;
	_ =	sdelay $0x1  }
0x52f: {  	[tilespmem:$0xAC60] =	vst v52  }
0x530: {  	v0 =	vld [tilespmem:s29+$0xFFFFFFF0];
	_ =	sdelay $0x2  }
0x531: {  	v1 =	vmul.f32 v42, v48  }
0x532: {  	v2 =	vpop (erf)  }
0x533: {  	v55 =	vmul.f32 v0, v0;
	v0 =	vmul.f32 v2, v1;
	v1 =	vmov s30  }
0x534: {  	vm0 =	vlt.u32 v1, v24  }
0x535: {  	[tilespmem:$0xAC78] =	vst v55;
	v3 =	vnsel vm0, $0x0, v0  }
0x536: {  	p0 =	sne.s32 s1, $0xC0;
	vm0 =	vcmask $0x171C;
	v4 =	vld [tilespmem:s29+$0x0];
	v62 =	vnsel vm14, $0x0, v3;
	v56 =	vsel vm5, $0x0, v3  }
.Ltmp3:
0x537: {  	v0 =	vsel vm11, $0x0, v3;
	v2 =	vsel vm1, $0x0, v3;
	v61 =	vsel vm2, $0x0, v3;
	(pc) =	sbr.rel @p0 .LBB2_9-.Ltmp3, $4  }
0x538: {  	v42 =	vmovc v63;
	v5 =	vsel vm0, $0x0, v3;
	v8 =	vsel vm3, $0x0, v3;
	v63 =	vsel vm10, $0x0, v3  }
0x539: {  	v7 =	vsel vm9, $0x0, v3;
	v60 =	vsel vm8, $0x0, v3;
	v57 =	vsel vm12, $0x0, v3  }
0x53a: {  	s0 =	smov.u32 s1;
	v59 =	vsel vm13, $0x0, v3;
	v1 =	vsel vm4, $0x0, v3;
	v6 =	vsel vm15, $0x0, v3;
	(xrf2) =	vadd.scan.msk.f32 $0xffff, v0  }
0x53b: {  	s1 =	sadd.s32 $0x10, s1;
	s30 =	smov.u32 s0;
	v58 =	vsel vm6, $0x0, v3;
	v0 =	vsel vm7, $0x0, v3;
	(xrf2) =	vadd.scan.msk.f32 $0xffff, v6;
	v53 =	vmul.f32 v4, v4  }
0x53c: {  	_ = 	snop  }
0x53d: {  	[tilespmem:$0xAC90] =	vst v53  }
0x53e: {  	v3 =	vld [tilespmem:s29+$0x10];
	_ =	sdelay $0x4  }
0x53f: {  	v3 =	vmul.f32 v3, v3;
	_ =	sdelay $0x1  }
0x540: {  	[tilespmem:$0xACA8] =	vst v3  }
0x541: {  	[tilespmem:$0x1FD40] =	vst v3;
	v3 =	vld [tilespmem:s29+$0x20];
	_ =	sdelay $0x4  }
0x542: {  	v3 =	vmul.f32 v3, v3;
	_ =	sdelay $0x1  }
0x543: {  	[tilespmem:$0xACC0] =	vst v3  }
0x544: {  	[tilespmem:$0x1FD50] =	vst v3;
	v3 =	vld [tilespmem:s29+$0x30];
	_ =	sdelay $0x4  }
0x545: {  	v3 =	vmul.f32 v3, v3;
	_ =	sdelay $0x1  }
0x546: {  	[tilespmem:$0xACD8] =	vst v3  }
0x547: {  	[tilespmem:$0x1FD70] =	vst v3;
	v3 =	vld [tilespmem:s29+$0x40];
	_ =	sdelay $0x4  }
0x548: {  	v3 =	vmul.f32 v3, v3;
	_ =	sdelay $0x1  }
0x549: {  	[tilespmem:$0xACF0] =	vst v3  }
0x54a: {  	[tilespmem:$0x1FD80] =	vst v3;
	v3 =	vld [tilespmem:s29+$0x50];
	_ =	sdelay $0x4  }
0x54b: {  	v3 =	vmul.f32 v3, v3;
	_ =	sdelay $0x1  }
0x54c: {  	[tilespmem:$0xAD08] =	vst v3  }
0x54d: {  	[tilespmem:$0x1FD90] =	vst v3;
	v3 =	vld [tilespmem:s29+$0x60];
	_ =	sdelay $0x4  }
0x54e: {  	v3 =	vmul.f32 v3, v3;
	_ =	sdelay $0x1  }
0x54f: {  	[tilespmem:$0xAD20] =	vst v3  }
0x550: {  	[tilespmem:$0x1FD60] =	vst v3;
	v3 =	vld [tilespmem:s29+$0x70];
	_ =	sdelay $0x4  }
0x551: {  	v3 =	vmul.f32 v3, v3;
	_ =	sdelay $0x1  }
0x552: {  	[tilespmem:$0xAD38] =	vst v3  }
0x553: {  	[tilespmem:$0x1FD30] =	vst v3;
	v3 =	vld.idx.msk [tilespmem:v15+s22+$0x0], $0xffff;
	_ =	sdelay $0x4  }
0x554: {  	[tilespmem:$0x1FC80] =	vst v3;
	v3 =	vld.idx.msk [tilespmem:v13+s22+$0x0], $0xffff;
	_ =	sdelay $0x4  }
0x555: {  	[tilespmem:$0x1FC40] =	vst v3;
	v3 =	vld.idx.msk [tilespmem:v12+s22+$0x0], $0xffff;
	_ =	sdelay $0x4  }
0x556: {  	[tilespmem:$0x1FC50] =	vst v3;
	v3 =	vld.idx.msk [tilespmem:v14+s22+$0x0], $0xffff;
	_ =	sdelay $0x4  }
0x557: {  	[tilespmem:$0x1FC90] =	vst v3;
	v3 =	vld.idx.msk [tilespmem:v23+s22+$0x0], $0xffff;
	_ =	sdelay $0x4  }
0x558: {  	[tilespmem:$0x1FCA0] =	vst v3;
	v3 =	vld.idx.msk [tilespmem:v19+s22+$0x0], $0xffff;
	_ =	sdelay $0x4  }
0x559: {  	[tilespmem:$0x1FC60] =	vst v3;
	v3 =	vld.idx.msk [tilespmem:v17+s22+$0x0], $0xffff;
	_ =	sdelay $0x4  }
0x55a: {  	[tilespmem:$0x1FCC0] =	vst v3;
	v3 =	vld.idx.msk [tilespmem:v18+s22+$0x0], $0xffff;
	_ =	sdelay $0x4  }
0x55b: {  	[tilespmem:$0x1FC70] =	vst v3;
	v3 =	vld [tilespmem:$0x1FF80];
	_ =	sdelay $0x7  }
0x55c: {  	v3 =	vld.idx.msk [tilespmem:v3+s22+$0x0], $0xffff;
	_ =	sdelay $0x4  }
0x55d: {  	[tilespmem:$0x1FCE0] =	vst v3;
	v3 =	vld.idx.msk [tilespmem:v21+s22+$0x0], $0xffff;
	_ =	sdelay $0x3  }
0x55e: {  	v4 =	vld.idx.msk [tilespmem:v11+s22+$0x0], $0xffff  }
0x55f: {  	[tilespmem:$0x1FCB0] =	vst v3;
	v3 =	vld.idx.msk [tilespmem:v10+s22+$0x0], $0xffff  }
0x560: {  	v14 =	vmov v11;
	v11 =	vmov v10;
	v10 =	vld.idx.msk [tilespmem:v16+s22+$0x0], $0xffff;
	_ =	sdelay $0x4  }
0x561: {  	[tilespmem:$0x1FCD0] =	vst v10;
	v10 =	vmov v9;
	v9 =	vld.idx.msk [tilespmem:v9+s22+$0x0], $0xffff;
	_ =	sdelay $0x3  }
0x562: {  	v15 =	vld [tilespmem:$0x1FC50]  }
0x563: {  	[tilespmem:$0x1FCF0] =	vst v9;
	v9 =	vld [tilespmem:$0x1FC40];
	_ =	sdelay $0x4  }
0x564: {  	v9 =	vadd.f32 v9, v15  }
0x565: {  	v15 =	vld [tilespmem:$0x1FC70]  }
0x566: {  	[tilespmem:$0x1FD00] =	vst v9;
	v9 =	vld [tilespmem:$0x1FC60];
	_ =	sdelay $0x4  }
0x567: {  	v9 =	vadd.f32 v9, v15;
	v15 =	vadd.f32 v4, v3;
	v3 =	vld [tilespmem:$0x1FC80]  }
0x568: {  	v4 =	vld [tilespmem:$0x1FC90];
	_ =	sdelay $0x4  }
0x569: {  	v3 =	vadd.f32 v3, v4  }
0x56a: {  	v6 =	vld.idx.msk [tilespmem:v22+s22+$0x0], $0xffff  }
0x56b: {  	[tilespmem:$0x1FD10] =	vst v3;
	v3 =	vld [tilespmem:$0x1FCA0];
	_ =	sdelay $0x3  }
0x56c: {  	v13 =	vld.idx.msk [tilespmem:v20+s22+$0x0], $0xffff  }
0x56d: {  	v4 =	vld [tilespmem:$0x1FCC0];
	v3 =	vadd.f32 v3, v6  }
0x56e: {  	v6 =	vld [tilespmem:$0x1FCD0]  }
0x56f: {  	[tilespmem:$0x1FD20] =	vst v3;
	v3 =	vld [tilespmem:$0x1FCB0];
	_ =	sdelay $0x3  }
0x570: {  	v4 =	vadd.f32 v4, v6;
	v6 =	vld [tilespmem:$0x1FCE0]  }
0x571: {  	v3 =	vadd.f32 v3, v13;
	v13 =	vld [tilespmem:$0x1FCF0];
	_ =	sdelay $0x3  }
0x572: {  	v12 =	vld [tilespmem:$0x1FD10]  }
0x573: {  	v6 =	vadd.f32 v13, v6;
	v13 =	vld [tilespmem:$0x1FD00];
	_ =	sdelay $0x4  }
0x574: {  	v13 =	vadd.f32 v12, v13;
	v12 =	vld [tilespmem:$0x1FD20];
	_ =	sdelay $0x3  }
0x575: {  	v4 =	vadd.f32 v9, v4  }
0x576: {  	v6 =	vadd.f32 v15, v6;
	v3 =	vadd.f32 v12, v3;
	_ =	sdelay $0x1  }
0x577: {  	v3 =	vadd.f32 v3, v4;
	v4 =	vadd.f32 v13, v6;
	_ =	sdelay $0x1  }
0x578: {  	v9 =	vadd.f32 v3, v4;
	_ =	sdelay $0x1  }
0x579: {  	v4 =	vshra.s32 v9, $0x1;
	v6 =	vmul.f32 $5.000000000e-01, v9  }
0x57a: {  	v4 =	vsub.s32 $0x5F3759DF, v4  }
0x57b: {  	v3 =	vmul.f32 v4, v6;
	_ =	sdelay $0x1  }
0x57c: {  	v3 =	vmul.f32 v4, v3;
	_ =	sdelay $0x1  }
0x57d: {  	v3 =	vsub.f32 $1.500000000e+00, v3;
	_ =	sdelay $0x1  }
0x57e: {  	v3 =	vmul.f32 v4, v3;
	_ =	sdelay $0x1  }
0x57f: {  	v4 =	vmul.f32 v3, v6;
	_ =	sdelay $0x1  }
0x580: {  	v4 =	vmul.f32 v4, v3;
	_ =	sdelay $0x1  }
0x581: {  	v4 =	vsub.f32 $1.500000000e+00, v4;
	_ =	sdelay $0x1  }
0x582: {  	v3 =	vmul.f32 v4, v3;
	_ =	sdelay $0x1  }
0x583: {  	v4 =	vmul.f32 v3, v6;
	_ =	sdelay $0x1  }
0x584: {  	v4 =	vmul.f32 v4, v3;
	_ =	sdelay $0x1  }
0x585: {  	v4 =	vsub.f32 $1.500000000e+00, v4;
	_ =	sdelay $0x1  }
0x586: {  	v3 =	vmul.f32 v4, v3;
	_ =	sdelay $0x1  }
0x587: {  	v3 =	vmul.f32 v3, v9;
	_ =	sdelay $0x1  }
0x588: {  	v3 =	vadd.f32 $9.999999960e-13, v3;
	_ =	sdelay $0x1  }
0x589: {  	(xrf2) =	vadd.scan.msk.f32 $0xffff, v1;
	v1 =	vmul.f32 v3, v3;
	_ =	sdelay $0x1  }
0x58a: {  	(xrf2) =	vadd.scan.msk.f32 $0xffff, v62;
	(erf) = vrcp.f32 v1  }
0x58b: {  	(xrf2) =	vadd.scan.msk.f32 $0xffff, v0;
	_ =	sdelay $0x1  }
0x58c: {  	(xrf2) =	vadd.scan.msk.f32 $0xffff, v60  }
0x58d: {  	(xrf2) =	vadd.scan.msk.f32 $0xffff, v59  }
0x58e: {  	(xrf2) =	vadd.scan.msk.f32 $0xffff, v8  }
0x58f: {  	v0, _, _ =	vpop (xrf2);
	(xrf2) =	vadd.scan.msk.f32 $0xffff, v7  }
0x590: {  	v1, _, _ =	vpop (xrf2);
	(xrf2) =	vadd.scan.msk.f32 $0xffff, v5  }
0x591: {  	v3, _, _ =	vpop (xrf2);
	(xrf2) =	vadd.scan.msk.f32 $0xffff, v2;
	v2 =	vmul.f32 v42, v48  }
0x592: {  	(xrf2) =	vadd.scan.msk.f32 $0xffff, v63;
	v4 =	vpop (erf)  }
0x593: {  	v5, _, _ =	vpop (xrf2);
	(xrf2) =	vadd.scan.msk.f32 $0xffff, v61;
	v2 =	vmul.f32 v4, v2;
	v4 =	vmov s30  }
0x594: {  	v59, _, _ =	vpop (xrf2);
	(xrf2) =	vadd.scan.msk.f32 $0xffff, v56;
	vm0 =	vlt.u32 v4, v24  }
0x595: {  	(xrf2) =	vadd.scan.msk.f32 $0xffff, v57;
	v2 =	vnsel vm0, $0x0, v2  }
0x596: {  	v0 =	vbroadcast v0, $0xF;
	v60, _, _ =	vpop (xrf2);
	(xrf2) =	vadd.scan.msk.f32 $0xffff, v58;
	v61 =	vsel vm11, $0x0, v2  }
0x597: {  	v1 =	vbroadcast v1, $0xF;
	v62, _, _ =	vpop (xrf2);
	v8 =	vsel vm15, $0x0, v2;
	(xrf2) =	vadd.scan.msk.f32 $0xffff, v61  }
0x598: {  	v0 =	vmul.f32 v0, v39;
	v3 =	vbroadcast v3, $0xF;
	v63, _, _ =	vpop (xrf2);
	v48 =	vsel vm4, $0x0, v2;
	(xrf2) =	vadd.scan.msk.f32 $0xffff, v8  }
0x599: {  	v1 =	vmul.f32 v1, v50;
	v5 =	vbroadcast v5, $0xF;
	v50, _, _ =	vpop (xrf2);
	v8 =	vnsel vm14, $0x0, v2;
	(xrf2) =	vadd.scan.msk.f32 $0xffff, v48  }
0x59a: {  	v6 =	vbroadcast v60, $0xF;
	v42 =	vbroadcast v62, $0xF;
	v56, _, _ =	vpop (xrf2);
	v57 =	vsel vm7, $0x0, v2;
	(xrf2) =	vadd.scan.msk.f32 $0xffff, v8  }
0x59b: {  	v3 =	vmul.f32 v3, v37;
	v4 =	vbroadcast v59, $0xF;
	v58, _, _ =	vpop (xrf2);
	v59 =	vsel vm8, $0x0, v2;
	(xrf2) =	vadd.scan.msk.f32 $0xffff, v57  }
0x59c: {  	v5 =	vmul.f32 v5, v34;
	v6 =	vmul.f32 v6, v36;
	v60, _, _ =	vpop (xrf2);
	v61 =	vsel vm13, $0x0, v2;
	(xrf2) =	vadd.scan.msk.f32 $0xffff, v59  }
0x59d: {  	v7 =	vbroadcast v63, $0xF;
	v34 =	vmul.f32 v42, v41;
	v63 =	vsel vm3, $0x0, v2;
	v62, _, _ =	vpop (xrf2);
	(xrf2) =	vadd.scan.msk.f32 $0xffff, v61  }
0x59e: {  	v36 =	vbroadcast v50, $0xF;
	vm0 =	vcmask $0x171C;
	v42, _, _ =	vpop (xrf2);
	v48 =	vsel vm9, $0x0, v2;
	(xrf2) =	vadd.scan.msk.f32 $0xffff, v63  }
0x59f: {  	v7 =	vmul.f32 v7, v33;
	v8 =	vbroadcast v56, $0xF;
	v50, _, _ =	vpop (xrf2);
	v56 =	vsel vm0, $0x0, v2;
	(xrf2) =	vadd.scan.msk.f32 $0xffff, v48  }
0x5a0: {  	v35 =	vmul.f32 v36, v35;
	v33 =	vbroadcast v58, $0xF;
	v58, _, _ =	vpop (xrf2);
	v59 =	vsel vm1, $0x0, v2;
	(xrf2) =	vadd.scan.msk.f32 $0xffff, v56  }
0x5a1: {  	v36 =	vbroadcast v60, $0xF;
	v57 =	vbroadcast v62, $0xF;
	v61 =	vsel vm10, $0x0, v2;
	v62, _, _ =	vpop (xrf2);
	(xrf2) =	vadd.scan.msk.f32 $0xffff, v59  }
0x5a2: {  	v5 =	vadd.f32 v5, v49;
	v29 =	vmul.f32 v33, v29;
	v63 =	vsel vm2, $0x0, v2;
	v41, _, _ =	vpop (xrf2);
	(xrf2) =	vadd.scan.msk.f32 $0xffff, v61  }
0x5a3: {  	v49 =	vmul.f32 v36, v31;
	v60 =	vbroadcast v42, $0xF;
	v48, _, _ =	vpop (xrf2);
	(xrf2) =	vadd.scan.msk.f32 $0xffff, v63  }
0x5a4: {  	v5 =	vadd.f32 v5, v7;
	v31 =	vbroadcast v50, $0xF;
	v27 =	vmul.f32 v57, v27;
	v50, _, _ =	vpop (xrf2)  }
0x5a5: {  	v29 =	vadd.f32 v29, v47;
	v8 =	vmul.f32 v8, v32;
	v7 =	vmul.f32 v60, v26;
	v56, _, _ =	vpop (xrf2)  }
0x5a6: {  	v5 =	vadd.f32 v5, v49;
	v42 =	vbroadcast v58, $0xF;
	v49 =	vadd.f32 v27, v46;
	v58, _, _ =	vpop (xrf2)  }
0x5a7: {  	v47 =	vsel vm5, $0x0, v2;
	v8 =	vadd.f32 v29, v8;
	v7 =	vadd.f32 v7, v25;
	v61, _, _ =	vpop (xrf2)  }
0x5a8: {  	v57 =	vbroadcast v62, $0xF;
	v63 =	vsel vm12, $0x0, v2;
	v2 =	vsel vm6, $0x0, v2;
	v62, _, _ =	vpop (xrf2)  }
0x5a9: {  	v4 =	vmul.f32 v4, v38;
	v27 =	vmul.f32 v31, v30;
	v6 =	vadd.f32 v8, v6;
	(xrf2) =	vadd.scan.msk.f32 $0xffff, v47;
	v46, _, _ =	vpop (xrf2)  }
0x5aa: {  	v8 =	vmul.f32 v42, v28;
	v3 =	vadd.f32 v7, v3;
	v0 =	vadd.f32 v49, v0;
	(xrf2) =	vadd.scan.msk.f32 $0xffff, v63;
	v49, _, _ =	vpop (xrf2)  }
0x5ab: {  	v5 =	vadd.f32 v5, v27;
	v59 =	vbroadcast v41, $0xF;
	v60 =	vbroadcast v48, $0xF;
	(xrf2) =	vadd.scan.msk.f32 $0xffff, v2;
	v2, _, _ =	vpop (xrf2)  }
0x5ac: {  	v6 =	vadd.f32 v6, v34;
	v28 =	vmul.f32 v57, v55;
	v30 =	vbroadcast v50, $0xF;
	v50, _, _ =	vpop (xrf2)  }
0x5ad: {  	v0 =	vadd.f32 v0, v35;
	v47 =	vbroadcast v58, $0xF;
	v34 =	vbroadcast v62, $0xF;
	v58, _, _ =	vpop (xrf2)  }
0x5ae: {  	v3 =	vadd.f32 v3, v4;
	v30 =	vmul.f32 v30, v45;
	v4 =	vbroadcast v58, $0xF  }
0x5af: {  	v0 =	vadd.f32 v0, v1;
	v32 =	vmul.f32 v60, v54;
	v57 =	vmul.f32 v34, v51  }
0x5b0: {  	v41 =	vld [tilespmem:$0x1FD30];
	v5 =	vadd.f32 v30, v5;
	v60 =	vbroadcast v50, $0xF;
	v4 =	vmul.f32 v4, v44  }
0x5b1: {  	v2 =	vbroadcast v2, $0xF  }
0x5b2: {  	v5 =	vadd.f32 v5, v57;
	v0 =	vadd.f32 v4, v0;
	v4 =	vmul.f32 v60, v53  }
0x5b3: {  	v1 =	vbroadcast v49, $0xF;
	v2 =	vmul.f32 v2, v43  }
0x5b4: {  	v4 =	vadd.f32 v5, v4;
	v5 =	vld [tilespmem:$0x1FD80]  }
0x5b5: {  	v54 =	vld [tilespmem:$0x1FD50];
	v26 =	vmul.f32 v59, v41;
	v1 =	vmul.f32 v1, v52;
	v59, _, _ =	vpop (xrf2);
	v2 =	vadd.f32 v2, v6  }
0x5b6: {  	v48 =	vbroadcast v61, $0xF;
	v61 =	vld [tilespmem:$0x1FD70];
	v33 =	vbroadcast v59, $0xF;
	v62, _, _ =	vpop (xrf2)  }
0x5b7: {  	v42 =	vld [tilespmem:$0x1FD40];
	v1 =	vadd.f32 v2, v1;
	v2 =	vbroadcast v62, $0xF  }
0x5b8: {  	v55 =	vld [tilespmem:$0x1FD60];
	v3 =	vadd.f32 v3, v8;
	v31 =	vbroadcast v56, $0xF;
	v8 =	vmul.f32 v33, v40  }
0x5b9: {  	v56 =	vbroadcast v46, $0xF;
	v2 =	vmul.f32 v2, v5;
	v5 =	vld [tilespmem:$0x1FD90]  }
0x5ba: {  	v3 =	vadd.f32 v8, v3  }
0x5bb: {  	v25 =	vmul.f32 v47, v54;
	v6 =	vmul.f32 v56, v61;
	v63, _, _ =	vpop (xrf2);
	v0 =	vadd.f32 v0, v28  }
0x5bc: {  	v31 =	vmul.f32 v31, v42;
	v7 =	vbroadcast v63, $0xF;
	v3 =	vadd.f32 v3, v32  }
0x5bd: {  	v27 =	vmul.f32 v48, v55;
	v1 =	vadd.f32 v1, v25;
	v0 =	vadd.f32 v0, v6  }
0x5be: {  	v3 =	vadd.f32 v3, v31;
	v5 =	vmul.f32 v7, v5  }
0x5bf: {  	v1 =	vadd.f32 v1, v27;
	v0 =	vadd.f32 v0, v26  }
0x5c0: {  	s26 =	sadd.s32 $0x1, s26;
	v2 =	vadd.f32 v4, v2;
	v3 =	vadd.f32 v3, v5  }
0x5c1: {  	p0 =	sne.s32 s26, $0x10  }
.Ltmp4:
0x5c2: {  	v15 =	vld [tilespmem:$0x1FFA0];
	v0 =	vadd.f32 v0, v1;
	v2 =	vadd.f32 v3, v2;
	(pc) =	sbr.rel @p0 .LBB2_2-.Ltmp4, $4  }
0x5c3: {  	v12 =	vld [tilespmem:$0x1FFE0]  }
0x5c4: {  	s0 =	sshll.u32 s28, $0x4;
	v13 =	vld [tilespmem:$0x1FFB0];
	v0 =	vadd.f32 v0, v2  }
0x5c5: {  	s0 =	sand.u32 $0x3FFFFFF0, s0;
	v53 =	vmov v10;
	v10 =	vmov v11;
	v11 =	vmov v14;
	v14 =	vld [tilespmem:$0x1FFF0]  }
0x5c6: {  	v9 =	vmov v24;
	vm0 =	vmmov vm5;
	vm5 =	vmmov vm11;
	v3 =	vld [tilespmem:$0x1FF80];
	[tilespmem:s0+$0xAD50] =	vst v0  }
0x5c7: {  	s25 =	sadd.s32 $0x1, s25  }
0x5c8: {  	p0 =	sne.s32 s25, s8  }
.Ltmp5:
0x5c9: {  	_ = 	snop;
	(pc) =	sbr.rel @p0 .LBB2_1-.Ltmp5, $4  }
0x5ca: {  	[hbm4b:s7+s2] =	stream.linear.scatter [tilespmem:s24], [sflag:$0x3], $0x200, $0x38;
	[tilespmem:$0xAF50] =	vst v63  }
0x5cb: {  	_ =	swait.ge [sflag:s9], $0x200  }
0x5cc: {  	[sflag:s9] =	ssyncset.done $0x0  }
0x5cd: {  	[sflag:s9] =	ssyncadd.s32 $0xFFFFFE00  }
0x5ce: {  	_ =	sfence.sel $0x180000  }
0x5cf: {  	[bflag:$0x0] =	sbarrier.arrive $0xFFFF  }
0x5d0: {  	_ =	strace $0x90000047  }
0x5d1: {  	s0 =	stileid.u32;
	[bflag:$0x2] =	sbarrier.arrive $0xFFFF  }
0x5d2: {  	p0 =	sne.s32 s0, $0x0;
	s0 =	rddreg [dreg:$0x3]  }
0x5d3: {  	s0 =	sadd.s32 @!p0 $0x100000, s0  }
0x5d4: {  	[sflag:s0] =	ssyncadd.tile.s32 @!p0 $0x1;
	_ =	shalt  }
.Lfunc_end2:
_tile_overlayer_lowered:
.L_overlay_start_2:
0x5d5: {  	(tag) =	ssettag $0x2  }
0x5d6: {  	s0 =	rddreg [dreg:$0x0];
	s2 =	stileid.u32  }
0x5d7: {  	s1 =	rddreg [dreg:$0x1];
	p0 =	sne.s32 s2, $0x0  }
0x5d8: {  	s3 =	rddreg [dreg:$0x2];
	[bflag:$0x3] =	sbarrier.arrive $0xFFFF;
	s2 =	simm.s32 @!p0 $0x1C03  }
0x5d9: {  	[timem:s3], [sflag:s2] =	dma.local @!p0 [hbm:s0], s1  }
0x5da: {  	s0 =	simm.s32 @!p0 $0x3  }
0x5db: {  	_ =	swait.ge @!p0 [sflag:s0], s1  }
0x5dc: {  	s1 =	ssub.s32 @!p0 $0x0, s1;
	[sflag:s0] =	ssyncset.done @!p0 $0x0  }
0x5dd: {  	[sflag:s0] =	ssyncadd.s32 @!p0 s1  }
0x5de: {  	[bflag:$0x3] =	sbarrier.arrive $0xFFFF  }
0x5df: {  	_ =	shalt  }

</sc_bundles>
